<compile_context>
chip_gen: v7x
topology: tpu7x:2x2x1
jax: 0.10.2.dev20260603
libtpu: 0.0.44.dev20260713+nightly
codegen_flags: <defaults>
</compile_context>

<pallas_src>
import jax
import jax.numpy as jnp
from jax import lax
from jax.experimental import pallas as pl
from jax.experimental.pallas import tpu as pltpu
from jax.experimental.pallas import tpu_sc as plsc

_N = 10000
_E = 320000
_DIN = 128
_HID = 72
_HP = 80
_NL = 3

_NC = 2
_NS = 16
_NW = _NC * _NS
_ET = _E // _NW
_CH = 80
_NCH = _ET // _CH
_RB = 1000
_NRB = _N // _RB
_HP2 = 128
_BE = 3200
_NBE = _E // _BE
_ZR = 200


def _sc_mesh():
    return plsc.VectorSubcoreMesh(core_axis_name="c", subcore_axis_name="s")


def _worker(base_len):
    cid = lax.axis_index("c")
    sid = lax.axis_index("s")
    wid = sid * _NC + cid
    return cid, sid, wid * base_len


def _sc_deg_body(col2_hbm, out0_hbm, out1_hbm, idx_c2, ones_v, zb_v, acc_sh, sem):
    cid, sid, _ = _worker(0)
    wid = sid * _NC + cid

    def fill_ones(k, carry):
        ones_v[pl.ds(k * 16, 16)] = jnp.full((16,), 1.0, jnp.float32)
        return carry
    lax.fori_loop(0, _CH // 16, fill_ones, 0)

    def fill_z(k, carry):
        zb_v[pl.ds(k * 16, 16)] = jnp.zeros((16,), jnp.float32)
        return carry
    lax.fori_loop(0, 1024 // 16, fill_z, 0)

    @pl.when(sid < _NRB)
    def _():
        pltpu.sync_copy(zb_v.at[pl.ds(0, _RB)], acc_sh.at[pl.ds(sid * _RB, _RB)])
    plsc.subcore_barrier()

    pltpu.sync_copy(col2_hbm.at[wid], idx_c2)

    def step(j, carry):
        pltpu.sync_copy(ones_v, acc_sh.at[idx_c2.at[j]], add=True)
        return carry
    lax.fori_loop(0, _NCH, step, 0)
    plsc.subcore_barrier()

    @pl.when(sid < _NRB)
    def _():
        pltpu.sync_copy(acc_sh.at[pl.ds(sid * _RB, _RB)], zb_v.at[pl.ds(0, _RB)])

    @pl.when((sid < _NRB) & (cid == 0))
    def _():
        pltpu.sync_copy(zb_v.at[pl.ds(0, _RB)], out0_hbm.at[pl.ds(sid * _RB, _RB)])

    @pl.when((sid < _NRB) & (cid == 1))
    def _():
        pltpu.sync_copy(zb_v.at[pl.ds(0, _RB)], out1_hbm.at[pl.ds(sid * _RB, _RB)])


def _sc_deg(col2):
    f = pl.kernel(
        _sc_deg_body,
        out_type=(jax.ShapeDtypeStruct((_N,), jnp.float32),
                  jax.ShapeDtypeStruct((_N,), jnp.float32)),
        mesh=_sc_mesh(),
        compiler_params=pltpu.CompilerParams(use_tc_tiling_on_sc=False),
        scratch_types=[
            pltpu.VMEM((_NCH, _CH), jnp.int32),
            pltpu.VMEM((_CH,), jnp.float32),
            pltpu.VMEM((1024,), jnp.float32),
            pltpu.VMEM_SHARED((_N,), jnp.float32),
            pltpu.SemaphoreType.DMA,
        ],
    )
    return f(col2)


def _sc_spmm_body(zt_hbm, row2_hbm, col2_hbm, out_hbm,
                  idx_r2, idx_c2, rows_a, rows_b, rows_c, zb_v, acc_sh,
                  sem_a, sem_b, sem_c, ssc_a, ssc_b, ssc_c):
    cid, sid, _ = _worker(0)
    wid = sid * _NC + cid

    def fill_z(k, carry):
        i = k // (_HP // 16)
        j = k % (_HP // 16)
        zb_v[i, pl.ds(j * 16, 16)] = jnp.zeros((16,), jnp.float32)
        return carry
    lax.fori_loop(0, _ZR * (_HP // 16), fill_z, 0)

    @pl.when(sid < _NRB)
    def _():
        def zcp(t, carry):
            pltpu.sync_copy(zb_v, acc_sh.at[pl.ds(sid * _RB + t * _ZR, _ZR)])
            return carry
        lax.fori_loop(0, _RB // _ZR, zcp, 0)
    plsc.subcore_barrier()

    pltpu.sync_copy(row2_hbm.at[wid], idx_r2)
    pltpu.sync_copy(col2_hbm.at[wid], idx_c2)

    def startg(j, rv, s):
        pltpu.async_copy(zt_hbm.at[idx_r2.at[j]], rv, s)

    def waitg(j, rv, s):
        pltpu.make_async_copy(zt_hbm.at[idx_r2.at[j]], rv, s).wait()

    def startsc(j, rv, s):
        pltpu.async_copy(rv, acc_sh.at[idx_c2.at[j]], s, add=True)

    def waitsc(j, rv, s):
        pltpu.make_async_copy(rv, acc_sh.at[idx_c2.at[j]], s).wait()

    startg(0, rows_a, sem_a)
    startg(1, rows_b, sem_b)
    startg(2, rows_c, sem_c)

    def step(t, carry):
        ja = 3 * t
        waitg(ja, rows_a, sem_a)
        startsc(ja, rows_a, ssc_a)
        waitg(ja + 1, rows_b, sem_b)
        startsc(ja + 1, rows_b, ssc_b)
        waitg(ja + 2, rows_c, sem_c)
        startsc(ja + 2, rows_c, ssc_c)
        waitsc(ja, rows_a, ssc_a)
        startg(ja + 3, rows_a, sem_a)
        waitsc(ja + 1, rows_b, ssc_b)
        startg(ja + 4, rows_b, sem_b)
        waitsc(ja + 2, rows_c, ssc_c)

        @pl.when(ja + 5 < _NCH)
        def _():
            startg(ja + 5, rows_c, sem_c)
        return carry
    lax.fori_loop(0, _NCH // 3, step, 0)
    jt = (_NCH // 3) * 3
    waitg(jt, rows_a, sem_a)
    startsc(jt, rows_a, ssc_a)
    waitg(jt + 1, rows_b, sem_b)
    startsc(jt + 1, rows_b, ssc_b)
    waitsc(jt, rows_a, ssc_a)
    waitsc(jt + 1, rows_b, ssc_b)
    plsc.subcore_barrier()

    @pl.when(sid < _NRB)
    def _():
        def wcp(t, carry):
            off = sid * _RB + t * _ZR
            pltpu.sync_copy(acc_sh.at[pl.ds(off, _ZR)], zb_v)
            pltpu.sync_copy(zb_v, out_hbm.at[cid, pl.ds(off, _ZR)])
            return carry
        lax.fori_loop(0, _RB // _ZR, wcp, 0)


def _sc_spmm(zt, row2, col2):
    f = pl.kernel(
        _sc_spmm_body,
        out_type=jax.ShapeDtypeStruct((_NC, _N, _HP), jnp.float32),
        mesh=_sc_mesh(),
        compiler_params=pltpu.CompilerParams(use_tc_tiling_on_sc=False),
        scratch_types=[
            pltpu.VMEM((_NCH, _CH), jnp.int32),
            pltpu.VMEM((_NCH, _CH), jnp.int32),
            pltpu.VMEM((_CH, _HP), jnp.float32),
            pltpu.VMEM((_CH, _HP), jnp.float32),
            pltpu.VMEM((_CH, _HP), jnp.float32),
            pltpu.VMEM((_ZR, _HP), jnp.float32),
            pltpu.VMEM_SHARED((_N, _HP), jnp.float32),
            pltpu.SemaphoreType.DMA,
            pltpu.SemaphoreType.DMA,
            pltpu.SemaphoreType.DMA,
            pltpu.SemaphoreType.DMA,
            pltpu.SemaphoreType.DMA,
            pltpu.SemaphoreType.DMA,
        ],
    )
    return f(zt, row2, col2)


def _sc_gather2_body(p_hbm, q_hbm, row2_hbm, col2_hbm, pe_hbm, qe_hbm,
                     idx_r2, idx_c2, pr_a, qr_a, pr_b, qr_b,
                     sp_a, sq_a, sp_b, sq_b):
    cid, sid, ebase = _worker(_ET)
    wid = sid * _NC + cid

    pltpu.sync_copy(row2_hbm.at[wid], idx_r2)
    pltpu.sync_copy(col2_hbm.at[wid], idx_c2)

    def start(j, pr, qr, sp, sq):
        pltpu.async_copy(p_hbm.at[idx_r2.at[j]], pr, sp)
        pltpu.async_copy(q_hbm.at[idx_c2.at[j]], qr, sq)

    def finish(j, pr, qr, sp, sq):
        pltpu.make_async_copy(p_hbm.at[idx_r2.at[j]], pr, sp).wait()
        pltpu.make_async_copy(q_hbm.at[idx_c2.at[j]], qr, sq).wait()
        off = ebase + j * _CH
        pltpu.sync_copy(pr, pe_hbm.at[pl.ds(off, _CH)])
        pltpu.sync_copy(qr, qe_hbm.at[pl.ds(off, _CH)])

    start(0, pr_a, qr_a, sp_a, sq_a)

    def step(t, carry):
        start(2 * t + 1, pr_b, qr_b, sp_b, sq_b)
        finish(2 * t, pr_a, qr_a, sp_a, sq_a)
        start(2 * t + 2, pr_a, qr_a, sp_a, sq_a)
        finish(2 * t + 1, pr_b, qr_b, sp_b, sq_b)
        return carry
    lax.fori_loop(0, (_NCH - 1) // 2, step, 0)
    finish(_NCH - 1, pr_a, qr_a, sp_a, sq_a)


def _sc_gather2(p, q, row2, col2):
    f = pl.kernel(
        _sc_gather2_body,
        out_type=(jax.ShapeDtypeStruct((_E, _HP2), jnp.float32),
                  jax.ShapeDtypeStruct((_E, _HP2), jnp.float32)),
        mesh=_sc_mesh(),
        compiler_params=pltpu.CompilerParams(use_tc_tiling_on_sc=False),
        scratch_types=[
            pltpu.VMEM((_NCH, _CH), jnp.int32),
            pltpu.VMEM((_NCH, _CH), jnp.int32),
            pltpu.VMEM((_CH, _HP2), jnp.float32),
            pltpu.VMEM((_CH, _HP2), jnp.float32),
            pltpu.VMEM((_CH, _HP2), jnp.float32),
            pltpu.VMEM((_CH, _HP2), jnp.float32),
            pltpu.SemaphoreType.DMA,
            pltpu.SemaphoreType.DMA,
            pltpu.SemaphoreType.DMA,
            pltpu.SemaphoreType.DMA,
        ],
    )
    return f(p, q, row2, col2)


def _dinv_of(deg):
    return jnp.where(deg > 0, lax.rsqrt(jnp.maximum(deg, 1e-12)), 0.0)


def _tc_node_body(x_ref, w_ref, b_ref, o_ref):
    o_ref[...] = jax.nn.relu(
        jnp.dot(x_ref[...], w_ref[...], preferred_element_type=jnp.float32)
        + b_ref[...])


def _tc_node(x, w, b):
    return pl.pallas_call(
        _tc_node_body,
        grid=(_NRB,),
        in_specs=[pl.BlockSpec((_RB, _DIN), lambda i: (i, 0)),
                  pl.BlockSpec((_DIN, _HP), lambda i: (0, 0)),
                  pl.BlockSpec((1, _HP), lambda i: (0, 0))],
        out_specs=pl.BlockSpec((_RB, _HP), lambda i: (i, 0)),
        out_shape=jax.ShapeDtypeStruct((_N, _HP), jnp.float32),
    )(x, w, b)


def _tc_pre_body(src_ref, k1_ref, k2_ref, deg_ref, w_ref, o_ref):
    h = src_ref[...] * k1_ref[...] + k2_ref[...]
    dinv = _dinv_of(deg_ref[...])
    o_ref[...] = jnp.dot(h, w_ref[...],
                         preferred_element_type=jnp.float32) * dinv


def _tc_pre(src, k1, k2, deg, w):
    return pl.pallas_call(
        _tc_pre_body,
        grid=(_NRB,),
        in_specs=[pl.BlockSpec((_RB, _HP), lambda i: (i, 0)),
                  pl.BlockSpec((1, _HP), lambda i: (0, 0)),
                  pl.BlockSpec((1, _HP), lambda i: (0, 0)),
                  pl.BlockSpec((_RB, 1), lambda i: (i, 0)),
                  pl.BlockSpec((_HP, _HP), lambda i: (0, 0))],
        out_specs=pl.BlockSpec((_RB, _HP), lambda i: (i, 0)),
        out_shape=jax.ShapeDtypeStruct((_N, _HP), jnp.float32),
    )(src, k1, k2, deg, w)


def _tc_post_body(p0_ref, p1_ref, src_ref, k1_ref, k2_ref, deg_ref, w_ref,
                  b_ref, o_ref, s1_ref, s2_ref):
    h = src_ref[...] * k1_ref[...] + k2_ref[...]
    dinv = _dinv_of(deg_ref[...])
    agg = (p0_ref[...] + p1_ref[...]) * dinv
    o = jax.nn.relu(agg
                    + jnp.dot(h, w_ref[...], preferred_element_type=jnp.float32)
                    + b_ref[...])
    o_ref[...] = o
    s1_ref[...] = jnp.sum(o, axis=0, keepdims=True)[None]
    s2_ref[...] = jnp.sum(o * o, axis=0, keepdims=True)[None]


def _tc_post(p0, p1, src, k1, k2, deg, w, b):
    return pl.pallas_call(
        _tc_post_body,
        grid=(_NRB,),
        in_specs=[pl.BlockSpec((_RB, _HP), lambda i: (i, 0)),
                  pl.BlockSpec((_RB, _HP), lambda i: (i, 0)),
                  pl.BlockSpec((_RB, _HP), lambda i: (i, 0)),
                  pl.BlockSpec((1, _HP), lambda i: (0, 0)),
                  pl.BlockSpec((1, _HP), lambda i: (0, 0)),
                  pl.BlockSpec((_RB, 1), lambda i: (i, 0)),
                  pl.BlockSpec((_HP, _HP), lambda i: (0, 0)),
                  pl.BlockSpec((1, _HP), lambda i: (0, 0))],
        out_specs=[pl.BlockSpec((_RB, _HP), lambda i: (i, 0)),
                   pl.BlockSpec((1, 1, _HP), lambda i: (i, 0, 0)),
                   pl.BlockSpec((1, 1, _HP), lambda i: (i, 0, 0))],
        out_shape=[jax.ShapeDtypeStruct((_N, _HP), jnp.float32),
                   jax.ShapeDtypeStruct((_NRB, 1, _HP), jnp.float32),
                   jax.ShapeDtypeStruct((_NRB, 1, _HP), jnp.float32)],
    )(p0, p1, src, k1, k2, deg, w, b)


def _tc_pq_body(src_ref, k1_ref, k2_ref, wa_ref, wb_ref, b1_ref,
                p_ref, q_ref):
    h = src_ref[...] * k1_ref[...] + k2_ref[...]
    p_ref[...] = jnp.dot(h, wa_ref[...],
                         preferred_element_type=jnp.float32) + b1_ref[...]
    q_ref[...] = jnp.dot(h, wb_ref[...], preferred_element_type=jnp.float32)


def _tc_pq(src, k1, k2, wa, wb, b1):
    return pl.pallas_call(
        _tc_pq_body,
        grid=(_NRB,),
        in_specs=[pl.BlockSpec((_RB, _HP), lambda i: (i, 0)),
                  pl.BlockSpec((1, _HP), lambda i: (0, 0)),
                  pl.BlockSpec((1, _HP), lambda i: (0, 0)),
                  pl.BlockSpec((_HP, _HP2), lambda i: (0, 0)),
                  pl.BlockSpec((_HP, _HP2), lambda i: (0, 0)),
                  pl.BlockSpec((1, _HP2), lambda i: (0, 0))],
        out_specs=[pl.BlockSpec((_RB, _HP2), lambda i: (i, 0)),
                   pl.BlockSpec((_RB, _HP2), lambda i: (i, 0))],
        out_shape=[jax.ShapeDtypeStruct((_N, _HP2), jnp.float32),
                   jax.ShapeDtypeStruct((_N, _HP2), jnp.float32)],
    )(src, k1, k2, wa, wb, b1)


def _tc_edge_body(pe_ref, qe_ref, ea_ref, v1_ref, b21_ref, w1c_ref, w2c_ref,
                  cv_ref, w3_ref, b3_ref, o_ref):
    t1 = jnp.tanh(pe_ref[...] + qe_ref[...])
    t2 = jnp.tanh(jnp.dot(ea_ref[...], v1_ref[...],
                          preferred_element_type=jnp.float32) + b21_ref[...])
    s = jnp.tanh(jnp.dot(t1, w1c_ref[...], preferred_element_type=jnp.float32)
                 + jnp.dot(t2, w2c_ref[...], preferred_element_type=jnp.float32)
                 + cv_ref[...])
    o = lax.dot_general(w3_ref[...], s, (((1,), (1,)), ((), ())),
                        preferred_element_type=jnp.float32) + b3_ref[...]
    o_ref[...] = o[None]


def _tc_edge(pe, qe, ea, v1, b21, w1c, w2c, cv, w3, b3):
    return pl.pallas_call(
        _tc_edge_body,
        grid=(_NBE,),
        in_specs=[pl.BlockSpec((_BE, _HP2), lambda i: (i, 0)),
                  pl.BlockSpec((_BE, _HP2), lambda i: (i, 0)),
                  pl.BlockSpec((_BE, 16), lambda i: (i, 0)),
                  pl.BlockSpec((16, _HP2), lambda i: (0, 0)),
                  pl.BlockSpec((1, _HP2), lambda i: (0, 0)),
                  pl.BlockSpec((_HP2, _HP2), lambda i: (0, 0)),
                  pl.BlockSpec((_HP2, _HP2), lambda i: (0, 0)),
                  pl.BlockSpec((1, _HP2), lambda i: (0, 0)),
                  pl.BlockSpec((1, _HP2), lambda i: (0, 0)),
                  pl.BlockSpec((1, 1), lambda i: (0, 0))],
        out_specs=pl.BlockSpec((1, 1, _BE), lambda i: (i, 0, 0)),
        out_shape=jax.ShapeDtypeStruct((_NBE, 1, _BE), jnp.float32),
    )(pe, qe, ea, v1, b21, w1c, w2c, cv, w3, b3)


def _padw(w, rows=_HP, cols=_HP):
    r, c = w.shape
    return jnp.pad(w, ((0, (rows - r) if r == _HID else 0), (0, cols - c)))


def _padv(v, cols=_HP):
    return jnp.pad(v.reshape(1, -1), ((0, 0), (0, cols - v.shape[-1])))


def kernel(x, edge_index, edge_attr, node_w, node_b, init_w, root_w, arma_b,
           bn_gamma, bn_beta, mlp1_w1, mlp1_b1, mlp1_w2, mlp1_b2,
           mlp2_w1, mlp2_b1, mlp2_w2, mlp2_b2,
           mlp3_w1, mlp3_b1, mlp3_w2, mlp3_b2):
    row2 = edge_index[0].reshape(_NW, _NCH, _CH)
    col2 = edge_index[1].reshape(_NW, _NCH, _CH)

    degp0, degp1 = _sc_deg(col2)
    deg = (degp0 + degp1).reshape(_N, 1)

    h = _tc_node(x, jnp.pad(node_w, ((0, 0), (0, _HP - _HID))), _padv(node_b))

    ones = jnp.ones((1, _HP), jnp.float32)
    zeros = jnp.zeros((1, _HP), jnp.float32)
    k1, k2, src = ones, zeros, h
    for l in range(_NL):
        zt = _tc_pre(src, k1, k2, deg, _padw(init_w[l]))
        part = _sc_spmm(zt, row2, col2)
        out, s1, s2 = _tc_post(part[0], part[1], src, k1, k2, deg,
                               _padw(root_w[l]), _padv(arma_b[l]))
        mean = jnp.sum(s1, axis=(0, 1)) * (1.0 / _N)
        var = jnp.sum(s2, axis=(0, 1)) * (1.0 / _N) - mean * mean
        g = _padv(bn_gamma[l])[0]
        k1v = g * lax.rsqrt(var + 1e-5)
        k2v = _padv(bn_beta[l])[0] - mean * k1v
        k1, k2, src = k1v.reshape(1, _HP), k2v.reshape(1, _HP), out

    wa = _padw(mlp1_w1[:_HID], cols=_HP2)
    wb = _padw(mlp1_w1[_HID:], cols=_HP2)
    p, q = _tc_pq(src, k1, k2, wa, wb, _padv(mlp1_b1, cols=_HP2))

    pe, qe = _sc_gather2(p, q, row2, col2)

    a3 = mlp3_w1[:_HID]
    b3 = mlp3_w1[_HID:]
    w1c = _padw(mlp1_w2 @ a3, rows=_HP2, cols=_HP2)
    w2c = _padw(mlp2_w2 @ b3, rows=_HP2, cols=_HP2)
    cv = _padv(mlp1_b2 @ a3 + mlp2_b2 @ b3 + mlp3_b1, cols=_HP2)
    v1 = jnp.pad(mlp2_w1, ((0, 0), (0, _HP2 - _HID)))
    w3 = _padv(mlp3_w2[:, 0], cols=_HP2)
    b3s = mlp3_b2.reshape(1, 1)

    eo = _tc_edge(pe, qe, edge_attr, v1, _padv(mlp2_b1, cols=_HP2),
                  w1c, w2c, cv, w3, b3s)
    return jnp.reshape(eo, (_E, 1))

# --- scband reference (transcript-rebuilt; emitter-appended) ---
"""Pipeline reference for scband-edge-mask-net-66108136620216 (READ-ONLY COPY).

The authoritative reference and input builder live on the scoring server;
editing this copy changes nothing except your own understanding.
"""

import jax, jax.numpy as jnp
import numpy as np

N = 10000
E = 320000
D_IN = 128
D_EDGE = 16
HID = 72
N_LAYERS = 3


def setup_inputs(seed: int = 0) -> dict:
    key = jax.random.key(seed)
    ks = jax.random.split(key, 16)

    def g(k, shape, scale=0.05):
        return jax.random.normal(k, shape, dtype=jnp.float32) * scale

    inp = {}
    inp['x'] = jax.random.normal(ks[0], (N, D_IN), dtype=jnp.float32)
    inp['edge_index'] = jax.random.randint(ks[1], (2, E), 0, N, dtype=jnp.int32)
    inp['edge_attr'] = jax.random.normal(ks[2], (E, D_EDGE), dtype=jnp.float32)
    # node_lin
    inp['node_w'] = g(ks[3], (D_IN, HID))
    inp['node_b'] = jnp.zeros((HID,), jnp.float32)
    # ARMAConv (num_stacks=1, num_layers=1 defaults -> init_weight + root_weight + bias) per layer
    inp['init_w'] = g(ks[4], (N_LAYERS, HID, HID))
    inp['root_w'] = g(ks[5], (N_LAYERS, HID, HID))
    inp['arma_b'] = jnp.zeros((N_LAYERS, HID), jnp.float32)
    # BatchNorm per layer (training-mode batch stats)
    inp['bn_gamma'] = jnp.ones((N_LAYERS, HID), jnp.float32)
    inp['bn_beta'] = jnp.zeros((N_LAYERS, HID), jnp.float32)
    # mlp1: 2*hid -> hid -> hid (tanh act)
    inp['mlp1_w1'] = g(ks[6], (2 * HID, HID)); inp['mlp1_b1'] = jnp.zeros((HID,), jnp.float32)
    inp['mlp1_w2'] = g(ks[7], (HID, HID));     inp['mlp1_b2'] = jnp.zeros((HID,), jnp.float32)
    # mlp2: e_in -> hid -> hid
    inp['mlp2_w1'] = g(ks[8], (D_EDGE, HID));  inp['mlp2_b1'] = jnp.zeros((HID,), jnp.float32)
    inp['mlp2_w2'] = g(ks[9], (HID, HID));     inp['mlp2_b2'] = jnp.zeros((HID,), jnp.float32)
    # mlp: 2*hid -> hid -> 1
    inp['mlp3_w1'] = g(ks[10], (2 * HID, HID)); inp['mlp3_b1'] = jnp.zeros((HID,), jnp.float32)
    inp['mlp3_w2'] = g(ks[11], (HID, 1));       inp['mlp3_b2'] = jnp.zeros((1,), jnp.float32)
    return inp


def _mlp(x, w1, b1, w2, b2):
    return jnp.tanh(x @ w1 + b1) @ w2 + b2


def _batch_norm(x, gamma, beta, eps=1e-5):
    mean = jnp.mean(x, axis=0)
    var = jnp.mean((x - mean) ** 2, axis=0)
    return (x - mean) / jnp.sqrt(var + eps) * gamma + beta


def _forward(x, edge_attr, node_w, node_b, init_w, root_w, arma_b, bn_gamma, bn_beta,
             mlp1_w1, mlp1_b1, mlp1_w2, mlp1_b2,
             mlp2_w1, mlp2_b1, mlp2_w2, mlp2_b2,
             mlp3_w1, mlp3_b1, mlp3_w2, mlp3_b2, edge_index):
    row = edge_index[0]
    col = edge_index[1]
    # gcn_norm (add_self_loops=False): deg over target index (col)
    deg = jax.ops.segment_sum(jnp.ones((E,), jnp.float32), col, num_segments=N)
    dinv = jnp.where(deg > 0, 1.0 / jnp.sqrt(jnp.maximum(deg, 1e-12)), 0.0)
    norm = dinv[row] * dinv[col]

    h = jax.nn.relu(x @ node_w + node_b)
    for l in range(N_LAYERS):
        # ARMAConv: T=1, K=1 -> out = ReLU(A_hat (h @ init_w) + h @ root_w + b)
        z = h @ init_w[l]
        msg = z[row] * norm[:, None]
        agg = jax.ops.segment_sum(msg, col, num_segments=N)
        out = jax.nn.relu(agg + h @ root_w[l] + arma_b[l])
        out = jax.nn.relu(out)  # F.relu in EdgeMaskNet.forward
        h = _batch_norm(out, bn_gamma[l], bn_beta[l])

    e = jnp.concatenate([h[row], h[col]], axis=1)
    e1 = _mlp(e, mlp1_w1, mlp1_b1, mlp1_w2, mlp1_b2)
    e2 = _mlp(edge_attr, mlp2_w1, mlp2_b1, mlp2_w2, mlp2_b2)
    ee = jnp.concatenate([e1, e2], axis=1)
    return _mlp(ee, mlp3_w1, mlp3_b1, mlp3_w2, mlp3_b2)


def reference(x, edge_index, edge_attr, node_w, node_b, init_w, root_w, arma_b, bn_gamma, bn_beta,
              mlp1_w1, mlp1_b1, mlp1_w2, mlp1_b2,
              mlp2_w1, mlp2_b1, mlp2_w2, mlp2_b2,
              mlp3_w1, mlp3_b1, mlp3_w2, mlp3_b2):
    return _forward(x, edge_attr, node_w, node_b, init_w, root_w, arma_b, bn_gamma, bn_beta,
                    mlp1_w1, mlp1_b1, mlp1_w2, mlp1_b2,
                    mlp2_w1, mlp2_b1, mlp2_w2, mlp2_b2,
                    mlp3_w1, mlp3_b1, mlp3_w2, mlp3_b2, edge_index)

if __name__ == "__main__":
    import jax
    _d = setup_inputs()
    print(jax.jit(kernel)(*tuple(_d.values())))

</pallas_src>

<mosaic_0001>
#map = affine_map<(d0, d1) -> (0, 0)>
#map1 = affine_map<(d0, d1) -> (0, 0, 0)>
module attributes {stable_mosaic.version = 14 : i64} {
  func.func @_sc_spmm_body(%arg0: i32, %arg1: i32, %arg2: memref<10000x80xf32, #tpu.memory_space<hbm>>, %arg3: memref<32x125x80xi32, #tpu.memory_space<hbm>>, %arg4: memref<32x125x80xi32, #tpu.memory_space<hbm>>, %arg5: memref<2x10000x80xf32, #tpu.memory_space<hbm>>, %arg6: memref<125x80xi32, #tpu.memory_space<vmem>>, %arg7: memref<125x80xi32, #tpu.memory_space<vmem>>, %arg8: memref<80x80xf32, #tpu.memory_space<vmem>>, %arg9: memref<80x80xf32, #tpu.memory_space<vmem>>, %arg10: memref<80x80xf32, #tpu.memory_space<vmem>>, %arg11: memref<200x80xf32, #tpu.memory_space<vmem>>, %arg12: memref<10000x80xf32, #tpu.memory_space<vmem_shared>>, %arg13: memref<!tpu.dma_semaphore, #tpu.memory_space<semaphore_mem>>, %arg14: memref<!tpu.dma_semaphore, #tpu.memory_space<semaphore_mem>>, %arg15: memref<!tpu.dma_semaphore, #tpu.memory_space<semaphore_mem>>, %arg16: memref<!tpu.dma_semaphore, #tpu.memory_space<semaphore_mem>>, %arg17: memref<!tpu.dma_semaphore, #tpu.memory_space<semaphore_mem>>, %arg18: memref<!tpu.dma_semaphore, #tpu.memory_space<semaphore_mem>>) attributes {dimension_semantics = [#tpu.dimension_semantics<core_parallel>, #tpu.dimension_semantics<subcore_parallel>], iteration_bounds = array<i64: 2, 16>, scalar_prefetch = 0 : i64, scratch_operands = 13 : i64, tpu.core_type = #tpu.core_type<sc_vector_subcore>, window_params = [{transform_indices = #map}, {transform_indices = #map1}, {transform_indices = #map1}, {transform_indices = #map1}]} {
    %mul3A = arith.constant 2 : i32
    %mul3A_0 = arith.muli %arg1, %mul3A : i32
    %add3A = arith.addi %mul3A_0, %arg0 : i32
    %mul3A_1 = arith.constant 0 : i32
    %mul3A_2 = arith.muli %add3A, %mul3A_1 : i32
    %mul3A_3 = arith.constant 2 : i32
    %mul3A_4 = arith.muli %arg1, %mul3A_3 : i32
    %add3A_5 = arith.addi %mul3A_4, %arg0 : i32
    %scan3A = arith.constant 0 : i32
    %scan3A_6 = arith.constant 0 : i32
    %scan3A_7 = arith.constant 1000 : i32
    %scan3A_8 = arith.addi %scan3A_6, %scan3A_7 : i32
    %scan3A_9 = arith.constant 1 : i32
    scf.for %scan3A_86 = %scan3A_6 to %scan3A_8 step %scan3A_9  : i32 {
      %jit3A = arith.constant 5 : i32
      %div3A = arith.divsi %scan3A_86, %jit3A : i32
      %sign3A = arith.constant 0 : i32
      %sign3A_87 = arith.cmpi sgt, %scan3A_86, %sign3A : i32
      %sign3A_88 = arith.extui %sign3A_87 : i1 to i32
      %sign3A_89 = arith.constant 0 : i32
      %sign3A_90 = arith.cmpi slt, %scan3A_86, %sign3A_89 : i32
      %sign3A_91 = arith.extui %sign3A_90 : i1 to i32
      %sign3A_92 = arith.subi %sign3A_88, %sign3A_91 : i32
      %sign3A_93 = arith.constant 0 : i32
      %sign3A_94 = arith.cmpi sgt, %jit3A, %sign3A_93 : i32
      %sign3A_95 = arith.extui %sign3A_94 : i1 to i32
      %sign3A_96 = arith.constant 0 : i32
      %sign3A_97 = arith.cmpi slt, %jit3A, %sign3A_96 : i32
      %sign3A_98 = arith.extui %sign3A_97 : i1 to i32
      %sign3A_99 = arith.subi %sign3A_95, %sign3A_98 : i32
      %ne3A = arith.cmpi ne, %sign3A_92, %sign3A_99 : i32
      %rem3A = arith.remsi %scan3A_86, %jit3A : i32
      %ne3A_100 = arith.constant 0 : i32
      %ne3A_101 = arith.cmpi ne, %rem3A, %ne3A_100 : i32
      %and3A = arith.andi %ne3A, %ne3A_101 : i1
      %sub3A = arith.constant 1 : i32
      %sub3A_102 = arith.subi %div3A, %sub3A : i32
      %select_n3A = arith.select %and3A, %sub3A_102, %div3A : i32
      %jit3A_103 = arith.constant 5 : i32
      %eq3A = arith.constant 0 : i32
      %eq3A_104 = arith.cmpi eq, %jit3A_103, %eq3A : i32
      %jit3A_105 = arith.constant 1 : i32
      %select_n3A_106 = arith.select %eq3A_104, %jit3A_105, %jit3A_103 : i32
      %rem3A_107 = arith.remsi %scan3A_86, %select_n3A_106 : i32
      %ne3A_108 = arith.constant 0 : i32
      %ne3A_109 = arith.cmpi ne, %rem3A_107, %ne3A_108 : i32
      %lt3A_110 = arith.constant 0 : i32
      %lt3A_111 = arith.cmpi slt, %rem3A_107, %lt3A_110 : i32
      %lt3A_112 = arith.constant 0 : i32
      %lt3A_113 = arith.cmpi slt, %select_n3A_106, %lt3A_112 : i32
      %ne3A_114 = arith.xori %lt3A_111, %lt3A_113 : i1
      %and3A_115 = arith.andi %ne3A_114, %ne3A_109 : i1
      %add3A_116 = arith.addi %rem3A_107, %select_n3A_106 : i32
      %select_n3A_117 = arith.select %and3A_115, %add3A_116, %rem3A_107 : i32
      %broadcast_in_dim3A = arith.constant 0.000000e+00 : f32
      %broadcast_in_dim3A_118 = vector.broadcast %broadcast_in_dim3A : f32 to vector<16xf32>
      %mul3A_119 = arith.constant 16 : i32
      %mul3A_120 = arith.muli %select_n3A_117, %mul3A_119 : i32
      %swap3A = arith.index_cast %select_n3A : i32 to index
      %swap3A_121 = arith.index_cast %mul3A_120 : i32 to index
      %swap3A_122 = tpu.vector_load %arg11[%swap3A, %swap3A_121] {strides = array<i32>} : memref<200x80xf32, #tpu.memory_space<vmem>>, vector<1x16xf32>,
      %swap3A_123 = vector.shape_cast %swap3A_122 : vector<1x16xf32> to vector<16xf32>
      %swap3A_124 = vector.shape_cast %broadcast_in_dim3A_118 : vector<16xf32> to vector<1x16xf32>
      tpu.vector_store %arg11[%swap3A, %swap3A_121], %swap3A_124 {strides = array<i32>} : memref<200x80xf32, #tpu.memory_space<vmem>>, vector<1x16xf32>,
    }
    %scan3A_10 = arith.constant 1000 : i32
    %lt3A = arith.constant 10 : i32
    %lt3A_11 = arith.cmpi slt, %arg1, %lt3A : i32
    %convert_element_type3A = arith.extui %lt3A_11 : i1 to i32
    %cond3A = arith.constant 0 : i32
    %cond3A_12 = arith.cmpi ne, %convert_element_type3A, %cond3A : i32
    scf.if %cond3A_12 {
      %scan3A_86 = arith.constant 0 : i32
      %scan3A_87 = arith.constant 0 : i32
      %scan3A_88 = arith.constant 5 : i32
      %scan3A_89 = arith.addi %scan3A_87, %scan3A_88 : i32
      %scan3A_90 = arith.constant 1 : i32
      scf.for %scan3A_92 = %scan3A_87 to %scan3A_89 step %scan3A_90  : i32 {
        %mul3A_93 = arith.constant 1000 : i32
        %mul3A_94 = arith.muli %arg1, %mul3A_93 : i32
        %mul3A_95 = arith.constant 200 : i32
        %mul3A_96 = arith.muli %scan3A_92, %mul3A_95 : i32
        %add3A_97 = arith.addi %mul3A_94, %mul3A_96 : i32
        "tpu.region"() ({
          %run_scoped3A = tpu.sem_alloc : memref<!tpu.dma_semaphore, #tpu.memory_space<semaphore_mem>>
          %dma_start3A_98 = arith.constant 0 : i32
          %dma_start3A_99 = tpu.memref_slice %arg12[%add3A_97, %dma_start3A_98] : memref<10000x80xf32, #tpu.memory_space<vmem_shared>> -> memref<200x80xf32, #tpu.memory_space<vmem_shared>>
          %dma_start3A_100 = arith.constant 0 : i32
          %dma_start3A_101 = tpu.memref_slice %arg12[%add3A_97, %dma_start3A_100] : memref<10000x80xf32, #tpu.memory_space<vmem_shared>> -> memref<200x80xf32, #tpu.memory_space<vmem_shared>>
          tpu.enqueue_dma source(%arg11 : memref<200x80xf32, #tpu.memory_space<vmem>>) target(%dma_start3A_101 : memref<200x80xf32, #tpu.memory_space<vmem_shared>>) target_semaphore(%run_scoped3A : memref<!tpu.dma_semaphore, #tpu.memory_space<semaphore_mem>>)
          %dma_wait3A_102 = arith.constant 0 : i32
          %dma_wait3A_103 = tpu.memref_slice %arg12[%add3A_97, %dma_wait3A_102] : memref<10000x80xf32, #tpu.memory_space<vmem_shared>> -> memref<200x80xf32, #tpu.memory_space<vmem_shared>>
          %dma_wait3A_104 = arith.constant 0 : i32
          %dma_wait3A_105 = tpu.memref_slice %arg12[%add3A_97, %dma_wait3A_104] : memref<10000x80xf32, #tpu.memory_space<vmem_shared>> -> memref<200x80xf32, #tpu.memory_space<vmem_shared>>
          tpu.wait_dma2 semaphore(%run_scoped3A : memref<!tpu.dma_semaphore, #tpu.memory_space<semaphore_mem>>) src(%arg11 : memref<200x80xf32, #tpu.memory_space<vmem>>) dst(%dma_wait3A_105 : memref<200x80xf32, #tpu.memory_space<vmem_shared>>)
          tpu.yield
        }) : () -> ()
      }
      %scan3A_91 = arith.constant 5 : i32
    } else {
    }
    %barrier3A = arith.constant 0 : index
    tpu.barrier barrier_id(%barrier3A)
    "tpu.region"() ({
      %run_scoped3A = tpu.sem_alloc : memref<!tpu.dma_semaphore, #tpu.memory_space<semaphore_mem>>
      %dma_start3A_86 = arith.constant 0 : i32
      %dma_start3A_87 = arith.constant 0 : i32
      %dma_start3A_88 = tpu.memref_slice %arg3[%add3A_5, %dma_start3A_86, %dma_start3A_87] : memref<32x125x80xi32, #tpu.memory_space<hbm>> -> memref<1x125x80xi32, #tpu.memory_space<hbm>>
      %dma_start3A_89 = tpu.memref_squeeze %dma_start3A_88 : memref<1x125x80xi32, #tpu.memory_space<hbm>> -> memref<125x80xi32, #tpu.memory_space<hbm>>
      %dma_start3A_90 = arith.constant 0 : i32
      %dma_start3A_91 = arith.constant 0 : i32
      %dma_start3A_92 = tpu.memref_slice %arg3[%add3A_5, %dma_start3A_90, %dma_start3A_91] : memref<32x125x80xi32, #tpu.memory_space<hbm>> -> memref<1x125x80xi32, #tpu.memory_space<hbm>>
      %dma_start3A_93 = tpu.memref_squeeze %dma_start3A_92 : memref<1x125x80xi32, #tpu.memory_space<hbm>> -> memref<125x80xi32, #tpu.memory_space<hbm>>
      tpu.enqueue_dma source(%dma_start3A_93 : memref<125x80xi32, #tpu.memory_space<hbm>>) target(%arg6 : memref<125x80xi32, #tpu.memory_space<vmem>>) target_semaphore(%run_scoped3A : memref<!tpu.dma_semaphore, #tpu.memory_space<semaphore_mem>>)
      %dma_wait3A_94 = arith.constant 0 : i32
      %dma_wait3A_95 = arith.constant 0 : i32
      %dma_wait3A_96 = tpu.memref_slice %arg3[%add3A_5, %dma_wait3A_94, %dma_wait3A_95] : memref<32x125x80xi32, #tpu.memory_space<hbm>> -> memref<1x125x80xi32, #tpu.memory_space<hbm>>
      %dma_wait3A_97 = tpu.memref_squeeze %dma_wait3A_96 : memref<1x125x80xi32, #tpu.memory_space<hbm>> -> memref<125x80xi32, #tpu.memory_space<hbm>>
      %dma_wait3A_98 = arith.constant 0 : i32
      %dma_wait3A_99 = arith.constant 0 : i32
      %dma_wait3A_100 = tpu.memref_slice %arg3[%add3A_5, %dma_wait3A_98, %dma_wait3A_99] : memref<32x125x80xi32, #tpu.memory_space<hbm>> -> memref<1x125x80xi32, #tpu.memory_space<hbm>>
      %dma_wait3A_101 = tpu.memref_squeeze %dma_wait3A_100 : memref<1x125x80xi32, #tpu.memory_space<hbm>> -> memref<125x80xi32, #tpu.memory_space<hbm>>
      tpu.wait_dma2 semaphore(%run_scoped3A : memref<!tpu.dma_semaphore, #tpu.memory_space<semaphore_mem>>) src(%dma_wait3A_101 : memref<125x80xi32, #tpu.memory_space<hbm>>) dst(%arg6 : memref<125x80xi32, #tpu.memory_space<vmem>>)
      tpu.yield
    }) : () -> ()
    "tpu.region"() ({
      %run_scoped3A = tpu.sem_alloc : memref<!tpu.dma_semaphore, #tpu.memory_space<semaphore_mem>>
      %dma_start3A_86 = arith.constant 0 : i32
      %dma_start3A_87 = arith.constant 0 : i32
      %dma_start3A_88 = tpu.memref_slice %arg4[%add3A_5, %dma_start3A_86, %dma_start3A_87] : memref<32x125x80xi32, #tpu.memory_space<hbm>> -> memref<1x125x80xi32, #tpu.memory_space<hbm>>
      %dma_start3A_89 = tpu.memref_squeeze %dma_start3A_88 : memref<1x125x80xi32, #tpu.memory_space<hbm>> -> memref<125x80xi32, #tpu.memory_space<hbm>>
      %dma_start3A_90 = arith.constant 0 : i32
      %dma_start3A_91 = arith.constant 0 : i32
      %dma_start3A_92 = tpu.memref_slice %arg4[%add3A_5, %dma_start3A_90, %dma_start3A_91] : memref<32x125x80xi32, #tpu.memory_space<hbm>> -> memref<1x125x80xi32, #tpu.memory_space<hbm>>
      %dma_start3A_93 = tpu.memref_squeeze %dma_start3A_92 : memref<1x125x80xi32, #tpu.memory_space<hbm>> -> memref<125x80xi32, #tpu.memory_space<hbm>>
      tpu.enqueue_dma source(%dma_start3A_93 : memref<125x80xi32, #tpu.memory_space<hbm>>) target(%arg7 : memref<125x80xi32, #tpu.memory_space<vmem>>) target_semaphore(%run_scoped3A : memref<!tpu.dma_semaphore, #tpu.memory_space<semaphore_mem>>)
      %dma_wait3A_94 = arith.constant 0 : i32
      %dma_wait3A_95 = arith.constant 0 : i32
      %dma_wait3A_96 = tpu.memref_slice %arg4[%add3A_5, %dma_wait3A_94, %dma_wait3A_95] : memref<32x125x80xi32, #tpu.memory_space<hbm>> -> memref<1x125x80xi32, #tpu.memory_space<hbm>>
      %dma_wait3A_97 = tpu.memref_squeeze %dma_wait3A_96 : memref<1x125x80xi32, #tpu.memory_space<hbm>> -> memref<125x80xi32, #tpu.memory_space<hbm>>
      %dma_wait3A_98 = arith.constant 0 : i32
      %dma_wait3A_99 = arith.constant 0 : i32
      %dma_wait3A_100 = tpu.memref_slice %arg4[%add3A_5, %dma_wait3A_98, %dma_wait3A_99] : memref<32x125x80xi32, #tpu.memory_space<hbm>> -> memref<1x125x80xi32, #tpu.memory_space<hbm>>
      %dma_wait3A_101 = tpu.memref_squeeze %dma_wait3A_100 : memref<1x125x80xi32, #tpu.memory_space<hbm>> -> memref<125x80xi32, #tpu.memory_space<hbm>>
      tpu.wait_dma2 semaphore(%run_scoped3A : memref<!tpu.dma_semaphore, #tpu.memory_space<semaphore_mem>>) src(%dma_wait3A_101 : memref<125x80xi32, #tpu.memory_space<hbm>>) dst(%arg7 : memref<125x80xi32, #tpu.memory_space<vmem>>)
      tpu.yield
    }) : () -> ()
    %dma_start3A = arith.constant 0 : i32
    %dma_start3A_13 = arith.constant 0 : i32
    %dma_start3A_14 = tpu.memref_slice %arg6[%dma_start3A, %dma_start3A_13] : memref<125x80xi32, #tpu.memory_space<vmem>> -> memref<1x80xi32, #tpu.memory_space<vmem>>
    %dma_start3A_15 = tpu.memref_squeeze %dma_start3A_14 : memref<1x80xi32, #tpu.memory_space<vmem>> -> memref<80xi32, #tpu.memory_space<vmem>>
    %dma_start3A_16 = arith.constant 0 : i32
    %dma_start3A_17 = arith.constant 0 : i32
    %dma_start3A_18 = tpu.memref_slice %arg2[%dma_start3A_16, %dma_start3A_17] : memref<10000x80xf32, #tpu.memory_space<hbm>> -> memref<10000x80xf32, #tpu.memory_space<hbm>>
    tpu.enqueue_indirect_dma source(%dma_start3A_18 : memref<10000x80xf32, #tpu.memory_space<hbm>>) target(%arg8 : memref<80x80xf32, #tpu.memory_space<vmem>>) offsets(%dma_start3A_15 : memref<80xi32, #tpu.memory_space<vmem>>) semaphore(%arg13 : memref<!tpu.dma_semaphore, #tpu.memory_space<semaphore_mem>>)
    %dma_start3A_19 = arith.constant 1 : i32
    %dma_start3A_20 = arith.constant 0 : i32
    %dma_start3A_21 = tpu.memref_slice %arg6[%dma_start3A_19, %dma_start3A_20] : memref<125x80xi32, #tpu.memory_space<vmem>> -> memref<1x80xi32, #tpu.memory_space<vmem>>
    %dma_start3A_22 = tpu.memref_squeeze %dma_start3A_21 : memref<1x80xi32, #tpu.memory_space<vmem>> -> memref<80xi32, #tpu.memory_space<vmem>>
    %dma_start3A_23 = arith.constant 0 : i32
    %dma_start3A_24 = arith.constant 0 : i32
    %dma_start3A_25 = tpu.memref_slice %arg2[%dma_start3A_23, %dma_start3A_24] : memref<10000x80xf32, #tpu.memory_space<hbm>> -> memref<10000x80xf32, #tpu.memory_space<hbm>>
    tpu.enqueue_indirect_dma source(%dma_start3A_25 : memref<10000x80xf32, #tpu.memory_space<hbm>>) target(%arg9 : memref<80x80xf32, #tpu.memory_space<vmem>>) offsets(%dma_start3A_22 : memref<80xi32, #tpu.memory_space<vmem>>) semaphore(%arg14 : memref<!tpu.dma_semaphore, #tpu.memory_space<semaphore_mem>>)
    %dma_start3A_26 = arith.constant 2 : i32
    %dma_start3A_27 = arith.constant 0 : i32
    %dma_start3A_28 = tpu.memref_slice %arg6[%dma_start3A_26, %dma_start3A_27] : memref<125x80xi32, #tpu.memory_space<vmem>> -> memref<1x80xi32, #tpu.memory_space<vmem>>
    %dma_start3A_29 = tpu.memref_squeeze %dma_start3A_28 : memref<1x80xi32, #tpu.memory_space<vmem>> -> memref<80xi32, #tpu.memory_space<vmem>>
    %dma_start3A_30 = arith.constant 0 : i32
    %dma_start3A_31 = arith.constant 0 : i32
    %dma_start3A_32 = tpu.memref_slice %arg2[%dma_start3A_30, %dma_start3A_31] : memref<10000x80xf32, #tpu.memory_space<hbm>> -> memref<10000x80xf32, #tpu.memory_space<hbm>>
    tpu.enqueue_indirect_dma source(%dma_start3A_32 : memref<10000x80xf32, #tpu.memory_space<hbm>>) target(%arg10 : memref<80x80xf32, #tpu.memory_space<vmem>>) offsets(%dma_start3A_29 : memref<80xi32, #tpu.memory_space<vmem>>) semaphore(%arg15 : memref<!tpu.dma_semaphore, #tpu.memory_space<semaphore_mem>>)
    %scan3A_33 = arith.constant 0 : i32
    %scan3A_34 = arith.constant 0 : i32
    %scan3A_35 = arith.constant 41 : i32
    %scan3A_36 = arith.addi %scan3A_34, %scan3A_35 : i32
    %scan3A_37 = arith.constant 1 : i32
    scf.for %scan3A_86 = %scan3A_34 to %scan3A_36 step %scan3A_37  : i32 {
      %mul3A_87 = arith.constant 3 : i32
      %mul3A_88 = arith.muli %mul3A_87, %scan3A_86 : i32
      %dma_wait3A_89 = arith.constant 0 : i32
      %dma_wait3A_90 = tpu.memref_slice %arg6[%mul3A_88, %dma_wait3A_89] : memref<125x80xi32, #tpu.memory_space<vmem>> -> memref<1x80xi32, #tpu.memory_space<vmem>>
      %dma_wait3A_91 = tpu.memref_squeeze %dma_wait3A_90 : memref<1x80xi32, #tpu.memory_space<vmem>> -> memref<80xi32, #tpu.memory_space<vmem>>
      %dma_wait3A_92 = arith.constant 0 : i32
      %dma_wait3A_93 = arith.constant 0 : i32
      %dma_wait3A_94 = tpu.memref_slice %arg2[%dma_wait3A_92, %dma_wait3A_93] : memref<10000x80xf32, #tpu.memory_space<hbm>> -> memref<10000x80xf32, #tpu.memory_space<hbm>>
      tpu.wait_indirect_dma semaphore(%arg13 : memref<!tpu.dma_semaphore, #tpu.memory_space<semaphore_mem>>) src(%dma_wait3A_94 : memref<10000x80xf32, #tpu.memory_space<hbm>>) dst(%arg8 : memref<80x80xf32, #tpu.memory_space<vmem>>)
      %dma_start3A_95 = arith.constant 0 : i32
      %dma_start3A_96 = tpu.memref_slice %arg7[%mul3A_88, %dma_start3A_95] : memref<125x80xi32, #tpu.memory_space<vmem>> -> memref<1x80xi32, #tpu.memory_space<vmem>>
      %dma_start3A_97 = tpu.memref_squeeze %dma_start3A_96 : memref<1x80xi32, #tpu.memory_space<vmem>> -> memref<80xi32, #tpu.memory_space<vmem>>
      %dma_start3A_98 = arith.constant 0 : i32
      %dma_start3A_99 = arith.constant 0 : i32
      %dma_start3A_100 = tpu.memref_slice %arg12[%dma_start3A_98, %dma_start3A_99] : memref<10000x80xf32, #tpu.memory_space<vmem_shared>> -> memref<10000x80xf32, #tpu.memory_space<vmem_shared>>
      tpu.enqueue_indirect_dma source(%arg8 : memref<80x80xf32, #tpu.memory_space<vmem>>) target(%dma_start3A_100 : memref<10000x80xf32, #tpu.memory_space<vmem_shared>>) offsets(%dma_start3A_97 : memref<80xi32, #tpu.memory_space<vmem>>) semaphore(%arg16 : memref<!tpu.dma_semaphore, #tpu.memory_space<semaphore_mem>>) {add = true}
      %add3A_101 = arith.constant 1 : i32
      %add3A_102 = arith.addi %mul3A_88, %add3A_101 : i32
      %dma_wait3A_103 = arith.constant 0 : i32
      %dma_wait3A_104 = tpu.memref_slice %arg6[%add3A_102, %dma_wait3A_103] : memref<125x80xi32, #tpu.memory_space<vmem>> -> memref<1x80xi32, #tpu.memory_space<vmem>>
      %dma_wait3A_105 = tpu.memref_squeeze %dma_wait3A_104 : memref<1x80xi32, #tpu.memory_space<vmem>> -> memref<80xi32, #tpu.memory_space<vmem>>
      %dma_wait3A_106 = arith.constant 0 : i32
      %dma_wait3A_107 = arith.constant 0 : i32
      %dma_wait3A_108 = tpu.memref_slice %arg2[%dma_wait3A_106, %dma_wait3A_107] : memref<10000x80xf32, #tpu.memory_space<hbm>> -> memref<10000x80xf32, #tpu.memory_space<hbm>>
      tpu.wait_indirect_dma semaphore(%arg14 : memref<!tpu.dma_semaphore, #tpu.memory_space<semaphore_mem>>) src(%dma_wait3A_108 : memref<10000x80xf32, #tpu.memory_space<hbm>>) dst(%arg9 : memref<80x80xf32, #tpu.memory_space<vmem>>)
      %add3A_109 = arith.constant 1 : i32
      %add3A_110 = arith.addi %mul3A_88, %add3A_109 : i32
      %dma_start3A_111 = arith.constant 0 : i32
      %dma_start3A_112 = tpu.memref_slice %arg7[%add3A_110, %dma_start3A_111] : memref<125x80xi32, #tpu.memory_space<vmem>> -> memref<1x80xi32, #tpu.memory_space<vmem>>
      %dma_start3A_113 = tpu.memref_squeeze %dma_start3A_112 : memref<1x80xi32, #tpu.memory_space<vmem>> -> memref<80xi32, #tpu.memory_space<vmem>>
      %dma_start3A_114 = arith.constant 0 : i32
      %dma_start3A_115 = arith.constant 0 : i32
      %dma_start3A_116 = tpu.memref_slice %arg12[%dma_start3A_114, %dma_start3A_115] : memref<10000x80xf32, #tpu.memory_space<vmem_shared>> -> memref<10000x80xf32, #tpu.memory_space<vmem_shared>>
      tpu.enqueue_indirect_dma source(%arg9 : memref<80x80xf32, #tpu.memory_space<vmem>>) target(%dma_start3A_116 : memref<10000x80xf32, #tpu.memory_space<vmem_shared>>) offsets(%dma_start3A_113 : memref<80xi32, #tpu.memory_space<vmem>>) semaphore(%arg17 : memref<!tpu.dma_semaphore, #tpu.memory_space<semaphore_mem>>) {add = true}
      %add3A_117 = arith.constant 2 : i32
      %add3A_118 = arith.addi %mul3A_88, %add3A_117 : i32
      %dma_wait3A_119 = arith.constant 0 : i32
      %dma_wait3A_120 = tpu.memref_slice %arg6[%add3A_118, %dma_wait3A_119] : memref<125x80xi32, #tpu.memory_space<vmem>> -> memref<1x80xi32, #tpu.memory_space<vmem>>
      %dma_wait3A_121 = tpu.memref_squeeze %dma_wait3A_120 : memref<1x80xi32, #tpu.memory_space<vmem>> -> memref<80xi32, #tpu.memory_space<vmem>>
      %dma_wait3A_122 = arith.constant 0 : i32
      %dma_wait3A_123 = arith.constant 0 : i32
      %dma_wait3A_124 = tpu.memref_slice %arg2[%dma_wait3A_122, %dma_wait3A_123] : memref<10000x80xf32, #tpu.memory_space<hbm>> -> memref<10000x80xf32, #tpu.memory_space<hbm>>
      tpu.wait_indirect_dma semaphore(%arg15 : memref<!tpu.dma_semaphore, #tpu.memory_space<semaphore_mem>>) src(%dma_wait3A_124 : memref<10000x80xf32, #tpu.memory_space<hbm>>) dst(%arg10 : memref<80x80xf32, #tpu.memory_space<vmem>>)
      %add3A_125 = arith.constant 2 : i32
      %add3A_126 = arith.addi %mul3A_88, %add3A_125 : i32
      %dma_start3A_127 = arith.constant 0 : i32
      %dma_start3A_128 = tpu.memref_slice %arg7[%add3A_126, %dma_start3A_127] : memref<125x80xi32, #tpu.memory_space<vmem>> -> memref<1x80xi32, #tpu.memory_space<vmem>>
      %dma_start3A_129 = tpu.memref_squeeze %dma_start3A_128 : memref<1x80xi32, #tpu.memory_space<vmem>> -> memref<80xi32, #tpu.memory_space<vmem>>
      %dma_start3A_130 = arith.constant 0 : i32
      %dma_start3A_131 = arith.constant 0 : i32
      %dma_start3A_132 = tpu.memref_slice %arg12[%dma_start3A_130, %dma_start3A_131] : memref<10000x80xf32, #tpu.memory_space<vmem_shared>> -> memref<10000x80xf32, #tpu.memory_space<vmem_shared>>
      tpu.enqueue_indirect_dma source(%arg10 : memref<80x80xf32, #tpu.memory_space<vmem>>) target(%dma_start3A_132 : memref<10000x80xf32, #tpu.memory_space<vmem_shared>>) offsets(%dma_start3A_129 : memref<80xi32, #tpu.memory_space<vmem>>) semaphore(%arg18 : memref<!tpu.dma_semaphore, #tpu.memory_space<semaphore_mem>>) {add = true}
      %dma_wait3A_133 = arith.constant 0 : i32
      %dma_wait3A_134 = tpu.memref_slice %arg7[%mul3A_88, %dma_wait3A_133] : memref<125x80xi32, #tpu.memory_space<vmem>> -> memref<1x80xi32, #tpu.memory_space<vmem>>
      %dma_wait3A_135 = tpu.memref_squeeze %dma_wait3A_134 : memref<1x80xi32, #tpu.memory_space<vmem>> -> memref<80xi32, #tpu.memory_space<vmem>>
      %dma_wait3A_136 = arith.constant 0 : i32
      %dma_wait3A_137 = arith.constant 0 : i32
      %dma_wait3A_138 = tpu.memref_slice %arg12[%dma_wait3A_136, %dma_wait3A_137] : memref<10000x80xf32, #tpu.memory_space<vmem_shared>> -> memref<10000x80xf32, #tpu.memory_space<vmem_shared>>
      tpu.wait_indirect_dma semaphore(%arg16 : memref<!tpu.dma_semaphore, #tpu.memory_space<semaphore_mem>>) src(%arg8 : memref<80x80xf32, #tpu.memory_space<vmem>>) dst(%dma_wait3A_138 : memref<10000x80xf32, #tpu.memory_space<vmem_shared>>)
      %add3A_139 = arith.constant 3 : i32
      %add3A_140 = arith.addi %mul3A_88, %add3A_139 : i32
      %dma_start3A_141 = arith.constant 0 : i32
      %dma_start3A_142 = tpu.memref_slice %arg6[%add3A_140, %dma_start3A_141] : memref<125x80xi32, #tpu.memory_space<vmem>> -> memref<1x80xi32, #tpu.memory_space<vmem>>
      %dma_start3A_143 = tpu.memref_squeeze %dma_start3A_142 : memref<1x80xi32, #tpu.memory_space<vmem>> -> memref<80xi32, #tpu.memory_space<vmem>>
      %dma_start3A_144 = arith.constant 0 : i32
      %dma_start3A_145 = arith.constant 0 : i32
      %dma_start3A_146 = tpu.memref_slice %arg2[%dma_start3A_144, %dma_start3A_145] : memref<10000x80xf32, #tpu.memory_space<hbm>> -> memref<10000x80xf32, #tpu.memory_space<hbm>>
      tpu.enqueue_indirect_dma source(%dma_start3A_146 : memref<10000x80xf32, #tpu.memory_space<hbm>>) target(%arg8 : memref<80x80xf32, #tpu.memory_space<vmem>>) offsets(%dma_start3A_143 : memref<80xi32, #tpu.memory_space<vmem>>) semaphore(%arg13 : memref<!tpu.dma_semaphore, #tpu.memory_space<semaphore_mem>>)
      %add3A_147 = arith.constant 1 : i32
      %add3A_148 = arith.addi %mul3A_88, %add3A_147 : i32
      %dma_wait3A_149 = arith.constant 0 : i32
      %dma_wait3A_150 = tpu.memref_slice %arg7[%add3A_148, %dma_wait3A_149] : memref<125x80xi32, #tpu.memory_space<vmem>> -> memref<1x80xi32, #tpu.memory_space<vmem>>
      %dma_wait3A_151 = tpu.memref_squeeze %dma_wait3A_150 : memref<1x80xi32, #tpu.memory_space<vmem>> -> memref<80xi32, #tpu.memory_space<vmem>>
      %dma_wait3A_152 = arith.constant 0 : i32
      %dma_wait3A_153 = arith.constant 0 : i32
      %dma_wait3A_154 = tpu.memref_slice %arg12[%dma_wait3A_152, %dma_wait3A_153] : memref<10000x80xf32, #tpu.memory_space<vmem_shared>> -> memref<10000x80xf32, #tpu.memory_space<vmem_shared>>
      tpu.wait_indirect_dma semaphore(%arg17 : memref<!tpu.dma_semaphore, #tpu.memory_space<semaphore_mem>>) src(%arg9 : memref<80x80xf32, #tpu.memory_space<vmem>>) dst(%dma_wait3A_154 : memref<10000x80xf32, #tpu.memory_space<vmem_shared>>)
      %add3A_155 = arith.constant 4 : i32
      %add3A_156 = arith.addi %mul3A_88, %add3A_155 : i32
      %dma_start3A_157 = arith.constant 0 : i32
      %dma_start3A_158 = tpu.memref_slice %arg6[%add3A_156, %dma_start3A_157] : memref<125x80xi32, #tpu.memory_space<vmem>> -> memref<1x80xi32, #tpu.memory_space<vmem>>
      %dma_start3A_159 = tpu.memref_squeeze %dma_start3A_158 : memref<1x80xi32, #tpu.memory_space<vmem>> -> memref<80xi32, #tpu.memory_space<vmem>>
      %dma_start3A_160 = arith.constant 0 : i32
      %dma_start3A_161 = arith.constant 0 : i32
      %dma_start3A_162 = tpu.memref_slice %arg2[%dma_start3A_160, %dma_start3A_161] : memref<10000x80xf32, #tpu.memory_space<hbm>> -> memref<10000x80xf32, #tpu.memory_space<hbm>>
      tpu.enqueue_indirect_dma source(%dma_start3A_162 : memref<10000x80xf32, #tpu.memory_space<hbm>>) target(%arg9 : memref<80x80xf32, #tpu.memory_space<vmem>>) offsets(%dma_start3A_159 : memref<80xi32, #tpu.memory_space<vmem>>) semaphore(%arg14 : memref<!tpu.dma_semaphore, #tpu.memory_space<semaphore_mem>>)
      %add3A_163 = arith.constant 2 : i32
      %add3A_164 = arith.addi %mul3A_88, %add3A_163 : i32
      %dma_wait3A_165 = arith.constant 0 : i32
      %dma_wait3A_166 = tpu.memref_slice %arg7[%add3A_164, %dma_wait3A_165] : memref<125x80xi32, #tpu.memory_space<vmem>> -> memref<1x80xi32, #tpu.memory_space<vmem>>
      %dma_wait3A_167 = tpu.memref_squeeze %dma_wait3A_166 : memref<1x80xi32, #tpu.memory_space<vmem>> -> memref<80xi32, #tpu.memory_space<vmem>>
      %dma_wait3A_168 = arith.constant 0 : i32
      %dma_wait3A_169 = arith.constant 0 : i32
      %dma_wait3A_170 = tpu.memref_slice %arg12[%dma_wait3A_168, %dma_wait3A_169] : memref<10000x80xf32, #tpu.memory_space<vmem_shared>> -> memref<10000x80xf32, #tpu.memory_space<vmem_shared>>
      tpu.wait_indirect_dma semaphore(%arg18 : memref<!tpu.dma_semaphore, #tpu.memory_space<semaphore_mem>>) src(%arg10 : memref<80x80xf32, #tpu.memory_space<vmem>>) dst(%dma_wait3A_170 : memref<10000x80xf32, #tpu.memory_space<vmem_shared>>)
      %add3A_171 = arith.constant 5 : i32
      %add3A_172 = arith.addi %mul3A_88, %add3A_171 : i32
      %lt3A_173 = arith.constant 125 : i32
      %lt3A_174 = arith.cmpi slt, %add3A_172, %lt3A_173 : i32
      %convert_element_type3A_175 = arith.extui %lt3A_174 : i1 to i32
      %cond3A_176 = arith.constant 0 : i32
      %cond3A_177 = arith.cmpi ne, %convert_element_type3A_175, %cond3A_176 : i32
      scf.if %cond3A_177 {
        %add3A_178 = arith.constant 5 : i32
        %add3A_179 = arith.addi %mul3A_88, %add3A_178 : i32
        %dma_start3A_180 = arith.constant 0 : i32
        %dma_start3A_181 = tpu.memref_slice %arg6[%add3A_179, %dma_start3A_180] : memref<125x80xi32, #tpu.memory_space<vmem>> -> memref<1x80xi32, #tpu.memory_space<vmem>>
        %dma_start3A_182 = tpu.memref_squeeze %dma_start3A_181 : memref<1x80xi32, #tpu.memory_space<vmem>> -> memref<80xi32, #tpu.memory_space<vmem>>
        %dma_start3A_183 = arith.constant 0 : i32
        %dma_start3A_184 = arith.constant 0 : i32
        %dma_start3A_185 = tpu.memref_slice %arg2[%dma_start3A_183, %dma_start3A_184] : memref<10000x80xf32, #tpu.memory_space<hbm>> -> memref<10000x80xf32, #tpu.memory_space<hbm>>
        tpu.enqueue_indirect_dma source(%dma_start3A_185 : memref<10000x80xf32, #tpu.memory_space<hbm>>) target(%arg10 : memref<80x80xf32, #tpu.memory_space<vmem>>) offsets(%dma_start3A_182 : memref<80xi32, #tpu.memory_space<vmem>>) semaphore(%arg15 : memref<!tpu.dma_semaphore, #tpu.memory_space<semaphore_mem>>)
      } else {
      }
    }
    %scan3A_38 = arith.constant 41 : i32
    %dma_wait3A = arith.constant 123 : i32
    %dma_wait3A_39 = arith.constant 0 : i32
    %dma_wait3A_40 = tpu.memref_slice %arg6[%dma_wait3A, %dma_wait3A_39] : memref<125x80xi32, #tpu.memory_space<vmem>> -> memref<1x80xi32, #tpu.memory_space<vmem>>
    %dma_wait3A_41 = tpu.memref_squeeze %dma_wait3A_40 : memref<1x80xi32, #tpu.memory_space<vmem>> -> memref<80xi32, #tpu.memory_space<vmem>>
    %dma_wait3A_42 = arith.constant 0 : i32
    %dma_wait3A_43 = arith.constant 0 : i32
    %dma_wait3A_44 = tpu.memref_slice %arg2[%dma_wait3A_42, %dma_wait3A_43] : memref<10000x80xf32, #tpu.memory_space<hbm>> -> memref<10000x80xf32, #tpu.memory_space<hbm>>
    tpu.wait_indirect_dma semaphore(%arg13 : memref<!tpu.dma_semaphore, #tpu.memory_space<semaphore_mem>>) src(%dma_wait3A_44 : memref<10000x80xf32, #tpu.memory_space<hbm>>) dst(%arg8 : memref<80x80xf32, #tpu.memory_space<vmem>>)
    %dma_start3A_45 = arith.constant 123 : i32
    %dma_start3A_46 = arith.constant 0 : i32
    %dma_start3A_47 = tpu.memref_slice %arg7[%dma_start3A_45, %dma_start3A_46] : memref<125x80xi32, #tpu.memory_space<vmem>> -> memref<1x80xi32, #tpu.memory_space<vmem>>
    %dma_start3A_48 = tpu.memref_squeeze %dma_start3A_47 : memref<1x80xi32, #tpu.memory_space<vmem>> -> memref<80xi32, #tpu.memory_space<vmem>>
    %dma_start3A_49 = arith.constant 0 : i32
    %dma_start3A_50 = arith.constant 0 : i32
    %dma_start3A_51 = tpu.memref_slice %arg12[%dma_start3A_49, %dma_start3A_50] : memref<10000x80xf32, #tpu.memory_space<vmem_shared>> -> memref<10000x80xf32, #tpu.memory_space<vmem_shared>>
    tpu.enqueue_indirect_dma source(%arg8 : memref<80x80xf32, #tpu.memory_space<vmem>>) target(%dma_start3A_51 : memref<10000x80xf32, #tpu.memory_space<vmem_shared>>) offsets(%dma_start3A_48 : memref<80xi32, #tpu.memory_space<vmem>>) semaphore(%arg16 : memref<!tpu.dma_semaphore, #tpu.memory_space<semaphore_mem>>) {add = true}
    %dma_wait3A_52 = arith.constant 124 : i32
    %dma_wait3A_53 = arith.constant 0 : i32
    %dma_wait3A_54 = tpu.memref_slice %arg6[%dma_wait3A_52, %dma_wait3A_53] : memref<125x80xi32, #tpu.memory_space<vmem>> -> memref<1x80xi32, #tpu.memory_space<vmem>>
    %dma_wait3A_55 = tpu.memref_squeeze %dma_wait3A_54 : memref<1x80xi32, #tpu.memory_space<vmem>> -> memref<80xi32, #tpu.memory_space<vmem>>
    %dma_wait3A_56 = arith.constant 0 : i32
    %dma_wait3A_57 = arith.constant 0 : i32
    %dma_wait3A_58 = tpu.memref_slice %arg2[%dma_wait3A_56, %dma_wait3A_57] : memref<10000x80xf32, #tpu.memory_space<hbm>> -> memref<10000x80xf32, #tpu.memory_space<hbm>>
    tpu.wait_indirect_dma semaphore(%arg14 : memref<!tpu.dma_semaphore, #tpu.memory_space<semaphore_mem>>) src(%dma_wait3A_58 : memref<10000x80xf32, #tpu.memory_space<hbm>>) dst(%arg9 : memref<80x80xf32, #tpu.memory_space<vmem>>)
    %dma_start3A_59 = arith.constant 124 : i32
    %dma_start3A_60 = arith.constant 0 : i32
    %dma_start3A_61 = tpu.memref_slice %arg7[%dma_start3A_59, %dma_start3A_60] : memref<125x80xi32, #tpu.memory_space<vmem>> -> memref<1x80xi32, #tpu.memory_space<vmem>>
    %dma_start3A_62 = tpu.memref_squeeze %dma_start3A_61 : memref<1x80xi32, #tpu.memory_space<vmem>> -> memref<80xi32, #tpu.memory_space<vmem>>
    %dma_start3A_63 = arith.constant 0 : i32
    %dma_start3A_64 = arith.constant 0 : i32
    %dma_start3A_65 = tpu.memref_slice %arg12[%dma_start3A_63, %dma_start3A_64] : memref<10000x80xf32, #tpu.memory_space<vmem_shared>> -> memref<10000x80xf32, #tpu.memory_space<vmem_shared>>
    tpu.enqueue_indirect_dma source(%arg9 : memref<80x80xf32, #tpu.memory_space<vmem>>) target(%dma_start3A_65 : memref<10000x80xf32, #tpu.memory_space<vmem_shared>>) offsets(%dma_start3A_62 : memref<80xi32, #tpu.memory_space<vmem>>) semaphore(%arg17 : memref<!tpu.dma_semaphore, #tpu.memory_space<semaphore_mem>>) {add = true}
    %dma_wait3A_66 = arith.constant 123 : i32
    %dma_wait3A_67 = arith.constant 0 : i32
    %dma_wait3A_68 = tpu.memref_slice %arg7[%dma_wait3A_66, %dma_wait3A_67] : memref<125x80xi32, #tpu.memory_space<vmem>> -> memref<1x80xi32, #tpu.memory_space<vmem>>
    %dma_wait3A_69 = tpu.memref_squeeze %dma_wait3A_68 : memref<1x80xi32, #tpu.memory_space<vmem>> -> memref<80xi32, #tpu.memory_space<vmem>>
    %dma_wait3A_70 = arith.constant 0 : i32
    %dma_wait3A_71 = arith.constant 0 : i32
    %dma_wait3A_72 = tpu.memref_slice %arg12[%dma_wait3A_70, %dma_wait3A_71] : memref<10000x80xf32, #tpu.memory_space<vmem_shared>> -> memref<10000x80xf32, #tpu.memory_space<vmem_shared>>
    tpu.wait_indirect_dma semaphore(%arg16 : memref<!tpu.dma_semaphore, #tpu.memory_space<semaphore_mem>>) src(%arg8 : memref<80x80xf32, #tpu.memory_space<vmem>>) dst(%dma_wait3A_72 : memref<10000x80xf32, #tpu.memory_space<vmem_shared>>)
    %dma_wait3A_73 = arith.constant 124 : i32
    %dma_wait3A_74 = arith.constant 0 : i32
    %dma_wait3A_75 = tpu.memref_slice %arg7[%dma_wait3A_73, %dma_wait3A_74] : memref<125x80xi32, #tpu.memory_space<vmem>> -> memref<1x80xi32, #tpu.memory_space<vmem>>
    %dma_wait3A_76 = tpu.memref_squeeze %dma_wait3A_75 : memref<1x80xi32, #tpu.memory_space<vmem>> -> memref<80xi32, #tpu.memory_space<vmem>>
    %dma_wait3A_77 = arith.constant 0 : i32
    %dma_wait3A_78 = arith.constant 0 : i32
    %dma_wait3A_79 = tpu.memref_slice %arg12[%dma_wait3A_77, %dma_wait3A_78] : memref<10000x80xf32, #tpu.memory_space<vmem_shared>> -> memref<10000x80xf32, #tpu.memory_space<vmem_shared>>
    tpu.wait_indirect_dma semaphore(%arg17 : memref<!tpu.dma_semaphore, #tpu.memory_space<semaphore_mem>>) src(%arg9 : memref<80x80xf32, #tpu.memory_space<vmem>>) dst(%dma_wait3A_79 : memref<10000x80xf32, #tpu.memory_space<vmem_shared>>)
    %barrier3A_80 = arith.constant 0 : index
    tpu.barrier barrier_id(%barrier3A_80)
    %lt3A_81 = arith.constant 10 : i32
    %lt3A_82 = arith.cmpi slt, %arg1, %lt3A_81 : i32
    %convert_element_type3A_83 = arith.extui %lt3A_82 : i1 to i32
    %cond3A_84 = arith.constant 0 : i32
    %cond3A_85 = arith.cmpi ne, %convert_element_type3A_83, %cond3A_84 : i32
    scf.if %cond3A_85 {
      %scan3A_86 = arith.constant 0 : i32
      %scan3A_87 = arith.constant 0 : i32
      %scan3A_88 = arith.constant 5 : i32
      %scan3A_89 = arith.addi %scan3A_87, %scan3A_88 : i32
      %scan3A_90 = arith.constant 1 : i32
      scf.for %scan3A_92 = %scan3A_87 to %scan3A_89 step %scan3A_90  : i32 {
        %mul3A_93 = arith.constant 1000 : i32
        %mul3A_94 = arith.muli %arg1, %mul3A_93 : i32
        %mul3A_95 = arith.constant 200 : i32
        %mul3A_96 = arith.muli %scan3A_92, %mul3A_95 : i32
        %add3A_97 = arith.addi %mul3A_94, %mul3A_96 : i32
        "tpu.region"() ({
          %run_scoped3A = tpu.sem_alloc : memref<!tpu.dma_semaphore, #tpu.memory_space<semaphore_mem>>
          %dma_start3A_98 = arith.constant 0 : i32
          %dma_start3A_99 = tpu.memref_slice %arg12[%add3A_97, %dma_start3A_98] : memref<10000x80xf32, #tpu.memory_space<vmem_shared>> -> memref<200x80xf32, #tpu.memory_space<vmem_shared>>
          %dma_start3A_100 = arith.constant 0 : i32
          %dma_start3A_101 = tpu.memref_slice %arg12[%add3A_97, %dma_start3A_100] : memref<10000x80xf32, #tpu.memory_space<vmem_shared>> -> memref<200x80xf32, #tpu.memory_space<vmem_shared>>
          tpu.enqueue_dma source(%dma_start3A_101 : memref<200x80xf32, #tpu.memory_space<vmem_shared>>) target(%arg11 : memref<200x80xf32, #tpu.memory_space<vmem>>) target_semaphore(%run_scoped3A : memref<!tpu.dma_semaphore, #tpu.memory_space<semaphore_mem>>)
          %dma_wait3A_102 = arith.constant 0 : i32
          %dma_wait3A_103 = tpu.memref_slice %arg12[%add3A_97, %dma_wait3A_102] : memref<10000x80xf32, #tpu.memory_space<vmem_shared>> -> memref<200x80xf32, #tpu.memory_space<vmem_shared>>
          %dma_wait3A_104 = arith.constant 0 : i32
          %dma_wait3A_105 = tpu.memref_slice %arg12[%add3A_97, %dma_wait3A_104] : memref<10000x80xf32, #tpu.memory_space<vmem_shared>> -> memref<200x80xf32, #tpu.memory_space<vmem_shared>>
          tpu.wait_dma2 semaphore(%run_scoped3A : memref<!tpu.dma_semaphore, #tpu.memory_space<semaphore_mem>>) src(%dma_wait3A_105 : memref<200x80xf32, #tpu.memory_space<vmem_shared>>) dst(%arg11 : memref<200x80xf32, #tpu.memory_space<vmem>>)
          tpu.yield
        }) : () -> ()
        "tpu.region"() ({
          %run_scoped3A = tpu.sem_alloc : memref<!tpu.dma_semaphore, #tpu.memory_space<semaphore_mem>>
          %dma_start3A_98 = arith.constant 0 : i32
          %dma_start3A_99 = tpu.memref_slice %arg5[%arg0, %add3A_97, %dma_start3A_98] : memref<2x10000x80xf32, #tpu.memory_space<hbm>> -> memref<1x200x80xf32, #tpu.memory_space<hbm>>
          %dma_start3A_100 = tpu.memref_squeeze %dma_start3A_99 : memref<1x200x80xf32, #tpu.memory_space<hbm>> -> memref<200x80xf32, #tpu.memory_space<hbm>>
          %dma_start3A_101 = arith.constant 0 : i32
          %dma_start3A_102 = tpu.memref_slice %arg5[%arg0, %add3A_97, %dma_start3A_101] : memref<2x10000x80xf32, #tpu.memory_space<hbm>> -> memref<1x200x80xf32, #tpu.memory_space<hbm>>
          %dma_start3A_103 = tpu.memref_squeeze %dma_start3A_102 : memref<1x200x80xf32, #tpu.memory_space<hbm>> -> memref<200x80xf32, #tpu.memory_space<hbm>>
          tpu.enqueue_dma source(%arg11 : memref<200x80xf32, #tpu.memory_space<vmem>>) target(%dma_start3A_103 : memref<200x80xf32, #tpu.memory_space<hbm>>) target_semaphore(%run_scoped3A : memref<!tpu.dma_semaphore, #tpu.memory_space<semaphore_mem>>)
          %dma_wait3A_104 = arith.constant 0 : i32
          %dma_wait3A_105 = tpu.memref_slice %arg5[%arg0, %add3A_97, %dma_wait3A_104] : memref<2x10000x80xf32, #tpu.memory_space<hbm>> -> memref<1x200x80xf32, #tpu.memory_space<hbm>>
          %dma_wait3A_106 = tpu.memref_squeeze %dma_wait3A_105 : memref<1x200x80xf32, #tpu.memory_space<hbm>> -> memref<200x80xf32, #tpu.memory_space<hbm>>
          %dma_wait3A_107 = arith.constant 0 : i32
          %dma_wait3A_108 = tpu.memref_slice %arg5[%arg0, %add3A_97, %dma_wait3A_107] : memref<2x10000x80xf32, #tpu.memory_space<hbm>> -> memref<1x200x80xf32, #tpu.memory_space<hbm>>
          %dma_wait3A_109 = tpu.memref_squeeze %dma_wait3A_108 : memref<1x200x80xf32, #tpu.memory_space<hbm>> -> memref<200x80xf32, #tpu.memory_space<hbm>>
          tpu.wait_dma2 semaphore(%run_scoped3A : memref<!tpu.dma_semaphore, #tpu.memory_space<semaphore_mem>>) src(%arg11 : memref<200x80xf32, #tpu.memory_space<vmem>>) dst(%dma_wait3A_109 : memref<200x80xf32, #tpu.memory_space<hbm>>)
          tpu.yield
        }) : () -> ()
      }
      %scan3A_91 = arith.constant 5 : i32
    } else {
    }
    return
  }
}

#map = affine_map<(d0, d1) -> (0, 0, 0)>
#map1 = affine_map<(d0, d1) -> (0)>
module attributes {stable_mosaic.version = 14 : i64} {
  func.func @_sc_deg_body(%arg0: i32, %arg1: i32, %arg2: memref<32x125x80xi32, #tpu.memory_space<hbm>>, %arg3: memref<10000xf32, #tpu.memory_space<hbm>>, %arg4: memref<10000xf32, #tpu.memory_space<hbm>>, %arg5: memref<125x80xi32, #tpu.memory_space<vmem>>, %arg6: memref<80xf32, #tpu.memory_space<vmem>>, %arg7: memref<1024xf32, #tpu.memory_space<vmem>>, %arg8: memref<10000xf32, #tpu.memory_space<vmem_shared>>, %arg9: memref<!tpu.dma_semaphore, #tpu.memory_space<semaphore_mem>>) attributes {dimension_semantics = [#tpu.dimension_semantics<core_parallel>, #tpu.dimension_semantics<subcore_parallel>], iteration_bounds = array<i64: 2, 16>, scalar_prefetch = 0 : i64, scratch_operands = 5 : i64, tpu.core_type = #tpu.core_type<sc_vector_subcore>, window_params = [{transform_indices = #map}, {transform_indices = #map1}, {transform_indices = #map1}]} {
    %mul3A = arith.constant 2 : i32
    %mul3A_0 = arith.muli %arg1, %mul3A : i32
    %add3A = arith.addi %mul3A_0, %arg0 : i32
    %mul3A_1 = arith.constant 0 : i32
    %mul3A_2 = arith.muli %add3A, %mul3A_1 : i32
    %mul3A_3 = arith.constant 2 : i32
    %mul3A_4 = arith.muli %arg1, %mul3A_3 : i32
    %add3A_5 = arith.addi %mul3A_4, %arg0 : i32
    %scan3A = arith.constant 0 : i32
    %scan3A_6 = arith.constant 0 : i32
    %scan3A_7 = arith.constant 5 : i32
    %scan3A_8 = arith.addi %scan3A_6, %scan3A_7 : i32
    %scan3A_9 = arith.constant 1 : i32
    scf.for %scan3A_45 = %scan3A_6 to %scan3A_8 step %scan3A_9  : i32 {
      %broadcast_in_dim3A = arith.constant 1.000000e+00 : f32
      %broadcast_in_dim3A_46 = vector.broadcast %broadcast_in_dim3A : f32 to vector<16xf32>
      %mul3A_47 = arith.constant 16 : i32
      %mul3A_48 = arith.muli %scan3A_45, %mul3A_47 : i32
      %swap3A = arith.index_cast %mul3A_48 : i32 to index
      %swap3A_49 = tpu.vector_load %arg6[%swap3A] {strides = array<i32>} : memref<80xf32, #tpu.memory_space<vmem>>, vector<16xf32>,
      %swap3A_50 = vector.shape_cast %swap3A_49 : vector<16xf32> to vector<16xf32>
      %swap3A_51 = vector.shape_cast %broadcast_in_dim3A_46 : vector<16xf32> to vector<16xf32>
      tpu.vector_store %arg6[%swap3A], %swap3A_51 {strides = array<i32>} : memref<80xf32, #tpu.memory_space<vmem>>, vector<16xf32>,
    }
    %scan3A_10 = arith.constant 5 : i32
    %scan3A_11 = arith.constant 0 : i32
    %scan3A_12 = arith.constant 0 : i32
    %scan3A_13 = arith.constant 64 : i32
    %scan3A_14 = arith.addi %scan3A_12, %scan3A_13 : i32
    %scan3A_15 = arith.constant 1 : i32
    scf.for %scan3A_45 = %scan3A_12 to %scan3A_14 step %scan3A_15  : i32 {
      %broadcast_in_dim3A = arith.constant 0.000000e+00 : f32
      %broadcast_in_dim3A_46 = vector.broadcast %broadcast_in_dim3A : f32 to vector<16xf32>
      %mul3A_47 = arith.constant 16 : i32
      %mul3A_48 = arith.muli %scan3A_45, %mul3A_47 : i32
      %swap3A = arith.index_cast %mul3A_48 : i32 to index
      %swap3A_49 = tpu.vector_load %arg7[%swap3A] {strides = array<i32>} : memref<1024xf32, #tpu.memory_space<vmem>>, vector<16xf32>,
      %swap3A_50 = vector.shape_cast %swap3A_49 : vector<16xf32> to vector<16xf32>
      %swap3A_51 = vector.shape_cast %broadcast_in_dim3A_46 : vector<16xf32> to vector<16xf32>
      tpu.vector_store %arg7[%swap3A], %swap3A_51 {strides = array<i32>} : memref<1024xf32, #tpu.memory_space<vmem>>, vector<16xf32>,
    }
    %scan3A_16 = arith.constant 64 : i32
    %lt3A = arith.constant 10 : i32
    %lt3A_17 = arith.cmpi slt, %arg1, %lt3A : i32
    %convert_element_type3A = arith.extui %lt3A_17 : i1 to i32
    %cond3A = arith.constant 0 : i32
    %cond3A_18 = arith.cmpi ne, %convert_element_type3A, %cond3A : i32
    scf.if %cond3A_18 {
      %mul3A_45 = arith.constant 1000 : i32
      %mul3A_46 = arith.muli %arg1, %mul3A_45 : i32
      "tpu.region"() ({
        %run_scoped3A = tpu.sem_alloc : memref<!tpu.dma_semaphore, #tpu.memory_space<semaphore_mem>>
        %dma_start3A = arith.constant 0 : i32
        %dma_start3A_47 = tpu.memref_slice %arg7[%dma_start3A] : memref<1024xf32, #tpu.memory_space<vmem>> -> memref<1000xf32, #tpu.memory_space<vmem>>
        %dma_start3A_48 = tpu.memref_slice %arg8[%mul3A_46] : memref<10000xf32, #tpu.memory_space<vmem_shared>> -> memref<1000xf32, #tpu.memory_space<vmem_shared>>
        %dma_start3A_49 = tpu.memref_slice %arg8[%mul3A_46] : memref<10000xf32, #tpu.memory_space<vmem_shared>> -> memref<1000xf32, #tpu.memory_space<vmem_shared>>
        %dma_start3A_50 = arith.constant 0 : i32
        %dma_start3A_51 = tpu.memref_slice %arg7[%dma_start3A_50] : memref<1024xf32, #tpu.memory_space<vmem>> -> memref<1000xf32, #tpu.memory_space<vmem>>
        tpu.enqueue_dma source(%dma_start3A_51 : memref<1000xf32, #tpu.memory_space<vmem>>) target(%dma_start3A_49 : memref<1000xf32, #tpu.memory_space<vmem_shared>>) target_semaphore(%run_scoped3A : memref<!tpu.dma_semaphore, #tpu.memory_space<semaphore_mem>>)
        %dma_wait3A = arith.constant 0 : i32
        %dma_wait3A_52 = tpu.memref_slice %arg7[%dma_wait3A] : memref<1024xf32, #tpu.memory_space<vmem>> -> memref<1000xf32, #tpu.memory_space<vmem>>
        %dma_wait3A_53 = tpu.memref_slice %arg8[%mul3A_46] : memref<10000xf32, #tpu.memory_space<vmem_shared>> -> memref<1000xf32, #tpu.memory_space<vmem_shared>>
        %dma_wait3A_54 = tpu.memref_slice %arg8[%mul3A_46] : memref<10000xf32, #tpu.memory_space<vmem_shared>> -> memref<1000xf32, #tpu.memory_space<vmem_shared>>
        %dma_wait3A_55 = arith.constant 0 : i32
        %dma_wait3A_56 = tpu.memref_slice %arg7[%dma_wait3A_55] : memref<1024xf32, #tpu.memory_space<vmem>> -> memref<1000xf32, #tpu.memory_space<vmem>>
        tpu.wait_dma2 semaphore(%run_scoped3A : memref<!tpu.dma_semaphore, #tpu.memory_space<semaphore_mem>>) src(%dma_wait3A_56 : memref<1000xf32, #tpu.memory_space<vmem>>) dst(%dma_wait3A_54 : memref<1000xf32, #tpu.memory_space<vmem_shared>>)
        tpu.yield
      }) : () -> ()
    } else {
    }
    %barrier3A = arith.constant 0 : index
    tpu.barrier barrier_id(%barrier3A)
    "tpu.region"() ({
      %run_scoped3A = tpu.sem_alloc : memref<!tpu.dma_semaphore, #tpu.memory_space<semaphore_mem>>
      %dma_start3A = arith.constant 0 : i32
      %dma_start3A_45 = arith.constant 0 : i32
      %dma_start3A_46 = tpu.memref_slice %arg2[%add3A_5, %dma_start3A, %dma_start3A_45] : memref<32x125x80xi32, #tpu.memory_space<hbm>> -> memref<1x125x80xi32, #tpu.memory_space<hbm>>
      %dma_start3A_47 = tpu.memref_squeeze %dma_start3A_46 : memref<1x125x80xi32, #tpu.memory_space<hbm>> -> memref<125x80xi32, #tpu.memory_space<hbm>>
      %dma_start3A_48 = arith.constant 0 : i32
      %dma_start3A_49 = arith.constant 0 : i32
      %dma_start3A_50 = tpu.memref_slice %arg2[%add3A_5, %dma_start3A_48, %dma_start3A_49] : memref<32x125x80xi32, #tpu.memory_space<hbm>> -> memref<1x125x80xi32, #tpu.memory_space<hbm>>
      %dma_start3A_51 = tpu.memref_squeeze %dma_start3A_50 : memref<1x125x80xi32, #tpu.memory_space<hbm>> -> memref<125x80xi32, #tpu.memory_space<hbm>>
      tpu.enqueue_dma source(%dma_start3A_51 : memref<125x80xi32, #tpu.memory_space<hbm>>) target(%arg5 : memref<125x80xi32, #tpu.memory_space<vmem>>) target_semaphore(%run_scoped3A : memref<!tpu.dma_semaphore, #tpu.memory_space<semaphore_mem>>)
      %dma_wait3A = arith.constant 0 : i32
      %dma_wait3A_52 = arith.constant 0 : i32
      %dma_wait3A_53 = tpu.memref_slice %arg2[%add3A_5, %dma_wait3A, %dma_wait3A_52] : memref<32x125x80xi32, #tpu.memory_space<hbm>> -> memref<1x125x80xi32, #tpu.memory_space<hbm>>
      %dma_wait3A_54 = tpu.memref_squeeze %dma_wait3A_53 : memref<1x125x80xi32, #tpu.memory_space<hbm>> -> memref<125x80xi32, #tpu.memory_space<hbm>>
      %dma_wait3A_55 = arith.constant 0 : i32
      %dma_wait3A_56 = arith.constant 0 : i32
      %dma_wait3A_57 = tpu.memref_slice %arg2[%add3A_5, %dma_wait3A_55, %dma_wait3A_56] : memref<32x125x80xi32, #tpu.memory_space<hbm>> -> memref<1x125x80xi32, #tpu.memory_space<hbm>>
      %dma_wait3A_58 = tpu.memref_squeeze %dma_wait3A_57 : memref<1x125x80xi32, #tpu.memory_space<hbm>> -> memref<125x80xi32, #tpu.memory_space<hbm>>
      tpu.wait_dma2 semaphore(%run_scoped3A : memref<!tpu.dma_semaphore, #tpu.memory_space<semaphore_mem>>) src(%dma_wait3A_58 : memref<125x80xi32, #tpu.memory_space<hbm>>) dst(%arg5 : memref<125x80xi32, #tpu.memory_space<vmem>>)
      tpu.yield
    }) : () -> ()
    %scan3A_19 = arith.constant 0 : i32
    %scan3A_20 = arith.constant 0 : i32
    %scan3A_21 = arith.constant 125 : i32
    %scan3A_22 = arith.addi %scan3A_20, %scan3A_21 : i32
    %scan3A_23 = arith.constant 1 : i32
    scf.for %scan3A_45 = %scan3A_20 to %scan3A_22 step %scan3A_23  : i32 {
      "tpu.region"() ({
        %run_scoped3A = tpu.sem_alloc : memref<!tpu.dma_semaphore, #tpu.memory_space<semaphore_mem>>
        %dma_start3A = arith.constant 0 : i32
        %dma_start3A_46 = tpu.memref_slice %arg5[%scan3A_45, %dma_start3A] : memref<125x80xi32, #tpu.memory_space<vmem>> -> memref<1x80xi32, #tpu.memory_space<vmem>>
        %dma_start3A_47 = tpu.memref_squeeze %dma_start3A_46 : memref<1x80xi32, #tpu.memory_space<vmem>> -> memref<80xi32, #tpu.memory_space<vmem>>
        %dma_start3A_48 = arith.constant 0 : i32
        %dma_start3A_49 = tpu.memref_slice %arg8[%dma_start3A_48] : memref<10000xf32, #tpu.memory_space<vmem_shared>> -> memref<10000xf32, #tpu.memory_space<vmem_shared>>
        tpu.enqueue_indirect_dma source(%arg6 : memref<80xf32, #tpu.memory_space<vmem>>) target(%dma_start3A_49 : memref<10000xf32, #tpu.memory_space<vmem_shared>>) offsets(%dma_start3A_47 : memref<80xi32, #tpu.memory_space<vmem>>) semaphore(%run_scoped3A : memref<!tpu.dma_semaphore, #tpu.memory_space<semaphore_mem>>) {add = true}
        %dma_wait3A = arith.constant 0 : i32
        %dma_wait3A_50 = tpu.memref_slice %arg5[%scan3A_45, %dma_wait3A] : memref<125x80xi32, #tpu.memory_space<vmem>> -> memref<1x80xi32, #tpu.memory_space<vmem>>
        %dma_wait3A_51 = tpu.memref_squeeze %dma_wait3A_50 : memref<1x80xi32, #tpu.memory_space<vmem>> -> memref<80xi32, #tpu.memory_space<vmem>>
        %dma_wait3A_52 = arith.constant 0 : i32
        %dma_wait3A_53 = tpu.memref_slice %arg8[%dma_wait3A_52] : memref<10000xf32, #tpu.memory_space<vmem_shared>> -> memref<10000xf32, #tpu.memory_space<vmem_shared>>
        tpu.wait_indirect_dma semaphore(%run_scoped3A : memref<!tpu.dma_semaphore, #tpu.memory_space<semaphore_mem>>) src(%arg6 : memref<80xf32, #tpu.memory_space<vmem>>) dst(%dma_wait3A_53 : memref<10000xf32, #tpu.memory_space<vmem_shared>>)
        tpu.yield
      }) : () -> ()
    }
    %scan3A_24 = arith.constant 125 : i32
    %barrier3A_25 = arith.constant 0 : index
    tpu.barrier barrier_id(%barrier3A_25)
    %lt3A_26 = arith.constant 10 : i32
    %lt3A_27 = arith.cmpi slt, %arg1, %lt3A_26 : i32
    %convert_element_type3A_28 = arith.extui %lt3A_27 : i1 to i32
    %cond3A_29 = arith.constant 0 : i32
    %cond3A_30 = arith.cmpi ne, %convert_element_type3A_28, %cond3A_29 : i32
    scf.if %cond3A_30 {
      %mul3A_45 = arith.constant 1000 : i32
      %mul3A_46 = arith.muli %arg1, %mul3A_45 : i32
      "tpu.region"() ({
        %run_scoped3A = tpu.sem_alloc : memref<!tpu.dma_semaphore, #tpu.memory_space<semaphore_mem>>
        %dma_start3A = arith.constant 0 : i32
        %dma_start3A_47 = tpu.memref_slice %arg7[%dma_start3A] : memref<1024xf32, #tpu.memory_space<vmem>> -> memref<1000xf32, #tpu.memory_space<vmem>>
        %dma_start3A_48 = tpu.memref_slice %arg8[%mul3A_46] : memref<10000xf32, #tpu.memory_space<vmem_shared>> -> memref<1000xf32, #tpu.memory_space<vmem_shared>>
        %dma_start3A_49 = arith.constant 0 : i32
        %dma_start3A_50 = tpu.memref_slice %arg7[%dma_start3A_49] : memref<1024xf32, #tpu.memory_space<vmem>> -> memref<1000xf32, #tpu.memory_space<vmem>>
        %dma_start3A_51 = tpu.memref_slice %arg8[%mul3A_46] : memref<10000xf32, #tpu.memory_space<vmem_shared>> -> memref<1000xf32, #tpu.memory_space<vmem_shared>>
        tpu.enqueue_dma source(%dma_start3A_51 : memref<1000xf32, #tpu.memory_space<vmem_shared>>) target(%dma_start3A_50 : memref<1000xf32, #tpu.memory_space<vmem>>) target_semaphore(%run_scoped3A : memref<!tpu.dma_semaphore, #tpu.memory_space<semaphore_mem>>)
        %dma_wait3A = arith.constant 0 : i32
        %dma_wait3A_52 = tpu.memref_slice %arg7[%dma_wait3A] : memref<1024xf32, #tpu.memory_space<vmem>> -> memref<1000xf32, #tpu.memory_space<vmem>>
        %dma_wait3A_53 = tpu.memref_slice %arg8[%mul3A_46] : memref<10000xf32, #tpu.memory_space<vmem_shared>> -> memref<1000xf32, #tpu.memory_space<vmem_shared>>
        %dma_wait3A_54 = arith.constant 0 : i32
        %dma_wait3A_55 = tpu.memref_slice %arg7[%dma_wait3A_54] : memref<1024xf32, #tpu.memory_space<vmem>> -> memref<1000xf32, #tpu.memory_space<vmem>>
        %dma_wait3A_56 = tpu.memref_slice %arg8[%mul3A_46] : memref<10000xf32, #tpu.memory_space<vmem_shared>> -> memref<1000xf32, #tpu.memory_space<vmem_shared>>
        tpu.wait_dma2 semaphore(%run_scoped3A : memref<!tpu.dma_semaphore, #tpu.memory_space<semaphore_mem>>) src(%dma_wait3A_56 : memref<1000xf32, #tpu.memory_space<vmem_shared>>) dst(%dma_wait3A_55 : memref<1000xf32, #tpu.memory_space<vmem>>)
        tpu.yield
      }) : () -> ()
    } else {
    }
    %lt3A_31 = arith.constant 10 : i32
    %lt3A_32 = arith.cmpi slt, %arg1, %lt3A_31 : i32
    %eq3A = arith.constant 0 : i32
    %eq3A_33 = arith.cmpi eq, %arg0, %eq3A : i32
    %and3A = arith.andi %lt3A_32, %eq3A_33 : i1
    %convert_element_type3A_34 = arith.extui %and3A : i1 to i32
    %cond3A_35 = arith.constant 0 : i32
    %cond3A_36 = arith.cmpi ne, %convert_element_type3A_34, %cond3A_35 : i32
    scf.if %cond3A_36 {
      %mul3A_45 = arith.constant 1000 : i32
      %mul3A_46 = arith.muli %arg1, %mul3A_45 : i32
      "tpu.region"() ({
        %run_scoped3A = tpu.sem_alloc : memref<!tpu.dma_semaphore, #tpu.memory_space<semaphore_mem>>
        %dma_start3A = arith.constant 0 : i32
        %dma_start3A_47 = tpu.memref_slice %arg7[%dma_start3A] : memref<1024xf32, #tpu.memory_space<vmem>> -> memref<1000xf32, #tpu.memory_space<vmem>>
        %dma_start3A_48 = tpu.memref_slice %arg3[%mul3A_46] : memref<10000xf32, #tpu.memory_space<hbm>> -> memref<1000xf32, #tpu.memory_space<hbm>>
        %dma_start3A_49 = tpu.memref_slice %arg3[%mul3A_46] : memref<10000xf32, #tpu.memory_space<hbm>> -> memref<1000xf32, #tpu.memory_space<hbm>>
        %dma_start3A_50 = arith.constant 0 : i32
        %dma_start3A_51 = tpu.memref_slice %arg7[%dma_start3A_50] : memref<1024xf32, #tpu.memory_space<vmem>> -> memref<1000xf32, #tpu.memory_space<vmem>>
        tpu.enqueue_dma source(%dma_start3A_51 : memref<1000xf32, #tpu.memory_space<vmem>>) target(%dma_start3A_49 : memref<1000xf32, #tpu.memory_space<hbm>>) target_semaphore(%run_scoped3A : memref<!tpu.dma_semaphore, #tpu.memory_space<semaphore_mem>>)
        %dma_wait3A = arith.constant 0 : i32
        %dma_wait3A_52 = tpu.memref_slice %arg7[%dma_wait3A] : memref<1024xf32, #tpu.memory_space<vmem>> -> memref<1000xf32, #tpu.memory_space<vmem>>
        %dma_wait3A_53 = tpu.memref_slice %arg3[%mul3A_46] : memref<10000xf32, #tpu.memory_space<hbm>> -> memref<1000xf32, #tpu.memory_space<hbm>>
        %dma_wait3A_54 = tpu.memref_slice %arg3[%mul3A_46] : memref<10000xf32, #tpu.memory_space<hbm>> -> memref<1000xf32, #tpu.memory_space<hbm>>
        %dma_wait3A_55 = arith.constant 0 : i32
        %dma_wait3A_56 = tpu.memref_slice %arg7[%dma_wait3A_55] : memref<1024xf32, #tpu.memory_space<vmem>> -> memref<1000xf32, #tpu.memory_space<vmem>>
        tpu.wait_dma2 semaphore(%run_scoped3A : memref<!tpu.dma_semaphore, #tpu.memory_space<semaphore_mem>>) src(%dma_wait3A_56 : memref<1000xf32, #tpu.memory_space<vmem>>) dst(%dma_wait3A_54 : memref<1000xf32, #tpu.memory_space<hbm>>)
        tpu.yield
      }) : () -> ()
    } else {
    }
    %lt3A_37 = arith.constant 10 : i32
    %lt3A_38 = arith.cmpi slt, %arg1, %lt3A_37 : i32
    %eq3A_39 = arith.constant 1 : i32
    %eq3A_40 = arith.cmpi eq, %arg0, %eq3A_39 : i32
    %and3A_41 = arith.andi %lt3A_38, %eq3A_40 : i1
    %convert_element_type3A_42 = arith.extui %and3A_41 : i1 to i32
    %cond3A_43 = arith.constant 0 : i32
    %cond3A_44 = arith.cmpi ne, %convert_element_type3A_42, %cond3A_43 : i32
    scf.if %cond3A_44 {
      %mul3A_45 = arith.constant 1000 : i32
      %mul3A_46 = arith.muli %arg1, %mul3A_45 : i32
      "tpu.region"() ({
        %run_scoped3A = tpu.sem_alloc : memref<!tpu.dma_semaphore, #tpu.memory_space<semaphore_mem>>
        %dma_start3A = arith.constant 0 : i32
        %dma_start3A_47 = tpu.memref_slice %arg7[%dma_start3A] : memref<1024xf32, #tpu.memory_space<vmem>> -> memref<1000xf32, #tpu.memory_space<vmem>>
        %dma_start3A_48 = tpu.memref_slice %arg4[%mul3A_46] : memref<10000xf32, #tpu.memory_space<hbm>> -> memref<1000xf32, #tpu.memory_space<hbm>>
        %dma_start3A_49 = tpu.memref_slice %arg4[%mul3A_46] : memref<10000xf32, #tpu.memory_space<hbm>> -> memref<1000xf32, #tpu.memory_space<hbm>>
        %dma_start3A_50 = arith.constant 0 : i32
        %dma_start3A_51 = tpu.memref_slice %arg7[%dma_start3A_50] : memref<1024xf32, #tpu.memory_space<vmem>> -> memref<1000xf32, #tpu.memory_space<vmem>>
        tpu.enqueue_dma source(%dma_start3A_51 : memref<1000xf32, #tpu.memory_space<vmem>>) target(%dma_start3A_49 : memref<1000xf32, #tpu.memory_space<hbm>>) target_semaphore(%run_scoped3A : memref<!tpu.dma_semaphore, #tpu.memory_space<semaphore_mem>>)
        %dma_wait3A = arith.constant 0 : i32
        %dma_wait3A_52 = tpu.memref_slice %arg7[%dma_wait3A] : memref<1024xf32, #tpu.memory_space<vmem>> -> memref<1000xf32, #tpu.memory_space<vmem>>
        %dma_wait3A_53 = tpu.memref_slice %arg4[%mul3A_46] : memref<10000xf32, #tpu.memory_space<hbm>> -> memref<1000xf32, #tpu.memory_space<hbm>>
        %dma_wait3A_54 = tpu.memref_slice %arg4[%mul3A_46] : memref<10000xf32, #tpu.memory_space<hbm>> -> memref<1000xf32, #tpu.memory_space<hbm>>
        %dma_wait3A_55 = arith.constant 0 : i32
        %dma_wait3A_56 = tpu.memref_slice %arg7[%dma_wait3A_55] : memref<1024xf32, #tpu.memory_space<vmem>> -> memref<1000xf32, #tpu.memory_space<vmem>>
        tpu.wait_dma2 semaphore(%run_scoped3A : memref<!tpu.dma_semaphore, #tpu.memory_space<semaphore_mem>>) src(%dma_wait3A_56 : memref<1000xf32, #tpu.memory_space<vmem>>) dst(%dma_wait3A_54 : memref<1000xf32, #tpu.memory_space<hbm>>)
        tpu.yield
      }) : () -> ()
    } else {
    }
    return
  }
}

#map = affine_map<(d0, d1) -> (0, 0)>
#map1 = affine_map<(d0, d1) -> (0, 0, 0)>
module attributes {stable_mosaic.version = 14 : i64} {
  func.func @_sc_spmm_body(%arg0: i32, %arg1: i32, %arg2: memref<10000x80xf32, #tpu.memory_space<hbm>>, %arg3: memref<32x125x80xi32, #tpu.memory_space<hbm>>, %arg4: memref<32x125x80xi32, #tpu.memory_space<hbm>>, %arg5: memref<2x10000x80xf32, #tpu.memory_space<hbm>>, %arg6: memref<125x80xi32, #tpu.memory_space<vmem>>, %arg7: memref<125x80xi32, #tpu.memory_space<vmem>>, %arg8: memref<80x80xf32, #tpu.memory_space<vmem>>, %arg9: memref<80x80xf32, #tpu.memory_space<vmem>>, %arg10: memref<80x80xf32, #tpu.memory_space<vmem>>, %arg11: memref<200x80xf32, #tpu.memory_space<vmem>>, %arg12: memref<10000x80xf32, #tpu.memory_space<vmem_shared>>, %arg13: memref<!tpu.dma_semaphore, #tpu.memory_space<semaphore_mem>>, %arg14: memref<!tpu.dma_semaphore, #tpu.memory_space<semaphore_mem>>, %arg15: memref<!tpu.dma_semaphore, #tpu.memory_space<semaphore_mem>>, %arg16: memref<!tpu.dma_semaphore, #tpu.memory_space<semaphore_mem>>, %arg17: memref<!tpu.dma_semaphore, #tpu.memory_space<semaphore_mem>>, %arg18: memref<!tpu.dma_semaphore, #tpu.memory_space<semaphore_mem>>) attributes {dimension_semantics = [#tpu.dimension_semantics<core_parallel>, #tpu.dimension_semantics<subcore_parallel>], iteration_bounds = array<i64: 2, 16>, scalar_prefetch = 0 : i64, scratch_operands = 13 : i64, tpu.core_type = #tpu.core_type<sc_vector_subcore>, window_params = [{transform_indices = #map}, {transform_indices = #map1}, {transform_indices = #map1}, {transform_indices = #map1}]} {
    %mul3A = arith.constant 2 : i32
    %mul3A_0 = arith.muli %arg1, %mul3A : i32
    %add3A = arith.addi %mul3A_0, %arg0 : i32
    %mul3A_1 = arith.constant 0 : i32
    %mul3A_2 = arith.muli %add3A, %mul3A_1 : i32
    %mul3A_3 = arith.constant 2 : i32
    %mul3A_4 = arith.muli %arg1, %mul3A_3 : i32
    %add3A_5 = arith.addi %mul3A_4, %arg0 : i32
    %scan3A = arith.constant 0 : i32
    %scan3A_6 = arith.constant 0 : i32
    %scan3A_7 = arith.constant 1000 : i32
    %scan3A_8 = arith.addi %scan3A_6, %scan3A_7 : i32
    %scan3A_9 = arith.constant 1 : i32
    scf.for %scan3A_86 = %scan3A_6 to %scan3A_8 step %scan3A_9  : i32 {
      %jit3A = arith.constant 5 : i32
      %div3A = arith.divsi %scan3A_86, %jit3A : i32
      %sign3A = arith.constant 0 : i32
      %sign3A_87 = arith.cmpi sgt, %scan3A_86, %sign3A : i32
      %sign3A_88 = arith.extui %sign3A_87 : i1 to i32
      %sign3A_89 = arith.constant 0 : i32
      %sign3A_90 = arith.cmpi slt, %scan3A_86, %sign3A_89 : i32
      %sign3A_91 = arith.extui %sign3A_90 : i1 to i32
      %sign3A_92 = arith.subi %sign3A_88, %sign3A_91 : i32
      %sign3A_93 = arith.constant 0 : i32
      %sign3A_94 = arith.cmpi sgt, %jit3A, %sign3A_93 : i32
      %sign3A_95 = arith.extui %sign3A_94 : i1 to i32
      %sign3A_96 = arith.constant 0 : i32
      %sign3A_97 = arith.cmpi slt, %jit3A, %sign3A_96 : i32
      %sign3A_98 = arith.extui %sign3A_97 : i1 to i32
      %sign3A_99 = arith.subi %sign3A_95, %sign3A_98 : i32
      %ne3A = arith.cmpi ne, %sign3A_92, %sign3A_99 : i32
      %rem3A = arith.remsi %scan3A_86, %jit3A : i32
      %ne3A_100 = arith.constant 0 : i32
      %ne3A_101 = arith.cmpi ne, %rem3A, %ne3A_100 : i32
      %and3A = arith.andi %ne3A, %ne3A_101 : i1
      %sub3A = arith.constant 1 : i32
      %sub3A_102 = arith.subi %div3A, %sub3A : i32
      %select_n3A = arith.select %and3A, %sub3A_102, %div3A : i32
      %jit3A_103 = arith.constant 5 : i32
      %eq3A = arith.constant 0 : i32
      %eq3A_104 = arith.cmpi eq, %jit3A_103, %eq3A : i32
      %jit3A_105 = arith.constant 1 : i32
      %select_n3A_106 = arith.select %eq3A_104, %jit3A_105, %jit3A_103 : i32
      %rem3A_107 = arith.remsi %scan3A_86, %select_n3A_106 : i32
      %ne3A_108 = arith.constant 0 : i32
      %ne3A_109 = arith.cmpi ne, %rem3A_107, %ne3A_108 : i32
      %lt3A_110 = arith.constant 0 : i32
      %lt3A_111 = arith.cmpi slt, %rem3A_107, %lt3A_110 : i32
      %lt3A_112 = arith.constant 0 : i32
      %lt3A_113 = arith.cmpi slt, %select_n3A_106, %lt3A_112 : i32
      %ne3A_114 = arith.xori %lt3A_111, %lt3A_113 : i1
      %and3A_115 = arith.andi %ne3A_114, %ne3A_109 : i1
      %add3A_116 = arith.addi %rem3A_107, %select_n3A_106 : i32
      %select_n3A_117 = arith.select %and3A_115, %add3A_116, %rem3A_107 : i32
      %broadcast_in_dim3A = arith.constant 0.000000e+00 : f32
      %broadcast_in_dim3A_118 = vector.broadcast %broadcast_in_dim3A : f32 to vector<16xf32>
      %mul3A_119 = arith.constant 16 : i32
      %mul3A_120 = arith.muli %select_n3A_117, %mul3A_119 : i32
      %swap3A = arith.index_cast %select_n3A : i32 to index
      %swap3A_121 = arith.index_cast %mul3A_120 : i32 to index
      %swap3A_122 = tpu.vector_load %arg11[%swap3A, %swap3A_121] {strides = array<i32>} : memref<200x80xf32, #tpu.memory_space<vmem>>, vector<1x16xf32>,
      %swap3A_123 = vector.shape_cast %swap3A_122 : vector<1x16xf32> to vector<16xf32>
      %swap3A_124 = vector.shape_cast %broadcast_in_dim3A_118 : vector<16xf32> to vector<1x16xf32>
      tpu.vector_store %arg11[%swap3A, %swap3A_121], %swap3A_124 {strides = array<i32>} : memref<200x80xf32, #tpu.memory_space<vmem>>, vector<1x16xf32>,
    }
    %scan3A_10 = arith.constant 1000 : i32
    %lt3A = arith.constant 10 : i32
    %lt3A_11 = arith.cmpi slt, %arg1, %lt3A : i32
    %convert_element_type3A = arith.extui %lt3A_11 : i1 to i32
    %cond3A = arith.constant 0 : i32
    %cond3A_12 = arith.cmpi ne, %convert_element_type3A, %cond3A : i32
    scf.if %cond3A_12 {
      %scan3A_86 = arith.constant 0 : i32
      %scan3A_87 = arith.constant 0 : i32
      %scan3A_88 = arith.constant 5 : i32
      %scan3A_89 = arith.addi %scan3A_87, %scan3A_88 : i32
      %scan3A_90 = arith.constant 1 : i32
      scf.for %scan3A_92 = %scan3A_87 to %scan3A_89 step %scan3A_90  : i32 {
        %mul3A_93 = arith.constant 1000 : i32
        %mul3A_94 = arith.muli %arg1, %mul3A_93 : i32
        %mul3A_95 = arith.constant 200 : i32
        %mul3A_96 = arith.muli %scan3A_92, %mul3A_95 : i32
        %add3A_97 = arith.addi %mul3A_94, %mul3A_96 : i32
        "tpu.region"() ({
          %run_scoped3A = tpu.sem_alloc : memref<!tpu.dma_semaphore, #tpu.memory_space<semaphore_mem>>
          %dma_start3A_98 = arith.constant 0 : i32
          %dma_start3A_99 = tpu.memref_slice %arg12[%add3A_97, %dma_start3A_98] : memref<10000x80xf32, #tpu.memory_space<vmem_shared>> -> memref<200x80xf32, #tpu.memory_space<vmem_shared>>
          %dma_start3A_100 = arith.constant 0 : i32
          %dma_start3A_101 = tpu.memref_slice %arg12[%add3A_97, %dma_start3A_100] : memref<10000x80xf32, #tpu.memory_space<vmem_shared>> -> memref<200x80xf32, #tpu.memory_space<vmem_shared>>
          tpu.enqueue_dma source(%arg11 : memref<200x80xf32, #tpu.memory_space<vmem>>) target(%dma_start3A_101 : memref<200x80xf32, #tpu.memory_space<vmem_shared>>) target_semaphore(%run_scoped3A : memref<!tpu.dma_semaphore, #tpu.memory_space<semaphore_mem>>)
          %dma_wait3A_102 = arith.constant 0 : i32
          %dma_wait3A_103 = tpu.memref_slice %arg12[%add3A_97, %dma_wait3A_102] : memref<10000x80xf32, #tpu.memory_space<vmem_shared>> -> memref<200x80xf32, #tpu.memory_space<vmem_shared>>
          %dma_wait3A_104 = arith.constant 0 : i32
          %dma_wait3A_105 = tpu.memref_slice %arg12[%add3A_97, %dma_wait3A_104] : memref<10000x80xf32, #tpu.memory_space<vmem_shared>> -> memref<200x80xf32, #tpu.memory_space<vmem_shared>>
          tpu.wait_dma2 semaphore(%run_scoped3A : memref<!tpu.dma_semaphore, #tpu.memory_space<semaphore_mem>>) src(%arg11 : memref<200x80xf32, #tpu.memory_space<vmem>>) dst(%dma_wait3A_105 : memref<200x80xf32, #tpu.memory_space<vmem_shared>>)
          tpu.yield
        }) : () -> ()
      }
      %scan3A_91 = arith.constant 5 : i32
    } else {
    }
    %barrier3A = arith.constant 0 : index
    tpu.barrier barrier_id(%barrier3A)
    "tpu.region"() ({
      %run_scoped3A = tpu.sem_alloc : memref<!tpu.dma_semaphore, #tpu.memory_space<semaphore_mem>>
      %dma_start3A_86 = arith.constant 0 : i32
      %dma_start3A_87 = arith.constant 0 : i32
      %dma_start3A_88 = tpu.memref_slice %arg3[%add3A_5, %dma_start3A_86, %dma_start3A_87] : memref<32x125x80xi32, #tpu.memory_space<hbm>> -> memref<1x125x80xi32, #tpu.memory_space<hbm>>
      %dma_start3A_89 = tpu.memref_squeeze %dma_start3A_88 : memref<1x125x80xi32, #tpu.memory_space<hbm>> -> memref<125x80xi32, #tpu.memory_space<hbm>>
      %dma_start3A_90 = arith.constant 0 : i32
      %dma_start3A_91 = arith.constant 0 : i32
      %dma_start3A_92 = tpu.memref_slice %arg3[%add3A_5, %dma_start3A_90, %dma_start3A_91] : memref<32x125x80xi32, #tpu.memory_space<hbm>> -> memref<1x125x80xi32, #tpu.memory_space<hbm>>
      %dma_start3A_93 = tpu.memref_squeeze %dma_start3A_92 : memref<1x125x80xi32, #tpu.memory_space<hbm>> -> memref<125x80xi32, #tpu.memory_space<hbm>>
      tpu.enqueue_dma source(%dma_start3A_93 : memref<125x80xi32, #tpu.memory_space<hbm>>) target(%arg6 : memref<125x80xi32, #tpu.memory_space<vmem>>) target_semaphore(%run_scoped3A : memref<!tpu.dma_semaphore, #tpu.memory_space<semaphore_mem>>)
      %dma_wait3A_94 = arith.constant 0 : i32
      %dma_wait3A_95 = arith.constant 0 : i32
      %dma_wait3A_96 = tpu.memref_slice %arg3[%add3A_5, %dma_wait3A_94, %dma_wait3A_95] : memref<32x125x80xi32, #tpu.memory_space<hbm>> -> memref<1x125x80xi32, #tpu.memory_space<hbm>>
      %dma_wait3A_97 = tpu.memref_squeeze %dma_wait3A_96 : memref<1x125x80xi32, #tpu.memory_space<hbm>> -> memref<125x80xi32, #tpu.memory_space<hbm>>
      %dma_wait3A_98 = arith.constant 0 : i32
      %dma_wait3A_99 = arith.constant 0 : i32
      %dma_wait3A_100 = tpu.memref_slice %arg3[%add3A_5, %dma_wait3A_98, %dma_wait3A_99] : memref<32x125x80xi32, #tpu.memory_space<hbm>> -> memref<1x125x80xi32, #tpu.memory_space<hbm>>
      %dma_wait3A_101 = tpu.memref_squeeze %dma_wait3A_100 : memref<1x125x80xi32, #tpu.memory_space<hbm>> -> memref<125x80xi32, #tpu.memory_space<hbm>>
      tpu.wait_dma2 semaphore(%run_scoped3A : memref<!tpu.dma_semaphore, #tpu.memory_space<semaphore_mem>>) src(%dma_wait3A_101 : memref<125x80xi32, #tpu.memory_space<hbm>>) dst(%arg6 : memref<125x80xi32, #tpu.memory_space<vmem>>)
      tpu.yield
    }) : () -> ()
    "tpu.region"() ({
      %run_scoped3A = tpu.sem_alloc : memref<!tpu.dma_semaphore, #tpu.memory_space<semaphore_mem>>
      %dma_start3A_86 = arith.constant 0 : i32
      %dma_start3A_87 = arith.constant 0 : i32
      %dma_start3A_88 = tpu.memref_slice %arg4[%add3A_5, %dma_start3A_86, %dma_start3A_87] : memref<32x125x80xi32, #tpu.memory_space<hbm>> -> memref<1x125x80xi32, #tpu.memory_space<hbm>>
      %dma_start3A_89 = tpu.memref_squeeze %dma_start3A_88 : memref<1x125x80xi32, #tpu.memory_space<hbm>> -> memref<125x80xi32, #tpu.memory_space<hbm>>
      %dma_start3A_90 = arith.constant 0 : i32
      %dma_start3A_91 = arith.constant 0 : i32
      %dma_start3A_92 = tpu.memref_slice %arg4[%add3A_5, %dma_start3A_90, %dma_start3A_91] : memref<32x125x80xi32, #tpu.memory_space<hbm>> -> memref<1x125x80xi32, #tpu.memory_space<hbm>>
      %dma_start3A_93 = tpu.memref_squeeze %dma_start3A_92 : memref<1x125x80xi32, #tpu.memory_space<hbm>> -> memref<125x80xi32, #tpu.memory_space<hbm>>
      tpu.enqueue_dma source(%dma_start3A_93 : memref<125x80xi32, #tpu.memory_space<hbm>>) target(%arg7 : memref<125x80xi32, #tpu.memory_space<vmem>>) target_semaphore(%run_scoped3A : memref<!tpu.dma_semaphore, #tpu.memory_space<semaphore_mem>>)
      %dma_wait3A_94 = arith.constant 0 : i32
      %dma_wait3A_95 = arith.constant 0 : i32
      %dma_wait3A_96 = tpu.memref_slice %arg4[%add3A_5, %dma_wait3A_94, %dma_wait3A_95] : memref<32x125x80xi32, #tpu.memory_space<hbm>> -> memref<1x125x80xi32, #tpu.memory_space<hbm>>
      %dma_wait3A_97 = tpu.memref_squeeze %dma_wait3A_96 : memref<1x125x80xi32, #tpu.memory_space<hbm>> -> memref<125x80xi32, #tpu.memory_space<hbm>>
      %dma_wait3A_98 = arith.constant 0 : i32
      %dma_wait3A_99 = arith.constant 0 : i32
      %dma_wait3A_100 = tpu.memref_slice %arg4[%add3A_5, %dma_wait3A_98, %dma_wait3A_99] : memref<32x125x80xi32, #tpu.memory_space<hbm>> -> memref<1x125x80xi32, #tpu.memory_space<hbm>>
      %dma_wait3A_101 = tpu.memref_squeeze %dma_wait3A_100 : memref<1x125x80xi32, #tpu.memory_space<hbm>> -> memref<125x80xi32, #tpu.memory_space<hbm>>
      tpu.wait_dma2 semaphore(%run_scoped3A : memref<!tpu.dma_semaphore, #tpu.memory_space<semaphore_mem>>) src(%dma_wait3A_101 : memref<125x80xi32, #tpu.memory_space<hbm>>) dst(%arg7 : memref<125x80xi32, #tpu.memory_space<vmem>>)
      tpu.yield
    }) : () -> ()
    %dma_start3A = arith.constant 0 : i32
    %dma_start3A_13 = arith.constant 0 : i32
    %dma_start3A_14 = tpu.memref_slice %arg6[%dma_start3A, %dma_start3A_13] : memref<125x80xi32, #tpu.memory_space<vmem>> -> memref<1x80xi32, #tpu.memory_space<vmem>>
    %dma_start3A_15 = tpu.memref_squeeze %dma_start3A_14 : memref<1x80xi32, #tpu.memory_space<vmem>> -> memref<80xi32, #tpu.memory_space<vmem>>
    %dma_start3A_16 = arith.constant 0 : i32
    %dma_start3A_17 = arith.constant 0 : i32
    %dma_start3A_18 = tpu.memref_slice %arg2[%dma_start3A_16, %dma_start3A_17] : memref<10000x80xf32, #tpu.memory_space<hbm>> -> memref<10000x80xf32, #tpu.memory_space<hbm>>
    tpu.enqueue_indirect_dma source(%dma_start3A_18 : memref<10000x80xf32, #tpu.memory_space<hbm>>) target(%arg8 : memref<80x80xf32, #tpu.memory_space<vmem>>) offsets(%dma_start3A_15 : memref<80xi32, #tpu.memory_space<vmem>>) semaphore(%arg13 : memref<!tpu.dma_semaphore, #tpu.memory_space<semaphore_mem>>)
    %dma_start3A_19 = arith.constant 1 : i32
    %dma_start3A_20 = arith.constant 0 : i32
    %dma_start3A_21 = tpu.memref_slice %arg6[%dma_start3A_19, %dma_start3A_20] : memref<125x80xi32, #tpu.memory_space<vmem>> -> memref<1x80xi32, #tpu.memory_space<vmem>>
    %dma_start3A_22 = tpu.memref_squeeze %dma_start3A_21 : memref<1x80xi32, #tpu.memory_space<vmem>> -> memref<80xi32, #tpu.memory_space<vmem>>
    %dma_start3A_23 = arith.constant 0 : i32
    %dma_start3A_24 = arith.constant 0 : i32
    %dma_start3A_25 = tpu.memref_slice %arg2[%dma_start3A_23, %dma_start3A_24] : memref<10000x80xf32, #tpu.memory_space<hbm>> -> memref<10000x80xf32, #tpu.memory_space<hbm>>
    tpu.enqueue_indirect_dma source(%dma_start3A_25 : memref<10000x80xf32, #tpu.memory_space<hbm>>) target(%arg9 : memref<80x80xf32, #tpu.memory_space<vmem>>) offsets(%dma_start3A_22 : memref<80xi32, #tpu.memory_space<vmem>>) semaphore(%arg14 : memref<!tpu.dma_semaphore, #tpu.memory_space<semaphore_mem>>)
    %dma_start3A_26 = arith.constant 2 : i32
    %dma_start3A_27 = arith.constant 0 : i32
    %dma_start3A_28 = tpu.memref_slice %arg6[%dma_start3A_26, %dma_start3A_27] : memref<125x80xi32, #tpu.memory_space<vmem>> -> memref<1x80xi32, #tpu.memory_space<vmem>>
    %dma_start3A_29 = tpu.memref_squeeze %dma_start3A_28 : memref<1x80xi32, #tpu.memory_space<vmem>> -> memref<80xi32, #tpu.memory_space<vmem>>
    %dma_start3A_30 = arith.constant 0 : i32
    %dma_start3A_31 = arith.constant 0 : i32
    %dma_start3A_32 = tpu.memref_slice %arg2[%dma_start3A_30, %dma_start3A_31] : memref<10000x80xf32, #tpu.memory_space<hbm>> -> memref<10000x80xf32, #tpu.memory_space<hbm>>
    tpu.enqueue_indirect_dma source(%dma_start3A_32 : memref<10000x80xf32, #tpu.memory_space<hbm>>) target(%arg10 : memref<80x80xf32, #tpu.memory_space<vmem>>) offsets(%dma_start3A_29 : memref<80xi32, #tpu.memory_space<vmem>>) semaphore(%arg15 : memref<!tpu.dma_semaphore, #tpu.memory_space<semaphore_mem>>)
    %scan3A_33 = arith.constant 0 : i32
    %scan3A_34 = arith.constant 0 : i32
    %scan3A_35 = arith.constant 41 : i32
    %scan3A_36 = arith.addi %scan3A_34, %scan3A_35 : i32
    %scan3A_37 = arith.constant 1 : i32
    scf.for %scan3A_86 = %scan3A_34 to %scan3A_36 step %scan3A_37  : i32 {
      %mul3A_87 = arith.constant 3 : i32
      %mul3A_88 = arith.muli %mul3A_87, %scan3A_86 : i32
      %dma_wait3A_89 = arith.constant 0 : i32
      %dma_wait3A_90 = tpu.memref_slice %arg6[%mul3A_88, %dma_wait3A_89] : memref<125x80xi32, #tpu.memory_space<vmem>> -> memref<1x80xi32, #tpu.memory_space<vmem>>
      %dma_wait3A_91 = tpu.memref_squeeze %dma_wait3A_90 : memref<1x80xi32, #tpu.memory_space<vmem>> -> memref<80xi32, #tpu.memory_space<vmem>>
      %dma_wait3A_92 = arith.constant 0 : i32
      %dma_wait3A_93 = arith.constant 0 : i32
      %dma_wait3A_94 = tpu.memref_slice %arg2[%dma_wait3A_92, %dma_wait3A_93] : memref<10000x80xf32, #tpu.memory_space<hbm>> -> memref<10000x80xf32, #tpu.memory_space<hbm>>
      tpu.wait_indirect_dma semaphore(%arg13 : memref<!tpu.dma_semaphore, #tpu.memory_space<semaphore_mem>>) src(%dma_wait3A_94 : memref<10000x80xf32, #tpu.memory_space<hbm>>) dst(%arg8 : memref<80x80xf32, #tpu.memory_space<vmem>>)
      %dma_start3A_95 = arith.constant 0 : i32
      %dma_start3A_96 = tpu.memref_slice %arg7[%mul3A_88, %dma_start3A_95] : memref<125x80xi32, #tpu.memory_space<vmem>> -> memref<1x80xi32, #tpu.memory_space<vmem>>
      %dma_start3A_97 = tpu.memref_squeeze %dma_start3A_96 : memref<1x80xi32, #tpu.memory_space<vmem>> -> memref<80xi32, #tpu.memory_space<vmem>>
      %dma_start3A_98 = arith.constant 0 : i32
      %dma_start3A_99 = arith.constant 0 : i32
      %dma_start3A_100 = tpu.memref_slice %arg12[%dma_start3A_98, %dma_start3A_99] : memref<10000x80xf32, #tpu.memory_space<vmem_shared>> -> memref<10000x80xf32, #tpu.memory_space<vmem_shared>>
      tpu.enqueue_indirect_dma source(%arg8 : memref<80x80xf32, #tpu.memory_space<vmem>>) target(%dma_start3A_100 : memref<10000x80xf32, #tpu.memory_space<vmem_shared>>) offsets(%dma_start3A_97 : memref<80xi32, #tpu.memory_space<vmem>>) semaphore(%arg16 : memref<!tpu.dma_semaphore, #tpu.memory_space<semaphore_mem>>) {add = true}
      %add3A_101 = arith.constant 1 : i32
      %add3A_102 = arith.addi %mul3A_88, %add3A_101 : i32
      %dma_wait3A_103 = arith.constant 0 : i32
      %dma_wait3A_104 = tpu.memref_slice %arg6[%add3A_102, %dma_wait3A_103] : memref<125x80xi32, #tpu.memory_space<vmem>> -> memref<1x80xi32, #tpu.memory_space<vmem>>
      %dma_wait3A_105 = tpu.memref_squeeze %dma_wait3A_104 : memref<1x80xi32, #tpu.memory_space<vmem>> -> memref<80xi32, #tpu.memory_space<vmem>>
      %dma_wait3A_106 = arith.constant 0 : i32
      %dma_wait3A_107 = arith.constant 0 : i32
      %dma_wait3A_108 = tpu.memref_slice %arg2[%dma_wait3A_106, %dma_wait3A_107] : memref<10000x80xf32, #tpu.memory_space<hbm>> -> memref<10000x80xf32, #tpu.memory_space<hbm>>
      tpu.wait_indirect_dma semaphore(%arg14 : memref<!tpu.dma_semaphore, #tpu.memory_space<semaphore_mem>>) src(%dma_wait3A_108 : memref<10000x80xf32, #tpu.memory_space<hbm>>) dst(%arg9 : memref<80x80xf32, #tpu.memory_space<vmem>>)
      %add3A_109 = arith.constant 1 : i32
      %add3A_110 = arith.addi %mul3A_88, %add3A_109 : i32
      %dma_start3A_111 = arith.constant 0 : i32
      %dma_start3A_112 = tpu.memref_slice %arg7[%add3A_110, %dma_start3A_111] : memref<125x80xi32, #tpu.memory_space<vmem>> -> memref<1x80xi32, #tpu.memory_space<vmem>>
      %dma_start3A_113 = tpu.memref_squeeze %dma_start3A_112 : memref<1x80xi32, #tpu.memory_space<vmem>> -> memref<80xi32, #tpu.memory_space<vmem>>
      %dma_start3A_114 = arith.constant 0 : i32
      %dma_start3A_115 = arith.constant 0 : i32
      %dma_start3A_116 = tpu.memref_slice %arg12[%dma_start3A_114, %dma_start3A_115] : memref<10000x80xf32, #tpu.memory_space<vmem_shared>> -> memref<10000x80xf32, #tpu.memory_space<vmem_shared>>
      tpu.enqueue_indirect_dma source(%arg9 : memref<80x80xf32, #tpu.memory_space<vmem>>) target(%dma_start3A_116 : memref<10000x80xf32, #tpu.memory_space<vmem_shared>>) offsets(%dma_start3A_113 : memref<80xi32, #tpu.memory_space<vmem>>) semaphore(%arg17 : memref<!tpu.dma_semaphore, #tpu.memory_space<semaphore_mem>>) {add = true}
      %add3A_117 = arith.constant 2 : i32
      %add3A_118 = arith.addi %mul3A_88, %add3A_117 : i32
      %dma_wait3A_119 = arith.constant 0 : i32
      %dma_wait3A_120 = tpu.memref_slice %arg6[%add3A_118, %dma_wait3A_119] : memref<125x80xi32, #tpu.memory_space<vmem>> -> memref<1x80xi32, #tpu.memory_space<vmem>>
      %dma_wait3A_121 = tpu.memref_squeeze %dma_wait3A_120 : memref<1x80xi32, #tpu.memory_space<vmem>> -> memref<80xi32, #tpu.memory_space<vmem>>
      %dma_wait3A_122 = arith.constant 0 : i32
      %dma_wait3A_123 = arith.constant 0 : i32
      %dma_wait3A_124 = tpu.memref_slice %arg2[%dma_wait3A_122, %dma_wait3A_123] : memref<10000x80xf32, #tpu.memory_space<hbm>> -> memref<10000x80xf32, #tpu.memory_space<hbm>>
      tpu.wait_indirect_dma semaphore(%arg15 : memref<!tpu.dma_semaphore, #tpu.memory_space<semaphore_mem>>) src(%dma_wait3A_124 : memref<10000x80xf32, #tpu.memory_space<hbm>>) dst(%arg10 : memref<80x80xf32, #tpu.memory_space<vmem>>)
      %add3A_125 = arith.constant 2 : i32
      %add3A_126 = arith.addi %mul3A_88, %add3A_125 : i32
      %dma_start3A_127 = arith.constant 0 : i32
      %dma_start3A_128 = tpu.memref_slice %arg7[%add3A_126, %dma_start3A_127] : memref<125x80xi32, #tpu.memory_space<vmem>> -> memref<1x80xi32, #tpu.memory_space<vmem>>
      %dma_start3A_129 = tpu.memref_squeeze %dma_start3A_128 : memref<1x80xi32, #tpu.memory_space<vmem>> -> memref<80xi32, #tpu.memory_space<vmem>>
      %dma_start3A_130 = arith.constant 0 : i32
      %dma_start3A_131 = arith.constant 0 : i32
      %dma_start3A_132 = tpu.memref_slice %arg12[%dma_start3A_130, %dma_start3A_131] : memref<10000x80xf32, #tpu.memory_space<vmem_shared>> -> memref<10000x80xf32, #tpu.memory_space<vmem_shared>>
      tpu.enqueue_indirect_dma source(%arg10 : memref<80x80xf32, #tpu.memory_space<vmem>>) target(%dma_start3A_132 : memref<10000x80xf32, #tpu.memory_space<vmem_shared>>) offsets(%dma_start3A_129 : memref<80xi32, #tpu.memory_space<vmem>>) semaphore(%arg18 : memref<!tpu.dma_semaphore, #tpu.memory_space<semaphore_mem>>) {add = true}
      %dma_wait3A_133 = arith.constant 0 : i32
      %dma_wait3A_134 = tpu.memref_slice %arg7[%mul3A_88, %dma_wait3A_133] : memref<125x80xi32, #tpu.memory_space<vmem>> -> memref<1x80xi32, #tpu.memory_space<vmem>>
      %dma_wait3A_135 = tpu.memref_squeeze %dma_wait3A_134 : memref<1x80xi32, #tpu.memory_space<vmem>> -> memref<80xi32, #tpu.memory_space<vmem>>
      %dma_wait3A_136 = arith.constant 0 : i32
      %dma_wait3A_137 = arith.constant 0 : i32
      %dma_wait3A_138 = tpu.memref_slice %arg12[%dma_wait3A_136, %dma_wait3A_137] : memref<10000x80xf32, #tpu.memory_space<vmem_shared>> -> memref<10000x80xf32, #tpu.memory_space<vmem_shared>>
      tpu.wait_indirect_dma semaphore(%arg16 : memref<!tpu.dma_semaphore, #tpu.memory_space<semaphore_mem>>) src(%arg8 : memref<80x80xf32, #tpu.memory_space<vmem>>) dst(%dma_wait3A_138 : memref<10000x80xf32, #tpu.memory_space<vmem_shared>>)
      %add3A_139 = arith.constant 3 : i32
      %add3A_140 = arith.addi %mul3A_88, %add3A_139 : i32
      %dma_start3A_141 = arith.constant 0 : i32
      %dma_start3A_142 = tpu.memref_slice %arg6[%add3A_140, %dma_start3A_141] : memref<125x80xi32, #tpu.memory_space<vmem>> -> memref<1x80xi32, #tpu.memory_space<vmem>>
      %dma_start3A_143 = tpu.memref_squeeze %dma_start3A_142 : memref<1x80xi32, #tpu.memory_space<vmem>> -> memref<80xi32, #tpu.memory_space<vmem>>
      %dma_start3A_144 = arith.constant 0 : i32
      %dma_start3A_145 = arith.constant 0 : i32
      %dma_start3A_146 = tpu.memref_slice %arg2[%dma_start3A_144, %dma_start3A_145] : memref<10000x80xf32, #tpu.memory_space<hbm>> -> memref<10000x80xf32, #tpu.memory_space<hbm>>
      tpu.enqueue_indirect_dma source(%dma_start3A_146 : memref<10000x80xf32, #tpu.memory_space<hbm>>) target(%arg8 : memref<80x80xf32, #tpu.memory_space<vmem>>) offsets(%dma_start3A_143 : memref<80xi32, #tpu.memory_space<vmem>>) semaphore(%arg13 : memref<!tpu.dma_semaphore, #tpu.memory_space<semaphore_mem>>)
      %add3A_147 = arith.constant 1 : i32
      %add3A_148 = arith.addi %mul3A_88, %add3A_147 : i32
      %dma_wait3A_149 = arith.constant 0 : i32
      %dma_wait3A_150 = tpu.memref_slice %arg7[%add3A_148, %dma_wait3A_149] : memref<125x80xi32, #tpu.memory_space<vmem>> -> memref<1x80xi32, #tpu.memory_space<vmem>>
      %dma_wait3A_151 = tpu.memref_squeeze %dma_wait3A_150 : memref<1x80xi32, #tpu.memory_space<vmem>> -> memref<80xi32, #tpu.memory_space<vmem>>
      %dma_wait3A_152 = arith.constant 0 : i32
      %dma_wait3A_153 = arith.constant 0 : i32
      %dma_wait3A_154 = tpu.memref_slice %arg12[%dma_wait3A_152, %dma_wait3A_153] : memref<10000x80xf32, #tpu.memory_space<vmem_shared>> -> memref<10000x80xf32, #tpu.memory_space<vmem_shared>>
      tpu.wait_indirect_dma semaphore(%arg17 : memref<!tpu.dma_semaphore, #tpu.memory_space<semaphore_mem>>) src(%arg9 : memref<80x80xf32, #tpu.memory_space<vmem>>) dst(%dma_wait3A_154 : memref<10000x80xf32, #tpu.memory_space<vmem_shared>>)
      %add3A_155 = arith.constant 4 : i32
      %add3A_156 = arith.addi %mul3A_88, %add3A_155 : i32
      %dma_start3A_157 = arith.constant 0 : i32
      %dma_start3A_158 = tpu.memref_slice %arg6[%add3A_156, %dma_start3A_157] : memref<125x80xi32, #tpu.memory_space<vmem>> -> memref<1x80xi32, #tpu.memory_space<vmem>>
      %dma_start3A_159 = tpu.memref_squeeze %dma_start3A_158 : memref<1x80xi32, #tpu.memory_space<vmem>> -> memref<80xi32, #tpu.memory_space<vmem>>
      %dma_start3A_160 = arith.constant 0 : i32
      %dma_start3A_161 = arith.constant 0 : i32
      %dma_start3A_162 = tpu.memref_slice %arg2[%dma_start3A_160, %dma_start3A_161] : memref<10000x80xf32, #tpu.memory_space<hbm>> -> memref<10000x80xf32, #tpu.memory_space<hbm>>
      tpu.enqueue_indirect_dma source(%dma_start3A_162 : memref<10000x80xf32, #tpu.memory_space<hbm>>) target(%arg9 : memref<80x80xf32, #tpu.memory_space<vmem>>) offsets(%dma_start3A_159 : memref<80xi32, #tpu.memory_space<vmem>>) semaphore(%arg14 : memref<!tpu.dma_semaphore, #tpu.memory_space<semaphore_mem>>)
      %add3A_163 = arith.constant 2 : i32
      %add3A_164 = arith.addi %mul3A_88, %add3A_163 : i32
      %dma_wait3A_165 = arith.constant 0 : i32
      %dma_wait3A_166 = tpu.memref_slice %arg7[%add3A_164, %dma_wait3A_165] : memref<125x80xi32, #tpu.memory_space<vmem>> -> memref<1x80xi32, #tpu.memory_space<vmem>>
      %dma_wait3A_167 = tpu.memref_squeeze %dma_wait3A_166 : memref<1x80xi32, #tpu.memory_space<vmem>> -> memref<80xi32, #tpu.memory_space<vmem>>
      %dma_wait3A_168 = arith.constant 0 : i32
      %dma_wait3A_169 = arith.constant 0 : i32
      %dma_wait3A_170 = tpu.memref_slice %arg12[%dma_wait3A_168, %dma_wait3A_169] : memref<10000x80xf32, #tpu.memory_space<vmem_shared>> -> memref<10000x80xf32, #tpu.memory_space<vmem_shared>>
      tpu.wait_indirect_dma semaphore(%arg18 : memref<!tpu.dma_semaphore, #tpu.memory_space<semaphore_mem>>) src(%arg10 : memref<80x80xf32, #tpu.memory_space<vmem>>) dst(%dma_wait3A_170 : memref<10000x80xf32, #tpu.memory_space<vmem_shared>>)
      %add3A_171 = arith.constant 5 : i32
      %add3A_172 = arith.addi %mul3A_88, %add3A_171 : i32
      %lt3A_173 = arith.constant 125 : i32
      %lt3A_174 = arith.cmpi slt, %add3A_172, %lt3A_173 : i32
      %convert_element_type3A_175 = arith.extui %lt3A_174 : i1 to i32
      %cond3A_176 = arith.constant 0 : i32
      %cond3A_177 = arith.cmpi ne, %convert_element_type3A_175, %cond3A_176 : i32
      scf.if %cond3A_177 {
        %add3A_178 = arith.constant 5 : i32
        %add3A_179 = arith.addi %mul3A_88, %add3A_178 : i32
        %dma_start3A_180 = arith.constant 0 : i32
        %dma_start3A_181 = tpu.memref_slice %arg6[%add3A_179, %dma_start3A_180] : memref<125x80xi32, #tpu.memory_space<vmem>> -> memref<1x80xi32, #tpu.memory_space<vmem>>
        %dma_start3A_182 = tpu.memref_squeeze %dma_start3A_181 : memref<1x80xi32, #tpu.memory_space<vmem>> -> memref<80xi32, #tpu.memory_space<vmem>>
        %dma_start3A_183 = arith.constant 0 : i32
        %dma_start3A_184 = arith.constant 0 : i32
        %dma_start3A_185 = tpu.memref_slice %arg2[%dma_start3A_183, %dma_start3A_184] : memref<10000x80xf32, #tpu.memory_space<hbm>> -> memref<10000x80xf32, #tpu.memory_space<hbm>>
        tpu.enqueue_indirect_dma source(%dma_start3A_185 : memref<10000x80xf32, #tpu.memory_space<hbm>>) target(%arg10 : memref<80x80xf32, #tpu.memory_space<vmem>>) offsets(%dma_start3A_182 : memref<80xi32, #tpu.memory_space<vmem>>) semaphore(%arg15 : memref<!tpu.dma_semaphore, #tpu.memory_space<semaphore_mem>>)
      } else {
      }
    }
    %scan3A_38 = arith.constant 41 : i32
    %dma_wait3A = arith.constant 123 : i32
    %dma_wait3A_39 = arith.constant 0 : i32
    %dma_wait3A_40 = tpu.memref_slice %arg6[%dma_wait3A, %dma_wait3A_39] : memref<125x80xi32, #tpu.memory_space<vmem>> -> memref<1x80xi32, #tpu.memory_space<vmem>>
    %dma_wait3A_41 = tpu.memref_squeeze %dma_wait3A_40 : memref<1x80xi32, #tpu.memory_space<vmem>> -> memref<80xi32, #tpu.memory_space<vmem>>
    %dma_wait3A_42 = arith.constant 0 : i32
    %dma_wait3A_43 = arith.constant 0 : i32
    %dma_wait3A_44 = tpu.memref_slice %arg2[%dma_wait3A_42, %dma_wait3A_43] : memref<10000x80xf32, #tpu.memory_space<hbm>> -> memref<10000x80xf32, #tpu.memory_space<hbm>>
    tpu.wait_indirect_dma semaphore(%arg13 : memref<!tpu.dma_semaphore, #tpu.memory_space<semaphore_mem>>) src(%dma_wait3A_44 : memref<10000x80xf32, #tpu.memory_space<hbm>>) dst(%arg8 : memref<80x80xf32, #tpu.memory_space<vmem>>)
    %dma_start3A_45 = arith.constant 123 : i32
    %dma_start3A_46 = arith.constant 0 : i32
    %dma_start3A_47 = tpu.memref_slice %arg7[%dma_start3A_45, %dma_start3A_46] : memref<125x80xi32, #tpu.memory_space<vmem>> -> memref<1x80xi32, #tpu.memory_space<vmem>>
    %dma_start3A_48 = tpu.memref_squeeze %dma_start3A_47 : memref<1x80xi32, #tpu.memory_space<vmem>> -> memref<80xi32, #tpu.memory_space<vmem>>
    %dma_start3A_49 = arith.constant 0 : i32
    %dma_start3A_50 = arith.constant 0 : i32
    %dma_start3A_51 = tpu.memref_slice %arg12[%dma_start3A_49, %dma_start3A_50] : memref<10000x80xf32, #tpu.memory_space<vmem_shared>> -> memref<10000x80xf32, #tpu.memory_space<vmem_shared>>
    tpu.enqueue_indirect_dma source(%arg8 : memref<80x80xf32, #tpu.memory_space<vmem>>) target(%dma_start3A_51 : memref<10000x80xf32, #tpu.memory_space<vmem_shared>>) offsets(%dma_start3A_48 : memref<80xi32, #tpu.memory_space<vmem>>) semaphore(%arg16 : memref<!tpu.dma_semaphore, #tpu.memory_space<semaphore_mem>>) {add = true}
    %dma_wait3A_52 = arith.constant 124 : i32
    %dma_wait3A_53 = arith.constant 0 : i32
    %dma_wait3A_54 = tpu.memref_slice %arg6[%dma_wait3A_52, %dma_wait3A_53] : memref<125x80xi32, #tpu.memory_space<vmem>> -> memref<1x80xi32, #tpu.memory_space<vmem>>
    %dma_wait3A_55 = tpu.memref_squeeze %dma_wait3A_54 : memref<1x80xi32, #tpu.memory_space<vmem>> -> memref<80xi32, #tpu.memory_space<vmem>>
    %dma_wait3A_56 = arith.constant 0 : i32
    %dma_wait3A_57 = arith.constant 0 : i32
    %dma_wait3A_58 = tpu.memref_slice %arg2[%dma_wait3A_56, %dma_wait3A_57] : memref<10000x80xf32, #tpu.memory_space<hbm>> -> memref<10000x80xf32, #tpu.memory_space<hbm>>
    tpu.wait_indirect_dma semaphore(%arg14 : memref<!tpu.dma_semaphore, #tpu.memory_space<semaphore_mem>>) src(%dma_wait3A_58 : memref<10000x80xf32, #tpu.memory_space<hbm>>) dst(%arg9 : memref<80x80xf32, #tpu.memory_space<vmem>>)
    %dma_start3A_59 = arith.constant 124 : i32
    %dma_start3A_60 = arith.constant 0 : i32
    %dma_start3A_61 = tpu.memref_slice %arg7[%dma_start3A_59, %dma_start3A_60] : memref<125x80xi32, #tpu.memory_space<vmem>> -> memref<1x80xi32, #tpu.memory_space<vmem>>
    %dma_start3A_62 = tpu.memref_squeeze %dma_start3A_61 : memref<1x80xi32, #tpu.memory_space<vmem>> -> memref<80xi32, #tpu.memory_space<vmem>>
    %dma_start3A_63 = arith.constant 0 : i32
    %dma_start3A_64 = arith.constant 0 : i32
    %dma_start3A_65 = tpu.memref_slice %arg12[%dma_start3A_63, %dma_start3A_64] : memref<10000x80xf32, #tpu.memory_space<vmem_shared>> -> memref<10000x80xf32, #tpu.memory_space<vmem_shared>>
    tpu.enqueue_indirect_dma source(%arg9 : memref<80x80xf32, #tpu.memory_space<vmem>>) target(%dma_start3A_65 : memref<10000x80xf32, #tpu.memory_space<vmem_shared>>) offsets(%dma_start3A_62 : memref<80xi32, #tpu.memory_space<vmem>>) semaphore(%arg17 : memref<!tpu.dma_semaphore, #tpu.memory_space<semaphore_mem>>) {add = true}
    %dma_wait3A_66 = arith.constant 123 : i32
    %dma_wait3A_67 = arith.constant 0 : i32
    %dma_wait3A_68 = tpu.memref_slice %arg7[%dma_wait3A_66, %dma_wait3A_67] : memref<125x80xi32, #tpu.memory_space<vmem>> -> memref<1x80xi32, #tpu.memory_space<vmem>>
    %dma_wait3A_69 = tpu.memref_squeeze %dma_wait3A_68 : memref<1x80xi32, #tpu.memory_space<vmem>> -> memref<80xi32, #tpu.memory_space<vmem>>
    %dma_wait3A_70 = arith.constant 0 : i32
    %dma_wait3A_71 = arith.constant 0 : i32
    %dma_wait3A_72 = tpu.memref_slice %arg12[%dma_wait3A_70, %dma_wait3A_71] : memref<10000x80xf32, #tpu.memory_space<vmem_shared>> -> memref<10000x80xf32, #tpu.memory_space<vmem_shared>>
    tpu.wait_indirect_dma semaphore(%arg16 : memref<!tpu.dma_semaphore, #tpu.memory_space<semaphore_mem>>) src(%arg8 : memref<80x80xf32, #tpu.memory_space<vmem>>) dst(%dma_wait3A_72 : memref<10000x80xf32, #tpu.memory_space<vmem_shared>>)
    %dma_wait3A_73 = arith.constant 124 : i32
    %dma_wait3A_74 = arith.constant 0 : i32
    %dma_wait3A_75 = tpu.memref_slice %arg7[%dma_wait3A_73, %dma_wait3A_74] : memref<125x80xi32, #tpu.memory_space<vmem>> -> memref<1x80xi32, #tpu.memory_space<vmem>>
    %dma_wait3A_76 = tpu.memref_squeeze %dma_wait3A_75 : memref<1x80xi32, #tpu.memory_space<vmem>> -> memref<80xi32, #tpu.memory_space<vmem>>
    %dma_wait3A_77 = arith.constant 0 : i32
    %dma_wait3A_78 = arith.constant 0 : i32
    %dma_wait3A_79 = tpu.memref_slice %arg12[%dma_wait3A_77, %dma_wait3A_78] : memref<10000x80xf32, #tpu.memory_space<vmem_shared>> -> memref<10000x80xf32, #tpu.memory_space<vmem_shared>>
    tpu.wait_indirect_dma semaphore(%arg17 : memref<!tpu.dma_semaphore, #tpu.memory_space<semaphore_mem>>) src(%arg9 : memref<80x80xf32, #tpu.memory_space<vmem>>) dst(%dma_wait3A_79 : memref<10000x80xf32, #tpu.memory_space<vmem_shared>>)
    %barrier3A_80 = arith.constant 0 : index
    tpu.barrier barrier_id(%barrier3A_80)
    %lt3A_81 = arith.constant 10 : i32
    %lt3A_82 = arith.cmpi slt, %arg1, %lt3A_81 : i32
    %convert_element_type3A_83 = arith.extui %lt3A_82 : i1 to i32
    %cond3A_84 = arith.constant 0 : i32
    %cond3A_85 = arith.cmpi ne, %convert_element_type3A_83, %cond3A_84 : i32
    scf.if %cond3A_85 {
      %scan3A_86 = arith.constant 0 : i32
      %scan3A_87 = arith.constant 0 : i32
      %scan3A_88 = arith.constant 5 : i32
      %scan3A_89 = arith.addi %scan3A_87, %scan3A_88 : i32
      %scan3A_90 = arith.constant 1 : i32
      scf.for %scan3A_92 = %scan3A_87 to %scan3A_89 step %scan3A_90  : i32 {
        %mul3A_93 = arith.constant 1000 : i32
        %mul3A_94 = arith.muli %arg1, %mul3A_93 : i32
        %mul3A_95 = arith.constant 200 : i32
        %mul3A_96 = arith.muli %scan3A_92, %mul3A_95 : i32
        %add3A_97 = arith.addi %mul3A_94, %mul3A_96 : i32
        "tpu.region"() ({
          %run_scoped3A = tpu.sem_alloc : memref<!tpu.dma_semaphore, #tpu.memory_space<semaphore_mem>>
          %dma_start3A_98 = arith.constant 0 : i32
          %dma_start3A_99 = tpu.memref_slice %arg12[%add3A_97, %dma_start3A_98] : memref<10000x80xf32, #tpu.memory_space<vmem_shared>> -> memref<200x80xf32, #tpu.memory_space<vmem_shared>>
          %dma_start3A_100 = arith.constant 0 : i32
          %dma_start3A_101 = tpu.memref_slice %arg12[%add3A_97, %dma_start3A_100] : memref<10000x80xf32, #tpu.memory_space<vmem_shared>> -> memref<200x80xf32, #tpu.memory_space<vmem_shared>>
          tpu.enqueue_dma source(%dma_start3A_101 : memref<200x80xf32, #tpu.memory_space<vmem_shared>>) target(%arg11 : memref<200x80xf32, #tpu.memory_space<vmem>>) target_semaphore(%run_scoped3A : memref<!tpu.dma_semaphore, #tpu.memory_space<semaphore_mem>>)
          %dma_wait3A_102 = arith.constant 0 : i32
          %dma_wait3A_103 = tpu.memref_slice %arg12[%add3A_97, %dma_wait3A_102] : memref<10000x80xf32, #tpu.memory_space<vmem_shared>> -> memref<200x80xf32, #tpu.memory_space<vmem_shared>>
          %dma_wait3A_104 = arith.constant 0 : i32
          %dma_wait3A_105 = tpu.memref_slice %arg12[%add3A_97, %dma_wait3A_104] : memref<10000x80xf32, #tpu.memory_space<vmem_shared>> -> memref<200x80xf32, #tpu.memory_space<vmem_shared>>
          tpu.wait_dma2 semaphore(%run_scoped3A : memref<!tpu.dma_semaphore, #tpu.memory_space<semaphore_mem>>) src(%dma_wait3A_105 : memref<200x80xf32, #tpu.memory_space<vmem_shared>>) dst(%arg11 : memref<200x80xf32, #tpu.memory_space<vmem>>)
          tpu.yield
        }) : () -> ()
        "tpu.region"() ({
          %run_scoped3A = tpu.sem_alloc : memref<!tpu.dma_semaphore, #tpu.memory_space<semaphore_mem>>
          %dma_start3A_98 = arith.constant 0 : i32
          %dma_start3A_99 = tpu.memref_slice %arg5[%arg0, %add3A_97, %dma_start3A_98] : memref<2x10000x80xf32, #tpu.memory_space<hbm>> -> memref<1x200x80xf32, #tpu.memory_space<hbm>>
          %dma_start3A_100 = tpu.memref_squeeze %dma_start3A_99 : memref<1x200x80xf32, #tpu.memory_space<hbm>> -> memref<200x80xf32, #tpu.memory_space<hbm>>
          %dma_start3A_101 = arith.constant 0 : i32
          %dma_start3A_102 = tpu.memref_slice %arg5[%arg0, %add3A_97, %dma_start3A_101] : memref<2x10000x80xf32, #tpu.memory_space<hbm>> -> memref<1x200x80xf32, #tpu.memory_space<hbm>>
          %dma_start3A_103 = tpu.memref_squeeze %dma_start3A_102 : memref<1x200x80xf32, #tpu.memory_space<hbm>> -> memref<200x80xf32, #tpu.memory_space<hbm>>
          tpu.enqueue_dma source(%arg11 : memref<200x80xf32, #tpu.memory_space<vmem>>) target(%dma_start3A_103 : memref<200x80xf32, #tpu.memory_space<hbm>>) target_semaphore(%run_scoped3A : memref<!tpu.dma_semaphore, #tpu.memory_space<semaphore_mem>>)
          %dma_wait3A_104 = arith.constant 0 : i32
          %dma_wait3A_105 = tpu.memref_slice %arg5[%arg0, %add3A_97, %dma_wait3A_104] : memref<2x10000x80xf32, #tpu.memory_space<hbm>> -> memref<1x200x80xf32, #tpu.memory_space<hbm>>
          %dma_wait3A_106 = tpu.memref_squeeze %dma_wait3A_105 : memref<1x200x80xf32, #tpu.memory_space<hbm>> -> memref<200x80xf32, #tpu.memory_space<hbm>>
          %dma_wait3A_107 = arith.constant 0 : i32
          %dma_wait3A_108 = tpu.memref_slice %arg5[%arg0, %add3A_97, %dma_wait3A_107] : memref<2x10000x80xf32, #tpu.memory_space<hbm>> -> memref<1x200x80xf32, #tpu.memory_space<hbm>>
          %dma_wait3A_109 = tpu.memref_squeeze %dma_wait3A_108 : memref<1x200x80xf32, #tpu.memory_space<hbm>> -> memref<200x80xf32, #tpu.memory_space<hbm>>
          tpu.wait_dma2 semaphore(%run_scoped3A : memref<!tpu.dma_semaphore, #tpu.memory_space<semaphore_mem>>) src(%arg11 : memref<200x80xf32, #tpu.memory_space<vmem>>) dst(%dma_wait3A_109 : memref<200x80xf32, #tpu.memory_space<hbm>>)
          tpu.yield
        }) : () -> ()
      }
      %scan3A_91 = arith.constant 5 : i32
    } else {
    }
    return
  }
}

#map = affine_map<(d0, d1) -> (0, 0)>
#map1 = affine_map<(d0, d1) -> (0, 0, 0)>
module attributes {stable_mosaic.version = 14 : i64} {
  func.func @_sc_spmm_body(%arg0: i32, %arg1: i32, %arg2: memref<10000x80xf32, #tpu.memory_space<hbm>>, %arg3: memref<32x125x80xi32, #tpu.memory_space<hbm>>, %arg4: memref<32x125x80xi32, #tpu.memory_space<hbm>>, %arg5: memref<2x10000x80xf32, #tpu.memory_space<hbm>>, %arg6: memref<125x80xi32, #tpu.memory_space<vmem>>, %arg7: memref<125x80xi32, #tpu.memory_space<vmem>>, %arg8: memref<80x80xf32, #tpu.memory_space<vmem>>, %arg9: memref<80x80xf32, #tpu.memory_space<vmem>>, %arg10: memref<80x80xf32, #tpu.memory_space<vmem>>, %arg11: memref<200x80xf32, #tpu.memory_space<vmem>>, %arg12: memref<10000x80xf32, #tpu.memory_space<vmem_shared>>, %arg13: memref<!tpu.dma_semaphore, #tpu.memory_space<semaphore_mem>>, %arg14: memref<!tpu.dma_semaphore, #tpu.memory_space<semaphore_mem>>, %arg15: memref<!tpu.dma_semaphore, #tpu.memory_space<semaphore_mem>>, %arg16: memref<!tpu.dma_semaphore, #tpu.memory_space<semaphore_mem>>, %arg17: memref<!tpu.dma_semaphore, #tpu.memory_space<semaphore_mem>>, %arg18: memref<!tpu.dma_semaphore, #tpu.memory_space<semaphore_mem>>) attributes {dimension_semantics = [#tpu.dimension_semantics<core_parallel>, #tpu.dimension_semantics<subcore_parallel>], iteration_bounds = array<i64: 2, 16>, scalar_prefetch = 0 : i64, scratch_operands = 13 : i64, tpu.core_type = #tpu.core_type<sc_vector_subcore>, window_params = [{transform_indices = #map}, {transform_indices = #map1}, {transform_indices = #map1}, {transform_indices = #map1}]} {
    %mul3A = arith.constant 2 : i32
    %mul3A_0 = arith.muli %arg1, %mul3A : i32
    %add3A = arith.addi %mul3A_0, %arg0 : i32
    %mul3A_1 = arith.constant 0 : i32
    %mul3A_2 = arith.muli %add3A, %mul3A_1 : i32
    %mul3A_3 = arith.constant 2 : i32
    %mul3A_4 = arith.muli %arg1, %mul3A_3 : i32
    %add3A_5 = arith.addi %mul3A_4, %arg0 : i32
    %scan3A = arith.constant 0 : i32
    %scan3A_6 = arith.constant 0 : i32
    %scan3A_7 = arith.constant 1000 : i32
    %scan3A_8 = arith.addi %scan3A_6, %scan3A_7 : i32
    %scan3A_9 = arith.constant 1 : i32
    scf.for %scan3A_86 = %scan3A_6 to %scan3A_8 step %scan3A_9  : i32 {
      %jit3A = arith.constant 5 : i32
      %div3A = arith.divsi %scan3A_86, %jit3A : i32
      %sign3A = arith.constant 0 : i32
      %sign3A_87 = arith.cmpi sgt, %scan3A_86, %sign3A : i32
      %sign3A_88 = arith.extui %sign3A_87 : i1 to i32
      %sign3A_89 = arith.constant 0 : i32
      %sign3A_90 = arith.cmpi slt, %scan3A_86, %sign3A_89 : i32
      %sign3A_91 = arith.extui %sign3A_90 : i1 to i32
      %sign3A_92 = arith.subi %sign3A_88, %sign3A_91 : i32
      %sign3A_93 = arith.constant 0 : i32
      %sign3A_94 = arith.cmpi sgt, %jit3A, %sign3A_93 : i32
      %sign3A_95 = arith.extui %sign3A_94 : i1 to i32
      %sign3A_96 = arith.constant 0 : i32
      %sign3A_97 = arith.cmpi slt, %jit3A, %sign3A_96 : i32
      %sign3A_98 = arith.extui %sign3A_97 : i1 to i32
      %sign3A_99 = arith.subi %sign3A_95, %sign3A_98 : i32
      %ne3A = arith.cmpi ne, %sign3A_92, %sign3A_99 : i32
      %rem3A = arith.remsi %scan3A_86, %jit3A : i32
      %ne3A_100 = arith.constant 0 : i32
      %ne3A_101 = arith.cmpi ne, %rem3A, %ne3A_100 : i32
      %and3A = arith.andi %ne3A, %ne3A_101 : i1
      %sub3A = arith.constant 1 : i32
      %sub3A_102 = arith.subi %div3A, %sub3A : i32
      %select_n3A = arith.select %and3A, %sub3A_102, %div3A : i32
      %jit3A_103 = arith.constant 5 : i32
      %eq3A = arith.constant 0 : i32
      %eq3A_104 = arith.cmpi eq, %jit3A_103, %eq3A : i32
      %jit3A_105 = arith.constant 1 : i32
      %select_n3A_106 = arith.select %eq3A_104, %jit3A_105, %jit3A_103 : i32
      %rem3A_107 = arith.remsi %scan3A_86, %select_n3A_106 : i32
      %ne3A_108 = arith.constant 0 : i32
      %ne3A_109 = arith.cmpi ne, %rem3A_107, %ne3A_108 : i32
      %lt3A_110 = arith.constant 0 : i32
      %lt3A_111 = arith.cmpi slt, %rem3A_107, %lt3A_110 : i32
      %lt3A_112 = arith.constant 0 : i32
      %lt3A_113 = arith.cmpi slt, %select_n3A_106, %lt3A_112 : i32
      %ne3A_114 = arith.xori %lt3A_111, %lt3A_113 : i1
      %and3A_115 = arith.andi %ne3A_114, %ne3A_109 : i1
      %add3A_116 = arith.addi %rem3A_107, %select_n3A_106 : i32
      %select_n3A_117 = arith.select %and3A_115, %add3A_116, %rem3A_107 : i32
      %broadcast_in_dim3A = arith.constant 0.000000e+00 : f32
      %broadcast_in_dim3A_118 = vector.broadcast %broadcast_in_dim3A : f32 to vector<16xf32>
      %mul3A_119 = arith.constant 16 : i32
      %mul3A_120 = arith.muli %select_n3A_117, %mul3A_119 : i32
      %swap3A = arith.index_cast %select_n3A : i32 to index
      %swap3A_121 = arith.index_cast %mul3A_120 : i32 to index
      %swap3A_122 = tpu.vector_load %arg11[%swap3A, %swap3A_121] {strides = array<i32>} : memref<200x80xf32, #tpu.memory_space<vmem>>, vector<1x16xf32>,
      %swap3A_123 = vector.shape_cast %swap3A_122 : vector<1x16xf32> to vector<16xf32>
      %swap3A_124 = vector.shape_cast %broadcast_in_dim3A_118 : vector<16xf32> to vector<1x16xf32>
      tpu.vector_store %arg11[%swap3A, %swap3A_121], %swap3A_124 {strides = array<i32>} : memref<200x80xf32, #tpu.memory_space<vmem>>, vector<1x16xf32>,
    }
    %scan3A_10 = arith.constant 1000 : i32
    %lt3A = arith.constant 10 : i32
    %lt3A_11 = arith.cmpi slt, %arg1, %lt3A : i32
    %convert_element_type3A = arith.extui %lt3A_11 : i1 to i32
    %cond3A = arith.constant 0 : i32
    %cond3A_12 = arith.cmpi ne, %convert_element_type3A, %cond3A : i32
    scf.if %cond3A_12 {
      %scan3A_86 = arith.constant 0 : i32
      %scan3A_87 = arith.constant 0 : i32
      %scan3A_88 = arith.constant 5 : i32
      %scan3A_89 = arith.addi %scan3A_87, %scan3A_88 : i32
      %scan3A_90 = arith.constant 1 : i32
      scf.for %scan3A_92 = %scan3A_87 to %scan3A_89 step %scan3A_90  : i32 {
        %mul3A_93 = arith.constant 1000 : i32
        %mul3A_94 = arith.muli %arg1, %mul3A_93 : i32
        %mul3A_95 = arith.constant 200 : i32
        %mul3A_96 = arith.muli %scan3A_92, %mul3A_95 : i32
        %add3A_97 = arith.addi %mul3A_94, %mul3A_96 : i32
        "tpu.region"() ({
          %run_scoped3A = tpu.sem_alloc : memref<!tpu.dma_semaphore, #tpu.memory_space<semaphore_mem>>
          %dma_start3A_98 = arith.constant 0 : i32
          %dma_start3A_99 = tpu.memref_slice %arg12[%add3A_97, %dma_start3A_98] : memref<10000x80xf32, #tpu.memory_space<vmem_shared>> -> memref<200x80xf32, #tpu.memory_space<vmem_shared>>
          %dma_start3A_100 = arith.constant 0 : i32
          %dma_start3A_101 = tpu.memref_slice %arg12[%add3A_97, %dma_start3A_100] : memref<10000x80xf32, #tpu.memory_space<vmem_shared>> -> memref<200x80xf32, #tpu.memory_space<vmem_shared>>
          tpu.enqueue_dma source(%arg11 : memref<200x80xf32, #tpu.memory_space<vmem>>) target(%dma_start3A_101 : memref<200x80xf32, #tpu.memory_space<vmem_shared>>) target_semaphore(%run_scoped3A : memref<!tpu.dma_semaphore, #tpu.memory_space<semaphore_mem>>)
          %dma_wait3A_102 = arith.constant 0 : i32
          %dma_wait3A_103 = tpu.memref_slice %arg12[%add3A_97, %dma_wait3A_102] : memref<10000x80xf32, #tpu.memory_space<vmem_shared>> -> memref<200x80xf32, #tpu.memory_space<vmem_shared>>
          %dma_wait3A_104 = arith.constant 0 : i32
          %dma_wait3A_105 = tpu.memref_slice %arg12[%add3A_97, %dma_wait3A_104] : memref<10000x80xf32, #tpu.memory_space<vmem_shared>> -> memref<200x80xf32, #tpu.memory_space<vmem_shared>>
          tpu.wait_dma2 semaphore(%run_scoped3A : memref<!tpu.dma_semaphore, #tpu.memory_space<semaphore_mem>>) src(%arg11 : memref<200x80xf32, #tpu.memory_space<vmem>>) dst(%dma_wait3A_105 : memref<200x80xf32, #tpu.memory_space<vmem_shared>>)
          tpu.yield
        }) : () -> ()
      }
      %scan3A_91 = arith.constant 5 : i32
    } else {
    }
    %barrier3A = arith.constant 0 : index
    tpu.barrier barrier_id(%barrier3A)
    "tpu.region"() ({
      %run_scoped3A = tpu.sem_alloc : memref<!tpu.dma_semaphore, #tpu.memory_space<semaphore_mem>>
      %dma_start3A_86 = arith.constant 0 : i32
      %dma_start3A_87 = arith.constant 0 : i32
      %dma_start3A_88 = tpu.memref_slice %arg3[%add3A_5, %dma_start3A_86, %dma_start3A_87] : memref<32x125x80xi32, #tpu.memory_space<hbm>> -> memref<1x125x80xi32, #tpu.memory_space<hbm>>
      %dma_start3A_89 = tpu.memref_squeeze %dma_start3A_88 : memref<1x125x80xi32, #tpu.memory_space<hbm>> -> memref<125x80xi32, #tpu.memory_space<hbm>>
      %dma_start3A_90 = arith.constant 0 : i32
      %dma_start3A_91 = arith.constant 0 : i32
      %dma_start3A_92 = tpu.memref_slice %arg3[%add3A_5, %dma_start3A_90, %dma_start3A_91] : memref<32x125x80xi32, #tpu.memory_space<hbm>> -> memref<1x125x80xi32, #tpu.memory_space<hbm>>
      %dma_start3A_93 = tpu.memref_squeeze %dma_start3A_92 : memref<1x125x80xi32, #tpu.memory_space<hbm>> -> memref<125x80xi32, #tpu.memory_space<hbm>>
      tpu.enqueue_dma source(%dma_start3A_93 : memref<125x80xi32, #tpu.memory_space<hbm>>) target(%arg6 : memref<125x80xi32, #tpu.memory_space<vmem>>) target_semaphore(%run_scoped3A : memref<!tpu.dma_semaphore, #tpu.memory_space<semaphore_mem>>)
      %dma_wait3A_94 = arith.constant 0 : i32
      %dma_wait3A_95 = arith.constant 0 : i32
      %dma_wait3A_96 = tpu.memref_slice %arg3[%add3A_5, %dma_wait3A_94, %dma_wait3A_95] : memref<32x125x80xi32, #tpu.memory_space<hbm>> -> memref<1x125x80xi32, #tpu.memory_space<hbm>>
      %dma_wait3A_97 = tpu.memref_squeeze %dma_wait3A_96 : memref<1x125x80xi32, #tpu.memory_space<hbm>> -> memref<125x80xi32, #tpu.memory_space<hbm>>
      %dma_wait3A_98 = arith.constant 0 : i32
      %dma_wait3A_99 = arith.constant 0 : i32
      %dma_wait3A_100 = tpu.memref_slice %arg3[%add3A_5, %dma_wait3A_98, %dma_wait3A_99] : memref<32x125x80xi32, #tpu.memory_space<hbm>> -> memref<1x125x80xi32, #tpu.memory_space<hbm>>
      %dma_wait3A_101 = tpu.memref_squeeze %dma_wait3A_100 : memref<1x125x80xi32, #tpu.memory_space<hbm>> -> memref<125x80xi32, #tpu.memory_space<hbm>>
      tpu.wait_dma2 semaphore(%run_scoped3A : memref<!tpu.dma_semaphore, #tpu.memory_space<semaphore_mem>>) src(%dma_wait3A_101 : memref<125x80xi32, #tpu.memory_space<hbm>>) dst(%arg6 : memref<125x80xi32, #tpu.memory_space<vmem>>)
      tpu.yield
    }) : () -> ()
    "tpu.region"() ({
      %run_scoped3A = tpu.sem_alloc : memref<!tpu.dma_semaphore, #tpu.memory_space<semaphore_mem>>
      %dma_start3A_86 = arith.constant 0 : i32
      %dma_start3A_87 = arith.constant 0 : i32
      %dma_start3A_88 = tpu.memref_slice %arg4[%add3A_5, %dma_start3A_86, %dma_start3A_87] : memref<32x125x80xi32, #tpu.memory_space<hbm>> -> memref<1x125x80xi32, #tpu.memory_space<hbm>>
      %dma_start3A_89 = tpu.memref_squeeze %dma_start3A_88 : memref<1x125x80xi32, #tpu.memory_space<hbm>> -> memref<125x80xi32, #tpu.memory_space<hbm>>
      %dma_start3A_90 = arith.constant 0 : i32
      %dma_start3A_91 = arith.constant 0 : i32
      %dma_start3A_92 = tpu.memref_slice %arg4[%add3A_5, %dma_start3A_90, %dma_start3A_91] : memref<32x125x80xi32, #tpu.memory_space<hbm>> -> memref<1x125x80xi32, #tpu.memory_space<hbm>>
      %dma_start3A_93 = tpu.memref_squeeze %dma_start3A_92 : memref<1x125x80xi32, #tpu.memory_space<hbm>> -> memref<125x80xi32, #tpu.memory_space<hbm>>
      tpu.enqueue_dma source(%dma_start3A_93 : memref<125x80xi32, #tpu.memory_space<hbm>>) target(%arg7 : memref<125x80xi32, #tpu.memory_space<vmem>>) target_semaphore(%run_scoped3A : memref<!tpu.dma_semaphore, #tpu.memory_space<semaphore_mem>>)
      %dma_wait3A_94 = arith.constant 0 : i32
      %dma_wait3A_95 = arith.constant 0 : i32
      %dma_wait3A_96 = tpu.memref_slice %arg4[%add3A_5, %dma_wait3A_94, %dma_wait3A_95] : memref<32x125x80xi32, #tpu.memory_space<hbm>> -> memref<1x125x80xi32, #tpu.memory_space<hbm>>
      %dma_wait3A_97 = tpu.memref_squeeze %dma_wait3A_96 : memref<1x125x80xi32, #tpu.memory_space<hbm>> -> memref<125x80xi32, #tpu.memory_space<hbm>>
      %dma_wait3A_98 = arith.constant 0 : i32
      %dma_wait3A_99 = arith.constant 0 : i32
      %dma_wait3A_100 = tpu.memref_slice %arg4[%add3A_5, %dma_wait3A_98, %dma_wait3A_99] : memref<32x125x80xi32, #tpu.memory_space<hbm>> -> memref<1x125x80xi32, #tpu.memory_space<hbm>>
      %dma_wait3A_101 = tpu.memref_squeeze %dma_wait3A_100 : memref<1x125x80xi32, #tpu.memory_space<hbm>> -> memref<125x80xi32, #tpu.memory_space<hbm>>
      tpu.wait_dma2 semaphore(%run_scoped3A : memref<!tpu.dma_semaphore, #tpu.memory_space<semaphore_mem>>) src(%dma_wait3A_101 : memref<125x80xi32, #tpu.memory_space<hbm>>) dst(%arg7 : memref<125x80xi32, #tpu.memory_space<vmem>>)
      tpu.yield
    }) : () -> ()
    %dma_start3A = arith.constant 0 : i32
    %dma_start3A_13 = arith.constant 0 : i32
    %dma_start3A_14 = tpu.memref_slice %arg6[%dma_start3A, %dma_start3A_13] : memref<125x80xi32, #tpu.memory_space<vmem>> -> memref<1x80xi32, #tpu.memory_space<vmem>>
    %dma_start3A_15 = tpu.memref_squeeze %dma_start3A_14 : memref<1x80xi32, #tpu.memory_space<vmem>> -> memref<80xi32, #tpu.memory_space<vmem>>
    %dma_start3A_16 = arith.constant 0 : i32
    %dma_start3A_17 = arith.constant 0 : i32
    %dma_start3A_18 = tpu.memref_slice %arg2[%dma_start3A_16, %dma_start3A_17] : memref<10000x80xf32, #tpu.memory_space<hbm>> -> memref<10000x80xf32, #tpu.memory_space<hbm>>
    tpu.enqueue_indirect_dma source(%dma_start3A_18 : memref<10000x80xf32, #tpu.memory_space<hbm>>) target(%arg8 : memref<80x80xf32, #tpu.memory_space<vmem>>) offsets(%dma_start3A_15 : memref<80xi32, #tpu.memory_space<vmem>>) semaphore(%arg13 : memref<!tpu.dma_semaphore, #tpu.memory_space<semaphore_mem>>)
    %dma_start3A_19 = arith.constant 1 : i32
    %dma_start3A_20 = arith.constant 0 : i32
    %dma_start3A_21 = tpu.memref_slice %arg6[%dma_start3A_19, %dma_start3A_20] : memref<125x80xi32, #tpu.memory_space<vmem>> -> memref<1x80xi32, #tpu.memory_space<vmem>>
    %dma_start3A_22 = tpu.memref_squeeze %dma_start3A_21 : memref<1x80xi32, #tpu.memory_space<vmem>> -> memref<80xi32, #tpu.memory_space<vmem>>
    %dma_start3A_23 = arith.constant 0 : i32
    %dma_start3A_24 = arith.constant 0 : i32
    %dma_start3A_25 = tpu.memref_slice %arg2[%dma_start3A_23, %dma_start3A_24] : memref<10000x80xf32, #tpu.memory_space<hbm>> -> memref<10000x80xf32, #tpu.memory_space<hbm>>
    tpu.enqueue_indirect_dma source(%dma_start3A_25 : memref<10000x80xf32, #tpu.memory_space<hbm>>) target(%arg9 : memref<80x80xf32, #tpu.memory_space<vmem>>) offsets(%dma_start3A_22 : memref<80xi32, #tpu.memory_space<vmem>>) semaphore(%arg14 : memref<!tpu.dma_semaphore, #tpu.memory_space<semaphore_mem>>)
    %dma_start3A_26 = arith.constant 2 : i32
    %dma_start3A_27 = arith.constant 0 : i32
    %dma_start3A_28 = tpu.memref_slice %arg6[%dma_start3A_26, %dma_start3A_27] : memref<125x80xi32, #tpu.memory_space<vmem>> -> memref<1x80xi32, #tpu.memory_space<vmem>>
    %dma_start3A_29 = tpu.memref_squeeze %dma_start3A_28 : memref<1x80xi32, #tpu.memory_space<vmem>> -> memref<80xi32, #tpu.memory_space<vmem>>
    %dma_start3A_30 = arith.constant 0 : i32
    %dma_start3A_31 = arith.constant 0 : i32
    %dma_start3A_32 = tpu.memref_slice %arg2[%dma_start3A_30, %dma_start3A_31] : memref<10000x80xf32, #tpu.memory_space<hbm>> -> memref<10000x80xf32, #tpu.memory_space<hbm>>
    tpu.enqueue_indirect_dma source(%dma_start3A_32 : memref<10000x80xf32, #tpu.memory_space<hbm>>) target(%arg10 : memref<80x80xf32, #tpu.memory_space<vmem>>) offsets(%dma_start3A_29 : memref<80xi32, #tpu.memory_space<vmem>>) semaphore(%arg15 : memref<!tpu.dma_semaphore, #tpu.memory_space<semaphore_mem>>)
    %scan3A_33 = arith.constant 0 : i32
    %scan3A_34 = arith.constant 0 : i32
    %scan3A_35 = arith.constant 41 : i32
    %scan3A_36 = arith.addi %scan3A_34, %scan3A_35 : i32
    %scan3A_37 = arith.constant 1 : i32
    scf.for %scan3A_86 = %scan3A_34 to %scan3A_36 step %scan3A_37  : i32 {
      %mul3A_87 = arith.constant 3 : i32
      %mul3A_88 = arith.muli %mul3A_87, %scan3A_86 : i32
      %dma_wait3A_89 = arith.constant 0 : i32
      %dma_wait3A_90 = tpu.memref_slice %arg6[%mul3A_88, %dma_wait3A_89] : memref<125x80xi32, #tpu.memory_space<vmem>> -> memref<1x80xi32, #tpu.memory_space<vmem>>
      %dma_wait3A_91 = tpu.memref_squeeze %dma_wait3A_90 : memref<1x80xi32, #tpu.memory_space<vmem>> -> memref<80xi32, #tpu.memory_space<vmem>>
      %dma_wait3A_92 = arith.constant 0 : i32
      %dma_wait3A_93 = arith.constant 0 : i32
      %dma_wait3A_94 = tpu.memref_slice %arg2[%dma_wait3A_92, %dma_wait3A_93] : memref<10000x80xf32, #tpu.memory_space<hbm>> -> memref<10000x80xf32, #tpu.memory_space<hbm>>
      tpu.wait_indirect_dma semaphore(%arg13 : memref<!tpu.dma_semaphore, #tpu.memory_space<semaphore_mem>>) src(%dma_wait3A_94 : memref<10000x80xf32, #tpu.memory_space<hbm>>) dst(%arg8 : memref<80x80xf32, #tpu.memory_space<vmem>>)
      %dma_start3A_95 = arith.constant 0 : i32
      %dma_start3A_96 = tpu.memref_slice %arg7[%mul3A_88, %dma_start3A_95] : memref<125x80xi32, #tpu.memory_space<vmem>> -> memref<1x80xi32, #tpu.memory_space<vmem>>
      %dma_start3A_97 = tpu.memref_squeeze %dma_start3A_96 : memref<1x80xi32, #tpu.memory_space<vmem>> -> memref<80xi32, #tpu.memory_space<vmem>>
      %dma_start3A_98 = arith.constant 0 : i32
      %dma_start3A_99 = arith.constant 0 : i32
      %dma_start3A_100 = tpu.memref_slice %arg12[%dma_start3A_98, %dma_start3A_99] : memref<10000x80xf32, #tpu.memory_space<vmem_shared>> -> memref<10000x80xf32, #tpu.memory_space<vmem_shared>>
      tpu.enqueue_indirect_dma source(%arg8 : memref<80x80xf32, #tpu.memory_space<vmem>>) target(%dma_start3A_100 : memref<10000x80xf32, #tpu.memory_space<vmem_shared>>) offsets(%dma_start3A_97 : memref<80xi32, #tpu.memory_space<vmem>>) semaphore(%arg16 : memref<!tpu.dma_semaphore, #tpu.memory_space<semaphore_mem>>) {add = true}
      %add3A_101 = arith.constant 1 : i32
      %add3A_102 = arith.addi %mul3A_88, %add3A_101 : i32
      %dma_wait3A_103 = arith.constant 0 : i32
      %dma_wait3A_104 = tpu.memref_slice %arg6[%add3A_102, %dma_wait3A_103] : memref<125x80xi32, #tpu.memory_space<vmem>> -> memref<1x80xi32, #tpu.memory_space<vmem>>
      %dma_wait3A_105 = tpu.memref_squeeze %dma_wait3A_104 : memref<1x80xi32, #tpu.memory_space<vmem>> -> memref<80xi32, #tpu.memory_space<vmem>>
      %dma_wait3A_106 = arith.constant 0 : i32
      %dma_wait3A_107 = arith.constant 0 : i32
      %dma_wait3A_108 = tpu.memref_slice %arg2[%dma_wait3A_106, %dma_wait3A_107] : memref<10000x80xf32, #tpu.memory_space<hbm>> -> memref<10000x80xf32, #tpu.memory_space<hbm>>
      tpu.wait_indirect_dma semaphore(%arg14 : memref<!tpu.dma_semaphore, #tpu.memory_space<semaphore_mem>>) src(%dma_wait3A_108 : memref<10000x80xf32, #tpu.memory_space<hbm>>) dst(%arg9 : memref<80x80xf32, #tpu.memory_space<vmem>>)
      %add3A_109 = arith.constant 1 : i32
      %add3A_110 = arith.addi %mul3A_88, %add3A_109 : i32
      %dma_start3A_111 = arith.constant 0 : i32
      %dma_start3A_112 = tpu.memref_slice %arg7[%add3A_110, %dma_start3A_111] : memref<125x80xi32, #tpu.memory_space<vmem>> -> memref<1x80xi32, #tpu.memory_space<vmem>>
      %dma_start3A_113 = tpu.memref_squeeze %dma_start3A_112 : memref<1x80xi32, #tpu.memory_space<vmem>> -> memref<80xi32, #tpu.memory_space<vmem>>
      %dma_start3A_114 = arith.constant 0 : i32
      %dma_start3A_115 = arith.constant 0 : i32
      %dma_start3A_116 = tpu.memref_slice %arg12[%dma_start3A_114, %dma_start3A_115] : memref<10000x80xf32, #tpu.memory_space<vmem_shared>> -> memref<10000x80xf32, #tpu.memory_space<vmem_shared>>
      tpu.enqueue_indirect_dma source(%arg9 : memref<80x80xf32, #tpu.memory_space<vmem>>) target(%dma_start3A_116 : memref<10000x80xf32, #tpu.memory_space<vmem_shared>>) offsets(%dma_start3A_113 : memref<80xi32, #tpu.memory_space<vmem>>) semaphore(%arg17 : memref<!tpu.dma_semaphore, #tpu.memory_space<semaphore_mem>>) {add = true}
      %add3A_117 = arith.constant 2 : i32
      %add3A_118 = arith.addi %mul3A_88, %add3A_117 : i32
      %dma_wait3A_119 = arith.constant 0 : i32
      %dma_wait3A_120 = tpu.memref_slice %arg6[%add3A_118, %dma_wait3A_119] : memref<125x80xi32, #tpu.memory_space<vmem>> -> memref<1x80xi32, #tpu.memory_space<vmem>>
      %dma_wait3A_121 = tpu.memref_squeeze %dma_wait3A_120 : memref<1x80xi32, #tpu.memory_space<vmem>> -> memref<80xi32, #tpu.memory_space<vmem>>
      %dma_wait3A_122 = arith.constant 0 : i32
      %dma_wait3A_123 = arith.constant 0 : i32
      %dma_wait3A_124 = tpu.memref_slice %arg2[%dma_wait3A_122, %dma_wait3A_123] : memref<10000x80xf32, #tpu.memory_space<hbm>> -> memref<10000x80xf32, #tpu.memory_space<hbm>>
      tpu.wait_indirect_dma semaphore(%arg15 : memref<!tpu.dma_semaphore, #tpu.memory_space<semaphore_mem>>) src(%dma_wait3A_124 : memref<10000x80xf32, #tpu.memory_space<hbm>>) dst(%arg10 : memref<80x80xf32, #tpu.memory_space<vmem>>)
      %add3A_125 = arith.constant 2 : i32
      %add3A_126 = arith.addi %mul3A_88, %add3A_125 : i32
      %dma_start3A_127 = arith.constant 0 : i32
      %dma_start3A_128 = tpu.memref_slice %arg7[%add3A_126, %dma_start3A_127] : memref<125x80xi32, #tpu.memory_space<vmem>> -> memref<1x80xi32, #tpu.memory_space<vmem>>
      %dma_start3A_129 = tpu.memref_squeeze %dma_start3A_128 : memref<1x80xi32, #tpu.memory_space<vmem>> -> memref<80xi32, #tpu.memory_space<vmem>>
      %dma_start3A_130 = arith.constant 0 : i32
      %dma_start3A_131 = arith.constant 0 : i32
      %dma_start3A_132 = tpu.memref_slice %arg12[%dma_start3A_130, %dma_start3A_131] : memref<10000x80xf32, #tpu.memory_space<vmem_shared>> -> memref<10000x80xf32, #tpu.memory_space<vmem_shared>>
      tpu.enqueue_indirect_dma source(%arg10 : memref<80x80xf32, #tpu.memory_space<vmem>>) target(%dma_start3A_132 : memref<10000x80xf32, #tpu.memory_space<vmem_shared>>) offsets(%dma_start3A_129 : memref<80xi32, #tpu.memory_space<vmem>>) semaphore(%arg18 : memref<!tpu.dma_semaphore, #tpu.memory_space<semaphore_mem>>) {add = true}
      %dma_wait3A_133 = arith.constant 0 : i32
      %dma_wait3A_134 = tpu.memref_slice %arg7[%mul3A_88, %dma_wait3A_133] : memref<125x80xi32, #tpu.memory_space<vmem>> -> memref<1x80xi32, #tpu.memory_space<vmem>>
      %dma_wait3A_135 = tpu.memref_squeeze %dma_wait3A_134 : memref<1x80xi32, #tpu.memory_space<vmem>> -> memref<80xi32, #tpu.memory_space<vmem>>
      %dma_wait3A_136 = arith.constant 0 : i32
      %dma_wait3A_137 = arith.constant 0 : i32
      %dma_wait3A_138 = tpu.memref_slice %arg12[%dma_wait3A_136, %dma_wait3A_137] : memref<10000x80xf32, #tpu.memory_space<vmem_shared>> -> memref<10000x80xf32, #tpu.memory_space<vmem_shared>>
      tpu.wait_indirect_dma semaphore(%arg16 : memref<!tpu.dma_semaphore, #tpu.memory_space<semaphore_mem>>) src(%arg8 : memref<80x80xf32, #tpu.memory_space<vmem>>) dst(%dma_wait3A_138 : memref<10000x80xf32, #tpu.memory_space<vmem_shared>>)
      %add3A_139 = arith.constant 3 : i32
      %add3A_140 = arith.addi %mul3A_88, %add3A_139 : i32
      %dma_start3A_141 = arith.constant 0 : i32
      %dma_start3A_142 = tpu.memref_slice %arg6[%add3A_140, %dma_start3A_141] : memref<125x80xi32, #tpu.memory_space<vmem>> -> memref<1x80xi32, #tpu.memory_space<vmem>>
      %dma_start3A_143 = tpu.memref_squeeze %dma_start3A_142 : memref<1x80xi32, #tpu.memory_space<vmem>> -> memref<80xi32, #tpu.memory_space<vmem>>
      %dma_start3A_144 = arith.constant 0 : i32
      %dma_start3A_145 = arith.constant 0 : i32
      %dma_start3A_146 = tpu.memref_slice %arg2[%dma_start3A_144, %dma_start3A_145] : memref<10000x80xf32, #tpu.memory_space<hbm>> -> memref<10000x80xf32, #tpu.memory_space<hbm>>
      tpu.enqueue_indirect_dma source(%dma_start3A_146 : memref<10000x80xf32, #tpu.memory_space<hbm>>) target(%arg8 : memref<80x80xf32, #tpu.memory_space<vmem>>) offsets(%dma_start3A_143 : memref<80xi32, #tpu.memory_space<vmem>>) semaphore(%arg13 : memref<!tpu.dma_semaphore, #tpu.memory_space<semaphore_mem>>)
      %add3A_147 = arith.constant 1 : i32
      %add3A_148 = arith.addi %mul3A_88, %add3A_147 : i32
      %dma_wait3A_149 = arith.constant 0 : i32
      %dma_wait3A_150 = tpu.memref_slice %arg7[%add3A_148, %dma_wait3A_149] : memref<125x80xi32, #tpu.memory_space<vmem>> -> memref<1x80xi32, #tpu.memory_space<vmem>>
      %dma_wait3A_151 = tpu.memref_squeeze %dma_wait3A_150 : memref<1x80xi32, #tpu.memory_space<vmem>> -> memref<80xi32, #tpu.memory_space<vmem>>
      %dma_wait3A_152 = arith.constant 0 : i32
      %dma_wait3A_153 = arith.constant 0 : i32
      %dma_wait3A_154 = tpu.memref_slice %arg12[%dma_wait3A_152, %dma_wait3A_153] : memref<10000x80xf32, #tpu.memory_space<vmem_shared>> -> memref<10000x80xf32, #tpu.memory_space<vmem_shared>>
      tpu.wait_indirect_dma semaphore(%arg17 : memref<!tpu.dma_semaphore, #tpu.memory_space<semaphore_mem>>) src(%arg9 : memref<80x80xf32, #tpu.memory_space<vmem>>) dst(%dma_wait3A_154 : memref<10000x80xf32, #tpu.memory_space<vmem_shared>>)
      %add3A_155 = arith.constant 4 : i32
      %add3A_156 = arith.addi %mul3A_88, %add3A_155 : i32
      %dma_start3A_157 = arith.constant 0 : i32
      %dma_start3A_158 = tpu.memref_slice %arg6[%add3A_156, %dma_start3A_157] : memref<125x80xi32, #tpu.memory_space<vmem>> -> memref<1x80xi32, #tpu.memory_space<vmem>>
      %dma_start3A_159 = tpu.memref_squeeze %dma_start3A_158 : memref<1x80xi32, #tpu.memory_space<vmem>> -> memref<80xi32, #tpu.memory_space<vmem>>
      %dma_start3A_160 = arith.constant 0 : i32
      %dma_start3A_161 = arith.constant 0 : i32
      %dma_start3A_162 = tpu.memref_slice %arg2[%dma_start3A_160, %dma_start3A_161] : memref<10000x80xf32, #tpu.memory_space<hbm>> -> memref<10000x80xf32, #tpu.memory_space<hbm>>
      tpu.enqueue_indirect_dma source(%dma_start3A_162 : memref<10000x80xf32, #tpu.memory_space<hbm>>) target(%arg9 : memref<80x80xf32, #tpu.memory_space<vmem>>) offsets(%dma_start3A_159 : memref<80xi32, #tpu.memory_space<vmem>>) semaphore(%arg14 : memref<!tpu.dma_semaphore, #tpu.memory_space<semaphore_mem>>)
      %add3A_163 = arith.constant 2 : i32
      %add3A_164 = arith.addi %mul3A_88, %add3A_163 : i32
      %dma_wait3A_165 = arith.constant 0 : i32
      %dma_wait3A_166 = tpu.memref_slice %arg7[%add3A_164, %dma_wait3A_165] : memref<125x80xi32, #tpu.memory_space<vmem>> -> memref<1x80xi32, #tpu.memory_space<vmem>>
      %dma_wait3A_167 = tpu.memref_squeeze %dma_wait3A_166 : memref<1x80xi32, #tpu.memory_space<vmem>> -> memref<80xi32, #tpu.memory_space<vmem>>
      %dma_wait3A_168 = arith.constant 0 : i32
      %dma_wait3A_169 = arith.constant 0 : i32
      %dma_wait3A_170 = tpu.memref_slice %arg12[%dma_wait3A_168, %dma_wait3A_169] : memref<10000x80xf32, #tpu.memory_space<vmem_shared>> -> memref<10000x80xf32, #tpu.memory_space<vmem_shared>>
      tpu.wait_indirect_dma semaphore(%arg18 : memref<!tpu.dma_semaphore, #tpu.memory_space<semaphore_mem>>) src(%arg10 : memref<80x80xf32, #tpu.memory_space<vmem>>) dst(%dma_wait3A_170 : memref<10000x80xf32, #tpu.memory_space<vmem_shared>>)
      %add3A_171 = arith.constant 5 : i32
      %add3A_172 = arith.addi %mul3A_88, %add3A_171 : i32
      %lt3A_173 = arith.constant 125 : i32
      %lt3A_174 = arith.cmpi slt, %add3A_172, %lt3A_173 : i32
      %convert_element_type3A_175 = arith.extui %lt3A_174 : i1 to i32
      %cond3A_176 = arith.constant 0 : i32
      %cond3A_177 = arith.cmpi ne, %convert_element_type3A_175, %cond3A_176 : i32
      scf.if %cond3A_177 {
        %add3A_178 = arith.constant 5 : i32
        %add3A_179 = arith.addi %mul3A_88, %add3A_178 : i32
        %dma_start3A_180 = arith.constant 0 : i32
        %dma_start3A_181 = tpu.memref_slice %arg6[%add3A_179, %dma_start3A_180] : memref<125x80xi32, #tpu.memory_space<vmem>> -> memref<1x80xi32, #tpu.memory_space<vmem>>
        %dma_start3A_182 = tpu.memref_squeeze %dma_start3A_181 : memref<1x80xi32, #tpu.memory_space<vmem>> -> memref<80xi32, #tpu.memory_space<vmem>>
        %dma_start3A_183 = arith.constant 0 : i32
        %dma_start3A_184 = arith.constant 0 : i32
        %dma_start3A_185 = tpu.memref_slice %arg2[%dma_start3A_183, %dma_start3A_184] : memref<10000x80xf32, #tpu.memory_space<hbm>> -> memref<10000x80xf32, #tpu.memory_space<hbm>>
        tpu.enqueue_indirect_dma source(%dma_start3A_185 : memref<10000x80xf32, #tpu.memory_space<hbm>>) target(%arg10 : memref<80x80xf32, #tpu.memory_space<vmem>>) offsets(%dma_start3A_182 : memref<80xi32, #tpu.memory_space<vmem>>) semaphore(%arg15 : memref<!tpu.dma_semaphore, #tpu.memory_space<semaphore_mem>>)
      } else {
      }
    }
    %scan3A_38 = arith.constant 41 : i32
    %dma_wait3A = arith.constant 123 : i32
    %dma_wait3A_39 = arith.constant 0 : i32
    %dma_wait3A_40 = tpu.memref_slice %arg6[%dma_wait3A, %dma_wait3A_39] : memref<125x80xi32, #tpu.memory_space<vmem>> -> memref<1x80xi32, #tpu.memory_space<vmem>>
    %dma_wait3A_41 = tpu.memref_squeeze %dma_wait3A_40 : memref<1x80xi32, #tpu.memory_space<vmem>> -> memref<80xi32, #tpu.memory_space<vmem>>
    %dma_wait3A_42 = arith.constant 0 : i32
    %dma_wait3A_43 = arith.constant 0 : i32
    %dma_wait3A_44 = tpu.memref_slice %arg2[%dma_wait3A_42, %dma_wait3A_43] : memref<10000x80xf32, #tpu.memory_space<hbm>> -> memref<10000x80xf32, #tpu.memory_space<hbm>>
    tpu.wait_indirect_dma semaphore(%arg13 : memref<!tpu.dma_semaphore, #tpu.memory_space<semaphore_mem>>) src(%dma_wait3A_44 : memref<10000x80xf32, #tpu.memory_space<hbm>>) dst(%arg8 : memref<80x80xf32, #tpu.memory_space<vmem>>)
    %dma_start3A_45 = arith.constant 123 : i32
    %dma_start3A_46 = arith.constant 0 : i32
    %dma_start3A_47 = tpu.memref_slice %arg7[%dma_start3A_45, %dma_start3A_46] : memref<125x80xi32, #tpu.memory_space<vmem>> -> memref<1x80xi32, #tpu.memory_space<vmem>>
    %dma_start3A_48 = tpu.memref_squeeze %dma_start3A_47 : memref<1x80xi32, #tpu.memory_space<vmem>> -> memref<80xi32, #tpu.memory_space<vmem>>
    %dma_start3A_49 = arith.constant 0 : i32
    %dma_start3A_50 = arith.constant 0 : i32
    %dma_start3A_51 = tpu.memref_slice %arg12[%dma_start3A_49, %dma_start3A_50] : memref<10000x80xf32, #tpu.memory_space<vmem_shared>> -> memref<10000x80xf32, #tpu.memory_space<vmem_shared>>
    tpu.enqueue_indirect_dma source(%arg8 : memref<80x80xf32, #tpu.memory_space<vmem>>) target(%dma_start3A_51 : memref<10000x80xf32, #tpu.memory_space<vmem_shared>>) offsets(%dma_start3A_48 : memref<80xi32, #tpu.memory_space<vmem>>) semaphore(%arg16 : memref<!tpu.dma_semaphore, #tpu.memory_space<semaphore_mem>>) {add = true}
    %dma_wait3A_52 = arith.constant 124 : i32
    %dma_wait3A_53 = arith.constant 0 : i32
    %dma_wait3A_54 = tpu.memref_slice %arg6[%dma_wait3A_52, %dma_wait3A_53] : memref<125x80xi32, #tpu.memory_space<vmem>> -> memref<1x80xi32, #tpu.memory_space<vmem>>
    %dma_wait3A_55 = tpu.memref_squeeze %dma_wait3A_54 : memref<1x80xi32, #tpu.memory_space<vmem>> -> memref<80xi32, #tpu.memory_space<vmem>>
    %dma_wait3A_56 = arith.constant 0 : i32
    %dma_wait3A_57 = arith.constant 0 : i32
    %dma_wait3A_58 = tpu.memref_slice %arg2[%dma_wait3A_56, %dma_wait3A_57] : memref<10000x80xf32, #tpu.memory_space<hbm>> -> memref<10000x80xf32, #tpu.memory_space<hbm>>
    tpu.wait_indirect_dma semaphore(%arg14 : memref<!tpu.dma_semaphore, #tpu.memory_space<semaphore_mem>>) src(%dma_wait3A_58 : memref<10000x80xf32, #tpu.memory_space<hbm>>) dst(%arg9 : memref<80x80xf32, #tpu.memory_space<vmem>>)
    %dma_start3A_59 = arith.constant 124 : i32
    %dma_start3A_60 = arith.constant 0 : i32
    %dma_start3A_61 = tpu.memref_slice %arg7[%dma_start3A_59, %dma_start3A_60] : memref<125x80xi32, #tpu.memory_space<vmem>> -> memref<1x80xi32, #tpu.memory_space<vmem>>
    %dma_start3A_62 = tpu.memref_squeeze %dma_start3A_61 : memref<1x80xi32, #tpu.memory_space<vmem>> -> memref<80xi32, #tpu.memory_space<vmem>>
    %dma_start3A_63 = arith.constant 0 : i32
    %dma_start3A_64 = arith.constant 0 : i32
    %dma_start3A_65 = tpu.memref_slice %arg12[%dma_start3A_63, %dma_start3A_64] : memref<10000x80xf32, #tpu.memory_space<vmem_shared>> -> memref<10000x80xf32, #tpu.memory_space<vmem_shared>>
    tpu.enqueue_indirect_dma source(%arg9 : memref<80x80xf32, #tpu.memory_space<vmem>>) target(%dma_start3A_65 : memref<10000x80xf32, #tpu.memory_space<vmem_shared>>) offsets(%dma_start3A_62 : memref<80xi32, #tpu.memory_space<vmem>>) semaphore(%arg17 : memref<!tpu.dma_semaphore, #tpu.memory_space<semaphore_mem>>) {add = true}
    %dma_wait3A_66 = arith.constant 123 : i32
    %dma_wait3A_67 = arith.constant 0 : i32
    %dma_wait3A_68 = tpu.memref_slice %arg7[%dma_wait3A_66, %dma_wait3A_67] : memref<125x80xi32, #tpu.memory_space<vmem>> -> memref<1x80xi32, #tpu.memory_space<vmem>>
    %dma_wait3A_69 = tpu.memref_squeeze %dma_wait3A_68 : memref<1x80xi32, #tpu.memory_space<vmem>> -> memref<80xi32, #tpu.memory_space<vmem>>
    %dma_wait3A_70 = arith.constant 0 : i32
    %dma_wait3A_71 = arith.constant 0 : i32
    %dma_wait3A_72 = tpu.memref_slice %arg12[%dma_wait3A_70, %dma_wait3A_71] : memref<10000x80xf32, #tpu.memory_space<vmem_shared>> -> memref<10000x80xf32, #tpu.memory_space<vmem_shared>>
    tpu.wait_indirect_dma semaphore(%arg16 : memref<!tpu.dma_semaphore, #tpu.memory_space<semaphore_mem>>) src(%arg8 : memref<80x80xf32, #tpu.memory_space<vmem>>) dst(%dma_wait3A_72 : memref<10000x80xf32, #tpu.memory_space<vmem_shared>>)
    %dma_wait3A_73 = arith.constant 124 : i32
    %dma_wait3A_74 = arith.constant 0 : i32
    %dma_wait3A_75 = tpu.memref_slice %arg7[%dma_wait3A_73, %dma_wait3A_74] : memref<125x80xi32, #tpu.memory_space<vmem>> -> memref<1x80xi32, #tpu.memory_space<vmem>>
    %dma_wait3A_76 = tpu.memref_squeeze %dma_wait3A_75 : memref<1x80xi32, #tpu.memory_space<vmem>> -> memref<80xi32, #tpu.memory_space<vmem>>
    %dma_wait3A_77 = arith.constant 0 : i32
    %dma_wait3A_78 = arith.constant 0 : i32
    %dma_wait3A_79 = tpu.memref_slice %arg12[%dma_wait3A_77, %dma_wait3A_78] : memref<10000x80xf32, #tpu.memory_space<vmem_shared>> -> memref<10000x80xf32, #tpu.memory_space<vmem_shared>>
    tpu.wait_indirect_dma semaphore(%arg17 : memref<!tpu.dma_semaphore, #tpu.memory_space<semaphore_mem>>) src(%arg9 : memref<80x80xf32, #tpu.memory_space<vmem>>) dst(%dma_wait3A_79 : memref<10000x80xf32, #tpu.memory_space<vmem_shared>>)
    %barrier3A_80 = arith.constant 0 : index
    tpu.barrier barrier_id(%barrier3A_80)
    %lt3A_81 = arith.constant 10 : i32
    %lt3A_82 = arith.cmpi slt, %arg1, %lt3A_81 : i32
    %convert_element_type3A_83 = arith.extui %lt3A_82 : i1 to i32
    %cond3A_84 = arith.constant 0 : i32
    %cond3A_85 = arith.cmpi ne, %convert_element_type3A_83, %cond3A_84 : i32
    scf.if %cond3A_85 {
      %scan3A_86 = arith.constant 0 : i32
      %scan3A_87 = arith.constant 0 : i32
      %scan3A_88 = arith.constant 5 : i32
      %scan3A_89 = arith.addi %scan3A_87, %scan3A_88 : i32
      %scan3A_90 = arith.constant 1 : i32
      scf.for %scan3A_92 = %scan3A_87 to %scan3A_89 step %scan3A_90  : i32 {
        %mul3A_93 = arith.constant 1000 : i32
        %mul3A_94 = arith.muli %arg1, %mul3A_93 : i32
        %mul3A_95 = arith.constant 200 : i32
        %mul3A_96 = arith.muli %scan3A_92, %mul3A_95 : i32
        %add3A_97 = arith.addi %mul3A_94, %mul3A_96 : i32
        "tpu.region"() ({
          %run_scoped3A = tpu.sem_alloc : memref<!tpu.dma_semaphore, #tpu.memory_space<semaphore_mem>>
          %dma_start3A_98 = arith.constant 0 : i32
          %dma_start3A_99 = tpu.memref_slice %arg12[%add3A_97, %dma_start3A_98] : memref<10000x80xf32, #tpu.memory_space<vmem_shared>> -> memref<200x80xf32, #tpu.memory_space<vmem_shared>>
          %dma_start3A_100 = arith.constant 0 : i32
          %dma_start3A_101 = tpu.memref_slice %arg12[%add3A_97, %dma_start3A_100] : memref<10000x80xf32, #tpu.memory_space<vmem_shared>> -> memref<200x80xf32, #tpu.memory_space<vmem_shared>>
          tpu.enqueue_dma source(%dma_start3A_101 : memref<200x80xf32, #tpu.memory_space<vmem_shared>>) target(%arg11 : memref<200x80xf32, #tpu.memory_space<vmem>>) target_semaphore(%run_scoped3A : memref<!tpu.dma_semaphore, #tpu.memory_space<semaphore_mem>>)
          %dma_wait3A_102 = arith.constant 0 : i32
          %dma_wait3A_103 = tpu.memref_slice %arg12[%add3A_97, %dma_wait3A_102] : memref<10000x80xf32, #tpu.memory_space<vmem_shared>> -> memref<200x80xf32, #tpu.memory_space<vmem_shared>>
          %dma_wait3A_104 = arith.constant 0 : i32
          %dma_wait3A_105 = tpu.memref_slice %arg12[%add3A_97, %dma_wait3A_104] : memref<10000x80xf32, #tpu.memory_space<vmem_shared>> -> memref<200x80xf32, #tpu.memory_space<vmem_shared>>
          tpu.wait_dma2 semaphore(%run_scoped3A : memref<!tpu.dma_semaphore, #tpu.memory_space<semaphore_mem>>) src(%dma_wait3A_105 : memref<200x80xf32, #tpu.memory_space<vmem_shared>>) dst(%arg11 : memref<200x80xf32, #tpu.memory_space<vmem>>)
          tpu.yield
        }) : () -> ()
        "tpu.region"() ({
          %run_scoped3A = tpu.sem_alloc : memref<!tpu.dma_semaphore, #tpu.memory_space<semaphore_mem>>
          %dma_start3A_98 = arith.constant 0 : i32
          %dma_start3A_99 = tpu.memref_slice %arg5[%arg0, %add3A_97, %dma_start3A_98] : memref<2x10000x80xf32, #tpu.memory_space<hbm>> -> memref<1x200x80xf32, #tpu.memory_space<hbm>>
          %dma_start3A_100 = tpu.memref_squeeze %dma_start3A_99 : memref<1x200x80xf32, #tpu.memory_space<hbm>> -> memref<200x80xf32, #tpu.memory_space<hbm>>
          %dma_start3A_101 = arith.constant 0 : i32
          %dma_start3A_102 = tpu.memref_slice %arg5[%arg0, %add3A_97, %dma_start3A_101] : memref<2x10000x80xf32, #tpu.memory_space<hbm>> -> memref<1x200x80xf32, #tpu.memory_space<hbm>>
          %dma_start3A_103 = tpu.memref_squeeze %dma_start3A_102 : memref<1x200x80xf32, #tpu.memory_space<hbm>> -> memref<200x80xf32, #tpu.memory_space<hbm>>
          tpu.enqueue_dma source(%arg11 : memref<200x80xf32, #tpu.memory_space<vmem>>) target(%dma_start3A_103 : memref<200x80xf32, #tpu.memory_space<hbm>>) target_semaphore(%run_scoped3A : memref<!tpu.dma_semaphore, #tpu.memory_space<semaphore_mem>>)
          %dma_wait3A_104 = arith.constant 0 : i32
          %dma_wait3A_105 = tpu.memref_slice %arg5[%arg0, %add3A_97, %dma_wait3A_104] : memref<2x10000x80xf32, #tpu.memory_space<hbm>> -> memref<1x200x80xf32, #tpu.memory_space<hbm>>
          %dma_wait3A_106 = tpu.memref_squeeze %dma_wait3A_105 : memref<1x200x80xf32, #tpu.memory_space<hbm>> -> memref<200x80xf32, #tpu.memory_space<hbm>>
          %dma_wait3A_107 = arith.constant 0 : i32
          %dma_wait3A_108 = tpu.memref_slice %arg5[%arg0, %add3A_97, %dma_wait3A_107] : memref<2x10000x80xf32, #tpu.memory_space<hbm>> -> memref<1x200x80xf32, #tpu.memory_space<hbm>>
          %dma_wait3A_109 = tpu.memref_squeeze %dma_wait3A_108 : memref<1x200x80xf32, #tpu.memory_space<hbm>> -> memref<200x80xf32, #tpu.memory_space<hbm>>
          tpu.wait_dma2 semaphore(%run_scoped3A : memref<!tpu.dma_semaphore, #tpu.memory_space<semaphore_mem>>) src(%arg11 : memref<200x80xf32, #tpu.memory_space<vmem>>) dst(%dma_wait3A_109 : memref<200x80xf32, #tpu.memory_space<hbm>>)
          tpu.yield
        }) : () -> ()
      }
      %scan3A_91 = arith.constant 5 : i32
    } else {
    }
    return
  }
}

#map = affine_map<(d0, d1) -> (0, 0)>
#map1 = affine_map<(d0, d1) -> (0, 0, 0)>
module attributes {stable_mosaic.version = 14 : i64} {
  func.func @_sc_gather2_body(%arg0: i32, %arg1: i32, %arg2: memref<10000x128xf32, #tpu.memory_space<hbm>>, %arg3: memref<10000x128xf32, #tpu.memory_space<hbm>>, %arg4: memref<32x125x80xi32, #tpu.memory_space<hbm>>, %arg5: memref<32x125x80xi32, #tpu.memory_space<hbm>>, %arg6: memref<320000x128xf32, #tpu.memory_space<hbm>>, %arg7: memref<320000x128xf32, #tpu.memory_space<hbm>>, %arg8: memref<125x80xi32, #tpu.memory_space<vmem>>, %arg9: memref<125x80xi32, #tpu.memory_space<vmem>>, %arg10: memref<80x128xf32, #tpu.memory_space<vmem>>, %arg11: memref<80x128xf32, #tpu.memory_space<vmem>>, %arg12: memref<80x128xf32, #tpu.memory_space<vmem>>, %arg13: memref<80x128xf32, #tpu.memory_space<vmem>>, %arg14: memref<!tpu.dma_semaphore, #tpu.memory_space<semaphore_mem>>, %arg15: memref<!tpu.dma_semaphore, #tpu.memory_space<semaphore_mem>>, %arg16: memref<!tpu.dma_semaphore, #tpu.memory_space<semaphore_mem>>, %arg17: memref<!tpu.dma_semaphore, #tpu.memory_space<semaphore_mem>>) attributes {dimension_semantics = [#tpu.dimension_semantics<core_parallel>, #tpu.dimension_semantics<subcore_parallel>], iteration_bounds = array<i64: 2, 16>, scalar_prefetch = 0 : i64, scratch_operands = 10 : i64, tpu.core_type = #tpu.core_type<sc_vector_subcore>, window_params = [{transform_indices = #map}, {transform_indices = #map}, {transform_indices = #map1}, {transform_indices = #map1}, {transform_indices = #map}, {transform_indices = #map}]} {
    %mul3A = arith.constant 2 : i32
    %mul3A_0 = arith.muli %arg1, %mul3A : i32
    %add3A = arith.addi %mul3A_0, %arg0 : i32
    %mul3A_1 = arith.constant 10000 : i32
    %mul3A_2 = arith.muli %add3A, %mul3A_1 : i32
    %mul3A_3 = arith.constant 2 : i32
    %mul3A_4 = arith.muli %arg1, %mul3A_3 : i32
    %add3A_5 = arith.addi %mul3A_4, %arg0 : i32
    "tpu.region"() ({
      %run_scoped3A = tpu.sem_alloc : memref<!tpu.dma_semaphore, #tpu.memory_space<semaphore_mem>>
      %dma_start3A_39 = arith.constant 0 : i32
      %dma_start3A_40 = arith.constant 0 : i32
      %dma_start3A_41 = tpu.memref_slice %arg4[%add3A_5, %dma_start3A_39, %dma_start3A_40] : memref<32x125x80xi32, #tpu.memory_space<hbm>> -> memref<1x125x80xi32, #tpu.memory_space<hbm>>
      %dma_start3A_42 = tpu.memref_squeeze %dma_start3A_41 : memref<1x125x80xi32, #tpu.memory_space<hbm>> -> memref<125x80xi32, #tpu.memory_space<hbm>>
      %dma_start3A_43 = arith.constant 0 : i32
      %dma_start3A_44 = arith.constant 0 : i32
      %dma_start3A_45 = tpu.memref_slice %arg4[%add3A_5, %dma_start3A_43, %dma_start3A_44] : memref<32x125x80xi32, #tpu.memory_space<hbm>> -> memref<1x125x80xi32, #tpu.memory_space<hbm>>
      %dma_start3A_46 = tpu.memref_squeeze %dma_start3A_45 : memref<1x125x80xi32, #tpu.memory_space<hbm>> -> memref<125x80xi32, #tpu.memory_space<hbm>>
      tpu.enqueue_dma source(%dma_start3A_46 : memref<125x80xi32, #tpu.memory_space<hbm>>) target(%arg8 : memref<125x80xi32, #tpu.memory_space<vmem>>) target_semaphore(%run_scoped3A : memref<!tpu.dma_semaphore, #tpu.memory_space<semaphore_mem>>)
      %dma_wait3A_47 = arith.constant 0 : i32
      %dma_wait3A_48 = arith.constant 0 : i32
      %dma_wait3A_49 = tpu.memref_slice %arg4[%add3A_5, %dma_wait3A_47, %dma_wait3A_48] : memref<32x125x80xi32, #tpu.memory_space<hbm>> -> memref<1x125x80xi32, #tpu.memory_space<hbm>>
      %dma_wait3A_50 = tpu.memref_squeeze %dma_wait3A_49 : memref<1x125x80xi32, #tpu.memory_space<hbm>> -> memref<125x80xi32, #tpu.memory_space<hbm>>
      %dma_wait3A_51 = arith.constant 0 : i32
      %dma_wait3A_52 = arith.constant 0 : i32
      %dma_wait3A_53 = tpu.memref_slice %arg4[%add3A_5, %dma_wait3A_51, %dma_wait3A_52] : memref<32x125x80xi32, #tpu.memory_space<hbm>> -> memref<1x125x80xi32, #tpu.memory_space<hbm>>
      %dma_wait3A_54 = tpu.memref_squeeze %dma_wait3A_53 : memref<1x125x80xi32, #tpu.memory_space<hbm>> -> memref<125x80xi32, #tpu.memory_space<hbm>>
      tpu.wait_dma2 semaphore(%run_scoped3A : memref<!tpu.dma_semaphore, #tpu.memory_space<semaphore_mem>>) src(%dma_wait3A_54 : memref<125x80xi32, #tpu.memory_space<hbm>>) dst(%arg8 : memref<125x80xi32, #tpu.memory_space<vmem>>)
      tpu.yield
    }) : () -> ()
    "tpu.region"() ({
      %run_scoped3A = tpu.sem_alloc : memref<!tpu.dma_semaphore, #tpu.memory_space<semaphore_mem>>
      %dma_start3A_39 = arith.constant 0 : i32
      %dma_start3A_40 = arith.constant 0 : i32
      %dma_start3A_41 = tpu.memref_slice %arg5[%add3A_5, %dma_start3A_39, %dma_start3A_40] : memref<32x125x80xi32, #tpu.memory_space<hbm>> -> memref<1x125x80xi32, #tpu.memory_space<hbm>>
      %dma_start3A_42 = tpu.memref_squeeze %dma_start3A_41 : memref<1x125x80xi32, #tpu.memory_space<hbm>> -> memref<125x80xi32, #tpu.memory_space<hbm>>
      %dma_start3A_43 = arith.constant 0 : i32
      %dma_start3A_44 = arith.constant 0 : i32
      %dma_start3A_45 = tpu.memref_slice %arg5[%add3A_5, %dma_start3A_43, %dma_start3A_44] : memref<32x125x80xi32, #tpu.memory_space<hbm>> -> memref<1x125x80xi32, #tpu.memory_space<hbm>>
      %dma_start3A_46 = tpu.memref_squeeze %dma_start3A_45 : memref<1x125x80xi32, #tpu.memory_space<hbm>> -> memref<125x80xi32, #tpu.memory_space<hbm>>
      tpu.enqueue_dma source(%dma_start3A_46 : memref<125x80xi32, #tpu.memory_space<hbm>>) target(%arg9 : memref<125x80xi32, #tpu.memory_space<vmem>>) target_semaphore(%run_scoped3A : memref<!tpu.dma_semaphore, #tpu.memory_space<semaphore_mem>>)
      %dma_wait3A_47 = arith.constant 0 : i32
      %dma_wait3A_48 = arith.constant 0 : i32
      %dma_wait3A_49 = tpu.memref_slice %arg5[%add3A_5, %dma_wait3A_47, %dma_wait3A_48] : memref<32x125x80xi32, #tpu.memory_space<hbm>> -> memref<1x125x80xi32, #tpu.memory_space<hbm>>
      %dma_wait3A_50 = tpu.memref_squeeze %dma_wait3A_49 : memref<1x125x80xi32, #tpu.memory_space<hbm>> -> memref<125x80xi32, #tpu.memory_space<hbm>>
      %dma_wait3A_51 = arith.constant 0 : i32
      %dma_wait3A_52 = arith.constant 0 : i32
      %dma_wait3A_53 = tpu.memref_slice %arg5[%add3A_5, %dma_wait3A_51, %dma_wait3A_52] : memref<32x125x80xi32, #tpu.memory_space<hbm>> -> memref<1x125x80xi32, #tpu.memory_space<hbm>>
      %dma_wait3A_54 = tpu.memref_squeeze %dma_wait3A_53 : memref<1x125x80xi32, #tpu.memory_space<hbm>> -> memref<125x80xi32, #tpu.memory_space<hbm>>
      tpu.wait_dma2 semaphore(%run_scoped3A : memref<!tpu.dma_semaphore, #tpu.memory_space<semaphore_mem>>) src(%dma_wait3A_54 : memref<125x80xi32, #tpu.memory_space<hbm>>) dst(%arg9 : memref<125x80xi32, #tpu.memory_space<vmem>>)
      tpu.yield
    }) : () -> ()
    %dma_start3A = arith.constant 0 : i32
    %dma_start3A_6 = arith.constant 0 : i32
    %dma_start3A_7 = tpu.memref_slice %arg8[%dma_start3A, %dma_start3A_6] : memref<125x80xi32, #tpu.memory_space<vmem>> -> memref<1x80xi32, #tpu.memory_space<vmem>>
    %dma_start3A_8 = tpu.memref_squeeze %dma_start3A_7 : memref<1x80xi32, #tpu.memory_space<vmem>> -> memref<80xi32, #tpu.memory_space<vmem>>
    %dma_start3A_9 = arith.constant 0 : i32
    %dma_start3A_10 = arith.constant 0 : i32
    %dma_start3A_11 = tpu.memref_slice %arg2[%dma_start3A_9, %dma_start3A_10] : memref<10000x128xf32, #tpu.memory_space<hbm>> -> memref<10000x128xf32, #tpu.memory_space<hbm>>
    tpu.enqueue_indirect_dma source(%dma_start3A_11 : memref<10000x128xf32, #tpu.memory_space<hbm>>) target(%arg10 : memref<80x128xf32, #tpu.memory_space<vmem>>) offsets(%dma_start3A_8 : memref<80xi32, #tpu.memory_space<vmem>>) semaphore(%arg14 : memref<!tpu.dma_semaphore, #tpu.memory_space<semaphore_mem>>)
    %dma_start3A_12 = arith.constant 0 : i32
    %dma_start3A_13 = arith.constant 0 : i32
    %dma_start3A_14 = tpu.memref_slice %arg9[%dma_start3A_12, %dma_start3A_13] : memref<125x80xi32, #tpu.memory_space<vmem>> -> memref<1x80xi32, #tpu.memory_space<vmem>>
    %dma_start3A_15 = tpu.memref_squeeze %dma_start3A_14 : memref<1x80xi32, #tpu.memory_space<vmem>> -> memref<80xi32, #tpu.memory_space<vmem>>
    %dma_start3A_16 = arith.constant 0 : i32
    %dma_start3A_17 = arith.constant 0 : i32
    %dma_start3A_18 = tpu.memref_slice %arg3[%dma_start3A_16, %dma_start3A_17] : memref<10000x128xf32, #tpu.memory_space<hbm>> -> memref<10000x128xf32, #tpu.memory_space<hbm>>
    tpu.enqueue_indirect_dma source(%dma_start3A_18 : memref<10000x128xf32, #tpu.memory_space<hbm>>) target(%arg11 : memref<80x128xf32, #tpu.memory_space<vmem>>) offsets(%dma_start3A_15 : memref<80xi32, #tpu.memory_space<vmem>>) semaphore(%arg15 : memref<!tpu.dma_semaphore, #tpu.memory_space<semaphore_mem>>)
    %scan3A = arith.constant 0 : i32
    %scan3A_19 = arith.constant 0 : i32
    %scan3A_20 = arith.constant 62 : i32
    %scan3A_21 = arith.addi %scan3A_19, %scan3A_20 : i32
    %scan3A_22 = arith.constant 1 : i32
    scf.for %scan3A_39 = %scan3A_19 to %scan3A_21 step %scan3A_22  : i32 {
      %mul3A_40 = arith.constant 2 : i32
      %mul3A_41 = arith.muli %mul3A_40, %scan3A_39 : i32
      %add3A_42 = arith.constant 1 : i32
      %add3A_43 = arith.addi %mul3A_41, %add3A_42 : i32
      %dma_start3A_44 = arith.constant 0 : i32
      %dma_start3A_45 = tpu.memref_slice %arg8[%add3A_43, %dma_start3A_44] : memref<125x80xi32, #tpu.memory_space<vmem>> -> memref<1x80xi32, #tpu.memory_space<vmem>>
      %dma_start3A_46 = tpu.memref_squeeze %dma_start3A_45 : memref<1x80xi32, #tpu.memory_space<vmem>> -> memref<80xi32, #tpu.memory_space<vmem>>
      %dma_start3A_47 = arith.constant 0 : i32
      %dma_start3A_48 = arith.constant 0 : i32
      %dma_start3A_49 = tpu.memref_slice %arg2[%dma_start3A_47, %dma_start3A_48] : memref<10000x128xf32, #tpu.memory_space<hbm>> -> memref<10000x128xf32, #tpu.memory_space<hbm>>
      tpu.enqueue_indirect_dma source(%dma_start3A_49 : memref<10000x128xf32, #tpu.memory_space<hbm>>) target(%arg12 : memref<80x128xf32, #tpu.memory_space<vmem>>) offsets(%dma_start3A_46 : memref<80xi32, #tpu.memory_space<vmem>>) semaphore(%arg16 : memref<!tpu.dma_semaphore, #tpu.memory_space<semaphore_mem>>)
      %dma_start3A_50 = arith.constant 0 : i32
      %dma_start3A_51 = tpu.memref_slice %arg9[%add3A_43, %dma_start3A_50] : memref<125x80xi32, #tpu.memory_space<vmem>> -> memref<1x80xi32, #tpu.memory_space<vmem>>
      %dma_start3A_52 = tpu.memref_squeeze %dma_start3A_51 : memref<1x80xi32, #tpu.memory_space<vmem>> -> memref<80xi32, #tpu.memory_space<vmem>>
      %dma_start3A_53 = arith.constant 0 : i32
      %dma_start3A_54 = arith.constant 0 : i32
      %dma_start3A_55 = tpu.memref_slice %arg3[%dma_start3A_53, %dma_start3A_54] : memref<10000x128xf32, #tpu.memory_space<hbm>> -> memref<10000x128xf32, #tpu.memory_space<hbm>>
      tpu.enqueue_indirect_dma source(%dma_start3A_55 : memref<10000x128xf32, #tpu.memory_space<hbm>>) target(%arg13 : memref<80x128xf32, #tpu.memory_space<vmem>>) offsets(%dma_start3A_52 : memref<80xi32, #tpu.memory_space<vmem>>) semaphore(%arg17 : memref<!tpu.dma_semaphore, #tpu.memory_space<semaphore_mem>>)
      %mul3A_56 = arith.constant 2 : i32
      %mul3A_57 = arith.muli %mul3A_56, %scan3A_39 : i32
      %dma_wait3A_58 = arith.constant 0 : i32
      %dma_wait3A_59 = tpu.memref_slice %arg8[%mul3A_57, %dma_wait3A_58] : memref<125x80xi32, #tpu.memory_space<vmem>> -> memref<1x80xi32, #tpu.memory_space<vmem>>
      %dma_wait3A_60 = tpu.memref_squeeze %dma_wait3A_59 : memref<1x80xi32, #tpu.memory_space<vmem>> -> memref<80xi32, #tpu.memory_space<vmem>>
      %dma_wait3A_61 = arith.constant 0 : i32
      %dma_wait3A_62 = arith.constant 0 : i32
      %dma_wait3A_63 = tpu.memref_slice %arg2[%dma_wait3A_61, %dma_wait3A_62] : memref<10000x128xf32, #tpu.memory_space<hbm>> -> memref<10000x128xf32, #tpu.memory_space<hbm>>
      tpu.wait_indirect_dma semaphore(%arg14 : memref<!tpu.dma_semaphore, #tpu.memory_space<semaphore_mem>>) src(%dma_wait3A_63 : memref<10000x128xf32, #tpu.memory_space<hbm>>) dst(%arg10 : memref<80x128xf32, #tpu.memory_space<vmem>>)
      %dma_wait3A_64 = arith.constant 0 : i32
      %dma_wait3A_65 = tpu.memref_slice %arg9[%mul3A_57, %dma_wait3A_64] : memref<125x80xi32, #tpu.memory_space<vmem>> -> memref<1x80xi32, #tpu.memory_space<vmem>>
      %dma_wait3A_66 = tpu.memref_squeeze %dma_wait3A_65 : memref<1x80xi32, #tpu.memory_space<vmem>> -> memref<80xi32, #tpu.memory_space<vmem>>
      %dma_wait3A_67 = arith.constant 0 : i32
      %dma_wait3A_68 = arith.constant 0 : i32
      %dma_wait3A_69 = tpu.memref_slice %arg3[%dma_wait3A_67, %dma_wait3A_68] : memref<10000x128xf32, #tpu.memory_space<hbm>> -> memref<10000x128xf32, #tpu.memory_space<hbm>>
      tpu.wait_indirect_dma semaphore(%arg15 : memref<!tpu.dma_semaphore, #tpu.memory_space<semaphore_mem>>) src(%dma_wait3A_69 : memref<10000x128xf32, #tpu.memory_space<hbm>>) dst(%arg11 : memref<80x128xf32, #tpu.memory_space<vmem>>)
      %mul3A_70 = arith.constant 80 : i32
      %mul3A_71 = arith.muli %mul3A_57, %mul3A_70 : i32
      %add3A_72 = arith.addi %mul3A_2, %mul3A_71 : i32
      "tpu.region"() ({
        %run_scoped3A = tpu.sem_alloc : memref<!tpu.dma_semaphore, #tpu.memory_space<semaphore_mem>>
        %dma_start3A_108 = arith.constant 0 : i32
        %dma_start3A_109 = tpu.memref_slice %arg6[%add3A_72, %dma_start3A_108] : memref<320000x128xf32, #tpu.memory_space<hbm>> -> memref<80x128xf32, #tpu.memory_space<hbm>>
        %dma_start3A_110 = arith.constant 0 : i32
        %dma_start3A_111 = tpu.memref_slice %arg6[%add3A_72, %dma_start3A_110] : memref<320000x128xf32, #tpu.memory_space<hbm>> -> memref<80x128xf32, #tpu.memory_space<hbm>>
        tpu.enqueue_dma source(%arg10 : memref<80x128xf32, #tpu.memory_space<vmem>>) target(%dma_start3A_111 : memref<80x128xf32, #tpu.memory_space<hbm>>) target_semaphore(%run_scoped3A : memref<!tpu.dma_semaphore, #tpu.memory_space<semaphore_mem>>)
        %dma_wait3A_112 = arith.constant 0 : i32
        %dma_wait3A_113 = tpu.memref_slice %arg6[%add3A_72, %dma_wait3A_112] : memref<320000x128xf32, #tpu.memory_space<hbm>> -> memref<80x128xf32, #tpu.memory_space<hbm>>
        %dma_wait3A_114 = arith.constant 0 : i32
        %dma_wait3A_115 = tpu.memref_slice %arg6[%add3A_72, %dma_wait3A_114] : memref<320000x128xf32, #tpu.memory_space<hbm>> -> memref<80x128xf32, #tpu.memory_space<hbm>>
        tpu.wait_dma2 semaphore(%run_scoped3A : memref<!tpu.dma_semaphore, #tpu.memory_space<semaphore_mem>>) src(%arg10 : memref<80x128xf32, #tpu.memory_space<vmem>>) dst(%dma_wait3A_115 : memref<80x128xf32, #tpu.memory_space<hbm>>)
        tpu.yield
      }) : () -> ()
      "tpu.region"() ({
        %run_scoped3A = tpu.sem_alloc : memref<!tpu.dma_semaphore, #tpu.memory_space<semaphore_mem>>
        %dma_start3A_108 = arith.constant 0 : i32
        %dma_start3A_109 = tpu.memref_slice %arg7[%add3A_72, %dma_start3A_108] : memref<320000x128xf32, #tpu.memory_space<hbm>> -> memref<80x128xf32, #tpu.memory_space<hbm>>
        %dma_start3A_110 = arith.constant 0 : i32
        %dma_start3A_111 = tpu.memref_slice %arg7[%add3A_72, %dma_start3A_110] : memref<320000x128xf32, #tpu.memory_space<hbm>> -> memref<80x128xf32, #tpu.memory_space<hbm>>
        tpu.enqueue_dma source(%arg11 : memref<80x128xf32, #tpu.memory_space<vmem>>) target(%dma_start3A_111 : memref<80x128xf32, #tpu.memory_space<hbm>>) target_semaphore(%run_scoped3A : memref<!tpu.dma_semaphore, #tpu.memory_space<semaphore_mem>>)
        %dma_wait3A_112 = arith.constant 0 : i32
        %dma_wait3A_113 = tpu.memref_slice %arg7[%add3A_72, %dma_wait3A_112] : memref<320000x128xf32, #tpu.memory_space<hbm>> -> memref<80x128xf32, #tpu.memory_space<hbm>>
        %dma_wait3A_114 = arith.constant 0 : i32
        %dma_wait3A_115 = tpu.memref_slice %arg7[%add3A_72, %dma_wait3A_114] : memref<320000x128xf32, #tpu.memory_space<hbm>> -> memref<80x128xf32, #tpu.memory_space<hbm>>
        tpu.wait_dma2 semaphore(%run_scoped3A : memref<!tpu.dma_semaphore, #tpu.memory_space<semaphore_mem>>) src(%arg11 : memref<80x128xf32, #tpu.memory_space<vmem>>) dst(%dma_wait3A_115 : memref<80x128xf32, #tpu.memory_space<hbm>>)
        tpu.yield
      }) : () -> ()
      %mul3A_73 = arith.constant 2 : i32
      %mul3A_74 = arith.muli %mul3A_73, %scan3A_39 : i32
      %add3A_75 = arith.constant 2 : i32
      %add3A_76 = arith.addi %mul3A_74, %add3A_75 : i32
      %dma_start3A_77 = arith.constant 0 : i32
      %dma_start3A_78 = tpu.memref_slice %arg8[%add3A_76, %dma_start3A_77] : memref<125x80xi32, #tpu.memory_space<vmem>> -> memref<1x80xi32, #tpu.memory_space<vmem>>
      %dma_start3A_79 = tpu.memref_squeeze %dma_start3A_78 : memref<1x80xi32, #tpu.memory_space<vmem>> -> memref<80xi32, #tpu.memory_space<vmem>>
      %dma_start3A_80 = arith.constant 0 : i32
      %dma_start3A_81 = arith.constant 0 : i32
      %dma_start3A_82 = tpu.memref_slice %arg2[%dma_start3A_80, %dma_start3A_81] : memref<10000x128xf32, #tpu.memory_space<hbm>> -> memref<10000x128xf32, #tpu.memory_space<hbm>>
      tpu.enqueue_indirect_dma source(%dma_start3A_82 : memref<10000x128xf32, #tpu.memory_space<hbm>>) target(%arg10 : memref<80x128xf32, #tpu.memory_space<vmem>>) offsets(%dma_start3A_79 : memref<80xi32, #tpu.memory_space<vmem>>) semaphore(%arg14 : memref<!tpu.dma_semaphore, #tpu.memory_space<semaphore_mem>>)
      %dma_start3A_83 = arith.constant 0 : i32
      %dma_start3A_84 = tpu.memref_slice %arg9[%add3A_76, %dma_start3A_83] : memref<125x80xi32, #tpu.memory_space<vmem>> -> memref<1x80xi32, #tpu.memory_space<vmem>>
      %dma_start3A_85 = tpu.memref_squeeze %dma_start3A_84 : memref<1x80xi32, #tpu.memory_space<vmem>> -> memref<80xi32, #tpu.memory_space<vmem>>
      %dma_start3A_86 = arith.constant 0 : i32
      %dma_start3A_87 = arith.constant 0 : i32
      %dma_start3A_88 = tpu.memref_slice %arg3[%dma_start3A_86, %dma_start3A_87] : memref<10000x128xf32, #tpu.memory_space<hbm>> -> memref<10000x128xf32, #tpu.memory_space<hbm>>
      tpu.enqueue_indirect_dma source(%dma_start3A_88 : memref<10000x128xf32, #tpu.memory_space<hbm>>) target(%arg11 : memref<80x128xf32, #tpu.memory_space<vmem>>) offsets(%dma_start3A_85 : memref<80xi32, #tpu.memory_space<vmem>>) semaphore(%arg15 : memref<!tpu.dma_semaphore, #tpu.memory_space<semaphore_mem>>)
      %mul3A_89 = arith.constant 2 : i32
      %mul3A_90 = arith.muli %mul3A_89, %scan3A_39 : i32
      %add3A_91 = arith.constant 1 : i32
      %add3A_92 = arith.addi %mul3A_90, %add3A_91 : i32
      %dma_wait3A_93 = arith.constant 0 : i32
      %dma_wait3A_94 = tpu.memref_slice %arg8[%add3A_92, %dma_wait3A_93] : memref<125x80xi32, #tpu.memory_space<vmem>> -> memref<1x80xi32, #tpu.memory_space<vmem>>
      %dma_wait3A_95 = tpu.memref_squeeze %dma_wait3A_94 : memref<1x80xi32, #tpu.memory_space<vmem>> -> memref<80xi32, #tpu.memory_space<vmem>>
      %dma_wait3A_96 = arith.constant 0 : i32
      %dma_wait3A_97 = arith.constant 0 : i32
      %dma_wait3A_98 = tpu.memref_slice %arg2[%dma_wait3A_96, %dma_wait3A_97] : memref<10000x128xf32, #tpu.memory_space<hbm>> -> memref<10000x128xf32, #tpu.memory_space<hbm>>
      tpu.wait_indirect_dma semaphore(%arg16 : memref<!tpu.dma_semaphore, #tpu.memory_space<semaphore_mem>>) src(%dma_wait3A_98 : memref<10000x128xf32, #tpu.memory_space<hbm>>) dst(%arg12 : memref<80x128xf32, #tpu.memory_space<vmem>>)
      %dma_wait3A_99 = arith.constant 0 : i32
      %dma_wait3A_100 = tpu.memref_slice %arg9[%add3A_92, %dma_wait3A_99] : memref<125x80xi32, #tpu.memory_space<vmem>> -> memref<1x80xi32, #tpu.memory_space<vmem>>
      %dma_wait3A_101 = tpu.memref_squeeze %dma_wait3A_100 : memref<1x80xi32, #tpu.memory_space<vmem>> -> memref<80xi32, #tpu.memory_space<vmem>>
      %dma_wait3A_102 = arith.constant 0 : i32
      %dma_wait3A_103 = arith.constant 0 : i32
      %dma_wait3A_104 = tpu.memref_slice %arg3[%dma_wait3A_102, %dma_wait3A_103] : memref<10000x128xf32, #tpu.memory_space<hbm>> -> memref<10000x128xf32, #tpu.memory_space<hbm>>
      tpu.wait_indirect_dma semaphore(%arg17 : memref<!tpu.dma_semaphore, #tpu.memory_space<semaphore_mem>>) src(%dma_wait3A_104 : memref<10000x128xf32, #tpu.memory_space<hbm>>) dst(%arg13 : memref<80x128xf32, #tpu.memory_space<vmem>>)
      %mul3A_105 = arith.constant 80 : i32
      %mul3A_106 = arith.muli %add3A_92, %mul3A_105 : i32
      %add3A_107 = arith.addi %mul3A_2, %mul3A_106 : i32
      "tpu.region"() ({
        %run_scoped3A = tpu.sem_alloc : memref<!tpu.dma_semaphore, #tpu.memory_space<semaphore_mem>>
        %dma_start3A_108 = arith.constant 0 : i32
        %dma_start3A_109 = tpu.memref_slice %arg6[%add3A_107, %dma_start3A_108] : memref<320000x128xf32, #tpu.memory_space<hbm>> -> memref<80x128xf32, #tpu.memory_space<hbm>>
        %dma_start3A_110 = arith.constant 0 : i32
        %dma_start3A_111 = tpu.memref_slice %arg6[%add3A_107, %dma_start3A_110] : memref<320000x128xf32, #tpu.memory_space<hbm>> -> memref<80x128xf32, #tpu.memory_space<hbm>>
        tpu.enqueue_dma source(%arg12 : memref<80x128xf32, #tpu.memory_space<vmem>>) target(%dma_start3A_111 : memref<80x128xf32, #tpu.memory_space<hbm>>) target_semaphore(%run_scoped3A : memref<!tpu.dma_semaphore, #tpu.memory_space<semaphore_mem>>)
        %dma_wait3A_112 = arith.constant 0 : i32
        %dma_wait3A_113 = tpu.memref_slice %arg6[%add3A_107, %dma_wait3A_112] : memref<320000x128xf32, #tpu.memory_space<hbm>> -> memref<80x128xf32, #tpu.memory_space<hbm>>
        %dma_wait3A_114 = arith.constant 0 : i32
        %dma_wait3A_115 = tpu.memref_slice %arg6[%add3A_107, %dma_wait3A_114] : memref<320000x128xf32, #tpu.memory_space<hbm>> -> memref<80x128xf32, #tpu.memory_space<hbm>>
        tpu.wait_dma2 semaphore(%run_scoped3A : memref<!tpu.dma_semaphore, #tpu.memory_space<semaphore_mem>>) src(%arg12 : memref<80x128xf32, #tpu.memory_space<vmem>>) dst(%dma_wait3A_115 : memref<80x128xf32, #tpu.memory_space<hbm>>)
        tpu.yield
      }) : () -> ()
      "tpu.region"() ({
        %run_scoped3A = tpu.sem_alloc : memref<!tpu.dma_semaphore, #tpu.memory_space<semaphore_mem>>
        %dma_start3A_108 = arith.constant 0 : i32
        %dma_start3A_109 = tpu.memref_slice %arg7[%add3A_107, %dma_start3A_108] : memref<320000x128xf32, #tpu.memory_space<hbm>> -> memref<80x128xf32, #tpu.memory_space<hbm>>
        %dma_start3A_110 = arith.constant 0 : i32
        %dma_start3A_111 = tpu.memref_slice %arg7[%add3A_107, %dma_start3A_110] : memref<320000x128xf32, #tpu.memory_space<hbm>> -> memref<80x128xf32, #tpu.memory_space<hbm>>
        tpu.enqueue_dma source(%arg13 : memref<80x128xf32, #tpu.memory_space<vmem>>) target(%dma_start3A_111 : memref<80x128xf32, #tpu.memory_space<hbm>>) target_semaphore(%run_scoped3A : memref<!tpu.dma_semaphore, #tpu.memory_space<semaphore_mem>>)
        %dma_wait3A_112 = arith.constant 0 : i32
        %dma_wait3A_113 = tpu.memref_slice %arg7[%add3A_107, %dma_wait3A_112] : memref<320000x128xf32, #tpu.memory_space<hbm>> -> memref<80x128xf32, #tpu.memory_space<hbm>>
        %dma_wait3A_114 = arith.constant 0 : i32
        %dma_wait3A_115 = tpu.memref_slice %arg7[%add3A_107, %dma_wait3A_114] : memref<320000x128xf32, #tpu.memory_space<hbm>> -> memref<80x128xf32, #tpu.memory_space<hbm>>
        tpu.wait_dma2 semaphore(%run_scoped3A : memref<!tpu.dma_semaphore, #tpu.memory_space<semaphore_mem>>) src(%arg13 : memref<80x128xf32, #tpu.memory_space<vmem>>) dst(%dma_wait3A_115 : memref<80x128xf32, #tpu.memory_space<hbm>>)
        tpu.yield
      }) : () -> ()
    }
    %scan3A_23 = arith.constant 62 : i32
    %dma_wait3A = arith.constant 124 : i32
    %dma_wait3A_24 = arith.constant 0 : i32
    %dma_wait3A_25 = tpu.memref_slice %arg8[%dma_wait3A, %dma_wait3A_24] : memref<125x80xi32, #tpu.memory_space<vmem>> -> memref<1x80xi32, #tpu.memory_space<vmem>>
    %dma_wait3A_26 = tpu.memref_squeeze %dma_wait3A_25 : memref<1x80xi32, #tpu.memory_space<vmem>> -> memref<80xi32, #tpu.memory_space<vmem>>
    %dma_wait3A_27 = arith.constant 0 : i32
    %dma_wait3A_28 = arith.constant 0 : i32
    %dma_wait3A_29 = tpu.memref_slice %arg2[%dma_wait3A_27, %dma_wait3A_28] : memref<10000x128xf32, #tpu.memory_space<hbm>> -> memref<10000x128xf32, #tpu.memory_space<hbm>>
    tpu.wait_indirect_dma semaphore(%arg14 : memref<!tpu.dma_semaphore, #tpu.memory_space<semaphore_mem>>) src(%dma_wait3A_29 : memref<10000x128xf32, #tpu.memory_space<hbm>>) dst(%arg10 : memref<80x128xf32, #tpu.memory_space<vmem>>)
    %dma_wait3A_30 = arith.constant 124 : i32
    %dma_wait3A_31 = arith.constant 0 : i32
    %dma_wait3A_32 = tpu.memref_slice %arg9[%dma_wait3A_30, %dma_wait3A_31] : memref<125x80xi32, #tpu.memory_space<vmem>> -> memref<1x80xi32, #tpu.memory_space<vmem>>
    %dma_wait3A_33 = tpu.memref_squeeze %dma_wait3A_32 : memref<1x80xi32, #tpu.memory_space<vmem>> -> memref<80xi32, #tpu.memory_space<vmem>>
    %dma_wait3A_34 = arith.constant 0 : i32
    %dma_wait3A_35 = arith.constant 0 : i32
    %dma_wait3A_36 = tpu.memref_slice %arg3[%dma_wait3A_34, %dma_wait3A_35] : memref<10000x128xf32, #tpu.memory_space<hbm>> -> memref<10000x128xf32, #tpu.memory_space<hbm>>
    tpu.wait_indirect_dma semaphore(%arg15 : memref<!tpu.dma_semaphore, #tpu.memory_space<semaphore_mem>>) src(%dma_wait3A_36 : memref<10000x128xf32, #tpu.memory_space<hbm>>) dst(%arg11 : memref<80x128xf32, #tpu.memory_space<vmem>>)
    %add3A_37 = arith.constant 9920 : i32
    %add3A_38 = arith.addi %mul3A_2, %add3A_37 : i32
    "tpu.region"() ({
      %run_scoped3A = tpu.sem_alloc : memref<!tpu.dma_semaphore, #tpu.memory_space<semaphore_mem>>
      %dma_start3A_39 = arith.constant 0 : i32
      %dma_start3A_40 = tpu.memref_slice %arg6[%add3A_38, %dma_start3A_39] : memref<320000x128xf32, #tpu.memory_space<hbm>> -> memref<80x128xf32, #tpu.memory_space<hbm>>
      %dma_start3A_41 = arith.constant 0 : i32
      %dma_start3A_42 = tpu.memref_slice %arg6[%add3A_38, %dma_start3A_41] : memref<320000x128xf32, #tpu.memory_space<hbm>> -> memref<80x128xf32, #tpu.memory_space<hbm>>
      tpu.enqueue_dma source(%arg10 : memref<80x128xf32, #tpu.memory_space<vmem>>) target(%dma_start3A_42 : memref<80x128xf32, #tpu.memory_space<hbm>>) target_semaphore(%run_scoped3A : memref<!tpu.dma_semaphore, #tpu.memory_space<semaphore_mem>>)
      %dma_wait3A_43 = arith.constant 0 : i32
      %dma_wait3A_44 = tpu.memref_slice %arg6[%add3A_38, %dma_wait3A_43] : memref<320000x128xf32, #tpu.memory_space<hbm>> -> memref<80x128xf32, #tpu.memory_space<hbm>>
      %dma_wait3A_45 = arith.constant 0 : i32
      %dma_wait3A_46 = tpu.memref_slice %arg6[%add3A_38, %dma_wait3A_45] : memref<320000x128xf32, #tpu.memory_space<hbm>> -> memref<80x128xf32, #tpu.memory_space<hbm>>
      tpu.wait_dma2 semaphore(%run_scoped3A : memref<!tpu.dma_semaphore, #tpu.memory_space<semaphore_mem>>) src(%arg10 : memref<80x128xf32, #tpu.memory_space<vmem>>) dst(%dma_wait3A_46 : memref<80x128xf32, #tpu.memory_space<hbm>>)
      tpu.yield
    }) : () -> ()
    "tpu.region"() ({
      %run_scoped3A = tpu.sem_alloc : memref<!tpu.dma_semaphore, #tpu.memory_space<semaphore_mem>>
      %dma_start3A_39 = arith.constant 0 : i32
      %dma_start3A_40 = tpu.memref_slice %arg7[%add3A_38, %dma_start3A_39] : memref<320000x128xf32, #tpu.memory_space<hbm>> -> memref<80x128xf32, #tpu.memory_space<hbm>>
      %dma_start3A_41 = arith.constant 0 : i32
      %dma_start3A_42 = tpu.memref_slice %arg7[%add3A_38, %dma_start3A_41] : memref<320000x128xf32, #tpu.memory_space<hbm>> -> memref<80x128xf32, #tpu.memory_space<hbm>>
      tpu.enqueue_dma source(%arg11 : memref<80x128xf32, #tpu.memory_space<vmem>>) target(%dma_start3A_42 : memref<80x128xf32, #tpu.memory_space<hbm>>) target_semaphore(%run_scoped3A : memref<!tpu.dma_semaphore, #tpu.memory_space<semaphore_mem>>)
      %dma_wait3A_43 = arith.constant 0 : i32
      %dma_wait3A_44 = tpu.memref_slice %arg7[%add3A_38, %dma_wait3A_43] : memref<320000x128xf32, #tpu.memory_space<hbm>> -> memref<80x128xf32, #tpu.memory_space<hbm>>
      %dma_wait3A_45 = arith.constant 0 : i32
      %dma_wait3A_46 = tpu.memref_slice %arg7[%add3A_38, %dma_wait3A_45] : memref<320000x128xf32, #tpu.memory_space<hbm>> -> memref<80x128xf32, #tpu.memory_space<hbm>>
      tpu.wait_dma2 semaphore(%run_scoped3A : memref<!tpu.dma_semaphore, #tpu.memory_space<semaphore_mem>>) src(%arg11 : memref<80x128xf32, #tpu.memory_space<vmem>>) dst(%dma_wait3A_46 : memref<80x128xf32, #tpu.memory_space<hbm>>)
      tpu.yield
    }) : () -> ()
    return
  }
}

module attributes {stable_mosaic.version = 14 : i64} {
  func.func @_tc_node_body(%arg0: i32, %arg1: memref<1000x128xf32, #tpu.memory_space<vmem>>, %arg2: memref<128x80xf32, #tpu.memory_space<vmem>>, %arg3: memref<1x80xf32, #tpu.memory_space<vmem>>, %arg4: memref<1000x80xf32, #tpu.memory_space<vmem>>) attributes {dimension_semantics = [#tpu.dimension_semantics<arbitrary>], iteration_bounds = array<i64: 10>, scalar_prefetch = 0 : i64, scratch_operands = 0 : i64, tpu.core_type = #tpu.core_type<tc>, window_params = [{transform_indices = @transform_0, window_bounds = array<i64: 1000, 128>}, {pipeline_mode = #tpu.pipeline_mode<synchronous>, transform_indices = @transform_1, window_bounds = array<i64: 128, 80>}, {pipeline_mode = #tpu.pipeline_mode<synchronous>, transform_indices = @transform_2, window_bounds = array<i64: 1, 80>}, {transform_indices = @transform_3, window_bounds = array<i64: 1000, 80>}]} {
    %get3A = arith.constant 0 : index
    %get3A_0 = arith.constant 0 : index
    %get3A_1 = vector.load %arg1[%get3A, %get3A_0] : memref<1000x128xf32, #tpu.memory_space<vmem>>, vector<1000x128xf32>
    %get3A_2 = arith.constant 0 : index
    %get3A_3 = arith.constant 0 : index
    %get3A_4 = vector.load %arg2[%get3A_2, %get3A_3] : memref<128x80xf32, #tpu.memory_space<vmem>>, vector<128x80xf32>
    %dot_general3A = arith.constant dense<0.000000e+00> : vector<1000x80xf32>
    %dot_general3A_5 = tpu.matmul %get3A_1, %get3A_4, %dot_general3A {dimension_numbers = #tpu.dot_dimension_numbers<[1], [0], [0], [1], [0, 0, 1, 1], [], []>, transpose_lhs_hint = false} : vector<1000x128xf32>, vector<128x80xf32>, vector<1000x80xf32> -> vector<1000x80xf32>
    %get3A_6 = arith.constant 0 : index
    %get3A_7 = arith.constant 0 : index
    %get3A_8 = vector.load %arg3[%get3A_6, %get3A_7] : memref<1x80xf32, #tpu.memory_space<vmem>>, vector<1x80xf32>
    %add3A = vector.broadcast %get3A_8 : vector<1x80xf32> to vector<1000x80xf32>
    %add3A_9 = arith.addf %dot_general3A_5, %add3A : vector<1000x80xf32>
    %max3A = arith.constant 0.000000e+00 : f32
    %max3A_10 = vector.broadcast %max3A : f32 to vector<1000x80xf32>
    %max3A_11 = arith.maximumf %add3A_9, %max3A_10 : vector<1000x80xf32>
    %swap3A = arith.constant 0 : index
    %swap3A_12 = arith.constant 0 : index
    %swap3A_13 = vector.load %arg4[%swap3A, %swap3A_12] : memref<1000x80xf32, #tpu.memory_space<vmem>>, vector<1000x80xf32>
    tpu.vector_store %arg4[%swap3A, %swap3A_12], %max3A_11 {strides = array<i32>} : memref<1000x80xf32, #tpu.memory_space<vmem>>, vector<1000x80xf32>,
    return
  }
  func.func @transform_0(%arg0: i32) -> (i32, i32) {
    %c0_i32 = arith.constant 0 : i32
    %c0_i32_0 = arith.constant 0 : i32
    return %arg0, %c0_i32 : i32, i32
  }
  func.func @transform_1(%arg0: i32) -> (i32, i32) {
    %c0_i32 = arith.constant 0 : i32
    %c0_i32_0 = arith.constant 0 : i32
    %c0_i32_1 = arith.constant 0 : i32
    return %c0_i32, %c0_i32_0 : i32, i32
  }
  func.func @transform_2(%arg0: i32) -> (i32, i32) {
    %c0_i32 = arith.constant 0 : i32
    %c0_i32_0 = arith.constant 0 : i32
    %c0_i32_1 = arith.constant 0 : i32
    return %c0_i32, %c0_i32_0 : i32, i32
  }
  func.func @transform_3(%arg0: i32) -> (i32, i32) {
    %c0_i32 = arith.constant 0 : i32
    %c0_i32_0 = arith.constant 0 : i32
    return %arg0, %c0_i32 : i32, i32
  }
}

module attributes {stable_mosaic.version = 14 : i64} {
  func.func @_tc_pre_body(%arg0: i32, %arg1: memref<1000x80xf32, #tpu.memory_space<vmem>>, %arg2: memref<1x80xf32, #tpu.memory_space<vmem>>, %arg3: memref<1x80xf32, #tpu.memory_space<vmem>>, %arg4: memref<1000x1xf32, #tpu.memory_space<vmem>>, %arg5: memref<80x80xf32, #tpu.memory_space<vmem>>, %arg6: memref<1000x80xf32, #tpu.memory_space<vmem>>) attributes {dimension_semantics = [#tpu.dimension_semantics<arbitrary>], iteration_bounds = array<i64: 10>, scalar_prefetch = 0 : i64, scratch_operands = 0 : i64, tpu.core_type = #tpu.core_type<tc>, window_params = [{transform_indices = @transform_0, window_bounds = array<i64: 1000, 80>}, {pipeline_mode = #tpu.pipeline_mode<synchronous>, transform_indices = @transform_1, window_bounds = array<i64: 1, 80>}, {pipeline_mode = #tpu.pipeline_mode<synchronous>, transform_indices = @transform_2, window_bounds = array<i64: 1, 80>}, {transform_indices = @transform_3, window_bounds = array<i64: 1000, 1>}, {pipeline_mode = #tpu.pipeline_mode<synchronous>, transform_indices = @transform_4, window_bounds = array<i64: 80, 80>}, {transform_indices = @transform_5, window_bounds = array<i64: 1000, 80>}]} {
    %get3A = arith.constant 0 : index
    %get3A_0 = arith.constant 0 : index
    %get3A_1 = vector.load %arg1[%get3A, %get3A_0] : memref<1000x80xf32, #tpu.memory_space<vmem>>, vector<1000x80xf32>
    %get3A_2 = arith.constant 0 : index
    %get3A_3 = arith.constant 0 : index
    %get3A_4 = vector.load %arg2[%get3A_2, %get3A_3] : memref<1x80xf32, #tpu.memory_space<vmem>>, vector<1x80xf32>
    %mul3A = vector.broadcast %get3A_4 : vector<1x80xf32> to vector<1000x80xf32>
    %mul3A_5 = arith.mulf %get3A_1, %mul3A : vector<1000x80xf32>
    %get3A_6 = arith.constant 0 : index
    %get3A_7 = arith.constant 0 : index
    %get3A_8 = vector.load %arg3[%get3A_6, %get3A_7] : memref<1x80xf32, #tpu.memory_space<vmem>>, vector<1x80xf32>
    %add3A = vector.broadcast %get3A_8 : vector<1x80xf32> to vector<1000x80xf32>
    %add3A_9 = arith.addf %mul3A_5, %add3A : vector<1000x80xf32>
    %get3A_10 = arith.constant 0 : index
    %get3A_11 = arith.constant 0 : index
    %get3A_12 = vector.load %arg4[%get3A_10, %get3A_11] : memref<1000x1xf32, #tpu.memory_space<vmem>>, vector<1000x1xf32>
    %gt3A = arith.constant 0.000000e+00 : f32
    %gt3A_13 = vector.broadcast %gt3A : f32 to vector<1000x1xf32>
    %gt3A_14 = arith.cmpf ogt, %get3A_12, %gt3A_13 : vector<1000x1xf32>
    %max3A = arith.constant 9.99999996E-13 : f32
    %max3A_15 = vector.broadcast %max3A : f32 to vector<1000x1xf32>
    %max3A_16 = arith.maximumf %get3A_12, %max3A_15 : vector<1000x1xf32>
    %rsqrt3A = math.rsqrt %max3A_16 : vector<1000x1xf32>
    %jit3A = arith.constant 0.000000e+00 : f32
    %broadcast_in_dim3A = vector.broadcast %jit3A : f32 to vector<1000x1xf32>
    %select_n3A = arith.select %gt3A_14, %rsqrt3A, %broadcast_in_dim3A : vector<1000x1xi1>, vector<1000x1xf32>
    %get3A_17 = arith.constant 0 : index
    %get3A_18 = arith.constant 0 : index
    %get3A_19 = vector.load %arg5[%get3A_17, %get3A_18] : memref<80x80xf32, #tpu.memory_space<vmem>>, vector<80x80xf32>
    %dot_general3A = arith.constant dense<0.000000e+00> : vector<1000x80xf32>
    %dot_general3A_20 = tpu.matmul %add3A_9, %get3A_19, %dot_general3A {dimension_numbers = #tpu.dot_dimension_numbers<[1], [0], [0], [1], [0, 0, 1, 1], [], []>, transpose_lhs_hint = false} : vector<1000x80xf32>, vector<80x80xf32>, vector<1000x80xf32> -> vector<1000x80xf32>
    %mul3A_21 = vector.broadcast %select_n3A : vector<1000x1xf32> to vector<1000x80xf32>
    %mul3A_22 = arith.mulf %dot_general3A_20, %mul3A_21 : vector<1000x80xf32>
    %swap3A = arith.constant 0 : index
    %swap3A_23 = arith.constant 0 : index
    %swap3A_24 = vector.load %arg6[%swap3A, %swap3A_23] : memref<1000x80xf32, #tpu.memory_space<vmem>>, vector<1000x80xf32>
    tpu.vector_store %arg6[%swap3A, %swap3A_23], %mul3A_22 {strides = array<i32>} : memref<1000x80xf32, #tpu.memory_space<vmem>>, vector<1000x80xf32>,
    return
  }
  func.func @transform_0(%arg0: i32) -> (i32, i32) {
    %c0_i32 = arith.constant 0 : i32
    %c0_i32_0 = arith.constant 0 : i32
    return %arg0, %c0_i32 : i32, i32
  }
  func.func @transform_1(%arg0: i32) -> (i32, i32) {
    %c0_i32 = arith.constant 0 : i32
    %c0_i32_0 = arith.constant 0 : i32
    %c0_i32_1 = arith.constant 0 : i32
    return %c0_i32, %c0_i32_0 : i32, i32
  }
  func.func @transform_2(%arg0: i32) -> (i32, i32) {
    %c0_i32 = arith.constant 0 : i32
    %c0_i32_0 = arith.constant 0 : i32
    %c0_i32_1 = arith.constant 0 : i32
    return %c0_i32, %c0_i32_0 : i32, i32
  }
  func.func @transform_3(%arg0: i32) -> (i32, i32) {
    %c0_i32 = arith.constant 0 : i32
    %c0_i32_0 = arith.constant 0 : i32
    return %arg0, %c0_i32 : i32, i32
  }
  func.func @transform_4(%arg0: i32) -> (i32, i32) {
    %c0_i32 = arith.constant 0 : i32
    %c0_i32_0 = arith.constant 0 : i32
    %c0_i32_1 = arith.constant 0 : i32
    return %c0_i32, %c0_i32_0 : i32, i32
  }
  func.func @transform_5(%arg0: i32) -> (i32, i32) {
    %c0_i32 = arith.constant 0 : i32
    %c0_i32_0 = arith.constant 0 : i32
    return %arg0, %c0_i32 : i32, i32
  }
}

module attributes {stable_mosaic.version = 14 : i64} {
  func.func @_tc_post_body(%arg0: i32, %arg1: memref<1000x80xf32, #tpu.memory_space<vmem>>, %arg2: memref<1000x80xf32, #tpu.memory_space<vmem>>, %arg3: memref<1000x80xf32, #tpu.memory_space<vmem>>, %arg4: memref<1x80xf32, #tpu.memory_space<vmem>>, %arg5: memref<1x80xf32, #tpu.memory_space<vmem>>, %arg6: memref<1000x1xf32, #tpu.memory_space<vmem>>, %arg7: memref<80x80xf32, #tpu.memory_space<vmem>>, %arg8: memref<1x80xf32, #tpu.memory_space<vmem>>, %arg9: memref<1000x80xf32, #tpu.memory_space<vmem>>, %arg10: memref<1x1x80xf32, #tpu.memory_space<vmem>>, %arg11: memref<1x1x80xf32, #tpu.memory_space<vmem>>) attributes {dimension_semantics = [#tpu.dimension_semantics<arbitrary>], iteration_bounds = array<i64: 10>, scalar_prefetch = 0 : i64, scratch_operands = 0 : i64, tpu.core_type = #tpu.core_type<tc>, window_params = [{transform_indices = @transform_0, window_bounds = array<i64: 1000, 80>}, {transform_indices = @transform_1, window_bounds = array<i64: 1000, 80>}, {transform_indices = @transform_2, window_bounds = array<i64: 1000, 80>}, {pipeline_mode = #tpu.pipeline_mode<synchronous>, transform_indices = @transform_3, window_bounds = array<i64: 1, 80>}, {pipeline_mode = #tpu.pipeline_mode<synchronous>, transform_indices = @transform_4, window_bounds = array<i64: 1, 80>}, {transform_indices = @transform_5, window_bounds = array<i64: 1000, 1>}, {pipeline_mode = #tpu.pipeline_mode<synchronous>, transform_indices = @transform_6, window_bounds = array<i64: 80, 80>}, {pipeline_mode = #tpu.pipeline_mode<synchronous>, transform_indices = @transform_7, window_bounds = array<i64: 1, 80>}, {transform_indices = @transform_8, window_bounds = array<i64: 1000, 80>}, {transform_indices = @transform_9, window_bounds = array<i64: 1, 1, 80>}, {transform_indices = @transform_10, window_bounds = array<i64: 1, 1, 80>}]} {
    %get3A = arith.constant 0 : index
    %get3A_0 = arith.constant 0 : index
    %get3A_1 = vector.load %arg3[%get3A, %get3A_0] : memref<1000x80xf32, #tpu.memory_space<vmem>>, vector<1000x80xf32>
    %get3A_2 = arith.constant 0 : index
    %get3A_3 = arith.constant 0 : index
    %get3A_4 = vector.load %arg4[%get3A_2, %get3A_3] : memref<1x80xf32, #tpu.memory_space<vmem>>, vector<1x80xf32>
    %mul3A = vector.broadcast %get3A_4 : vector<1x80xf32> to vector<1000x80xf32>
    %mul3A_5 = arith.mulf %get3A_1, %mul3A : vector<1000x80xf32>
    %get3A_6 = arith.constant 0 : index
    %get3A_7 = arith.constant 0 : index
    %get3A_8 = vector.load %arg5[%get3A_6, %get3A_7] : memref<1x80xf32, #tpu.memory_space<vmem>>, vector<1x80xf32>
    %add3A = vector.broadcast %get3A_8 : vector<1x80xf32> to vector<1000x80xf32>
    %add3A_9 = arith.addf %mul3A_5, %add3A : vector<1000x80xf32>
    %get3A_10 = arith.constant 0 : index
    %get3A_11 = arith.constant 0 : index
    %get3A_12 = vector.load %arg6[%get3A_10, %get3A_11] : memref<1000x1xf32, #tpu.memory_space<vmem>>, vector<1000x1xf32>
    %gt3A = arith.constant 0.000000e+00 : f32
    %gt3A_13 = vector.broadcast %gt3A : f32 to vector<1000x1xf32>
    %gt3A_14 = arith.cmpf ogt, %get3A_12, %gt3A_13 : vector<1000x1xf32>
    %max3A = arith.constant 9.99999996E-13 : f32
    %max3A_15 = vector.broadcast %max3A : f32 to vector<1000x1xf32>
    %max3A_16 = arith.maximumf %get3A_12, %max3A_15 : vector<1000x1xf32>
    %rsqrt3A = math.rsqrt %max3A_16 : vector<1000x1xf32>
    %jit3A = arith.constant 0.000000e+00 : f32
    %broadcast_in_dim3A = vector.broadcast %jit3A : f32 to vector<1000x1xf32>
    %select_n3A = arith.select %gt3A_14, %rsqrt3A, %broadcast_in_dim3A : vector<1000x1xi1>, vector<1000x1xf32>
    %get3A_17 = arith.constant 0 : index
    %get3A_18 = arith.constant 0 : index
    %get3A_19 = vector.load %arg1[%get3A_17, %get3A_18] : memref<1000x80xf32, #tpu.memory_space<vmem>>, vector<1000x80xf32>
    %get3A_20 = arith.constant 0 : index
    %get3A_21 = arith.constant 0 : index
    %get3A_22 = vector.load %arg2[%get3A_20, %get3A_21] : memref<1000x80xf32, #tpu.memory_space<vmem>>, vector<1000x80xf32>
    %add3A_23 = arith.addf %get3A_19, %get3A_22 : vector<1000x80xf32>
    %mul3A_24 = vector.broadcast %select_n3A : vector<1000x1xf32> to vector<1000x80xf32>
    %mul3A_25 = arith.mulf %add3A_23, %mul3A_24 : vector<1000x80xf32>
    %get3A_26 = arith.constant 0 : index
    %get3A_27 = arith.constant 0 : index
    %get3A_28 = vector.load %arg7[%get3A_26, %get3A_27] : memref<80x80xf32, #tpu.memory_space<vmem>>, vector<80x80xf32>
    %dot_general3A = arith.constant dense<0.000000e+00> : vector<1000x80xf32>
    %dot_general3A_29 = tpu.matmul %add3A_9, %get3A_28, %dot_general3A {dimension_numbers = #tpu.dot_dimension_numbers<[1], [0], [0], [1], [0, 0, 1, 1], [], []>, transpose_lhs_hint = false} : vector<1000x80xf32>, vector<80x80xf32>, vector<1000x80xf32> -> vector<1000x80xf32>
    %add3A_30 = arith.addf %mul3A_25, %dot_general3A_29 : vector<1000x80xf32>
    %get3A_31 = arith.constant 0 : index
    %get3A_32 = arith.constant 0 : index
    %get3A_33 = vector.load %arg8[%get3A_31, %get3A_32] : memref<1x80xf32, #tpu.memory_space<vmem>>, vector<1x80xf32>
    %add3A_34 = vector.broadcast %get3A_33 : vector<1x80xf32> to vector<1000x80xf32>
    %add3A_35 = arith.addf %add3A_30, %add3A_34 : vector<1000x80xf32>
    %max3A_36 = arith.constant 0.000000e+00 : f32
    %max3A_37 = vector.broadcast %max3A_36 : f32 to vector<1000x80xf32>
    %max3A_38 = arith.maximumf %add3A_35, %max3A_37 : vector<1000x80xf32>
    %swap3A = arith.constant 0 : index
    %swap3A_39 = arith.constant 0 : index
    %swap3A_40 = vector.load %arg9[%swap3A, %swap3A_39] : memref<1000x80xf32, #tpu.memory_space<vmem>>, vector<1000x80xf32>
    tpu.vector_store %arg9[%swap3A, %swap3A_39], %max3A_38 {strides = array<i32>} : memref<1000x80xf32, #tpu.memory_space<vmem>>, vector<1000x80xf32>,
    %reduce_sum3A = arith.constant dense<0.000000e+00> : vector<80xf32>
    %reduce_sum3A_41 = vector.multi_reduction <add>, %max3A_38, %reduce_sum3A [0] : vector<1000x80xf32> to vector<80xf32>
    %broadcast_in_dim3A_42 = vector.shape_cast %reduce_sum3A_41 : vector<80xf32> to vector<1x80xf32>
    %broadcast_in_dim3A_43 = vector.shape_cast %broadcast_in_dim3A_42 : vector<1x80xf32> to vector<1x1x80xf32>
    %swap3A_44 = arith.constant 0 : index
    %swap3A_45 = arith.constant 0 : index
    %swap3A_46 = arith.constant 0 : index
    %swap3A_47 = vector.load %arg10[%swap3A_44, %swap3A_45, %swap3A_46] : memref<1x1x80xf32, #tpu.memory_space<vmem>>, vector<1x1x80xf32>
    tpu.vector_store %arg10[%swap3A_44, %swap3A_45, %swap3A_46], %broadcast_in_dim3A_43 {strides = array<i32>} : memref<1x1x80xf32, #tpu.memory_space<vmem>>, vector<1x1x80xf32>,
    %mul3A_48 = arith.mulf %max3A_38, %max3A_38 : vector<1000x80xf32>
    %reduce_sum3A_49 = arith.constant dense<0.000000e+00> : vector<80xf32>
    %reduce_sum3A_50 = vector.multi_reduction <add>, %mul3A_48, %reduce_sum3A_49 [0] : vector<1000x80xf32> to vector<80xf32>
    %broadcast_in_dim3A_51 = vector.shape_cast %reduce_sum3A_50 : vector<80xf32> to vector<1x80xf32>
    %broadcast_in_dim3A_52 = vector.shape_cast %broadcast_in_dim3A_51 : vector<1x80xf32> to vector<1x1x80xf32>
    %swap3A_53 = arith.constant 0 : index
    %swap3A_54 = arith.constant 0 : index
    %swap3A_55 = arith.constant 0 : index
    %swap3A_56 = vector.load %arg11[%swap3A_53, %swap3A_54, %swap3A_55] : memref<1x1x80xf32, #tpu.memory_space<vmem>>, vector<1x1x80xf32>
    tpu.vector_store %arg11[%swap3A_53, %swap3A_54, %swap3A_55], %broadcast_in_dim3A_52 {strides = array<i32>} : memref<1x1x80xf32, #tpu.memory_space<vmem>>, vector<1x1x80xf32>,
    return
  }
  func.func @transform_0(%arg0: i32) -> (i32, i32) {
    %c0_i32 = arith.constant 0 : i32
    %c0_i32_0 = arith.constant 0 : i32
    return %arg0, %c0_i32 : i32, i32
  }
  func.func @transform_1(%arg0: i32) -> (i32, i32) {
    %c0_i32 = arith.constant 0 : i32
    %c0_i32_0 = arith.constant 0 : i32
    return %arg0, %c0_i32 : i32, i32
  }
  func.func @transform_2(%arg0: i32) -> (i32, i32) {
    %c0_i32 = arith.constant 0 : i32
    %c0_i32_0 = arith.constant 0 : i32
    return %arg0, %c0_i32 : i32, i32
  }
  func.func @transform_3(%arg0: i32) -> (i32, i32) {
    %c0_i32 = arith.constant 0 : i32
    %c0_i32_0 = arith.constant 0 : i32
    %c0_i32_1 = arith.constant 0 : i32
    return %c0_i32, %c0_i32_0 : i32, i32
  }
  func.func @transform_4(%arg0: i32) -> (i32, i32) {
    %c0_i32 = arith.constant 0 : i32
    %c0_i32_0 = arith.constant 0 : i32
    %c0_i32_1 = arith.constant 0 : i32
    return %c0_i32, %c0_i32_0 : i32, i32
  }
  func.func @transform_5(%arg0: i32) -> (i32, i32) {
    %c0_i32 = arith.constant 0 : i32
    %c0_i32_0 = arith.constant 0 : i32
    return %arg0, %c0_i32 : i32, i32
  }
  func.func @transform_6(%arg0: i32) -> (i32, i32) {
    %c0_i32 = arith.constant 0 : i32
    %c0_i32_0 = arith.constant 0 : i32
    %c0_i32_1 = arith.constant 0 : i32
    return %c0_i32, %c0_i32_0 : i32, i32
  }
  func.func @transform_7(%arg0: i32) -> (i32, i32) {
    %c0_i32 = arith.constant 0 : i32
    %c0_i32_0 = arith.constant 0 : i32
    %c0_i32_1 = arith.constant 0 : i32
    return %c0_i32, %c0_i32_0 : i32, i32
  }
  func.func @transform_8(%arg0: i32) -> (i32, i32) {
    %c0_i32 = arith.constant 0 : i32
    %c0_i32_0 = arith.constant 0 : i32
    return %arg0, %c0_i32 : i32, i32
  }
  func.func @transform_9(%arg0: i32) -> (i32, i32, i32) {
    %c0_i32 = arith.constant 0 : i32
    %c0_i32_0 = arith.constant 0 : i32
    %c0_i32_1 = arith.constant 0 : i32
    return %arg0, %c0_i32, %c0_i32_0 : i32, i32, i32
  }
  func.func @transform_10(%arg0: i32) -> (i32, i32, i32) {
    %c0_i32 = arith.constant 0 : i32
    %c0_i32_0 = arith.constant 0 : i32
    %c0_i32_1 = arith.constant 0 : i32
    return %arg0, %c0_i32, %c0_i32_0 : i32, i32, i32
  }
}

module attributes {stable_mosaic.version = 14 : i64} {
  func.func @_tc_pq_body(%arg0: i32, %arg1: memref<1000x80xf32, #tpu.memory_space<vmem>>, %arg2: memref<1x80xf32, #tpu.memory_space<vmem>>, %arg3: memref<1x80xf32, #tpu.memory_space<vmem>>, %arg4: memref<80x128xf32, #tpu.memory_space<vmem>>, %arg5: memref<80x128xf32, #tpu.memory_space<vmem>>, %arg6: memref<1x128xf32, #tpu.memory_space<vmem>>, %arg7: memref<1000x128xf32, #tpu.memory_space<vmem>>, %arg8: memref<1000x128xf32, #tpu.memory_space<vmem>>) attributes {dimension_semantics = [#tpu.dimension_semantics<arbitrary>], iteration_bounds = array<i64: 10>, scalar_prefetch = 0 : i64, scratch_operands = 0 : i64, tpu.core_type = #tpu.core_type<tc>, window_params = [{transform_indices = @transform_0, window_bounds = array<i64: 1000, 80>}, {pipeline_mode = #tpu.pipeline_mode<synchronous>, transform_indices = @transform_1, window_bounds = array<i64: 1, 80>}, {pipeline_mode = #tpu.pipeline_mode<synchronous>, transform_indices = @transform_2, window_bounds = array<i64: 1, 80>}, {pipeline_mode = #tpu.pipeline_mode<synchronous>, transform_indices = @transform_3, window_bounds = array<i64: 80, 128>}, {pipeline_mode = #tpu.pipeline_mode<synchronous>, transform_indices = @transform_4, window_bounds = array<i64: 80, 128>}, {pipeline_mode = #tpu.pipeline_mode<synchronous>, transform_indices = @transform_5, window_bounds = array<i64: 1, 128>}, {transform_indices = @transform_6, window_bounds = array<i64: 1000, 128>}, {transform_indices = @transform_7, window_bounds = array<i64: 1000, 128>}]} {
    %get3A = arith.constant 0 : index
    %get3A_0 = arith.constant 0 : index
    %get3A_1 = vector.load %arg1[%get3A, %get3A_0] : memref<1000x80xf32, #tpu.memory_space<vmem>>, vector<1000x80xf32>
    %get3A_2 = arith.constant 0 : index
    %get3A_3 = arith.constant 0 : index
    %get3A_4 = vector.load %arg2[%get3A_2, %get3A_3] : memref<1x80xf32, #tpu.memory_space<vmem>>, vector<1x80xf32>
    %mul3A = vector.broadcast %get3A_4 : vector<1x80xf32> to vector<1000x80xf32>
    %mul3A_5 = arith.mulf %get3A_1, %mul3A : vector<1000x80xf32>
    %get3A_6 = arith.constant 0 : index
    %get3A_7 = arith.constant 0 : index
    %get3A_8 = vector.load %arg3[%get3A_6, %get3A_7] : memref<1x80xf32, #tpu.memory_space<vmem>>, vector<1x80xf32>
    %add3A = vector.broadcast %get3A_8 : vector<1x80xf32> to vector<1000x80xf32>
    %add3A_9 = arith.addf %mul3A_5, %add3A : vector<1000x80xf32>
    %get3A_10 = arith.constant 0 : index
    %get3A_11 = arith.constant 0 : index
    %get3A_12 = vector.load %arg4[%get3A_10, %get3A_11] : memref<80x128xf32, #tpu.memory_space<vmem>>, vector<80x128xf32>
    %dot_general3A = arith.constant dense<0.000000e+00> : vector<1000x128xf32>
    %dot_general3A_13 = tpu.matmul %add3A_9, %get3A_12, %dot_general3A {dimension_numbers = #tpu.dot_dimension_numbers<[1], [0], [0], [1], [0, 0, 1, 1], [], []>, transpose_lhs_hint = false} : vector<1000x80xf32>, vector<80x128xf32>, vector<1000x128xf32> -> vector<1000x128xf32>
    %get3A_14 = arith.constant 0 : index
    %get3A_15 = arith.constant 0 : index
    %get3A_16 = vector.load %arg6[%get3A_14, %get3A_15] : memref<1x128xf32, #tpu.memory_space<vmem>>, vector<1x128xf32>
    %add3A_17 = vector.broadcast %get3A_16 : vector<1x128xf32> to vector<1000x128xf32>
    %add3A_18 = arith.addf %dot_general3A_13, %add3A_17 : vector<1000x128xf32>
    %swap3A = arith.constant 0 : index
    %swap3A_19 = arith.constant 0 : index
    %swap3A_20 = vector.load %arg7[%swap3A, %swap3A_19] : memref<1000x128xf32, #tpu.memory_space<vmem>>, vector<1000x128xf32>
    tpu.vector_store %arg7[%swap3A, %swap3A_19], %add3A_18 {strides = array<i32>} : memref<1000x128xf32, #tpu.memory_space<vmem>>, vector<1000x128xf32>,
    %get3A_21 = arith.constant 0 : index
    %get3A_22 = arith.constant 0 : index
    %get3A_23 = vector.load %arg5[%get3A_21, %get3A_22] : memref<80x128xf32, #tpu.memory_space<vmem>>, vector<80x128xf32>
    %dot_general3A_24 = arith.constant dense<0.000000e+00> : vector<1000x128xf32>
    %dot_general3A_25 = tpu.matmul %add3A_9, %get3A_23, %dot_general3A_24 {dimension_numbers = #tpu.dot_dimension_numbers<[1], [0], [0], [1], [0, 0, 1, 1], [], []>, transpose_lhs_hint = false} : vector<1000x80xf32>, vector<80x128xf32>, vector<1000x128xf32> -> vector<1000x128xf32>
    %swap3A_26 = arith.constant 0 : index
    %swap3A_27 = arith.constant 0 : index
    %swap3A_28 = vector.load %arg8[%swap3A_26, %swap3A_27] : memref<1000x128xf32, #tpu.memory_space<vmem>>, vector<1000x128xf32>
    tpu.vector_store %arg8[%swap3A_26, %swap3A_27], %dot_general3A_25 {strides = array<i32>} : memref<1000x128xf32, #tpu.memory_space<vmem>>, vector<1000x128xf32>,
    return
  }
  func.func @transform_0(%arg0: i32) -> (i32, i32) {
    %c0_i32 = arith.constant 0 : i32
    %c0_i32_0 = arith.constant 0 : i32
    return %arg0, %c0_i32 : i32, i32
  }
  func.func @transform_1(%arg0: i32) -> (i32, i32) {
    %c0_i32 = arith.constant 0 : i32
    %c0_i32_0 = arith.constant 0 : i32
    %c0_i32_1 = arith.constant 0 : i32
    return %c0_i32, %c0_i32_0 : i32, i32
  }
  func.func @transform_2(%arg0: i32) -> (i32, i32) {
    %c0_i32 = arith.constant 0 : i32
    %c0_i32_0 = arith.constant 0 : i32
    %c0_i32_1 = arith.constant 0 : i32
    return %c0_i32, %c0_i32_0 : i32, i32
  }
  func.func @transform_3(%arg0: i32) -> (i32, i32) {
    %c0_i32 = arith.constant 0 : i32
    %c0_i32_0 = arith.constant 0 : i32
    %c0_i32_1 = arith.constant 0 : i32
    return %c0_i32, %c0_i32_0 : i32, i32
  }
  func.func @transform_4(%arg0: i32) -> (i32, i32) {
    %c0_i32 = arith.constant 0 : i32
    %c0_i32_0 = arith.constant 0 : i32
    %c0_i32_1 = arith.constant 0 : i32
    return %c0_i32, %c0_i32_0 : i32, i32
  }
  func.func @transform_5(%arg0: i32) -> (i32, i32) {
    %c0_i32 = arith.constant 0 : i32
    %c0_i32_0 = arith.constant 0 : i32
    %c0_i32_1 = arith.constant 0 : i32
    return %c0_i32, %c0_i32_0 : i32, i32
  }
  func.func @transform_6(%arg0: i32) -> (i32, i32) {
    %c0_i32 = arith.constant 0 : i32
    %c0_i32_0 = arith.constant 0 : i32
    return %arg0, %c0_i32 : i32, i32
  }
  func.func @transform_7(%arg0: i32) -> (i32, i32) {
    %c0_i32 = arith.constant 0 : i32
    %c0_i32_0 = arith.constant 0 : i32
    return %arg0, %c0_i32 : i32, i32
  }
}

module attributes {stable_mosaic.version = 14 : i64} {
  func.func @_tc_edge_body(%arg0: i32, %arg1: memref<3200x128xf32, #tpu.memory_space<vmem>>, %arg2: memref<3200x128xf32, #tpu.memory_space<vmem>>, %arg3: memref<3200x16xf32, #tpu.memory_space<vmem>>, %arg4: memref<16x128xf32, #tpu.memory_space<vmem>>, %arg5: memref<1x128xf32, #tpu.memory_space<vmem>>, %arg6: memref<128x128xf32, #tpu.memory_space<vmem>>, %arg7: memref<128x128xf32, #tpu.memory_space<vmem>>, %arg8: memref<1x128xf32, #tpu.memory_space<vmem>>, %arg9: memref<1x128xf32, #tpu.memory_space<vmem>>, %arg10: memref<1x1xf32, #tpu.memory_space<vmem>>, %arg11: memref<1x1x3200xf32, #tpu.memory_space<vmem>>) attributes {dimension_semantics = [#tpu.dimension_semantics<arbitrary>], iteration_bounds = array<i64: 100>, scalar_prefetch = 0 : i64, scratch_operands = 0 : i64, tpu.core_type = #tpu.core_type<tc>, window_params = [{transform_indices = @transform_0, window_bounds = array<i64: 3200, 128>}, {transform_indices = @transform_1, window_bounds = array<i64: 3200, 128>}, {transform_indices = @transform_2, window_bounds = array<i64: 3200, 16>}, {pipeline_mode = #tpu.pipeline_mode<synchronous>, transform_indices = @transform_3, window_bounds = array<i64: 16, 128>}, {pipeline_mode = #tpu.pipeline_mode<synchronous>, transform_indices = @transform_4, window_bounds = array<i64: 1, 128>}, {pipeline_mode = #tpu.pipeline_mode<synchronous>, transform_indices = @transform_5, window_bounds = array<i64: 128, 128>}, {pipeline_mode = #tpu.pipeline_mode<synchronous>, transform_indices = @transform_6, window_bounds = array<i64: 128, 128>}, {pipeline_mode = #tpu.pipeline_mode<synchronous>, transform_indices = @transform_7, window_bounds = array<i64: 1, 128>}, {pipeline_mode = #tpu.pipeline_mode<synchronous>, transform_indices = @transform_8, window_bounds = array<i64: 1, 128>}, {pipeline_mode = #tpu.pipeline_mode<synchronous>, transform_indices = @transform_9, window_bounds = array<i64: 1, 1>}, {transform_indices = @transform_10, window_bounds = array<i64: 1, 1, 3200>}]} {
    %get3A = arith.constant 0 : index
    %get3A_0 = arith.constant 0 : index
    %get3A_1 = vector.load %arg1[%get3A, %get3A_0] : memref<3200x128xf32, #tpu.memory_space<vmem>>, vector<3200x128xf32>
    %get3A_2 = arith.constant 0 : index
    %get3A_3 = arith.constant 0 : index
    %get3A_4 = vector.load %arg2[%get3A_2, %get3A_3] : memref<3200x128xf32, #tpu.memory_space<vmem>>, vector<3200x128xf32>
    %add3A = arith.addf %get3A_1, %get3A_4 : vector<3200x128xf32>
    %tanh3A = math.tanh %add3A : vector<3200x128xf32>
    %get3A_5 = arith.constant 0 : index
    %get3A_6 = arith.constant 0 : index
    %get3A_7 = vector.load %arg3[%get3A_5, %get3A_6] : memref<3200x16xf32, #tpu.memory_space<vmem>>, vector<3200x16xf32>
    %get3A_8 = arith.constant 0 : index
    %get3A_9 = arith.constant 0 : index
    %get3A_10 = vector.load %arg4[%get3A_8, %get3A_9] : memref<16x128xf32, #tpu.memory_space<vmem>>, vector<16x128xf32>
    %dot_general3A = arith.constant dense<0.000000e+00> : vector<3200x128xf32>
    %dot_general3A_11 = tpu.matmul %get3A_7, %get3A_10, %dot_general3A {dimension_numbers = #tpu.dot_dimension_numbers<[1], [0], [0], [1], [0, 0, 1, 1], [], []>, transpose_lhs_hint = false} : vector<3200x16xf32>, vector<16x128xf32>, vector<3200x128xf32> -> vector<3200x128xf32>
    %get3A_12 = arith.constant 0 : index
    %get3A_13 = arith.constant 0 : index
    %get3A_14 = vector.load %arg5[%get3A_12, %get3A_13] : memref<1x128xf32, #tpu.memory_space<vmem>>, vector<1x128xf32>
    %add3A_15 = vector.broadcast %get3A_14 : vector<1x128xf32> to vector<3200x128xf32>
    %add3A_16 = arith.addf %dot_general3A_11, %add3A_15 : vector<3200x128xf32>
    %tanh3A_17 = math.tanh %add3A_16 : vector<3200x128xf32>
    %get3A_18 = arith.constant 0 : index
    %get3A_19 = arith.constant 0 : index
    %get3A_20 = vector.load %arg6[%get3A_18, %get3A_19] : memref<128x128xf32, #tpu.memory_space<vmem>>, vector<128x128xf32>
    %dot_general3A_21 = arith.constant dense<0.000000e+00> : vector<3200x128xf32>
    %dot_general3A_22 = tpu.matmul %tanh3A, %get3A_20, %dot_general3A_21 {dimension_numbers = #tpu.dot_dimension_numbers<[1], [0], [0], [1], [0, 0, 1, 1], [], []>, transpose_lhs_hint = false} : vector<3200x128xf32>, vector<128x128xf32>, vector<3200x128xf32> -> vector<3200x128xf32>
    %get3A_23 = arith.constant 0 : index
    %get3A_24 = arith.constant 0 : index
    %get3A_25 = vector.load %arg7[%get3A_23, %get3A_24] : memref<128x128xf32, #tpu.memory_space<vmem>>, vector<128x128xf32>
    %dot_general3A_26 = arith.constant dense<0.000000e+00> : vector<3200x128xf32>
    %dot_general3A_27 = tpu.matmul %tanh3A_17, %get3A_25, %dot_general3A_26 {dimension_numbers = #tpu.dot_dimension_numbers<[1], [0], [0], [1], [0, 0, 1, 1], [], []>, transpose_lhs_hint = false} : vector<3200x128xf32>, vector<128x128xf32>, vector<3200x128xf32> -> vector<3200x128xf32>
    %add3A_28 = arith.addf %dot_general3A_22, %dot_general3A_27 : vector<3200x128xf32>
    %get3A_29 = arith.constant 0 : index
    %get3A_30 = arith.constant 0 : index
    %get3A_31 = vector.load %arg8[%get3A_29, %get3A_30] : memref<1x128xf32, #tpu.memory_space<vmem>>, vector<1x128xf32>
    %add3A_32 = vector.broadcast %get3A_31 : vector<1x128xf32> to vector<3200x128xf32>
    %add3A_33 = arith.addf %add3A_28, %add3A_32 : vector<3200x128xf32>
    %tanh3A_34 = math.tanh %add3A_33 : vector<3200x128xf32>
    %get3A_35 = arith.constant 0 : index
    %get3A_36 = arith.constant 0 : index
    %get3A_37 = vector.load %arg9[%get3A_35, %get3A_36] : memref<1x128xf32, #tpu.memory_space<vmem>>, vector<1x128xf32>
    %dot_general3A_38 = arith.constant dense<0.000000e+00> : vector<1x3200xf32>
    %dot_general3A_39 = tpu.matmul %get3A_37, %tanh3A_34, %dot_general3A_38 {dimension_numbers = #tpu.dot_dimension_numbers<[1], [1], [0], [0], [0, 0, 1, 0], [], []>, transpose_lhs_hint = false} : vector<1x128xf32>, vector<3200x128xf32>, vector<1x3200xf32> -> vector<1x3200xf32>
    %get3A_40 = arith.constant 0 : index
    %get3A_41 = arith.constant 0 : index
    %get3A_42 = vector.load %arg10[%get3A_40, %get3A_41] : memref<1x1xf32, #tpu.memory_space<vmem>>, vector<1x1xf32>
    %add3A_43 = vector.broadcast %get3A_42 : vector<1x1xf32> to vector<1x3200xf32>
    %add3A_44 = arith.addf %dot_general3A_39, %add3A_43 : vector<1x3200xf32>
    %broadcast_in_dim3A = vector.shape_cast %add3A_44 : vector<1x3200xf32> to vector<1x1x3200xf32>
    %swap3A = arith.constant 0 : index
    %swap3A_45 = arith.constant 0 : index
    %swap3A_46 = arith.constant 0 : index
    %swap3A_47 = vector.load %arg11[%swap3A, %swap3A_45, %swap3A_46] : memref<1x1x3200xf32, #tpu.memory_space<vmem>>, vector<1x1x3200xf32>
    tpu.vector_store %arg11[%swap3A, %swap3A_45, %swap3A_46], %broadcast_in_dim3A {strides = array<i32>} : memref<1x1x3200xf32, #tpu.memory_space<vmem>>, vector<1x1x3200xf32>,
    return
  }
  func.func @transform_0(%arg0: i32) -> (i32, i32) {
    %c0_i32 = arith.constant 0 : i32
    %c0_i32_0 = arith.constant 0 : i32
    return %arg0, %c0_i32 : i32, i32
  }
  func.func @transform_1(%arg0: i32) -> (i32, i32) {
    %c0_i32 = arith.constant 0 : i32
    %c0_i32_0 = arith.constant 0 : i32
    return %arg0, %c0_i32 : i32, i32
  }
  func.func @transform_2(%arg0: i32) -> (i32, i32) {
    %c0_i32 = arith.constant 0 : i32
    %c0_i32_0 = arith.constant 0 : i32
    return %arg0, %c0_i32 : i32, i32
  }
  func.func @transform_3(%arg0: i32) -> (i32, i32) {
    %c0_i32 = arith.constant 0 : i32
    %c0_i32_0 = arith.constant 0 : i32
    %c0_i32_1 = arith.constant 0 : i32
    return %c0_i32, %c0_i32_0 : i32, i32
  }
  func.func @transform_4(%arg0: i32) -> (i32, i32) {
    %c0_i32 = arith.constant 0 : i32
    %c0_i32_0 = arith.constant 0 : i32
    %c0_i32_1 = arith.constant 0 : i32
    return %c0_i32, %c0_i32_0 : i32, i32
  }
  func.func @transform_5(%arg0: i32) -> (i32, i32) {
    %c0_i32 = arith.constant 0 : i32
    %c0_i32_0 = arith.constant 0 : i32
    %c0_i32_1 = arith.constant 0 : i32
    return %c0_i32, %c0_i32_0 : i32, i32
  }
  func.func @transform_6(%arg0: i32) -> (i32, i32) {
    %c0_i32 = arith.constant 0 : i32
    %c0_i32_0 = arith.constant 0 : i32
    %c0_i32_1 = arith.constant 0 : i32
    return %c0_i32, %c0_i32_0 : i32, i32
  }
  func.func @transform_7(%arg0: i32) -> (i32, i32) {
    %c0_i32 = arith.constant 0 : i32
    %c0_i32_0 = arith.constant 0 : i32
    %c0_i32_1 = arith.constant 0 : i32
    return %c0_i32, %c0_i32_0 : i32, i32
  }
  func.func @transform_8(%arg0: i32) -> (i32, i32) {
    %c0_i32 = arith.constant 0 : i32
    %c0_i32_0 = arith.constant 0 : i32
    %c0_i32_1 = arith.constant 0 : i32
    return %c0_i32, %c0_i32_0 : i32, i32
  }
  func.func @transform_9(%arg0: i32) -> (i32, i32) {
    %c0_i32 = arith.constant 0 : i32
    %c0_i32_0 = arith.constant 0 : i32
    %c0_i32_1 = arith.constant 0 : i32
    return %c0_i32, %c0_i32_0 : i32, i32
  }
  func.func @transform_10(%arg0: i32) -> (i32, i32, i32) {
    %c0_i32 = arith.constant 0 : i32
    %c0_i32_0 = arith.constant 0 : i32
    %c0_i32_1 = arith.constant 0 : i32
    return %arg0, %c0_i32, %c0_i32_0 : i32, i32, i32
  }
}

</mosaic_0001>

<sc_bundles>
// kernel: kernel.16.cloned.1.call-start
scs
__scs_entry_jumppad:
0x0: {  	(pc) =	sbr.rel $0x88, $3  }
0x1: {  	(tag) =	ssettag $0x0;
	lr =	simm.s32 $0x1  }
0x2: {  	[smem:$0x3F8B] =	sst lr;
	_ =	strace $0xD0000000  }
0x3: {  	_ = 	snop  }
0x4: {  	_ = 	snop  }
0x5: {  	_ = 	snop  }
0x6: {  	_ = 	snop  }
0x7: {  	_ = 	snop  }
__scs_overlays_trampoline_lowered:
0x8: {  	[smem:$0x3F9A] =	sst s0  }
0x9: {  	[smem:$0x3F9B] =	sst s1  }
0xa: {  	[smem:$0x3F9C] =	sst s2  }
0xb: {  	[smem:$0x3F9D] =	sst s3  }
0xc: {  	[smem:$0x3F9E] =	sst s4  }
0xd: {  	[smem:$0x3F9F] =	sst s5  }
0xe: {  	[smem:$0x3FA0] =	sst s6  }
0xf: {  	[smem:$0x3FA1] =	sst s7  }
0x10: {  	[smem:$0x3FA2] =	sst s8  }
0x11: {  	[smem:$0x3FA3] =	sst s9;
	s0 =	simm.s32 @!p0 $0x0  }
0x12: {  	s1 =	sld [smem:$0x3F89];
	s0 =	simm.s32 @p0 $0x1  }
0x13: {  	[smem:$0x3FA4] =	sst s0;
	s0 =	simm.s32 @!p1 $0x0  }
0x14: {  	s2 =	sld [smem:$0x3F88];
	s0 =	simm.s32 @p1 $0x1  }
0x15: {  	[smem:$0x3FA5] =	sst s0;
	s0 =	simm.s32 @!p2 $0x0  }
0x16: {  	s3 =	sld [smem:$0x3FDB];
	s0 =	simm.s32 @p2 $0x1  }
0x17: {  	s4 =	simm.s32 $0x1BF5;
	[smem:$0x3FA7] =	sst s0  }
0x18: {  	s0 =	sld [smem:$0x3F8A];
	_ =	swait.ge [sflag:s4], $0x0  }
0x19: {  	s7 =	sld [smem:$0x3F8B]  }
0x1a: {  	s8 =	sadd.s32 $0xFFFFE003, lr  }
0x1b: {  	s9 =	sadd.s32 $0xFFFFFEF7, lr;
	s5 =	simm.s32 $0xFFFFFFFF;
	p2 =	slt.u32 s8, $0xFFFFF086  }
0x1c: {  	p1 =	slt.u32 s9, $0xF7A;
	s5 =	simm.s32 @!p2 $0x0  }
0x1d: {  	s5 =	simm.s32 @p1 $0x1;
	p0 =	seq.s32 s7, s2  }
0x1e: {  	s7 =	smul.u32 @!p0 $0xF7A, s2;
	p2 =	seq.s32 @!p0 s5, $0x0  }
0x1f: {  	s9 =	smul.u32 $0xF7A, s1;
	s8 =	simm.s32 @!p0 $0x1BF5;
	p2 =	por !p2, p0  }
0x20: {  	[sflag:s8] =	ssyncset.s32 @!p0 $0xFFFFF086;
	s6 =	sadd.s32 @!p0 s3, s7;
	s7 =	simm.s32 @!p0 $0x108  }
0x21: {  	s3 =	sadd.s32 s3, s9;
	s6 =	sadd.s32 @!p0 $0x88, s6;
	s7 =	simm.s32 @p2 $0x1082  }
0x22: {  	[simem:s7], [sflag:s8] =	dma.local @!p0 [hbm:s6], $0xF7A  }
0x23: {  	s9 =	sor.u32 $0xD0000000, s2;
	s6 =	simm.s32 $0x108;
	_ =	swait.ge @!p0 [sflag:s8], $0x0  }
0x24: {  	s3 =	sadd.s32 $0x88, s3;
	s6 =	simm.s32 @!p1 $0x1082;
	[sflag:s4] =	ssyncset.s32 $0xFFFFF086  }
0x25: {  	[simem:s6], [sflag:s4] =	dma.local [hbm:s3], $0xF7A  }
0x26: {  	[smem:$0x3F8B] =	sst s1;
	(tag) =	ssettag s2;
	_ =	strace s9  }
0x27: {  	s1 =	sld [smem:$0x3F9B]  }
0x28: {  	s2 =	sld [smem:$0x3F9C]  }
0x29: {  	s4 =	sld [smem:$0x3F9E]  }
0x2a: {  	p0 =	seq.s32 s5, $0x0;
	s5 =	sld [smem:$0x3F9F]  }
0x2b: {  	s6 =	sld [smem:$0x3FA0]  }
0x2c: {  	s7 =	sld [smem:$0x3FA1]  }
0x2d: {  	s3 =	simm.s32 $0x108;
	s8 =	sld [smem:$0x3FA2]  }
0x2e: {  	s3 =	simm.s32 @!p0 $0x1082;
	s9 =	sld [smem:$0x3FA3]  }
0x2f: {  	lr =	sadd.s32 s0, s3;
	s0 =	sld [smem:$0x3F9A]  }
0x30: {  	s3 =	sld [smem:$0x3F9D]  }
0x31: {  	[smem:$0x3FA6] =	sst s10  }
0x32: {  	s10 =	sld [smem:$0x3FA4];
	_ =	sdelay $0x3  }
0x33: {  	p0 =	seq.s32 s10, $0x1;
	s10 =	sld [smem:$0x3FA6];
	_ =	sdelay $0x3  }
0x34: {  	[smem:$0x3FA6] =	sst s10  }
0x35: {  	s10 =	sld [smem:$0x3FA5];
	_ =	sdelay $0x3  }
0x36: {  	p1 =	seq.s32 s10, $0x1;
	s10 =	sld [smem:$0x3FA6];
	_ =	sdelay $0x3  }
0x37: {  	[smem:$0x3FA6] =	sst s10  }
0x38: {  	s10 =	sld [smem:$0x3FA7]  }
0x39: {  	_ = 	snop;
	(pc) =	sbr.ind lr, $3  }
0x3a: {  	_ = 	snop  }
0x3b: {  	_ = 	snop  }
0x3c: {  	p2 =	seq.s32 s10, $0x1;
	s10 =	sld [smem:$0x3FA6]  }
0x3d: {  	_ =	shalt  }
0x3e: {  	_ =	shalt  }
0x3f: {  	_ =	shalt  }
0x40: {  	_ =	shalt  }
0x41: {  	_ =	shalt  }
0x42: {  	_ =	shalt  }
0x43: {  	_ =	shalt  }
0x44: {  	_ =	shalt  }
0x45: {  	_ =	shalt  }
0x46: {  	_ =	shalt  }
0x47: {  	_ =	shalt  }
0x48: {  	_ =	shalt  }
0x49: {  	_ =	shalt  }
0x4a: {  	_ =	shalt  }
0x4b: {  	_ =	shalt  }
0x4c: {  	_ =	shalt  }
0x4d: {  	_ =	shalt  }
0x4e: {  	_ =	shalt  }
0x4f: {  	_ =	shalt  }
0x50: {  	_ =	shalt  }
0x51: {  	_ =	shalt  }
0x52: {  	_ =	shalt  }
0x53: {  	_ =	shalt  }
0x54: {  	_ =	shalt  }
0x55: {  	_ =	shalt  }
0x56: {  	_ =	shalt  }
0x57: {  	_ =	shalt  }
0x58: {  	_ =	shalt  }
0x59: {  	_ =	shalt  }
0x5a: {  	_ =	shalt  }
0x5b: {  	_ =	shalt  }
0x5c: {  	_ =	shalt  }
0x5d: {  	_ =	shalt  }
0x5e: {  	_ =	shalt  }
0x5f: {  	_ =	shalt  }
0x60: {  	_ =	shalt  }
0x61: {  	_ =	shalt  }
0x62: {  	_ =	shalt  }
0x63: {  	_ =	shalt  }
0x64: {  	_ =	shalt  }
0x65: {  	_ =	shalt  }
0x66: {  	_ =	shalt  }
0x67: {  	_ =	shalt  }
0x68: {  	_ =	shalt  }
0x69: {  	_ =	shalt  }
0x6a: {  	_ =	shalt  }
0x6b: {  	_ =	shalt  }
0x6c: {  	_ =	shalt  }
0x6d: {  	_ =	shalt  }
0x6e: {  	_ =	shalt  }
0x6f: {  	_ =	shalt  }
0x70: {  	_ =	shalt  }
0x71: {  	_ =	shalt  }
0x72: {  	_ =	shalt  }
0x73: {  	_ =	shalt  }
0x74: {  	_ =	shalt  }
0x75: {  	_ =	shalt  }
0x76: {  	_ =	shalt  }
0x77: {  	_ =	shalt  }
0x78: {  	_ =	shalt  }
0x79: {  	_ =	shalt  }
0x7a: {  	_ =	shalt  }
0x7b: {  	_ =	shalt  }
0x7c: {  	_ =	shalt  }
0x7d: {  	_ =	shalt  }
0x7e: {  	_ =	shalt  }
0x7f: {  	_ =	shalt  }
0x80: {  	_ =	shalt  }
0x81: {  	_ =	shalt  }
0x82: {  	_ =	shalt  }
0x83: {  	_ =	shalt  }
0x84: {  	_ =	shalt  }
0x85: {  	_ =	shalt  }
0x86: {  	_ =	shalt  }
0x87: {  	_ =	shalt  }
.Lfunc_end0:
.L_simem_size_0:
called_computation_lowered:
.L_overlay_start_0:
0x88: {  	s2 =	sld [smem:$0x3FD9]  }
0x89: {  	s3 =	sld [smem:$0x3FFE];
	_ =	sdelay $0x1  }
0x8a: {  	s1 =	srdreg.scid  }
0x8b: {  	s0 =	sand.u32 $0x1, s1  }
0x8c: {  	s17 =	sshll.u32 s0, $0xA;
	s2 =	sadd.s32 s3, s2  }
0x8d: {  	s2 =	sadd.s32 s2, s17  }
0x8e: {  	[smem:$0x3FB2] =	sst s2  }
0x8f: {  	_ = 	snop  }
0x90: {  	s2 =	sld [smem:$0x3FD0];
	(tm) =	ssettm $0x1  }
0x91: {  	s18 =	sld [smem:$0x3FFB];
	_ =	sdelay $0x3  }
0x92: {  	_ =	strace s18  }
0x93: {  	s3 =	sld [smem:$0x3FFC];
	_ =	sdelay $0x3  }
0x94: {  	_ =	strace s3  }
0x95: {  	s3 =	sld [smem:$0x3FFD];
	_ =	sdelay $0x3  }
0x96: {  	_ =	strace s3  }
0x97: {  	_ =	strace $0x8FFFFFFF  }
0x98: {  	s19 =	sld [smem:$0x3FDB];
	_ =	sdelay $0x1  }
0x99: {  	s4 =	simm.s32 $_scs_section_size  }
0x9a: {  	s5 =	simm.s32 $_size__tile_overlayer_lowered;
	s6 =	simm.s32 $_tile_overlayer_lowered  }
0x9b: {  	s22 =	simm.s32 $0x1BFF;
	s21 =	sshll.u32 s6, $0x1;
	s3 =	sadd.s32 s4, s19  }
0x9c: {  	s7 =	simm.s32 $0x0;
	s20 =	sshll.u32 s5, $0x1;
	s5 =	sadd.s32 s21, s3  }
0x9d: {  	[timem:s7], [sflag:s22] =	dma.local [hbm:s5], s20  }
0x9e: {  	_ =	swait.ge [sflag:s22], s20  }
0x9f: {  	s4 =	ssub.s32 $0x0, s20;
	[sflag:s22] =	ssyncset.done $0x0  }
0xa0: {  	[sflag:s22] =	ssyncadd.s32 s4;
	_ =	sdelay $0x1  }
0xa1: {  	s23 =	simm.s32 $0x1B8B  }
0xa2: {  	_ =	swait.ge [sflag:s23], $0x1  }
0xa3: {  	[sflag:s23] =	ssyncset.done $0x0  }
0xa4: {  	s25 =	simm.s32 $0x1B8E;
	s24 =	sld [smem:$0x3FFE];
	[sflag:s23] =	ssyncadd.s32 $0xFFFFFFFF  }
0xa5: {  	s26 =	simm.s32 $execute0_lowered;
	[smem:$0x3FD2] =	sst s25  }
0xa6: {  	s5 =	sshll.u32 s26, $0x1;
	_ =	strace $0x80000046;
	[dreg:$0x1] =	wrdreg $0xFFFFFFFF  }
0xa7: {  	s28 =	simm.s32 $_size_execute0_lowered;
	s3 =	sadd.s32 s3, s5;
	[dreg:$0x0] =	wrdreg $0x0  }
0xa8: {  	s5 =	sshll.u32 s28, $0x1;
	[dreg:$0x2] =	wrdreg s3  }
0xa9: {  	[dreg:$0x3] =	wrdreg s5  }
0xaa: {  	[dreg:$0x4] =	wrdreg $0xC0  }
0xab: {  	_ =	task [dreg:s7], $0x5FFFF  }
0xac: {  	[dreg:$0x1] =	wrdreg $0xFFFFFFFF  }
0xad: {  	[dreg:$0x0] =	wrdreg $0x60  }
0xae: {  	[dreg:$0x2] =	wrdreg s24  }
0xaf: {  	[dreg:$0x3] =	wrdreg s2  }
0xb0: {  	[dreg:$0x4] =	wrdreg $0x2B600  }
0xb1: {  	[dreg:$0x5] =	wrdreg $0x9  }
0xb2: {  	_ =	task.clear_ibuf [dreg:s7], $0x6FFFF;
	_ =	strace $0x90000046  }
0xb3: {  	s29 =	simm.s32 $0x9;
	_ =	strace $0x80000048  }
0xb4: {  	_ =	swait.ge [sflag:s29], $0x1  }
0xb5: {  	[sflag:s29] =	ssyncadd.s32 $0xFFFFFFFF  }
0xb6: {  	_ =	strace $0x90000048  }
0xb7: {  	_ =	sfence  }
0xb8: {  	s30 =	sld [smem:$0x0];
	_ =	sdelay $0x2  }
0xb9: {  	s31 =	sshll.u32 s1, $0xD;
	s1 =	sshrl.u32 s1, $0x2  }
0xba: {  	s3 =	sand.u32 $0x4000, s31;
	s1 =	sadd.s32 s1, s30  }
0xbb: {  	s0 =	sor.u32 s3, s0;
	s1 =	sshll.u32 s1, $0x11  }
0xbc: {  	s0 =	sor.u32 s1, s0  }
0xbd: {  	s0 =	sadd.s32 $0x8F2B, s0  }
0xbe: {  	[sflag:s0] =	ssyncadd.remote.s32 $0x1  }
0xbf: {  	_ =	sfence.sel $0xFFFF  }
0xc0: {  	[dreg:$0x0] =	wrdreg $0xFFFFFFFF;
	(pc) =	sbr.abs _section_cstart, $3  }
0xc1: {  	[dreg:$0x1] =	wrdreg $0xFFFFFFFF  }
0xc2: {  	_ =	task.clear_ibuf [dreg:s7], $0x2FFFF;
	_ =	strace $0x9FFFFFFF  }
0xc3: {  	(tm) =	ssettm $0x7FFFFFFF  }
tec
execute0_lowered:
.L_overlay_start_1:
0x0: {  	(tag) =	ssettag $0x1  }
0x1: {  	s4 =	rddreg [dreg:$0x0];
	s1 =	srdreg.scid  }
0x2: {  	s0 =	stileid.u32;
	s6 =	rddreg [dreg:$0x1]  }
0x3: {  	s2 =	rddreg [dreg:$0x2];
	s3 =	simm.s32 $0x0;
	s11 =	sand.u32 $0x1, s1  }
0x4: {  	s31 =	sshll.u32 s0, $0x1;
	s1 =	rddreg [dreg:$0x3];
	s7 =	smul.u32 $0xFA0, s0  }
0x5: {  	[smem:$0x7FF] =	sst s3;
	s8 =	smul.u32 $0x7D, s0;
	p0 =	sgt.u32 s0, $0x9  }
0x6: {  	s5 =	sor.u32 s11, s31;
	_ =	strace $0x80000047;
	s9 =	ssub.s32 $0x2, s11  }
0x7: {  	p2 =	seq.s32 s11, $0x1;
	p1 =	sne.s32 @!p0 s11, $0x0;
	s11 =	simm.s32 $0x2710  }
0x8: {  	s5 =	smul.u32 $0x4E2, s5;
	s10 =	sshrl.u32 s9, $0x1;
	s7 =	sshrl.u32 s7, $0x2  }
0x9: {  	s12 =	sadd.s32 s8, s4;
	s6 =	sadd.s32 s6, s8;
	p1 =	por p1, p0  }
0xa: {  	p2 =	por !p2, p0;
	s9 =	ssub.s32 s9, s10;
	s10 =	simm.s32 $0x50  }
0xb: {  	s5 =	sadd.s32 s5, s4;
	s4 =	sadd.s32 s7, s2;
	s7 =	sadd.s32 $0x1A200, s12  }
0xc: {  	v0 =	vimm.f32 $1.000000000e+00;
	v1 =	vimm.f32 $0.0e+00;
	s8 =	smax.u32 s9, $0x1;
	s9 =	simm.s32 $0x1;
	s5 =	sadd.s32 $0x10400, s5  }
.LBB2_1:
0xd: {  	[tilespmem:$0x2710] =	vst v0  }
0xe: {  	[tilespmem:$0x2720] =	vst v0  }
0xf: {  	[tilespmem:$0x2730] =	vst v0  }
0x10: {  	[tilespmem:$0x2740] =	vst v0  }
0x11: {  	[tilespmem:$0x2750] =	vst v0;
	s12 =	simm.s32 $0x40;
	s13 =	simm.s32 $0x0  }
.LBB2_2:
0x12: {  	p3 =	sne.s32 s12, $0xFC0;
	[tilespmem:s13+$0x2760] =	vst v1;
	s13 =	smov.u32 s12;
	s12 =	sadd.s32 $0x40, s12  }
.Ltmp0:
0x13: {  	(pc) =	sbr.rel @p3 .LBB2_2-.Ltmp0, $2  }
0x14: {  	_ =	sdelay $0x2  }
0x15: {  	s13 =	sshra.s32 s13, $0x2  }
0x16: {  	[tilespmem:s13+$0x2760] =	vst v1;
	s12 =	simm.s32 @!p0 $0x2760  }
0x17: {  	[spmem:s4] =	stream.linear.scatter @!p0 [tilespmem:s12], [sflag:$0x1], $0x3E8, $0x38;
	[tilespmem:$0x2DD8] =	vst v63  }
0x18: {  	s12 =	simm.s32 @!p0 $0x1  }
0x19: {  	_ =	swait.ge @!p0 [sflag:s12], $0x3E8  }
0x1a: {  	[sflag:s12] =	ssyncset.done @!p0 $0x0  }
0x1b: {  	[sflag:s12] =	ssyncadd.s32 @!p0 $0xFFFFFC18  }
0x1c: {  	s30 =	simm.s32 $0x0;
	[bflag:$0x0] =	sbarrier.arrive $0xFFFF  }
0x1d: {  	[tilespmem:s30], [sflag:$0x1] =	stream.linear.gather [hbm4b:s5+s30], $0x2710, $0x38;
	[tilespmem:$0x2DD8] =	vst v63  }
0x1e: {  	_ =	swait.ge [sflag:s9], $0x2710  }
0x1f: {  	[sflag:s9] =	ssyncset.done $0x0  }
0x20: {  	s31 =	simm.s32 $0x0;
	[sflag:s9] =	ssyncadd.s32 $0xFFFFD8F0  }
0x21: {  	[spmem:s2] =	stream.indirect.scatter.add.f32 [tilespmem:s11], [sflag:$0x1], $0x1, s31, s10, $0xb8;
	[tilespmem:$0x2DD8] =	vst v63  }
0x22: {  	_ =	swait.ge [sflag:s9], $0x50  }
0x23: {  	s12 =	simm.s32 $0x140;
	[sflag:s9] =	ssyncset.done $0x0  }
.LBB2_4:
0x24: {  	s13 =	sshra.s32 s12, $0x2;
	[sflag:s9] =	ssyncadd.s32 $0xFFFFFFB0;
	p3 =	sne.s32 s12, $0x9B00  }
0x25: {  	[spmem:s2] =	stream.indirect.scatter.add.f32 [tilespmem:s11], [sflag:$0x1], $0x1, s13, s10, $0xb8;
	[tilespmem:$0x2DD8] =	vst v63  }
.Ltmp1:
0x26: {  	_ = 	snop;
	(pc) =	sbr.rel @p3 .LBB2_4-.Ltmp1, $4  }
0x27: {  	_ = 	snop  }
0x28: {  	s12 =	sadd.s32 $0x140, s12  }
0x29: {  	_ =	swait.ge [sflag:s9], $0x50  }
0x2a: {  	[sflag:s9] =	ssyncset.done $0x0  }
0x2b: {  	[sflag:s9] =	ssyncadd.s32 $0xFFFFFFB0  }
0x2c: {  	s12 =	simm.s32 @!p0 $0x2760;
	[bflag:$0x0] =	sbarrier.arrive $0xFFFF  }
0x2d: {  	[tilespmem:s12], [sflag:$0x1] =	stream.linear.gather @!p0 [spmem:s4], $0x3E8, $0x38;
	[tilespmem:$0x2DD8] =	vst v63  }
0x2e: {  	s12 =	simm.s32 @!p0 $0x1  }
0x2f: {  	_ =	swait.ge @!p0 [sflag:s12], $0x3E8  }
0x30: {  	[sflag:s12] =	ssyncset.done @!p0 $0x0  }
0x31: {  	s13 =	simm.s32 @!p1 $0x2760;
	[sflag:s12] =	ssyncadd.s32 @!p0 $0xFFFFFC18;
	s12 =	simm.s32 @!p1 $0x0  }
0x32: {  	[hbm4b:s6+s12] =	stream.linear.scatter @!p1 [tilespmem:s13], [sflag:$0x1], $0x3E8, $0x38;
	[tilespmem:$0x2DD8] =	vst v63  }
0x33: {  	s12 =	simm.s32 @!p1 $0x1  }
0x34: {  	s3 =	sadd.s32 $0x1, s3;
	_ =	swait.ge @!p1 [sflag:s12], $0x3E8  }
0x35: {  	p3 =	sne.s32 s3, s8;
	[sflag:s12] =	ssyncset.done @!p1 $0x0  }
0x36: {  	s13 =	simm.s32 @!p2 $0x2760;
	[sflag:s12] =	ssyncadd.s32 @!p1 $0xFFFFFC18;
	s12 =	simm.s32 @!p2 $0x0  }
0x37: {  	[hbm4b:s7+s12] =	stream.linear.scatter @!p2 [tilespmem:s13], [sflag:$0x1], $0x3E8, $0x38;
	[tilespmem:$0x2DD8] =	vst v63  }
.Ltmp2:
0x38: {  	_ = 	snop;
	(pc) =	sbr.rel @p3 .LBB2_1-.Ltmp2, $4  }
0x39: {  	s12 =	simm.s32 @!p2 $0x1  }
0x3a: {  	_ =	swait.ge @!p2 [sflag:s12], $0x3E8  }
0x3b: {  	[sflag:s12] =	ssyncset.done @!p2 $0x0  }
0x3c: {  	[sflag:s12] =	ssyncadd.s32 @!p2 $0xFFFFFC18  }
0x3d: {  	_ =	sfence.sel $0x180000  }
0x3e: {  	[bflag:$0x0] =	sbarrier.arrive $0xFFFF  }
0x3f: {  	p0 =	sne.s32 s0, $0x0;
	_ =	strace $0x90000047  }
0x40: {  	s0 =	sadd.s32 @!p0 $0x100000, s1;
	[bflag:$0x2] =	sbarrier.arrive $0xFFFF  }
0x41: {  	[sflag:s0] =	ssyncadd.tile.s32 @!p0 $0x1;
	_ =	shalt  }
.Lfunc_end2:
_tile_overlayer_lowered:
.L_overlay_start_2:
0x42: {  	(tag) =	ssettag $0x2  }
0x43: {  	s0 =	rddreg [dreg:$0x0];
	s2 =	stileid.u32  }
0x44: {  	s1 =	rddreg [dreg:$0x1];
	p0 =	sne.s32 s2, $0x0  }
0x45: {  	s3 =	rddreg [dreg:$0x2];
	[bflag:$0x3] =	sbarrier.arrive $0xFFFF;
	s2 =	simm.s32 @!p0 $0x1C01  }
0x46: {  	[timem:s3], [sflag:s2] =	dma.local @!p0 [hbm:s0], s1  }
0x47: {  	s0 =	simm.s32 @!p0 $0x1  }
0x48: {  	_ =	swait.ge @!p0 [sflag:s0], s1  }
0x49: {  	s1 =	ssub.s32 @!p0 $0x0, s1;
	[sflag:s0] =	ssyncset.done @!p0 $0x0  }
0x4a: {  	[sflag:s0] =	ssyncadd.s32 @!p0 s1  }
0x4b: {  	[bflag:$0x3] =	sbarrier.arrive $0xFFFF  }
0x4c: {  	_ =	shalt  }

// kernel: kernel.19.cloned.1.call-start
scs
__scs_entry_jumppad:
0x0: {  	(pc) =	sbr.rel $0x88, $3  }
0x1: {  	(tag) =	ssettag $0x0;
	lr =	simm.s32 $0x1  }
0x2: {  	[smem:$0x3F8B] =	sst lr;
	_ =	strace $0xD0000000  }
0x3: {  	_ = 	snop  }
0x4: {  	_ = 	snop  }
0x5: {  	_ = 	snop  }
0x6: {  	_ = 	snop  }
0x7: {  	_ = 	snop  }
__scs_overlays_trampoline_lowered:
0x8: {  	[smem:$0x3F9A] =	sst s0  }
0x9: {  	[smem:$0x3F9B] =	sst s1  }
0xa: {  	[smem:$0x3F9C] =	sst s2  }
0xb: {  	[smem:$0x3F9D] =	sst s3  }
0xc: {  	[smem:$0x3F9E] =	sst s4  }
0xd: {  	[smem:$0x3F9F] =	sst s5  }
0xe: {  	[smem:$0x3FA0] =	sst s6  }
0xf: {  	[smem:$0x3FA1] =	sst s7  }
0x10: {  	[smem:$0x3FA2] =	sst s8  }
0x11: {  	[smem:$0x3FA3] =	sst s9;
	s0 =	simm.s32 @!p0 $0x0  }
0x12: {  	s1 =	sld [smem:$0x3F89];
	s0 =	simm.s32 @p0 $0x1  }
0x13: {  	[smem:$0x3FA4] =	sst s0;
	s0 =	simm.s32 @!p1 $0x0  }
0x14: {  	s2 =	sld [smem:$0x3F88];
	s0 =	simm.s32 @p1 $0x1  }
0x15: {  	[smem:$0x3FA5] =	sst s0;
	s0 =	simm.s32 @!p2 $0x0  }
0x16: {  	s3 =	sld [smem:$0x3FDB];
	s0 =	simm.s32 @p2 $0x1  }
0x17: {  	s4 =	simm.s32 $0x1BF5;
	[smem:$0x3FA7] =	sst s0  }
0x18: {  	s0 =	sld [smem:$0x3F8A];
	_ =	swait.ge [sflag:s4], $0x0  }
0x19: {  	s7 =	sld [smem:$0x3F8B]  }
0x1a: {  	s8 =	sadd.s32 $0xFFFFE003, lr  }
0x1b: {  	s9 =	sadd.s32 $0xFFFFFEF7, lr;
	s5 =	simm.s32 $0xFFFFFFFF;
	p2 =	slt.u32 s8, $0xFFFFF086  }
0x1c: {  	p1 =	slt.u32 s9, $0xF7A;
	s5 =	simm.s32 @!p2 $0x0  }
0x1d: {  	s5 =	simm.s32 @p1 $0x1;
	p0 =	seq.s32 s7, s2  }
0x1e: {  	s7 =	smul.u32 @!p0 $0xF7A, s2;
	p2 =	seq.s32 @!p0 s5, $0x0  }
0x1f: {  	s9 =	smul.u32 $0xF7A, s1;
	s8 =	simm.s32 @!p0 $0x1BF5;
	p2 =	por !p2, p0  }
0x20: {  	[sflag:s8] =	ssyncset.s32 @!p0 $0xFFFFF086;
	s6 =	sadd.s32 @!p0 s3, s7;
	s7 =	simm.s32 @!p0 $0x108  }
0x21: {  	s3 =	sadd.s32 s3, s9;
	s6 =	sadd.s32 @!p0 $0x88, s6;
	s7 =	simm.s32 @p2 $0x1082  }
0x22: {  	[simem:s7], [sflag:s8] =	dma.local @!p0 [hbm:s6], $0xF7A  }
0x23: {  	s9 =	sor.u32 $0xD0000000, s2;
	s6 =	simm.s32 $0x108;
	_ =	swait.ge @!p0 [sflag:s8], $0x0  }
0x24: {  	s3 =	sadd.s32 $0x88, s3;
	s6 =	simm.s32 @!p1 $0x1082;
	[sflag:s4] =	ssyncset.s32 $0xFFFFF086  }
0x25: {  	[simem:s6], [sflag:s4] =	dma.local [hbm:s3], $0xF7A  }
0x26: {  	[smem:$0x3F8B] =	sst s1;
	(tag) =	ssettag s2;
	_ =	strace s9  }
0x27: {  	s1 =	sld [smem:$0x3F9B]  }
0x28: {  	s2 =	sld [smem:$0x3F9C]  }
0x29: {  	s4 =	sld [smem:$0x3F9E]  }
0x2a: {  	p0 =	seq.s32 s5, $0x0;
	s5 =	sld [smem:$0x3F9F]  }
0x2b: {  	s6 =	sld [smem:$0x3FA0]  }
0x2c: {  	s7 =	sld [smem:$0x3FA1]  }
0x2d: {  	s3 =	simm.s32 $0x108;
	s8 =	sld [smem:$0x3FA2]  }
0x2e: {  	s3 =	simm.s32 @!p0 $0x1082;
	s9 =	sld [smem:$0x3FA3]  }
0x2f: {  	lr =	sadd.s32 s0, s3;
	s0 =	sld [smem:$0x3F9A]  }
0x30: {  	s3 =	sld [smem:$0x3F9D]  }
0x31: {  	[smem:$0x3FA6] =	sst s10  }
0x32: {  	s10 =	sld [smem:$0x3FA4];
	_ =	sdelay $0x3  }
0x33: {  	p0 =	seq.s32 s10, $0x1;
	s10 =	sld [smem:$0x3FA6];
	_ =	sdelay $0x3  }
0x34: {  	[smem:$0x3FA6] =	sst s10  }
0x35: {  	s10 =	sld [smem:$0x3FA5];
	_ =	sdelay $0x3  }
0x36: {  	p1 =	seq.s32 s10, $0x1;
	s10 =	sld [smem:$0x3FA6];
	_ =	sdelay $0x3  }
0x37: {  	[smem:$0x3FA6] =	sst s10  }
0x38: {  	s10 =	sld [smem:$0x3FA7]  }
0x39: {  	_ = 	snop;
	(pc) =	sbr.ind lr, $3  }
0x3a: {  	_ = 	snop  }
0x3b: {  	_ = 	snop  }
0x3c: {  	p2 =	seq.s32 s10, $0x1;
	s10 =	sld [smem:$0x3FA6]  }
0x3d: {  	_ =	shalt  }
0x3e: {  	_ =	shalt  }
0x3f: {  	_ =	shalt  }
0x40: {  	_ =	shalt  }
0x41: {  	_ =	shalt  }
0x42: {  	_ =	shalt  }
0x43: {  	_ =	shalt  }
0x44: {  	_ =	shalt  }
0x45: {  	_ =	shalt  }
0x46: {  	_ =	shalt  }
0x47: {  	_ =	shalt  }
0x48: {  	_ =	shalt  }
0x49: {  	_ =	shalt  }
0x4a: {  	_ =	shalt  }
0x4b: {  	_ =	shalt  }
0x4c: {  	_ =	shalt  }
0x4d: {  	_ =	shalt  }
0x4e: {  	_ =	shalt  }
0x4f: {  	_ =	shalt  }
0x50: {  	_ =	shalt  }
0x51: {  	_ =	shalt  }
0x52: {  	_ =	shalt  }
0x53: {  	_ =	shalt  }
0x54: {  	_ =	shalt  }
0x55: {  	_ =	shalt  }
0x56: {  	_ =	shalt  }
0x57: {  	_ =	shalt  }
0x58: {  	_ =	shalt  }
0x59: {  	_ =	shalt  }
0x5a: {  	_ =	shalt  }
0x5b: {  	_ =	shalt  }
0x5c: {  	_ =	shalt  }
0x5d: {  	_ =	shalt  }
0x5e: {  	_ =	shalt  }
0x5f: {  	_ =	shalt  }
0x60: {  	_ =	shalt  }
0x61: {  	_ =	shalt  }
0x62: {  	_ =	shalt  }
0x63: {  	_ =	shalt  }
0x64: {  	_ =	shalt  }
0x65: {  	_ =	shalt  }
0x66: {  	_ =	shalt  }
0x67: {  	_ =	shalt  }
0x68: {  	_ =	shalt  }
0x69: {  	_ =	shalt  }
0x6a: {  	_ =	shalt  }
0x6b: {  	_ =	shalt  }
0x6c: {  	_ =	shalt  }
0x6d: {  	_ =	shalt  }
0x6e: {  	_ =	shalt  }
0x6f: {  	_ =	shalt  }
0x70: {  	_ =	shalt  }
0x71: {  	_ =	shalt  }
0x72: {  	_ =	shalt  }
0x73: {  	_ =	shalt  }
0x74: {  	_ =	shalt  }
0x75: {  	_ =	shalt  }
0x76: {  	_ =	shalt  }
0x77: {  	_ =	shalt  }
0x78: {  	_ =	shalt  }
0x79: {  	_ =	shalt  }
0x7a: {  	_ =	shalt  }
0x7b: {  	_ =	shalt  }
0x7c: {  	_ =	shalt  }
0x7d: {  	_ =	shalt  }
0x7e: {  	_ =	shalt  }
0x7f: {  	_ =	shalt  }
0x80: {  	_ =	shalt  }
0x81: {  	_ =	shalt  }
0x82: {  	_ =	shalt  }
0x83: {  	_ =	shalt  }
0x84: {  	_ =	shalt  }
0x85: {  	_ =	shalt  }
0x86: {  	_ =	shalt  }
0x87: {  	_ =	shalt  }
.Lfunc_end0:
.L_simem_size_0:
called_computation.1_lowered:
.L_overlay_start_0:
0x88: {  	s2 =	sld [smem:$0x3FD9]  }
0x89: {  	s3 =	sld [smem:$0x3FFE];
	_ =	sdelay $0x1  }
0x8a: {  	s1 =	srdreg.scid  }
0x8b: {  	s0 =	sand.u32 $0x1, s1  }
0x8c: {  	s16 =	sshll.u32 s0, $0xA;
	s2 =	sadd.s32 s3, s2  }
0x8d: {  	s2 =	sadd.s32 s2, s16  }
0x8e: {  	[smem:$0x3FB2] =	sst s2  }
0x8f: {  	_ = 	snop  }
0x90: {  	(tm) =	ssettm $0x1  }
0x91: {  	s17 =	sld [smem:$0x3FFB];
	_ =	sdelay $0x3  }
0x92: {  	_ =	strace s17  }
0x93: {  	s2 =	sld [smem:$0x3FFC];
	_ =	sdelay $0x3  }
0x94: {  	_ =	strace s2  }
0x95: {  	s2 =	sld [smem:$0x3FFD];
	_ =	sdelay $0x3  }
0x96: {  	_ =	strace s2  }
0x97: {  	_ =	strace $0x8FFFFFFF  }
0x98: {  	s18 =	sld [smem:$0x3FDB];
	_ =	sdelay $0x1  }
0x99: {  	s19 =	simm.s32 $_scs_section_size  }
0x9a: {  	s4 =	simm.s32 $_size__tile_overlayer_lowered;
	s5 =	simm.s32 $_tile_overlayer_lowered  }
0x9b: {  	s22 =	simm.s32 $0x1BFF;
	s21 =	sshll.u32 s5, $0x1;
	s2 =	sadd.s32 s19, s18  }
0x9c: {  	s6 =	simm.s32 $0x0;
	s20 =	sshll.u32 s4, $0x1;
	s4 =	sadd.s32 s21, s2  }
0x9d: {  	[timem:s6], [sflag:s22] =	dma.local [hbm:s4], s20  }
0x9e: {  	_ =	swait.ge [sflag:s22], s20  }
0x9f: {  	s3 =	ssub.s32 $0x0, s20;
	[sflag:s22] =	ssyncset.done $0x0  }
0xa0: {  	[sflag:s22] =	ssyncadd.s32 s3;
	_ =	sdelay $0x1  }
0xa1: {  	s23 =	simm.s32 $0x1B8B  }
0xa2: {  	_ =	swait.ge [sflag:s23], $0x1  }
0xa3: {  	[sflag:s23] =	ssyncset.done $0x0  }
0xa4: {  	s25 =	simm.s32 $0x1B8E;
	s24 =	sld [smem:$0x3FFE];
	[sflag:s23] =	ssyncadd.s32 $0xFFFFFFFF  }
0xa5: {  	s26 =	simm.s32 $execute0_lowered;
	[smem:$0x3FD2] =	sst s25  }
0xa6: {  	s4 =	sshll.u32 s26, $0x1;
	_ =	strace $0x80000049;
	[dreg:$0x1] =	wrdreg $0xFFFFFFFF  }
0xa7: {  	s28 =	simm.s32 $_size_execute0_lowered;
	s2 =	sadd.s32 s2, s4;
	[dreg:$0x0] =	wrdreg $0x0  }
0xa8: {  	s4 =	sshll.u32 s28, $0x1;
	[dreg:$0x2] =	wrdreg s2  }
0xa9: {  	[dreg:$0x3] =	wrdreg s4  }
0xaa: {  	[dreg:$0x4] =	wrdreg $0xC0  }
0xab: {  	_ =	task [dreg:s6], $0x5FFFF  }
0xac: {  	[dreg:$0x1] =	wrdreg $0xFFFFFFFF  }
0xad: {  	[dreg:$0x0] =	wrdreg $0x60  }
0xae: {  	[dreg:$0x2] =	wrdreg s24  }
0xaf: {  	[dreg:$0x3] =	wrdreg $0xD7A00  }
0xb0: {  	[dreg:$0x4] =	wrdreg $0x9  }
0xb1: {  	_ =	task.clear_ibuf [dreg:s6], $0x5FFFF;
	_ =	strace $0x90000049  }
0xb2: {  	s29 =	simm.s32 $0x9;
	_ =	strace $0x8000004B  }
0xb3: {  	_ =	swait.ge [sflag:s29], $0x1  }
0xb4: {  	[sflag:s29] =	ssyncadd.s32 $0xFFFFFFFF  }
0xb5: {  	_ =	strace $0x9000004B  }
0xb6: {  	_ =	sfence  }
0xb7: {  	s30 =	sld [smem:$0x0];
	_ =	sdelay $0x2  }
0xb8: {  	s31 =	sshll.u32 s1, $0xD;
	s1 =	sshrl.u32 s1, $0x2  }
0xb9: {  	s3 =	sand.u32 $0x4000, s31;
	s1 =	sadd.s32 s1, s30  }
0xba: {  	s0 =	sor.u32 s3, s0;
	s1 =	sshll.u32 s1, $0x11  }
0xbb: {  	s0 =	sor.u32 s1, s0  }
0xbc: {  	s0 =	sadd.s32 $0x8F2B, s0  }
0xbd: {  	[sflag:s0] =	ssyncadd.remote.s32 $0x1  }
0xbe: {  	_ =	sfence.sel $0xFFFF  }
0xbf: {  	[dreg:$0x0] =	wrdreg $0xFFFFFFFF;
	(pc) =	sbr.abs _section_cstart, $3  }
0xc0: {  	[dreg:$0x1] =	wrdreg $0xFFFFFFFF  }
0xc1: {  	_ =	task.clear_ibuf [dreg:s6], $0x2FFFF;
	_ =	strace $0x9FFFFFFF  }
0xc2: {  	(tm) =	ssettm $0x7FFFFFFF  }
0xc3: {  	_ =	shalt  }
tec
execute0_lowered:
.L_overlay_start_1:
0x0: {  	(tag) =	ssettag $0x1  }
0x1: {  	s0 =	rddreg [dreg:$0x0]  }
0x2: {  	s2 =	rddreg [dreg:$0x1]  }
0x3: {  	s1 =	srdreg.scid;
	s9 =	stileid.u32;
	s4 =	simm.s32 $0x0  }
0x4: {  	s28 =	simm.s32 $0x6720;
	s30 =	simm.s32 $0x8020;
	s31 =	simm.s32 $0x1  }
0x5: {  	s29 =	simm.s32 $0x6;
	s1 =	sand.u32 $0x1, s1;
	s3 =	sshll.u32 s9, $0x1  }
0x6: {  	[smem:$0x7FF] =	sst s4;
	s4 =	sadd.s32 $0x41400, s0;
	s7 =	smul.u32 $0x4E200, s9  }
0x7: {  	s13 =	smul.u32 $0x13880, s9;
	p0 =	sgt.u32 s9, $0x9;
	s3 =	sor.u32 s1, s3  }
0x8: {  	_ =	strace $0x8000004A;
	s5 =	ssub.s32 $0x2, s1;
	s1 =	smul.u32 $0xC3500, s1  }
0x9: {  	s3 =	smul.u32 $0x4E2, s3;
	s6 =	sshrl.u32 s5, $0x1;
	s12 =	sshrl.u32 s7, $0x2  }
0xa: {  	s20 =	sadd.s32 $0x3E80, s13;
	s10 =	sadd.s32 s13, s2;
	s23 =	sadd.s32 $0x7D00, s13  }
0xb: {  	s24 =	sadd.s32 $0xBB80, s13;
	s5 =	ssub.s32 s5, s6;
	s7 =	sadd.s32 s12, s2  }
0xc: {  	s19 =	sadd.s32 s1, s13;
	s21 =	sadd.s32 s1, s20;
	[dreg:$0xa] =	wrdreg s10  }
0xd: {  	s15 =	sadd.s32 s20, s2;
	s25 =	sadd.s32 s1, s24;
	s3 =	sadd.s32 s3, s0  }
0xe: {  	s0 =	sadd.s32 $0x59C00, s0;
	s5 =	smax.u32 s5, $0x1;
	s16 =	sadd.s32 $0x3E80, s7  }
0xf: {  	s17 =	sadd.s32 $0x7D00, s7;
	s18 =	sadd.s32 $0xBB80, s7;
	[dreg:$0x5] =	wrdreg s5  }
0x10: {  	s8 =	sadd.s32 $0xFA00, s7;
	s22 =	sshrl.u32 s21, $0x3;
	[dreg:$0x6] =	wrdreg s16  }
0x11: {  	s26 =	sshrl.u32 s25, $0x3;
	s25 =	simm.s32 $0x50;
	[dreg:$0x7] =	wrdreg s17  }
0x12: {  	s11 =	sadd.s32 $0x6600, s3;
	s3 =	sadd.s32 $0x10400, s3;
	[dreg:$0x8] =	wrdreg s18  }
0x13: {  	[dreg:$0x9] =	wrdreg s8;
	s5 =	sshrl.u32 s19, $0x3;
	s16 =	sadd.s32 s0, s22  }
0x14: {  	s17 =	sadd.s32 s23, s2;
	s19 =	sadd.s32 s24, s2;
	s20 =	sadd.s32 s0, s26  }
0x15: {  	s26 =	simm.s32 $0x4E20;
	s24 =	simm.s32 $0x5;
	[dreg:$0x3] =	wrdreg s11  }
0x16: {  	[dreg:$0x4] =	wrdreg s3;
	s14 =	sadd.s32 s0, s5;
	s5 =	sadd.s32 s1, s23  }
0x17: {  	s3 =	sadd.s32 $0xFA00, s13;
	s23 =	simm.s32 $0x7;
	s5 =	sshrl.u32 s5, $0x3  }
0x18: {  	s1 =	sadd.s32 s1, s3;
	s21 =	sadd.s32 s3, s2;
	s3 =	simm.s32 $0x4  }
0x19: {  	s18 =	sadd.s32 s0, s5;
	s1 =	sshrl.u32 s1, $0x3;
	s5 =	simm.s32 $0x0  }
0x1a: {  	v0 =	vimm.f32 $0.0e+00;
	s22 =	sadd.s32 s0, s1;
	s0 =	simm.s32 $0x2;
	s1 =	simm.s32 $0x3  }
.LBB2_1:
0x1b: {  	s6 =	simm.s32 $0x0  }
0x1c: {  	s6 =	smul.u32 $0xCCCD, s6;
	_ =	sdelay $0x1  }
0x1d: {  	s8 =	sshrl.u32 s6, $0x12  }
0x1e: {  	s9 =	simm.s32 $0x0;
	s6 =	simm.s32 $0x1;
	s10 =	smul.u32 $0x5, s8  }
.LBB2_2:
0x1f: {  	s11 =	smul.u32 $0xCCCD, s6  }
0x20: {  	s12 =	smov.u32 s6;
	s8 =	smul.u32 $0x140, s8;
	p1 =	sne.s32 s6, $0x3E7  }
.Ltmp0:
0x21: {  	s9 =	ssub.s32 s9, s10;
	(pc) =	sbr.rel @p1 .LBB2_2-.Ltmp0, $4  }
0x22: {  	s6 =	sadd.s32 $0x1, s6;
	s9 =	sand.u32 $0xFFFF, s9  }
0x23: {  	s10 =	sshrl.u32 s8, $0x2;
	s13 =	sshll.u32 s9, $0x4;
	s9 =	smov.u32 s12  }
0x24: {  	s8 =	sshrl.u32 s11, $0x12;
	s11 =	sadd.s32 s13, s10  }
0x25: {  	s10 =	smul.u32 $0x5, s8;
	[tilespmem:s11+$0x9920] =	vst v0  }
0x26: {  	_ = 	snop  }
0x27: {  	s8 =	smul.u32 $0x140, s8;
	s6 =	ssub.s32 s9, s10  }
0x28: {  	s6 =	sand.u32 $0xFFFF, s6  }
0x29: {  	s8 =	sshrl.u32 s8, $0x2;
	s6 =	sshll.u32 s6, $0x4  }
0x2a: {  	s6 =	sadd.s32 s6, s8  }
0x2b: {  	s8 =	simm.s32 @!p0 $0x7;
	[tilespmem:s6+$0x9920] =	vst v0;
	s6 =	simm.s32 @!p0 $0x9920  }
0x2c: {  	[spmem:s7] =	stream.linear.scatter @!p0 [tilespmem:s6], [sflag:$0x7], $0x3E80, $0x38;
	[tilespmem:$0x19AF0] =	vst v63  }
0x2d: {  	_ =	swait.ge @!p0 [sflag:s8], $0x3E80  }
0x2e: {  	[sflag:s8] =	ssyncset.done @!p0 $0x0  }
0x2f: {  	s9 =	rddreg [dreg:$0x6];
	[sflag:s8] =	ssyncadd.s32 @!p0 $0xFFFFC180  }
0x30: {  	[spmem:s9] =	stream.linear.scatter @!p0 [tilespmem:s6], [sflag:$0x7], $0x3E80, $0x38;
	[tilespmem:$0x19AF0] =	vst v63  }
0x31: {  	_ =	swait.ge @!p0 [sflag:s8], $0x3E80  }
0x32: {  	[sflag:s8] =	ssyncset.done @!p0 $0x0  }
0x33: {  	s9 =	rddreg [dreg:$0x7];
	[sflag:s8] =	ssyncadd.s32 @!p0 $0xFFFFC180  }
0x34: {  	[spmem:s9] =	stream.linear.scatter @!p0 [tilespmem:s6], [sflag:$0x7], $0x3E80, $0x38;
	[tilespmem:$0x19AF0] =	vst v63  }
0x35: {  	_ =	swait.ge @!p0 [sflag:s8], $0x3E80  }
0x36: {  	[sflag:s8] =	ssyncset.done @!p0 $0x0  }
0x37: {  	s9 =	rddreg [dreg:$0x8];
	[sflag:s8] =	ssyncadd.s32 @!p0 $0xFFFFC180  }
0x38: {  	[spmem:s9] =	stream.linear.scatter @!p0 [tilespmem:s6], [sflag:$0x7], $0x3E80, $0x38;
	[tilespmem:$0x19AF0] =	vst v63  }
0x39: {  	_ =	swait.ge @!p0 [sflag:s8], $0x3E80  }
0x3a: {  	[sflag:s8] =	ssyncset.done @!p0 $0x0  }
0x3b: {  	s9 =	rddreg [dreg:$0x9];
	[sflag:s8] =	ssyncadd.s32 @!p0 $0xFFFFC180  }
0x3c: {  	[spmem:s9] =	stream.linear.scatter @!p0 [tilespmem:s6], [sflag:$0x7], $0x3E80, $0x38;
	[tilespmem:$0x19AF0] =	vst v63  }
0x3d: {  	_ =	swait.ge @!p0 [sflag:s8], $0x3E80  }
0x3e: {  	[sflag:s8] =	ssyncset.done @!p0 $0x0  }
0x3f: {  	[sflag:s8] =	ssyncadd.s32 @!p0 $0xFFFFC180  }
0x40: {  	[bflag:$0x0] =	sbarrier.arrive $0xFFFF  }
0x41: {  	s10 =	simm.s32 $0x0;
	s11 =	rddreg [dreg:$0x3]  }
0x42: {  	[tilespmem:s10], [sflag:$0x7] =	stream.linear.gather [hbm4b:s11+s10], $0x2710, $0x38;
	[tilespmem:$0x19AF0] =	vst v63  }
0x43: {  	_ =	swait.ge [sflag:s23], $0x2710  }
0x44: {  	[sflag:s23] =	ssyncset.done $0x0  }
0x45: {  	s13 =	simm.s32 $0x2710;
	s12 =	rddreg [dreg:$0x4];
	[sflag:s23] =	ssyncadd.s32 $0xFFFFD8F0  }
0x46: {  	[tilespmem:s13], [sflag:$0x7] =	stream.linear.gather [hbm4b:s12+s10], $0x2710, $0x38;
	[tilespmem:$0x19AF0] =	vst v63  }
0x47: {  	_ =	swait.ge [sflag:s23], $0x2710  }
0x48: {  	[sflag:s23] =	ssyncset.done $0x0  }
0x49: {  	[sflag:s23] =	ssyncadd.s32 $0xFFFFD8F0  }
0x4a: {  	[tilespmem:s26], [sflag:$0x1] =	stream.indirect.gather [hbm4b:s4+s25], $0x50, s10, s25, $0xb8;
	[tilespmem:$0x19AF0] =	vst v63  }
0x4b: {  	_ = 	snop  }
0x4c: {  	[tilespmem:s28], [sflag:$0x2] =	stream.indirect.gather [hbm4b:s4+s25], $0x50, s25, s25, $0xb8;
	[tilespmem:$0x19AF0] =	vst v63  }
0x4d: {  	s8 =	simm.s32 $0xA0  }
0x4e: {  	[tilespmem:s30], [sflag:$0x3] =	stream.indirect.gather [hbm4b:s4+s25], $0x50, s8, s25, $0xb8;
	[tilespmem:$0x19AF0] =	vst v63  }
0x4f: {  	_ =	swait.ge [sflag:s31], $0x1900  }
0x50: {  	[sflag:s31] =	ssyncset.done $0x0  }
0x51: {  	s9 =	simm.s32 $0x2710;
	[sflag:s31] =	ssyncadd.s32 $0xFFFFE700  }
0x52: {  	[spmem:s2] =	stream.indirect.scatter.add.f32 [tilespmem:s26], [sflag:$0x4], $0x50, s9, s25, $0xb8;
	[tilespmem:$0x19AF0] =	vst v63  }
0x53: {  	_ =	swait.ge [sflag:s0], $0x1900  }
0x54: {  	[sflag:s0] =	ssyncset.done $0x0  }
0x55: {  	s10 =	simm.s32 $0x2760;
	[sflag:s0] =	ssyncadd.s32 $0xFFFFE700  }
0x56: {  	[spmem:s2] =	stream.indirect.scatter.add.f32 [tilespmem:s28], [sflag:$0x5], $0x50, s10, s25, $0xb8;
	[tilespmem:$0x19AF0] =	vst v63  }
0x57: {  	_ =	swait.ge [sflag:s1], $0x1900  }
0x58: {  	[sflag:s1] =	ssyncset.done $0x0  }
0x59: {  	s11 =	simm.s32 $0x27B0;
	[sflag:s1] =	ssyncadd.s32 $0xFFFFE700  }
0x5a: {  	[spmem:s2] =	stream.indirect.scatter.add.f32 [tilespmem:s30], [sflag:$0x6], $0x50, s11, s25, $0xb8;
	[tilespmem:$0x19AF0] =	vst v63  }
0x5b: {  	_ =	swait.ge [sflag:s3], $0x1900  }
0x5c: {  	[sflag:s3] =	ssyncset.done $0x0  }
0x5d: {  	s12 =	simm.s32 $0xF0;
	[sflag:s3] =	ssyncadd.s32 $0xFFFFE700  }
0x5e: {  	[tilespmem:s26], [sflag:$0x1] =	stream.indirect.gather [hbm4b:s4+s25], $0x50, s12, s25, $0xb8;
	[tilespmem:$0x19AF0] =	vst v63  }
0x5f: {  	_ =	swait.ge [sflag:s24], $0x1900  }
0x60: {  	[sflag:s24] =	ssyncset.done $0x0  }
0x61: {  	s13 =	simm.s32 $0x140;
	[sflag:s24] =	ssyncadd.s32 $0xFFFFE700  }
0x62: {  	[tilespmem:s28], [sflag:$0x2] =	stream.indirect.gather [hbm4b:s4+s25], $0x50, s13, s25, $0xb8;
	[tilespmem:$0x19AF0] =	vst v63  }
0x63: {  	_ =	swait.ge [sflag:s29], $0x1900  }
0x64: {  	[sflag:s29] =	ssyncset.done $0x0  }
0x65: {  	s6 =	simm.s32 $0x3C0;
	s8 =	simm.s32 $0x190;
	[sflag:s29] =	ssyncadd.s32 $0xFFFFE700  }
.LBB2_4:
0x66: {  	[tilespmem:s30], [sflag:$0x3] =	stream.indirect.gather [hbm4b:s4+s25], $0x50, s8, s25, $0xb8;
	[tilespmem:$0x19AF0] =	vst v63  }
0x67: {  	s8 =	smov.u32 s6  }
0x68: {  	p1 =	sne.s32 s6, $0x9240;
	s6 =	sadd.s32 $0x3C0, s6;
	_ =	swait.ge [sflag:s31], $0x1900  }
0x69: {  	s8 =	sshra.s32 s8, $0x2;
	[sflag:s31] =	ssyncset.done $0x0  }
0x6a: {  	s9 =	sadd.s32 $0x2710, s8;
	[sflag:s31] =	ssyncadd.s32 $0xFFFFE700  }
0x6b: {  	[spmem:s2] =	stream.indirect.scatter.add.f32 [tilespmem:s26], [sflag:$0x4], $0x50, s9, s25, $0xb8;
	[tilespmem:$0x19AF0] =	vst v63  }
0x6c: {  	_ =	swait.ge [sflag:s0], $0x1900  }
0x6d: {  	[sflag:s0] =	ssyncset.done $0x0  }
0x6e: {  	s9 =	sadd.s32 $0x2760, s8;
	[sflag:s0] =	ssyncadd.s32 $0xFFFFE700  }
0x6f: {  	[spmem:s2] =	stream.indirect.scatter.add.f32 [tilespmem:s28], [sflag:$0x5], $0x50, s9, s25, $0xb8;
	[tilespmem:$0x19AF0] =	vst v63  }
0x70: {  	_ =	swait.ge [sflag:s1], $0x1900  }
0x71: {  	[sflag:s1] =	ssyncset.done $0x0  }
0x72: {  	s9 =	sadd.s32 $0x27B0, s8;
	[sflag:s1] =	ssyncadd.s32 $0xFFFFE700  }
0x73: {  	[spmem:s2] =	stream.indirect.scatter.add.f32 [tilespmem:s30], [sflag:$0x6], $0x50, s9, s25, $0xb8;
	[tilespmem:$0x19AF0] =	vst v63  }
0x74: {  	_ =	swait.ge [sflag:s3], $0x1900  }
0x75: {  	[sflag:s3] =	ssyncset.done $0x0  }
0x76: {  	s9 =	sadd.s32 $0xF0, s8;
	[sflag:s3] =	ssyncadd.s32 $0xFFFFE700  }
0x77: {  	[tilespmem:s26], [sflag:$0x1] =	stream.indirect.gather [hbm4b:s4+s25], $0x50, s9, s25, $0xb8;
	[tilespmem:$0x19AF0] =	vst v63  }
0x78: {  	_ =	swait.ge [sflag:s24], $0x1900  }
0x79: {  	[sflag:s24] =	ssyncset.done $0x0  }
.Ltmp1:
0x7a: {  	s9 =	sadd.s32 $0x140, s8;
	[sflag:s24] =	ssyncadd.s32 $0xFFFFE700;
	(pc) =	sbr.rel @p1 .LBB2_4-.Ltmp1, $4  }
0x7b: {  	[tilespmem:s28], [sflag:$0x2] =	stream.indirect.gather [hbm4b:s4+s25], $0x50, s9, s25, $0xb8;
	[tilespmem:$0x19AF0] =	vst v63  }
0x7c: {  	_ =	swait.ge [sflag:s29], $0x1900  }
0x7d: {  	[sflag:s29] =	ssyncset.done $0x0  }
0x7e: {  	s8 =	sadd.s32 $0x190, s8;
	[sflag:s29] =	ssyncadd.s32 $0xFFFFE700  }
0x7f: {  	[tilespmem:s30], [sflag:$0x3] =	stream.indirect.gather [hbm4b:s4+s25], $0x50, s8, s25, $0xb8;
	[tilespmem:$0x19AF0] =	vst v63  }
0x80: {  	_ =	swait.ge [sflag:s31], $0x1900  }
0x81: {  	[sflag:s31] =	ssyncset.done $0x0  }
0x82: {  	s6 =	simm.s32 $0x4C90;
	[sflag:s31] =	ssyncadd.s32 $0xFFFFE700  }
0x83: {  	[spmem:s2] =	stream.indirect.scatter.add.f32 [tilespmem:s26], [sflag:$0x4], $0x50, s6, s25, $0xb8;
	[tilespmem:$0x19AF0] =	vst v63  }
0x84: {  	_ =	swait.ge [sflag:s0], $0x1900  }
0x85: {  	[sflag:s0] =	ssyncset.done $0x0  }
0x86: {  	s13 =	simm.s32 $0x4CE0;
	[sflag:s0] =	ssyncadd.s32 $0xFFFFE700  }
0x87: {  	[spmem:s2] =	stream.indirect.scatter.add.f32 [tilespmem:s28], [sflag:$0x5], $0x50, s13, s25, $0xb8;
	[tilespmem:$0x19AF0] =	vst v63  }
0x88: {  	_ =	swait.ge [sflag:s1], $0x1900  }
0x89: {  	[sflag:s1] =	ssyncset.done $0x0  }
0x8a: {  	s8 =	simm.s32 $0x4D30;
	[sflag:s1] =	ssyncadd.s32 $0xFFFFE700  }
0x8b: {  	[spmem:s2] =	stream.indirect.scatter.add.f32 [tilespmem:s30], [sflag:$0x6], $0x50, s8, s25, $0xb8;
	[tilespmem:$0x19AF0] =	vst v63  }
0x8c: {  	_ =	swait.ge [sflag:s3], $0x1900  }
0x8d: {  	[sflag:s3] =	ssyncset.done $0x0  }
0x8e: {  	s9 =	simm.s32 $0x2670;
	[sflag:s3] =	ssyncadd.s32 $0xFFFFE700  }
0x8f: {  	[tilespmem:s26], [sflag:$0x1] =	stream.indirect.gather [hbm4b:s4+s25], $0x50, s9, s25, $0xb8;
	[tilespmem:$0x19AF0] =	vst v63  }
0x90: {  	_ =	swait.ge [sflag:s24], $0x1900  }
0x91: {  	[sflag:s24] =	ssyncset.done $0x0  }
0x92: {  	s10 =	simm.s32 $0x26C0;
	[sflag:s24] =	ssyncadd.s32 $0xFFFFE700  }
0x93: {  	[tilespmem:s28], [sflag:$0x2] =	stream.indirect.gather [hbm4b:s4+s25], $0x50, s10, s25, $0xb8;
	[tilespmem:$0x19AF0] =	vst v63  }
0x94: {  	_ =	swait.ge [sflag:s29], $0x1900  }
0x95: {  	[sflag:s29] =	ssyncset.done $0x0  }
0x96: {  	[sflag:s29] =	ssyncadd.s32 $0xFFFFE700  }
0x97: {  	_ =	swait.ge [sflag:s31], $0x1900  }
0x98: {  	[sflag:s31] =	ssyncset.done $0x0  }
0x99: {  	s11 =	simm.s32 $0x4D80;
	[sflag:s31] =	ssyncadd.s32 $0xFFFFE700  }
0x9a: {  	[spmem:s2] =	stream.indirect.scatter.add.f32 [tilespmem:s26], [sflag:$0x4], $0x50, s11, s25, $0xb8;
	[tilespmem:$0x19AF0] =	vst v63  }
0x9b: {  	_ =	swait.ge [sflag:s0], $0x1900  }
0x9c: {  	[sflag:s0] =	ssyncset.done $0x0  }
0x9d: {  	s12 =	simm.s32 $0x4DD0;
	[sflag:s0] =	ssyncadd.s32 $0xFFFFE700  }
0x9e: {  	[spmem:s2] =	stream.indirect.scatter.add.f32 [tilespmem:s28], [sflag:$0x5], $0x50, s12, s25, $0xb8;
	[tilespmem:$0x19AF0] =	vst v63  }
0x9f: {  	_ =	swait.ge [sflag:s3], $0x1900  }
0xa0: {  	[sflag:s3] =	ssyncset.done $0x0  }
0xa1: {  	[sflag:s3] =	ssyncadd.s32 $0xFFFFE700  }
0xa2: {  	_ =	swait.ge [sflag:s24], $0x1900  }
0xa3: {  	[sflag:s24] =	ssyncset.done $0x0  }
0xa4: {  	[sflag:s24] =	ssyncadd.s32 $0xFFFFE700  }
0xa5: {  	[bflag:$0x0] =	sbarrier.arrive $0xFFFF  }
0xa6: {  	s6 =	simm.s32 @!p0 $0x9920;
	s8 =	rddreg [dreg:$0xa]  }
0xa7: {  	[tilespmem:s6], [sflag:$0x7] =	stream.linear.gather @!p0 [spmem:s8], $0x3E80, $0x38;
	[tilespmem:$0x19AF0] =	vst v63  }
0xa8: {  	s8 =	simm.s32 @!p0 $0x7  }
0xa9: {  	_ =	swait.ge @!p0 [sflag:s8], $0x3E80  }
0xaa: {  	[sflag:s8] =	ssyncset.done @!p0 $0x0  }
0xab: {  	s9 =	simm.s32 @!p0 $0x0;
	[sflag:s8] =	ssyncadd.s32 @!p0 $0xFFFFC180  }
0xac: {  	[hbm4b:s14+s9] =	stream.linear.scatter @!p0 [tilespmem:s6], [sflag:$0x7], $0x3E80, $0x38;
	[tilespmem:$0x19AF0] =	vst v63  }
0xad: {  	_ =	swait.ge @!p0 [sflag:s8], $0x3E80  }
0xae: {  	[sflag:s8] =	ssyncset.done @!p0 $0x0  }
0xaf: {  	[sflag:s8] =	ssyncadd.s32 @!p0 $0xFFFFC180  }
0xb0: {  	[tilespmem:s6], [sflag:$0x7] =	stream.linear.gather @!p0 [spmem:s15], $0x3E80, $0x38;
	[tilespmem:$0x19AF0] =	vst v63  }
0xb1: {  	_ =	swait.ge @!p0 [sflag:s8], $0x3E80  }
0xb2: {  	[sflag:s8] =	ssyncset.done @!p0 $0x0  }
0xb3: {  	[sflag:s8] =	ssyncadd.s32 @!p0 $0xFFFFC180  }
0xb4: {  	[hbm4b:s16+s9] =	stream.linear.scatter @!p0 [tilespmem:s6], [sflag:$0x7], $0x3E80, $0x38;
	[tilespmem:$0x19AF0] =	vst v63  }
0xb5: {  	_ =	swait.ge @!p0 [sflag:s8], $0x3E80  }
0xb6: {  	[sflag:s8] =	ssyncset.done @!p0 $0x0  }
0xb7: {  	[sflag:s8] =	ssyncadd.s32 @!p0 $0xFFFFC180  }
0xb8: {  	[tilespmem:s6], [sflag:$0x7] =	stream.linear.gather @!p0 [spmem:s17], $0x3E80, $0x38;
	[tilespmem:$0x19AF0] =	vst v63  }
0xb9: {  	_ =	swait.ge @!p0 [sflag:s8], $0x3E80  }
0xba: {  	[sflag:s8] =	ssyncset.done @!p0 $0x0  }
0xbb: {  	[sflag:s8] =	ssyncadd.s32 @!p0 $0xFFFFC180  }
0xbc: {  	[hbm4b:s18+s9] =	stream.linear.scatter @!p0 [tilespmem:s6], [sflag:$0x7], $0x3E80, $0x38;
	[tilespmem:$0x19AF0] =	vst v63  }
0xbd: {  	_ =	swait.ge @!p0 [sflag:s8], $0x3E80  }
0xbe: {  	[sflag:s8] =	ssyncset.done @!p0 $0x0  }
0xbf: {  	[sflag:s8] =	ssyncadd.s32 @!p0 $0xFFFFC180  }
0xc0: {  	[tilespmem:s6], [sflag:$0x7] =	stream.linear.gather @!p0 [spmem:s19], $0x3E80, $0x38;
	[tilespmem:$0x19AF0] =	vst v63  }
0xc1: {  	_ =	swait.ge @!p0 [sflag:s8], $0x3E80  }
0xc2: {  	[sflag:s8] =	ssyncset.done @!p0 $0x0  }
0xc3: {  	[sflag:s8] =	ssyncadd.s32 @!p0 $0xFFFFC180  }
0xc4: {  	[hbm4b:s20+s9] =	stream.linear.scatter @!p0 [tilespmem:s6], [sflag:$0x7], $0x3E80, $0x38;
	[tilespmem:$0x19AF0] =	vst v63  }
0xc5: {  	_ =	swait.ge @!p0 [sflag:s8], $0x3E80  }
0xc6: {  	[sflag:s8] =	ssyncset.done @!p0 $0x0  }
0xc7: {  	[sflag:s8] =	ssyncadd.s32 @!p0 $0xFFFFC180  }
0xc8: {  	[tilespmem:s6], [sflag:$0x7] =	stream.linear.gather @!p0 [spmem:s21], $0x3E80, $0x38;
	[tilespmem:$0x19AF0] =	vst v63  }
0xc9: {  	_ =	swait.ge @!p0 [sflag:s8], $0x3E80  }
0xca: {  	[sflag:s8] =	ssyncset.done @!p0 $0x0  }
0xcb: {  	[sflag:s8] =	ssyncadd.s32 @!p0 $0xFFFFC180  }
0xcc: {  	[hbm4b:s22+s9] =	stream.linear.scatter @!p0 [tilespmem:s6], [sflag:$0x7], $0x3E80, $0x38;
	[tilespmem:$0x19AF0] =	vst v63  }
0xcd: {  	_ =	swait.ge @!p0 [sflag:s8], $0x3E80  }
0xce: {  	s5 =	sadd.s32 $0x1, s5;
	s13 =	rddreg [dreg:$0x5]  }
0xcf: {  	p1 =	sne.s32 s5, s13  }
.Ltmp2:
0xd0: {  	_ = 	snop;
	(pc) =	sbr.rel @p1 .LBB2_1-.Ltmp2, $3  }
0xd1: {  	_ =	sdelay $0x1  }
0xd2: {  	[sflag:s8] =	ssyncset.done @!p0 $0x0  }
0xd3: {  	[sflag:s8] =	ssyncadd.s32 @!p0 $0xFFFFC180  }
0xd4: {  	_ =	sfence.sel $0x180000  }
0xd5: {  	[bflag:$0x0] =	sbarrier.arrive $0xFFFF  }
0xd6: {  	_ =	strace $0x9000004A  }
0xd7: {  	s0 =	stileid.u32;
	[bflag:$0x2] =	sbarrier.arrive $0xFFFF  }
0xd8: {  	p0 =	sne.s32 s0, $0x0;
	s0 =	rddreg [dreg:$0x2]  }
0xd9: {  	s0 =	sadd.s32 @!p0 $0x100000, s0  }
0xda: {  	[sflag:s0] =	ssyncadd.tile.s32 @!p0 $0x1;
	_ =	shalt  }
.Lfunc_end2:
_tile_overlayer_lowered:
.L_overlay_start_2:
0xdb: {  	(tag) =	ssettag $0x2  }
0xdc: {  	s0 =	rddreg [dreg:$0x0];
	s2 =	stileid.u32  }
0xdd: {  	s1 =	rddreg [dreg:$0x1];
	p0 =	sne.s32 s2, $0x0  }
0xde: {  	s3 =	rddreg [dreg:$0x2];
	[bflag:$0x3] =	sbarrier.arrive $0xFFFF;
	s2 =	simm.s32 @!p0 $0x1C07  }
0xdf: {  	[timem:s3], [sflag:s2] =	dma.local @!p0 [hbm:s0], s1  }
0xe0: {  	s0 =	simm.s32 @!p0 $0x7  }
0xe1: {  	_ =	swait.ge @!p0 [sflag:s0], s1  }
0xe2: {  	s1 =	ssub.s32 @!p0 $0x0, s1;
	[sflag:s0] =	ssyncset.done @!p0 $0x0  }
0xe3: {  	[sflag:s0] =	ssyncadd.s32 @!p0 s1  }
0xe4: {  	[bflag:$0x3] =	sbarrier.arrive $0xFFFF  }
0xe5: {  	_ =	shalt  }

// kernel: kernel.22.cloned.1.call-start
scs
__scs_entry_jumppad:
0x0: {  	(pc) =	sbr.rel $0x88, $3  }
0x1: {  	(tag) =	ssettag $0x0;
	lr =	simm.s32 $0x1  }
0x2: {  	[smem:$0x3F8B] =	sst lr;
	_ =	strace $0xD0000000  }
0x3: {  	_ = 	snop  }
0x4: {  	_ = 	snop  }
0x5: {  	_ = 	snop  }
0x6: {  	_ = 	snop  }
0x7: {  	_ = 	snop  }
__scs_overlays_trampoline_lowered:
0x8: {  	[smem:$0x3F9A] =	sst s0  }
0x9: {  	[smem:$0x3F9B] =	sst s1  }
0xa: {  	[smem:$0x3F9C] =	sst s2  }
0xb: {  	[smem:$0x3F9D] =	sst s3  }
0xc: {  	[smem:$0x3F9E] =	sst s4  }
0xd: {  	[smem:$0x3F9F] =	sst s5  }
0xe: {  	[smem:$0x3FA0] =	sst s6  }
0xf: {  	[smem:$0x3FA1] =	sst s7  }
0x10: {  	[smem:$0x3FA2] =	sst s8  }
0x11: {  	[smem:$0x3FA3] =	sst s9;
	s0 =	simm.s32 @!p0 $0x0  }
0x12: {  	s1 =	sld [smem:$0x3F89];
	s0 =	simm.s32 @p0 $0x1  }
0x13: {  	[smem:$0x3FA4] =	sst s0;
	s0 =	simm.s32 @!p1 $0x0  }
0x14: {  	s2 =	sld [smem:$0x3F88];
	s0 =	simm.s32 @p1 $0x1  }
0x15: {  	[smem:$0x3FA5] =	sst s0;
	s0 =	simm.s32 @!p2 $0x0  }
0x16: {  	s3 =	sld [smem:$0x3FDB];
	s0 =	simm.s32 @p2 $0x1  }
0x17: {  	s4 =	simm.s32 $0x1BF5;
	[smem:$0x3FA7] =	sst s0  }
0x18: {  	s0 =	sld [smem:$0x3F8A];
	_ =	swait.ge [sflag:s4], $0x0  }
0x19: {  	s7 =	sld [smem:$0x3F8B]  }
0x1a: {  	s8 =	sadd.s32 $0xFFFFE003, lr  }
0x1b: {  	s9 =	sadd.s32 $0xFFFFFEF7, lr;
	s5 =	simm.s32 $0xFFFFFFFF;
	p2 =	slt.u32 s8, $0xFFFFF086  }
0x1c: {  	p1 =	slt.u32 s9, $0xF7A;
	s5 =	simm.s32 @!p2 $0x0  }
0x1d: {  	s5 =	simm.s32 @p1 $0x1;
	p0 =	seq.s32 s7, s2  }
0x1e: {  	s7 =	smul.u32 @!p0 $0xF7A, s2;
	p2 =	seq.s32 @!p0 s5, $0x0  }
0x1f: {  	s9 =	smul.u32 $0xF7A, s1;
	s8 =	simm.s32 @!p0 $0x1BF5;
	p2 =	por !p2, p0  }
0x20: {  	[sflag:s8] =	ssyncset.s32 @!p0 $0xFFFFF086;
	s6 =	sadd.s32 @!p0 s3, s7;
	s7 =	simm.s32 @!p0 $0x108  }
0x21: {  	s3 =	sadd.s32 s3, s9;
	s6 =	sadd.s32 @!p0 $0x88, s6;
	s7 =	simm.s32 @p2 $0x1082  }
0x22: {  	[simem:s7], [sflag:s8] =	dma.local @!p0 [hbm:s6], $0xF7A  }
0x23: {  	s9 =	sor.u32 $0xD0000000, s2;
	s6 =	simm.s32 $0x108;
	_ =	swait.ge @!p0 [sflag:s8], $0x0  }
0x24: {  	s3 =	sadd.s32 $0x88, s3;
	s6 =	simm.s32 @!p1 $0x1082;
	[sflag:s4] =	ssyncset.s32 $0xFFFFF086  }
0x25: {  	[simem:s6], [sflag:s4] =	dma.local [hbm:s3], $0xF7A  }
0x26: {  	[smem:$0x3F8B] =	sst s1;
	(tag) =	ssettag s2;
	_ =	strace s9  }
0x27: {  	s1 =	sld [smem:$0x3F9B]  }
0x28: {  	s2 =	sld [smem:$0x3F9C]  }
0x29: {  	s4 =	sld [smem:$0x3F9E]  }
0x2a: {  	p0 =	seq.s32 s5, $0x0;
	s5 =	sld [smem:$0x3F9F]  }
0x2b: {  	s6 =	sld [smem:$0x3FA0]  }
0x2c: {  	s7 =	sld [smem:$0x3FA1]  }
0x2d: {  	s3 =	simm.s32 $0x108;
	s8 =	sld [smem:$0x3FA2]  }
0x2e: {  	s3 =	simm.s32 @!p0 $0x1082;
	s9 =	sld [smem:$0x3FA3]  }
0x2f: {  	lr =	sadd.s32 s0, s3;
	s0 =	sld [smem:$0x3F9A]  }
0x30: {  	s3 =	sld [smem:$0x3F9D]  }
0x31: {  	[smem:$0x3FA6] =	sst s10  }
0x32: {  	s10 =	sld [smem:$0x3FA4];
	_ =	sdelay $0x3  }
0x33: {  	p0 =	seq.s32 s10, $0x1;
	s10 =	sld [smem:$0x3FA6];
	_ =	sdelay $0x3  }
0x34: {  	[smem:$0x3FA6] =	sst s10  }
0x35: {  	s10 =	sld [smem:$0x3FA5];
	_ =	sdelay $0x3  }
0x36: {  	p1 =	seq.s32 s10, $0x1;
	s10 =	sld [smem:$0x3FA6];
	_ =	sdelay $0x3  }
0x37: {  	[smem:$0x3FA6] =	sst s10  }
0x38: {  	s10 =	sld [smem:$0x3FA7]  }
0x39: {  	_ = 	snop;
	(pc) =	sbr.ind lr, $3  }
0x3a: {  	_ = 	snop  }
0x3b: {  	_ = 	snop  }
0x3c: {  	p2 =	seq.s32 s10, $0x1;
	s10 =	sld [smem:$0x3FA6]  }
0x3d: {  	_ =	shalt  }
0x3e: {  	_ =	shalt  }
0x3f: {  	_ =	shalt  }
0x40: {  	_ =	shalt  }
0x41: {  	_ =	shalt  }
0x42: {  	_ =	shalt  }
0x43: {  	_ =	shalt  }
0x44: {  	_ =	shalt  }
0x45: {  	_ =	shalt  }
0x46: {  	_ =	shalt  }
0x47: {  	_ =	shalt  }
0x48: {  	_ =	shalt  }
0x49: {  	_ =	shalt  }
0x4a: {  	_ =	shalt  }
0x4b: {  	_ =	shalt  }
0x4c: {  	_ =	shalt  }
0x4d: {  	_ =	shalt  }
0x4e: {  	_ =	shalt  }
0x4f: {  	_ =	shalt  }
0x50: {  	_ =	shalt  }
0x51: {  	_ =	shalt  }
0x52: {  	_ =	shalt  }
0x53: {  	_ =	shalt  }
0x54: {  	_ =	shalt  }
0x55: {  	_ =	shalt  }
0x56: {  	_ =	shalt  }
0x57: {  	_ =	shalt  }
0x58: {  	_ =	shalt  }
0x59: {  	_ =	shalt  }
0x5a: {  	_ =	shalt  }
0x5b: {  	_ =	shalt  }
0x5c: {  	_ =	shalt  }
0x5d: {  	_ =	shalt  }
0x5e: {  	_ =	shalt  }
0x5f: {  	_ =	shalt  }
0x60: {  	_ =	shalt  }
0x61: {  	_ =	shalt  }
0x62: {  	_ =	shalt  }
0x63: {  	_ =	shalt  }
0x64: {  	_ =	shalt  }
0x65: {  	_ =	shalt  }
0x66: {  	_ =	shalt  }
0x67: {  	_ =	shalt  }
0x68: {  	_ =	shalt  }
0x69: {  	_ =	shalt  }
0x6a: {  	_ =	shalt  }
0x6b: {  	_ =	shalt  }
0x6c: {  	_ =	shalt  }
0x6d: {  	_ =	shalt  }
0x6e: {  	_ =	shalt  }
0x6f: {  	_ =	shalt  }
0x70: {  	_ =	shalt  }
0x71: {  	_ =	shalt  }
0x72: {  	_ =	shalt  }
0x73: {  	_ =	shalt  }
0x74: {  	_ =	shalt  }
0x75: {  	_ =	shalt  }
0x76: {  	_ =	shalt  }
0x77: {  	_ =	shalt  }
0x78: {  	_ =	shalt  }
0x79: {  	_ =	shalt  }
0x7a: {  	_ =	shalt  }
0x7b: {  	_ =	shalt  }
0x7c: {  	_ =	shalt  }
0x7d: {  	_ =	shalt  }
0x7e: {  	_ =	shalt  }
0x7f: {  	_ =	shalt  }
0x80: {  	_ =	shalt  }
0x81: {  	_ =	shalt  }
0x82: {  	_ =	shalt  }
0x83: {  	_ =	shalt  }
0x84: {  	_ =	shalt  }
0x85: {  	_ =	shalt  }
0x86: {  	_ =	shalt  }
0x87: {  	_ =	shalt  }
.Lfunc_end0:
.L_simem_size_0:
called_computation.2_lowered:
.L_overlay_start_0:
0x88: {  	s2 =	sld [smem:$0x3FD9]  }
0x89: {  	s3 =	sld [smem:$0x3FFE];
	_ =	sdelay $0x1  }
0x8a: {  	s1 =	srdreg.scid  }
0x8b: {  	s0 =	sand.u32 $0x1, s1  }
0x8c: {  	s16 =	sshll.u32 s0, $0xA;
	s2 =	sadd.s32 s3, s2  }
0x8d: {  	s2 =	sadd.s32 s2, s16  }
0x8e: {  	[smem:$0x3FB2] =	sst s2  }
0x8f: {  	_ = 	snop  }
0x90: {  	(tm) =	ssettm $0x1  }
0x91: {  	s17 =	sld [smem:$0x3FFB];
	_ =	sdelay $0x3  }
0x92: {  	_ =	strace s17  }
0x93: {  	s2 =	sld [smem:$0x3FFC];
	_ =	sdelay $0x3  }
0x94: {  	_ =	strace s2  }
0x95: {  	s2 =	sld [smem:$0x3FFD];
	_ =	sdelay $0x3  }
0x96: {  	_ =	strace s2  }
0x97: {  	_ =	strace $0x8FFFFFFF  }
0x98: {  	s18 =	sld [smem:$0x3FDB];
	_ =	sdelay $0x1  }
0x99: {  	s19 =	simm.s32 $_scs_section_size  }
0x9a: {  	s4 =	simm.s32 $_size__tile_overlayer_lowered;
	s5 =	simm.s32 $_tile_overlayer_lowered  }
0x9b: {  	s22 =	simm.s32 $0x1BFF;
	s21 =	sshll.u32 s5, $0x1;
	s2 =	sadd.s32 s19, s18  }
0x9c: {  	s6 =	simm.s32 $0x0;
	s20 =	sshll.u32 s4, $0x1;
	s4 =	sadd.s32 s21, s2  }
0x9d: {  	[timem:s6], [sflag:s22] =	dma.local [hbm:s4], s20  }
0x9e: {  	_ =	swait.ge [sflag:s22], s20  }
0x9f: {  	s3 =	ssub.s32 $0x0, s20;
	[sflag:s22] =	ssyncset.done $0x0  }
0xa0: {  	[sflag:s22] =	ssyncadd.s32 s3;
	_ =	sdelay $0x1  }
0xa1: {  	s23 =	simm.s32 $0x1B8B  }
0xa2: {  	_ =	swait.ge [sflag:s23], $0x1  }
0xa3: {  	[sflag:s23] =	ssyncset.done $0x0  }
0xa4: {  	s25 =	simm.s32 $0x1B8E;
	s24 =	sld [smem:$0x3FFE];
	[sflag:s23] =	ssyncadd.s32 $0xFFFFFFFF  }
0xa5: {  	s26 =	simm.s32 $execute0_lowered;
	[smem:$0x3FD2] =	sst s25  }
0xa6: {  	s4 =	sshll.u32 s26, $0x1;
	_ =	strace $0x8000004C;
	[dreg:$0x1] =	wrdreg $0xFFFFFFFF  }
0xa7: {  	s28 =	simm.s32 $_size_execute0_lowered;
	s2 =	sadd.s32 s2, s4;
	[dreg:$0x0] =	wrdreg $0x0  }
0xa8: {  	s4 =	sshll.u32 s28, $0x1;
	[dreg:$0x2] =	wrdreg s2  }
0xa9: {  	[dreg:$0x3] =	wrdreg s4  }
0xaa: {  	[dreg:$0x4] =	wrdreg $0xC0  }
0xab: {  	_ =	task [dreg:s6], $0x5FFFF  }
0xac: {  	[dreg:$0x1] =	wrdreg $0xFFFFFFFF  }
0xad: {  	[dreg:$0x0] =	wrdreg $0x60  }
0xae: {  	[dreg:$0x2] =	wrdreg s24  }
0xaf: {  	[dreg:$0x3] =	wrdreg $0xD7A00  }
0xb0: {  	[dreg:$0x4] =	wrdreg $0x9  }
0xb1: {  	_ =	task.clear_ibuf [dreg:s6], $0x5FFFF;
	_ =	strace $0x9000004C  }
0xb2: {  	s29 =	simm.s32 $0x9;
	_ =	strace $0x8000004E  }
0xb3: {  	_ =	swait.ge [sflag:s29], $0x1  }
0xb4: {  	[sflag:s29] =	ssyncadd.s32 $0xFFFFFFFF  }
0xb5: {  	_ =	strace $0x9000004E  }
0xb6: {  	_ =	sfence  }
0xb7: {  	s30 =	sld [smem:$0x0];
	_ =	sdelay $0x2  }
0xb8: {  	s31 =	sshll.u32 s1, $0xD;
	s1 =	sshrl.u32 s1, $0x2  }
0xb9: {  	s3 =	sand.u32 $0x4000, s31;
	s1 =	sadd.s32 s1, s30  }
0xba: {  	s0 =	sor.u32 s3, s0;
	s1 =	sshll.u32 s1, $0x11  }
0xbb: {  	s0 =	sor.u32 s1, s0  }
0xbc: {  	s0 =	sadd.s32 $0x8F2B, s0  }
0xbd: {  	[sflag:s0] =	ssyncadd.remote.s32 $0x1  }
0xbe: {  	_ =	sfence.sel $0xFFFF  }
0xbf: {  	[dreg:$0x0] =	wrdreg $0xFFFFFFFF;
	(pc) =	sbr.abs _section_cstart, $3  }
0xc0: {  	[dreg:$0x1] =	wrdreg $0xFFFFFFFF  }
0xc1: {  	_ =	task.clear_ibuf [dreg:s6], $0x2FFFF;
	_ =	strace $0x9FFFFFFF  }
0xc2: {  	(tm) =	ssettm $0x7FFFFFFF  }
0xc3: {  	_ =	shalt  }
tec
execute0_lowered:
.L_overlay_start_1:
0x0: {  	(tag) =	ssettag $0x1  }
0x1: {  	s0 =	rddreg [dreg:$0x0]  }
0x2: {  	s2 =	rddreg [dreg:$0x1]  }
0x3: {  	s1 =	srdreg.scid;
	s9 =	stileid.u32;
	s4 =	simm.s32 $0x0  }
0x4: {  	s28 =	simm.s32 $0x6720;
	s30 =	simm.s32 $0x8020;
	s31 =	simm.s32 $0x1  }
0x5: {  	s29 =	simm.s32 $0x6;
	s1 =	sand.u32 $0x1, s1;
	s3 =	sshll.u32 s9, $0x1  }
0x6: {  	[smem:$0x7FF] =	sst s4;
	s4 =	sadd.s32 $0x41400, s0;
	s7 =	smul.u32 $0x4E200, s9  }
0x7: {  	s13 =	smul.u32 $0x13880, s9;
	p0 =	sgt.u32 s9, $0x9;
	s3 =	sor.u32 s1, s3  }
0x8: {  	_ =	strace $0x8000004D;
	s5 =	ssub.s32 $0x2, s1;
	s1 =	smul.u32 $0xC3500, s1  }
0x9: {  	s3 =	smul.u32 $0x4E2, s3;
	s6 =	sshrl.u32 s5, $0x1;
	s12 =	sshrl.u32 s7, $0x2  }
0xa: {  	s20 =	sadd.s32 $0x3E80, s13;
	s10 =	sadd.s32 s13, s2;
	s23 =	sadd.s32 $0x7D00, s13  }
0xb: {  	s24 =	sadd.s32 $0xBB80, s13;
	s5 =	ssub.s32 s5, s6;
	s7 =	sadd.s32 s12, s2  }
0xc: {  	s19 =	sadd.s32 s1, s13;
	s21 =	sadd.s32 s1, s20;
	[dreg:$0xa] =	wrdreg s10  }
0xd: {  	s15 =	sadd.s32 s20, s2;
	s25 =	sadd.s32 s1, s24;
	s3 =	sadd.s32 s3, s0  }
0xe: {  	s0 =	sadd.s32 $0x59C00, s0;
	s5 =	smax.u32 s5, $0x1;
	s16 =	sadd.s32 $0x3E80, s7  }
0xf: {  	s17 =	sadd.s32 $0x7D00, s7;
	s18 =	sadd.s32 $0xBB80, s7;
	[dreg:$0x5] =	wrdreg s5  }
0x10: {  	s8 =	sadd.s32 $0xFA00, s7;
	s22 =	sshrl.u32 s21, $0x3;
	[dreg:$0x6] =	wrdreg s16  }
0x11: {  	s26 =	sshrl.u32 s25, $0x3;
	s25 =	simm.s32 $0x50;
	[dreg:$0x7] =	wrdreg s17  }
0x12: {  	s11 =	sadd.s32 $0x6600, s3;
	s3 =	sadd.s32 $0x10400, s3;
	[dreg:$0x8] =	wrdreg s18  }
0x13: {  	[dreg:$0x9] =	wrdreg s8;
	s5 =	sshrl.u32 s19, $0x3;
	s16 =	sadd.s32 s0, s22  }
0x14: {  	s17 =	sadd.s32 s23, s2;
	s19 =	sadd.s32 s24, s2;
	s20 =	sadd.s32 s0, s26  }
0x15: {  	s26 =	simm.s32 $0x4E20;
	s24 =	simm.s32 $0x5;
	[dreg:$0x3] =	wrdreg s11  }
0x16: {  	[dreg:$0x4] =	wrdreg s3;
	s14 =	sadd.s32 s0, s5;
	s5 =	sadd.s32 s1, s23  }
0x17: {  	s3 =	sadd.s32 $0xFA00, s13;
	s23 =	simm.s32 $0x7;
	s5 =	sshrl.u32 s5, $0x3  }
0x18: {  	s1 =	sadd.s32 s1, s3;
	s21 =	sadd.s32 s3, s2;
	s3 =	simm.s32 $0x4  }
0x19: {  	s18 =	sadd.s32 s0, s5;
	s1 =	sshrl.u32 s1, $0x3;
	s5 =	simm.s32 $0x0  }
0x1a: {  	v0 =	vimm.f32 $0.0e+00;
	s22 =	sadd.s32 s0, s1;
	s0 =	simm.s32 $0x2;
	s1 =	simm.s32 $0x3  }
.LBB2_1:
0x1b: {  	s6 =	simm.s32 $0x0  }
0x1c: {  	s6 =	smul.u32 $0xCCCD, s6;
	_ =	sdelay $0x1  }
0x1d: {  	s8 =	sshrl.u32 s6, $0x12  }
0x1e: {  	s9 =	simm.s32 $0x0;
	s6 =	simm.s32 $0x1;
	s10 =	smul.u32 $0x5, s8  }
.LBB2_2:
0x1f: {  	s11 =	smul.u32 $0xCCCD, s6  }
0x20: {  	s12 =	smov.u32 s6;
	s8 =	smul.u32 $0x140, s8;
	p1 =	sne.s32 s6, $0x3E7  }
.Ltmp0:
0x21: {  	s9 =	ssub.s32 s9, s10;
	(pc) =	sbr.rel @p1 .LBB2_2-.Ltmp0, $4  }
0x22: {  	s6 =	sadd.s32 $0x1, s6;
	s9 =	sand.u32 $0xFFFF, s9  }
0x23: {  	s10 =	sshrl.u32 s8, $0x2;
	s13 =	sshll.u32 s9, $0x4;
	s9 =	smov.u32 s12  }
0x24: {  	s8 =	sshrl.u32 s11, $0x12;
	s11 =	sadd.s32 s13, s10  }
0x25: {  	s10 =	smul.u32 $0x5, s8;
	[tilespmem:s11+$0x9920] =	vst v0  }
0x26: {  	_ = 	snop  }
0x27: {  	s8 =	smul.u32 $0x140, s8;
	s6 =	ssub.s32 s9, s10  }
0x28: {  	s6 =	sand.u32 $0xFFFF, s6  }
0x29: {  	s8 =	sshrl.u32 s8, $0x2;
	s6 =	sshll.u32 s6, $0x4  }
0x2a: {  	s6 =	sadd.s32 s6, s8  }
0x2b: {  	s8 =	simm.s32 @!p0 $0x7;
	[tilespmem:s6+$0x9920] =	vst v0;
	s6 =	simm.s32 @!p0 $0x9920  }
0x2c: {  	[spmem:s7] =	stream.linear.scatter @!p0 [tilespmem:s6], [sflag:$0x7], $0x3E80, $0x38;
	[tilespmem:$0x19AF0] =	vst v63  }
0x2d: {  	_ =	swait.ge @!p0 [sflag:s8], $0x3E80  }
0x2e: {  	[sflag:s8] =	ssyncset.done @!p0 $0x0  }
0x2f: {  	s9 =	rddreg [dreg:$0x6];
	[sflag:s8] =	ssyncadd.s32 @!p0 $0xFFFFC180  }
0x30: {  	[spmem:s9] =	stream.linear.scatter @!p0 [tilespmem:s6], [sflag:$0x7], $0x3E80, $0x38;
	[tilespmem:$0x19AF0] =	vst v63  }
0x31: {  	_ =	swait.ge @!p0 [sflag:s8], $0x3E80  }
0x32: {  	[sflag:s8] =	ssyncset.done @!p0 $0x0  }
0x33: {  	s9 =	rddreg [dreg:$0x7];
	[sflag:s8] =	ssyncadd.s32 @!p0 $0xFFFFC180  }
0x34: {  	[spmem:s9] =	stream.linear.scatter @!p0 [tilespmem:s6], [sflag:$0x7], $0x3E80, $0x38;
	[tilespmem:$0x19AF0] =	vst v63  }
0x35: {  	_ =	swait.ge @!p0 [sflag:s8], $0x3E80  }
0x36: {  	[sflag:s8] =	ssyncset.done @!p0 $0x0  }
0x37: {  	s9 =	rddreg [dreg:$0x8];
	[sflag:s8] =	ssyncadd.s32 @!p0 $0xFFFFC180  }
0x38: {  	[spmem:s9] =	stream.linear.scatter @!p0 [tilespmem:s6], [sflag:$0x7], $0x3E80, $0x38;
	[tilespmem:$0x19AF0] =	vst v63  }
0x39: {  	_ =	swait.ge @!p0 [sflag:s8], $0x3E80  }
0x3a: {  	[sflag:s8] =	ssyncset.done @!p0 $0x0  }
0x3b: {  	s9 =	rddreg [dreg:$0x9];
	[sflag:s8] =	ssyncadd.s32 @!p0 $0xFFFFC180  }
0x3c: {  	[spmem:s9] =	stream.linear.scatter @!p0 [tilespmem:s6], [sflag:$0x7], $0x3E80, $0x38;
	[tilespmem:$0x19AF0] =	vst v63  }
0x3d: {  	_ =	swait.ge @!p0 [sflag:s8], $0x3E80  }
0x3e: {  	[sflag:s8] =	ssyncset.done @!p0 $0x0  }
0x3f: {  	[sflag:s8] =	ssyncadd.s32 @!p0 $0xFFFFC180  }
0x40: {  	[bflag:$0x0] =	sbarrier.arrive $0xFFFF  }
0x41: {  	s10 =	simm.s32 $0x0;
	s11 =	rddreg [dreg:$0x3]  }
0x42: {  	[tilespmem:s10], [sflag:$0x7] =	stream.linear.gather [hbm4b:s11+s10], $0x2710, $0x38;
	[tilespmem:$0x19AF0] =	vst v63  }
0x43: {  	_ =	swait.ge [sflag:s23], $0x2710  }
0x44: {  	[sflag:s23] =	ssyncset.done $0x0  }
0x45: {  	s13 =	simm.s32 $0x2710;
	s12 =	rddreg [dreg:$0x4];
	[sflag:s23] =	ssyncadd.s32 $0xFFFFD8F0  }
0x46: {  	[tilespmem:s13], [sflag:$0x7] =	stream.linear.gather [hbm4b:s12+s10], $0x2710, $0x38;
	[tilespmem:$0x19AF0] =	vst v63  }
0x47: {  	_ =	swait.ge [sflag:s23], $0x2710  }
0x48: {  	[sflag:s23] =	ssyncset.done $0x0  }
0x49: {  	[sflag:s23] =	ssyncadd.s32 $0xFFFFD8F0  }
0x4a: {  	[tilespmem:s26], [sflag:$0x1] =	stream.indirect.gather [hbm4b:s4+s25], $0x50, s10, s25, $0xb8;
	[tilespmem:$0x19AF0] =	vst v63  }
0x4b: {  	_ = 	snop  }
0x4c: {  	[tilespmem:s28], [sflag:$0x2] =	stream.indirect.gather [hbm4b:s4+s25], $0x50, s25, s25, $0xb8;
	[tilespmem:$0x19AF0] =	vst v63  }
0x4d: {  	s8 =	simm.s32 $0xA0  }
0x4e: {  	[tilespmem:s30], [sflag:$0x3] =	stream.indirect.gather [hbm4b:s4+s25], $0x50, s8, s25, $0xb8;
	[tilespmem:$0x19AF0] =	vst v63  }
0x4f: {  	_ =	swait.ge [sflag:s31], $0x1900  }
0x50: {  	[sflag:s31] =	ssyncset.done $0x0  }
0x51: {  	s9 =	simm.s32 $0x2710;
	[sflag:s31] =	ssyncadd.s32 $0xFFFFE700  }
0x52: {  	[spmem:s2] =	stream.indirect.scatter.add.f32 [tilespmem:s26], [sflag:$0x4], $0x50, s9, s25, $0xb8;
	[tilespmem:$0x19AF0] =	vst v63  }
0x53: {  	_ =	swait.ge [sflag:s0], $0x1900  }
0x54: {  	[sflag:s0] =	ssyncset.done $0x0  }
0x55: {  	s10 =	simm.s32 $0x2760;
	[sflag:s0] =	ssyncadd.s32 $0xFFFFE700  }
0x56: {  	[spmem:s2] =	stream.indirect.scatter.add.f32 [tilespmem:s28], [sflag:$0x5], $0x50, s10, s25, $0xb8;
	[tilespmem:$0x19AF0] =	vst v63  }
0x57: {  	_ =	swait.ge [sflag:s1], $0x1900  }
0x58: {  	[sflag:s1] =	ssyncset.done $0x0  }
0x59: {  	s11 =	simm.s32 $0x27B0;
	[sflag:s1] =	ssyncadd.s32 $0xFFFFE700  }
0x5a: {  	[spmem:s2] =	stream.indirect.scatter.add.f32 [tilespmem:s30], [sflag:$0x6], $0x50, s11, s25, $0xb8;
	[tilespmem:$0x19AF0] =	vst v63  }
0x5b: {  	_ =	swait.ge [sflag:s3], $0x1900  }
0x5c: {  	[sflag:s3] =	ssyncset.done $0x0  }
0x5d: {  	s12 =	simm.s32 $0xF0;
	[sflag:s3] =	ssyncadd.s32 $0xFFFFE700  }
0x5e: {  	[tilespmem:s26], [sflag:$0x1] =	stream.indirect.gather [hbm4b:s4+s25], $0x50, s12, s25, $0xb8;
	[tilespmem:$0x19AF0] =	vst v63  }
0x5f: {  	_ =	swait.ge [sflag:s24], $0x1900  }
0x60: {  	[sflag:s24] =	ssyncset.done $0x0  }
0x61: {  	s13 =	simm.s32 $0x140;
	[sflag:s24] =	ssyncadd.s32 $0xFFFFE700  }
0x62: {  	[tilespmem:s28], [sflag:$0x2] =	stream.indirect.gather [hbm4b:s4+s25], $0x50, s13, s25, $0xb8;
	[tilespmem:$0x19AF0] =	vst v63  }
0x63: {  	_ =	swait.ge [sflag:s29], $0x1900  }
0x64: {  	[sflag:s29] =	ssyncset.done $0x0  }
0x65: {  	s6 =	simm.s32 $0x3C0;
	s8 =	simm.s32 $0x190;
	[sflag:s29] =	ssyncadd.s32 $0xFFFFE700  }
.LBB2_4:
0x66: {  	[tilespmem:s30], [sflag:$0x3] =	stream.indirect.gather [hbm4b:s4+s25], $0x50, s8, s25, $0xb8;
	[tilespmem:$0x19AF0] =	vst v63  }
0x67: {  	s8 =	smov.u32 s6  }
0x68: {  	p1 =	sne.s32 s6, $0x9240;
	s6 =	sadd.s32 $0x3C0, s6;
	_ =	swait.ge [sflag:s31], $0x1900  }
0x69: {  	s8 =	sshra.s32 s8, $0x2;
	[sflag:s31] =	ssyncset.done $0x0  }
0x6a: {  	s9 =	sadd.s32 $0x2710, s8;
	[sflag:s31] =	ssyncadd.s32 $0xFFFFE700  }
0x6b: {  	[spmem:s2] =	stream.indirect.scatter.add.f32 [tilespmem:s26], [sflag:$0x4], $0x50, s9, s25, $0xb8;
	[tilespmem:$0x19AF0] =	vst v63  }
0x6c: {  	_ =	swait.ge [sflag:s0], $0x1900  }
0x6d: {  	[sflag:s0] =	ssyncset.done $0x0  }
0x6e: {  	s9 =	sadd.s32 $0x2760, s8;
	[sflag:s0] =	ssyncadd.s32 $0xFFFFE700  }
0x6f: {  	[spmem:s2] =	stream.indirect.scatter.add.f32 [tilespmem:s28], [sflag:$0x5], $0x50, s9, s25, $0xb8;
	[tilespmem:$0x19AF0] =	vst v63  }
0x70: {  	_ =	swait.ge [sflag:s1], $0x1900  }
0x71: {  	[sflag:s1] =	ssyncset.done $0x0  }
0x72: {  	s9 =	sadd.s32 $0x27B0, s8;
	[sflag:s1] =	ssyncadd.s32 $0xFFFFE700  }
0x73: {  	[spmem:s2] =	stream.indirect.scatter.add.f32 [tilespmem:s30], [sflag:$0x6], $0x50, s9, s25, $0xb8;
	[tilespmem:$0x19AF0] =	vst v63  }
0x74: {  	_ =	swait.ge [sflag:s3], $0x1900  }
0x75: {  	[sflag:s3] =	ssyncset.done $0x0  }
0x76: {  	s9 =	sadd.s32 $0xF0, s8;
	[sflag:s3] =	ssyncadd.s32 $0xFFFFE700  }
0x77: {  	[tilespmem:s26], [sflag:$0x1] =	stream.indirect.gather [hbm4b:s4+s25], $0x50, s9, s25, $0xb8;
	[tilespmem:$0x19AF0] =	vst v63  }
0x78: {  	_ =	swait.ge [sflag:s24], $0x1900  }
0x79: {  	[sflag:s24] =	ssyncset.done $0x0  }
.Ltmp1:
0x7a: {  	s9 =	sadd.s32 $0x140, s8;
	[sflag:s24] =	ssyncadd.s32 $0xFFFFE700;
	(pc) =	sbr.rel @p1 .LBB2_4-.Ltmp1, $4  }
0x7b: {  	[tilespmem:s28], [sflag:$0x2] =	stream.indirect.gather [hbm4b:s4+s25], $0x50, s9, s25, $0xb8;
	[tilespmem:$0x19AF0] =	vst v63  }
0x7c: {  	_ =	swait.ge [sflag:s29], $0x1900  }
0x7d: {  	[sflag:s29] =	ssyncset.done $0x0  }
0x7e: {  	s8 =	sadd.s32 $0x190, s8;
	[sflag:s29] =	ssyncadd.s32 $0xFFFFE700  }
0x7f: {  	[tilespmem:s30], [sflag:$0x3] =	stream.indirect.gather [hbm4b:s4+s25], $0x50, s8, s25, $0xb8;
	[tilespmem:$0x19AF0] =	vst v63  }
0x80: {  	_ =	swait.ge [sflag:s31], $0x1900  }
0x81: {  	[sflag:s31] =	ssyncset.done $0x0  }
0x82: {  	s6 =	simm.s32 $0x4C90;
	[sflag:s31] =	ssyncadd.s32 $0xFFFFE700  }
0x83: {  	[spmem:s2] =	stream.indirect.scatter.add.f32 [tilespmem:s26], [sflag:$0x4], $0x50, s6, s25, $0xb8;
	[tilespmem:$0x19AF0] =	vst v63  }
0x84: {  	_ =	swait.ge [sflag:s0], $0x1900  }
0x85: {  	[sflag:s0] =	ssyncset.done $0x0  }
0x86: {  	s13 =	simm.s32 $0x4CE0;
	[sflag:s0] =	ssyncadd.s32 $0xFFFFE700  }
0x87: {  	[spmem:s2] =	stream.indirect.scatter.add.f32 [tilespmem:s28], [sflag:$0x5], $0x50, s13, s25, $0xb8;
	[tilespmem:$0x19AF0] =	vst v63  }
0x88: {  	_ =	swait.ge [sflag:s1], $0x1900  }
0x89: {  	[sflag:s1] =	ssyncset.done $0x0  }
0x8a: {  	s8 =	simm.s32 $0x4D30;
	[sflag:s1] =	ssyncadd.s32 $0xFFFFE700  }
0x8b: {  	[spmem:s2] =	stream.indirect.scatter.add.f32 [tilespmem:s30], [sflag:$0x6], $0x50, s8, s25, $0xb8;
	[tilespmem:$0x19AF0] =	vst v63  }
0x8c: {  	_ =	swait.ge [sflag:s3], $0x1900  }
0x8d: {  	[sflag:s3] =	ssyncset.done $0x0  }
0x8e: {  	s9 =	simm.s32 $0x2670;
	[sflag:s3] =	ssyncadd.s32 $0xFFFFE700  }
0x8f: {  	[tilespmem:s26], [sflag:$0x1] =	stream.indirect.gather [hbm4b:s4+s25], $0x50, s9, s25, $0xb8;
	[tilespmem:$0x19AF0] =	vst v63  }
0x90: {  	_ =	swait.ge [sflag:s24], $0x1900  }
0x91: {  	[sflag:s24] =	ssyncset.done $0x0  }
0x92: {  	s10 =	simm.s32 $0x26C0;
	[sflag:s24] =	ssyncadd.s32 $0xFFFFE700  }
0x93: {  	[tilespmem:s28], [sflag:$0x2] =	stream.indirect.gather [hbm4b:s4+s25], $0x50, s10, s25, $0xb8;
	[tilespmem:$0x19AF0] =	vst v63  }
0x94: {  	_ =	swait.ge [sflag:s29], $0x1900  }
0x95: {  	[sflag:s29] =	ssyncset.done $0x0  }
0x96: {  	[sflag:s29] =	ssyncadd.s32 $0xFFFFE700  }
0x97: {  	_ =	swait.ge [sflag:s31], $0x1900  }
0x98: {  	[sflag:s31] =	ssyncset.done $0x0  }
0x99: {  	s11 =	simm.s32 $0x4D80;
	[sflag:s31] =	ssyncadd.s32 $0xFFFFE700  }
0x9a: {  	[spmem:s2] =	stream.indirect.scatter.add.f32 [tilespmem:s26], [sflag:$0x4], $0x50, s11, s25, $0xb8;
	[tilespmem:$0x19AF0] =	vst v63  }
0x9b: {  	_ =	swait.ge [sflag:s0], $0x1900  }
0x9c: {  	[sflag:s0] =	ssyncset.done $0x0  }
0x9d: {  	s12 =	simm.s32 $0x4DD0;
	[sflag:s0] =	ssyncadd.s32 $0xFFFFE700  }
0x9e: {  	[spmem:s2] =	stream.indirect.scatter.add.f32 [tilespmem:s28], [sflag:$0x5], $0x50, s12, s25, $0xb8;
	[tilespmem:$0x19AF0] =	vst v63  }
0x9f: {  	_ =	swait.ge [sflag:s3], $0x1900  }
0xa0: {  	[sflag:s3] =	ssyncset.done $0x0  }
0xa1: {  	[sflag:s3] =	ssyncadd.s32 $0xFFFFE700  }
0xa2: {  	_ =	swait.ge [sflag:s24], $0x1900  }
0xa3: {  	[sflag:s24] =	ssyncset.done $0x0  }
0xa4: {  	[sflag:s24] =	ssyncadd.s32 $0xFFFFE700  }
0xa5: {  	[bflag:$0x0] =	sbarrier.arrive $0xFFFF  }
0xa6: {  	s6 =	simm.s32 @!p0 $0x9920;
	s8 =	rddreg [dreg:$0xa]  }
0xa7: {  	[tilespmem:s6], [sflag:$0x7] =	stream.linear.gather @!p0 [spmem:s8], $0x3E80, $0x38;
	[tilespmem:$0x19AF0] =	vst v63  }
0xa8: {  	s8 =	simm.s32 @!p0 $0x7  }
0xa9: {  	_ =	swait.ge @!p0 [sflag:s8], $0x3E80  }
0xaa: {  	[sflag:s8] =	ssyncset.done @!p0 $0x0  }
0xab: {  	s9 =	simm.s32 @!p0 $0x0;
	[sflag:s8] =	ssyncadd.s32 @!p0 $0xFFFFC180  }
0xac: {  	[hbm4b:s14+s9] =	stream.linear.scatter @!p0 [tilespmem:s6], [sflag:$0x7], $0x3E80, $0x38;
	[tilespmem:$0x19AF0] =	vst v63  }
0xad: {  	_ =	swait.ge @!p0 [sflag:s8], $0x3E80  }
0xae: {  	[sflag:s8] =	ssyncset.done @!p0 $0x0  }
0xaf: {  	[sflag:s8] =	ssyncadd.s32 @!p0 $0xFFFFC180  }
0xb0: {  	[tilespmem:s6], [sflag:$0x7] =	stream.linear.gather @!p0 [spmem:s15], $0x3E80, $0x38;
	[tilespmem:$0x19AF0] =	vst v63  }
0xb1: {  	_ =	swait.ge @!p0 [sflag:s8], $0x3E80  }
0xb2: {  	[sflag:s8] =	ssyncset.done @!p0 $0x0  }
0xb3: {  	[sflag:s8] =	ssyncadd.s32 @!p0 $0xFFFFC180  }
0xb4: {  	[hbm4b:s16+s9] =	stream.linear.scatter @!p0 [tilespmem:s6], [sflag:$0x7], $0x3E80, $0x38;
	[tilespmem:$0x19AF0] =	vst v63  }
0xb5: {  	_ =	swait.ge @!p0 [sflag:s8], $0x3E80  }
0xb6: {  	[sflag:s8] =	ssyncset.done @!p0 $0x0  }
0xb7: {  	[sflag:s8] =	ssyncadd.s32 @!p0 $0xFFFFC180  }
0xb8: {  	[tilespmem:s6], [sflag:$0x7] =	stream.linear.gather @!p0 [spmem:s17], $0x3E80, $0x38;
	[tilespmem:$0x19AF0] =	vst v63  }
0xb9: {  	_ =	swait.ge @!p0 [sflag:s8], $0x3E80  }
0xba: {  	[sflag:s8] =	ssyncset.done @!p0 $0x0  }
0xbb: {  	[sflag:s8] =	ssyncadd.s32 @!p0 $0xFFFFC180  }
0xbc: {  	[hbm4b:s18+s9] =	stream.linear.scatter @!p0 [tilespmem:s6], [sflag:$0x7], $0x3E80, $0x38;
	[tilespmem:$0x19AF0] =	vst v63  }
0xbd: {  	_ =	swait.ge @!p0 [sflag:s8], $0x3E80  }
0xbe: {  	[sflag:s8] =	ssyncset.done @!p0 $0x0  }
0xbf: {  	[sflag:s8] =	ssyncadd.s32 @!p0 $0xFFFFC180  }
0xc0: {  	[tilespmem:s6], [sflag:$0x7] =	stream.linear.gather @!p0 [spmem:s19], $0x3E80, $0x38;
	[tilespmem:$0x19AF0] =	vst v63  }
0xc1: {  	_ =	swait.ge @!p0 [sflag:s8], $0x3E80  }
0xc2: {  	[sflag:s8] =	ssyncset.done @!p0 $0x0  }
0xc3: {  	[sflag:s8] =	ssyncadd.s32 @!p0 $0xFFFFC180  }
0xc4: {  	[hbm4b:s20+s9] =	stream.linear.scatter @!p0 [tilespmem:s6], [sflag:$0x7], $0x3E80, $0x38;
	[tilespmem:$0x19AF0] =	vst v63  }
0xc5: {  	_ =	swait.ge @!p0 [sflag:s8], $0x3E80  }
0xc6: {  	[sflag:s8] =	ssyncset.done @!p0 $0x0  }
0xc7: {  	[sflag:s8] =	ssyncadd.s32 @!p0 $0xFFFFC180  }
0xc8: {  	[tilespmem:s6], [sflag:$0x7] =	stream.linear.gather @!p0 [spmem:s21], $0x3E80, $0x38;
	[tilespmem:$0x19AF0] =	vst v63  }
0xc9: {  	_ =	swait.ge @!p0 [sflag:s8], $0x3E80  }
0xca: {  	[sflag:s8] =	ssyncset.done @!p0 $0x0  }
0xcb: {  	[sflag:s8] =	ssyncadd.s32 @!p0 $0xFFFFC180  }
0xcc: {  	[hbm4b:s22+s9] =	stream.linear.scatter @!p0 [tilespmem:s6], [sflag:$0x7], $0x3E80, $0x38;
	[tilespmem:$0x19AF0] =	vst v63  }
0xcd: {  	_ =	swait.ge @!p0 [sflag:s8], $0x3E80  }
0xce: {  	s5 =	sadd.s32 $0x1, s5;
	s13 =	rddreg [dreg:$0x5]  }
0xcf: {  	p1 =	sne.s32 s5, s13  }
.Ltmp2:
0xd0: {  	_ = 	snop;
	(pc) =	sbr.rel @p1 .LBB2_1-.Ltmp2, $3  }
0xd1: {  	_ =	sdelay $0x1  }
0xd2: {  	[sflag:s8] =	ssyncset.done @!p0 $0x0  }
0xd3: {  	[sflag:s8] =	ssyncadd.s32 @!p0 $0xFFFFC180  }
0xd4: {  	_ =	sfence.sel $0x180000  }
0xd5: {  	[bflag:$0x0] =	sbarrier.arrive $0xFFFF  }
0xd6: {  	_ =	strace $0x9000004D  }
0xd7: {  	s0 =	stileid.u32;
	[bflag:$0x2] =	sbarrier.arrive $0xFFFF  }
0xd8: {  	p0 =	sne.s32 s0, $0x0;
	s0 =	rddreg [dreg:$0x2]  }
0xd9: {  	s0 =	sadd.s32 @!p0 $0x100000, s0  }
0xda: {  	[sflag:s0] =	ssyncadd.tile.s32 @!p0 $0x1;
	_ =	shalt  }
.Lfunc_end2:
_tile_overlayer_lowered:
.L_overlay_start_2:
0xdb: {  	(tag) =	ssettag $0x2  }
0xdc: {  	s0 =	rddreg [dreg:$0x0];
	s2 =	stileid.u32  }
0xdd: {  	s1 =	rddreg [dreg:$0x1];
	p0 =	sne.s32 s2, $0x0  }
0xde: {  	s3 =	rddreg [dreg:$0x2];
	[bflag:$0x3] =	sbarrier.arrive $0xFFFF;
	s2 =	simm.s32 @!p0 $0x1C07  }
0xdf: {  	[timem:s3], [sflag:s2] =	dma.local @!p0 [hbm:s0], s1  }
0xe0: {  	s0 =	simm.s32 @!p0 $0x7  }
0xe1: {  	_ =	swait.ge @!p0 [sflag:s0], s1  }
0xe2: {  	s1 =	ssub.s32 @!p0 $0x0, s1;
	[sflag:s0] =	ssyncset.done @!p0 $0x0  }
0xe3: {  	[sflag:s0] =	ssyncadd.s32 @!p0 s1  }
0xe4: {  	[bflag:$0x3] =	sbarrier.arrive $0xFFFF  }
0xe5: {  	_ =	shalt  }

// kernel: kernel.25.cloned.1.call-start
scs
__scs_entry_jumppad:
0x0: {  	(pc) =	sbr.rel $0x88, $3  }
0x1: {  	(tag) =	ssettag $0x0;
	lr =	simm.s32 $0x1  }
0x2: {  	[smem:$0x3F8B] =	sst lr;
	_ =	strace $0xD0000000  }
0x3: {  	_ = 	snop  }
0x4: {  	_ = 	snop  }
0x5: {  	_ = 	snop  }
0x6: {  	_ = 	snop  }
0x7: {  	_ = 	snop  }
__scs_overlays_trampoline_lowered:
0x8: {  	[smem:$0x3F9A] =	sst s0  }
0x9: {  	[smem:$0x3F9B] =	sst s1  }
0xa: {  	[smem:$0x3F9C] =	sst s2  }
0xb: {  	[smem:$0x3F9D] =	sst s3  }
0xc: {  	[smem:$0x3F9E] =	sst s4  }
0xd: {  	[smem:$0x3F9F] =	sst s5  }
0xe: {  	[smem:$0x3FA0] =	sst s6  }
0xf: {  	[smem:$0x3FA1] =	sst s7  }
0x10: {  	[smem:$0x3FA2] =	sst s8  }
0x11: {  	[smem:$0x3FA3] =	sst s9;
	s0 =	simm.s32 @!p0 $0x0  }
0x12: {  	s1 =	sld [smem:$0x3F89];
	s0 =	simm.s32 @p0 $0x1  }
0x13: {  	[smem:$0x3FA4] =	sst s0;
	s0 =	simm.s32 @!p1 $0x0  }
0x14: {  	s2 =	sld [smem:$0x3F88];
	s0 =	simm.s32 @p1 $0x1  }
0x15: {  	[smem:$0x3FA5] =	sst s0;
	s0 =	simm.s32 @!p2 $0x0  }
0x16: {  	s3 =	sld [smem:$0x3FDB];
	s0 =	simm.s32 @p2 $0x1  }
0x17: {  	s4 =	simm.s32 $0x1BF5;
	[smem:$0x3FA7] =	sst s0  }
0x18: {  	s0 =	sld [smem:$0x3F8A];
	_ =	swait.ge [sflag:s4], $0x0  }
0x19: {  	s7 =	sld [smem:$0x3F8B]  }
0x1a: {  	s8 =	sadd.s32 $0xFFFFE003, lr  }
0x1b: {  	s9 =	sadd.s32 $0xFFFFFEF7, lr;
	s5 =	simm.s32 $0xFFFFFFFF;
	p2 =	slt.u32 s8, $0xFFFFF086  }
0x1c: {  	p1 =	slt.u32 s9, $0xF7A;
	s5 =	simm.s32 @!p2 $0x0  }
0x1d: {  	s5 =	simm.s32 @p1 $0x1;
	p0 =	seq.s32 s7, s2  }
0x1e: {  	s7 =	smul.u32 @!p0 $0xF7A, s2;
	p2 =	seq.s32 @!p0 s5, $0x0  }
0x1f: {  	s9 =	smul.u32 $0xF7A, s1;
	s8 =	simm.s32 @!p0 $0x1BF5;
	p2 =	por !p2, p0  }
0x20: {  	[sflag:s8] =	ssyncset.s32 @!p0 $0xFFFFF086;
	s6 =	sadd.s32 @!p0 s3, s7;
	s7 =	simm.s32 @!p0 $0x108  }
0x21: {  	s3 =	sadd.s32 s3, s9;
	s6 =	sadd.s32 @!p0 $0x88, s6;
	s7 =	simm.s32 @p2 $0x1082  }
0x22: {  	[simem:s7], [sflag:s8] =	dma.local @!p0 [hbm:s6], $0xF7A  }
0x23: {  	s9 =	sor.u32 $0xD0000000, s2;
	s6 =	simm.s32 $0x108;
	_ =	swait.ge @!p0 [sflag:s8], $0x0  }
0x24: {  	s3 =	sadd.s32 $0x88, s3;
	s6 =	simm.s32 @!p1 $0x1082;
	[sflag:s4] =	ssyncset.s32 $0xFFFFF086  }
0x25: {  	[simem:s6], [sflag:s4] =	dma.local [hbm:s3], $0xF7A  }
0x26: {  	[smem:$0x3F8B] =	sst s1;
	(tag) =	ssettag s2;
	_ =	strace s9  }
0x27: {  	s1 =	sld [smem:$0x3F9B]  }
0x28: {  	s2 =	sld [smem:$0x3F9C]  }
0x29: {  	s4 =	sld [smem:$0x3F9E]  }
0x2a: {  	p0 =	seq.s32 s5, $0x0;
	s5 =	sld [smem:$0x3F9F]  }
0x2b: {  	s6 =	sld [smem:$0x3FA0]  }
0x2c: {  	s7 =	sld [smem:$0x3FA1]  }
0x2d: {  	s3 =	simm.s32 $0x108;
	s8 =	sld [smem:$0x3FA2]  }
0x2e: {  	s3 =	simm.s32 @!p0 $0x1082;
	s9 =	sld [smem:$0x3FA3]  }
0x2f: {  	lr =	sadd.s32 s0, s3;
	s0 =	sld [smem:$0x3F9A]  }
0x30: {  	s3 =	sld [smem:$0x3F9D]  }
0x31: {  	[smem:$0x3FA6] =	sst s10  }
0x32: {  	s10 =	sld [smem:$0x3FA4];
	_ =	sdelay $0x3  }
0x33: {  	p0 =	seq.s32 s10, $0x1;
	s10 =	sld [smem:$0x3FA6];
	_ =	sdelay $0x3  }
0x34: {  	[smem:$0x3FA6] =	sst s10  }
0x35: {  	s10 =	sld [smem:$0x3FA5];
	_ =	sdelay $0x3  }
0x36: {  	p1 =	seq.s32 s10, $0x1;
	s10 =	sld [smem:$0x3FA6];
	_ =	sdelay $0x3  }
0x37: {  	[smem:$0x3FA6] =	sst s10  }
0x38: {  	s10 =	sld [smem:$0x3FA7]  }
0x39: {  	_ = 	snop;
	(pc) =	sbr.ind lr, $3  }
0x3a: {  	_ = 	snop  }
0x3b: {  	_ = 	snop  }
0x3c: {  	p2 =	seq.s32 s10, $0x1;
	s10 =	sld [smem:$0x3FA6]  }
0x3d: {  	_ =	shalt  }
0x3e: {  	_ =	shalt  }
0x3f: {  	_ =	shalt  }
0x40: {  	_ =	shalt  }
0x41: {  	_ =	shalt  }
0x42: {  	_ =	shalt  }
0x43: {  	_ =	shalt  }
0x44: {  	_ =	shalt  }
0x45: {  	_ =	shalt  }
0x46: {  	_ =	shalt  }
0x47: {  	_ =	shalt  }
0x48: {  	_ =	shalt  }
0x49: {  	_ =	shalt  }
0x4a: {  	_ =	shalt  }
0x4b: {  	_ =	shalt  }
0x4c: {  	_ =	shalt  }
0x4d: {  	_ =	shalt  }
0x4e: {  	_ =	shalt  }
0x4f: {  	_ =	shalt  }
0x50: {  	_ =	shalt  }
0x51: {  	_ =	shalt  }
0x52: {  	_ =	shalt  }
0x53: {  	_ =	shalt  }
0x54: {  	_ =	shalt  }
0x55: {  	_ =	shalt  }
0x56: {  	_ =	shalt  }
0x57: {  	_ =	shalt  }
0x58: {  	_ =	shalt  }
0x59: {  	_ =	shalt  }
0x5a: {  	_ =	shalt  }
0x5b: {  	_ =	shalt  }
0x5c: {  	_ =	shalt  }
0x5d: {  	_ =	shalt  }
0x5e: {  	_ =	shalt  }
0x5f: {  	_ =	shalt  }
0x60: {  	_ =	shalt  }
0x61: {  	_ =	shalt  }
0x62: {  	_ =	shalt  }
0x63: {  	_ =	shalt  }
0x64: {  	_ =	shalt  }
0x65: {  	_ =	shalt  }
0x66: {  	_ =	shalt  }
0x67: {  	_ =	shalt  }
0x68: {  	_ =	shalt  }
0x69: {  	_ =	shalt  }
0x6a: {  	_ =	shalt  }
0x6b: {  	_ =	shalt  }
0x6c: {  	_ =	shalt  }
0x6d: {  	_ =	shalt  }
0x6e: {  	_ =	shalt  }
0x6f: {  	_ =	shalt  }
0x70: {  	_ =	shalt  }
0x71: {  	_ =	shalt  }
0x72: {  	_ =	shalt  }
0x73: {  	_ =	shalt  }
0x74: {  	_ =	shalt  }
0x75: {  	_ =	shalt  }
0x76: {  	_ =	shalt  }
0x77: {  	_ =	shalt  }
0x78: {  	_ =	shalt  }
0x79: {  	_ =	shalt  }
0x7a: {  	_ =	shalt  }
0x7b: {  	_ =	shalt  }
0x7c: {  	_ =	shalt  }
0x7d: {  	_ =	shalt  }
0x7e: {  	_ =	shalt  }
0x7f: {  	_ =	shalt  }
0x80: {  	_ =	shalt  }
0x81: {  	_ =	shalt  }
0x82: {  	_ =	shalt  }
0x83: {  	_ =	shalt  }
0x84: {  	_ =	shalt  }
0x85: {  	_ =	shalt  }
0x86: {  	_ =	shalt  }
0x87: {  	_ =	shalt  }
.Lfunc_end0:
.L_simem_size_0:
called_computation.3_lowered:
.L_overlay_start_0:
0x88: {  	s2 =	sld [smem:$0x3FD9]  }
0x89: {  	s3 =	sld [smem:$0x3FFE];
	_ =	sdelay $0x1  }
0x8a: {  	s1 =	srdreg.scid  }
0x8b: {  	s0 =	sand.u32 $0x1, s1  }
0x8c: {  	s16 =	sshll.u32 s0, $0xA;
	s2 =	sadd.s32 s3, s2  }
0x8d: {  	s2 =	sadd.s32 s2, s16  }
0x8e: {  	[smem:$0x3FB2] =	sst s2  }
0x8f: {  	_ = 	snop  }
0x90: {  	(tm) =	ssettm $0x1  }
0x91: {  	s17 =	sld [smem:$0x3FFB];
	_ =	sdelay $0x3  }
0x92: {  	_ =	strace s17  }
0x93: {  	s2 =	sld [smem:$0x3FFC];
	_ =	sdelay $0x3  }
0x94: {  	_ =	strace s2  }
0x95: {  	s2 =	sld [smem:$0x3FFD];
	_ =	sdelay $0x3  }
0x96: {  	_ =	strace s2  }
0x97: {  	_ =	strace $0x8FFFFFFF  }
0x98: {  	s18 =	sld [smem:$0x3FDB];
	_ =	sdelay $0x1  }
0x99: {  	s19 =	simm.s32 $_scs_section_size  }
0x9a: {  	s4 =	simm.s32 $_size__tile_overlayer_lowered;
	s5 =	simm.s32 $_tile_overlayer_lowered  }
0x9b: {  	s22 =	simm.s32 $0x1BFF;
	s21 =	sshll.u32 s5, $0x1;
	s2 =	sadd.s32 s19, s18  }
0x9c: {  	s6 =	simm.s32 $0x0;
	s20 =	sshll.u32 s4, $0x1;
	s4 =	sadd.s32 s21, s2  }
0x9d: {  	[timem:s6], [sflag:s22] =	dma.local [hbm:s4], s20  }
0x9e: {  	_ =	swait.ge [sflag:s22], s20  }
0x9f: {  	s3 =	ssub.s32 $0x0, s20;
	[sflag:s22] =	ssyncset.done $0x0  }
0xa0: {  	[sflag:s22] =	ssyncadd.s32 s3;
	_ =	sdelay $0x1  }
0xa1: {  	s23 =	simm.s32 $0x1B8B  }
0xa2: {  	_ =	swait.ge [sflag:s23], $0x1  }
0xa3: {  	[sflag:s23] =	ssyncset.done $0x0  }
0xa4: {  	s25 =	simm.s32 $0x1B8E;
	s24 =	sld [smem:$0x3FFE];
	[sflag:s23] =	ssyncadd.s32 $0xFFFFFFFF  }
0xa5: {  	s26 =	simm.s32 $execute0_lowered;
	[smem:$0x3FD2] =	sst s25  }
0xa6: {  	s4 =	sshll.u32 s26, $0x1;
	_ =	strace $0x8000004F;
	[dreg:$0x1] =	wrdreg $0xFFFFFFFF  }
0xa7: {  	s28 =	simm.s32 $_size_execute0_lowered;
	s2 =	sadd.s32 s2, s4;
	[dreg:$0x0] =	wrdreg $0x0  }
0xa8: {  	s4 =	sshll.u32 s28, $0x1;
	[dreg:$0x2] =	wrdreg s2  }
0xa9: {  	[dreg:$0x3] =	wrdreg s4  }
0xaa: {  	[dreg:$0x4] =	wrdreg $0xC0  }
0xab: {  	_ =	task [dreg:s6], $0x5FFFF  }
0xac: {  	[dreg:$0x1] =	wrdreg $0xFFFFFFFF  }
0xad: {  	[dreg:$0x0] =	wrdreg $0x60  }
0xae: {  	[dreg:$0x2] =	wrdreg s24  }
0xaf: {  	[dreg:$0x3] =	wrdreg $0xD7A00  }
0xb0: {  	[dreg:$0x4] =	wrdreg $0x9  }
0xb1: {  	_ =	task.clear_ibuf [dreg:s6], $0x5FFFF;
	_ =	strace $0x9000004F  }
0xb2: {  	s29 =	simm.s32 $0x9;
	_ =	strace $0x80000051  }
0xb3: {  	_ =	swait.ge [sflag:s29], $0x1  }
0xb4: {  	[sflag:s29] =	ssyncadd.s32 $0xFFFFFFFF  }
0xb5: {  	_ =	strace $0x90000051  }
0xb6: {  	_ =	sfence  }
0xb7: {  	s30 =	sld [smem:$0x0];
	_ =	sdelay $0x2  }
0xb8: {  	s31 =	sshll.u32 s1, $0xD;
	s1 =	sshrl.u32 s1, $0x2  }
0xb9: {  	s3 =	sand.u32 $0x4000, s31;
	s1 =	sadd.s32 s1, s30  }
0xba: {  	s0 =	sor.u32 s3, s0;
	s1 =	sshll.u32 s1, $0x11  }
0xbb: {  	s0 =	sor.u32 s1, s0  }
0xbc: {  	s0 =	sadd.s32 $0x8F2B, s0  }
0xbd: {  	[sflag:s0] =	ssyncadd.remote.s32 $0x1  }
0xbe: {  	_ =	sfence.sel $0xFFFF  }
0xbf: {  	[dreg:$0x0] =	wrdreg $0xFFFFFFFF;
	(pc) =	sbr.abs _section_cstart, $3  }
0xc0: {  	[dreg:$0x1] =	wrdreg $0xFFFFFFFF  }
0xc1: {  	_ =	task.clear_ibuf [dreg:s6], $0x2FFFF;
	_ =	strace $0x9FFFFFFF  }
0xc2: {  	(tm) =	ssettm $0x7FFFFFFF  }
0xc3: {  	_ =	shalt  }
tec
execute0_lowered:
.L_overlay_start_1:
0x0: {  	(tag) =	ssettag $0x1  }
0x1: {  	s0 =	rddreg [dreg:$0x0]  }
0x2: {  	s2 =	rddreg [dreg:$0x1]  }
0x3: {  	s1 =	srdreg.scid;
	s9 =	stileid.u32;
	s4 =	simm.s32 $0x0  }
0x4: {  	s28 =	simm.s32 $0x6720;
	s30 =	simm.s32 $0x8020;
	s31 =	simm.s32 $0x1  }
0x5: {  	s29 =	simm.s32 $0x6;
	s1 =	sand.u32 $0x1, s1;
	s3 =	sshll.u32 s9, $0x1  }
0x6: {  	[smem:$0x7FF] =	sst s4;
	s4 =	sadd.s32 $0x41400, s0;
	s7 =	smul.u32 $0x4E200, s9  }
0x7: {  	s13 =	smul.u32 $0x13880, s9;
	p0 =	sgt.u32 s9, $0x9;
	s3 =	sor.u32 s1, s3  }
0x8: {  	_ =	strace $0x80000050;
	s5 =	ssub.s32 $0x2, s1;
	s1 =	smul.u32 $0xC3500, s1  }
0x9: {  	s3 =	smul.u32 $0x4E2, s3;
	s6 =	sshrl.u32 s5, $0x1;
	s12 =	sshrl.u32 s7, $0x2  }
0xa: {  	s20 =	sadd.s32 $0x3E80, s13;
	s10 =	sadd.s32 s13, s2;
	s23 =	sadd.s32 $0x7D00, s13  }
0xb: {  	s24 =	sadd.s32 $0xBB80, s13;
	s5 =	ssub.s32 s5, s6;
	s7 =	sadd.s32 s12, s2  }
0xc: {  	s19 =	sadd.s32 s1, s13;
	s21 =	sadd.s32 s1, s20;
	[dreg:$0xa] =	wrdreg s10  }
0xd: {  	s15 =	sadd.s32 s20, s2;
	s25 =	sadd.s32 s1, s24;
	s3 =	sadd.s32 s3, s0  }
0xe: {  	s0 =	sadd.s32 $0x59C00, s0;
	s5 =	smax.u32 s5, $0x1;
	s16 =	sadd.s32 $0x3E80, s7  }
0xf: {  	s17 =	sadd.s32 $0x7D00, s7;
	s18 =	sadd.s32 $0xBB80, s7;
	[dreg:$0x5] =	wrdreg s5  }
0x10: {  	s8 =	sadd.s32 $0xFA00, s7;
	s22 =	sshrl.u32 s21, $0x3;
	[dreg:$0x6] =	wrdreg s16  }
0x11: {  	s26 =	sshrl.u32 s25, $0x3;
	s25 =	simm.s32 $0x50;
	[dreg:$0x7] =	wrdreg s17  }
0x12: {  	s11 =	sadd.s32 $0x6600, s3;
	s3 =	sadd.s32 $0x10400, s3;
	[dreg:$0x8] =	wrdreg s18  }
0x13: {  	[dreg:$0x9] =	wrdreg s8;
	s5 =	sshrl.u32 s19, $0x3;
	s16 =	sadd.s32 s0, s22  }
0x14: {  	s17 =	sadd.s32 s23, s2;
	s19 =	sadd.s32 s24, s2;
	s20 =	sadd.s32 s0, s26  }
0x15: {  	s26 =	simm.s32 $0x4E20;
	s24 =	simm.s32 $0x5;
	[dreg:$0x3] =	wrdreg s11  }
0x16: {  	[dreg:$0x4] =	wrdreg s3;
	s14 =	sadd.s32 s0, s5;
	s5 =	sadd.s32 s1, s23  }
0x17: {  	s3 =	sadd.s32 $0xFA00, s13;
	s23 =	simm.s32 $0x7;
	s5 =	sshrl.u32 s5, $0x3  }
0x18: {  	s1 =	sadd.s32 s1, s3;
	s21 =	sadd.s32 s3, s2;
	s3 =	simm.s32 $0x4  }
0x19: {  	s18 =	sadd.s32 s0, s5;
	s1 =	sshrl.u32 s1, $0x3;
	s5 =	simm.s32 $0x0  }
0x1a: {  	v0 =	vimm.f32 $0.0e+00;
	s22 =	sadd.s32 s0, s1;
	s0 =	simm.s32 $0x2;
	s1 =	simm.s32 $0x3  }
.LBB2_1:
0x1b: {  	s6 =	simm.s32 $0x0  }
0x1c: {  	s6 =	smul.u32 $0xCCCD, s6;
	_ =	sdelay $0x1  }
0x1d: {  	s8 =	sshrl.u32 s6, $0x12  }
0x1e: {  	s9 =	simm.s32 $0x0;
	s6 =	simm.s32 $0x1;
	s10 =	smul.u32 $0x5, s8  }
.LBB2_2:
0x1f: {  	s11 =	smul.u32 $0xCCCD, s6  }
0x20: {  	s12 =	smov.u32 s6;
	s8 =	smul.u32 $0x140, s8;
	p1 =	sne.s32 s6, $0x3E7  }
.Ltmp0:
0x21: {  	s9 =	ssub.s32 s9, s10;
	(pc) =	sbr.rel @p1 .LBB2_2-.Ltmp0, $4  }
0x22: {  	s6 =	sadd.s32 $0x1, s6;
	s9 =	sand.u32 $0xFFFF, s9  }
0x23: {  	s10 =	sshrl.u32 s8, $0x2;
	s13 =	sshll.u32 s9, $0x4;
	s9 =	smov.u32 s12  }
0x24: {  	s8 =	sshrl.u32 s11, $0x12;
	s11 =	sadd.s32 s13, s10  }
0x25: {  	s10 =	smul.u32 $0x5, s8;
	[tilespmem:s11+$0x9920] =	vst v0  }
0x26: {  	_ = 	snop  }
0x27: {  	s8 =	smul.u32 $0x140, s8;
	s6 =	ssub.s32 s9, s10  }
0x28: {  	s6 =	sand.u32 $0xFFFF, s6  }
0x29: {  	s8 =	sshrl.u32 s8, $0x2;
	s6 =	sshll.u32 s6, $0x4  }
0x2a: {  	s6 =	sadd.s32 s6, s8  }
0x2b: {  	s8 =	simm.s32 @!p0 $0x7;
	[tilespmem:s6+$0x9920] =	vst v0;
	s6 =	simm.s32 @!p0 $0x9920  }
0x2c: {  	[spmem:s7] =	stream.linear.scatter @!p0 [tilespmem:s6], [sflag:$0x7], $0x3E80, $0x38;
	[tilespmem:$0x19AF0] =	vst v63  }
0x2d: {  	_ =	swait.ge @!p0 [sflag:s8], $0x3E80  }
0x2e: {  	[sflag:s8] =	ssyncset.done @!p0 $0x0  }
0x2f: {  	s9 =	rddreg [dreg:$0x6];
	[sflag:s8] =	ssyncadd.s32 @!p0 $0xFFFFC180  }
0x30: {  	[spmem:s9] =	stream.linear.scatter @!p0 [tilespmem:s6], [sflag:$0x7], $0x3E80, $0x38;
	[tilespmem:$0x19AF0] =	vst v63  }
0x31: {  	_ =	swait.ge @!p0 [sflag:s8], $0x3E80  }
0x32: {  	[sflag:s8] =	ssyncset.done @!p0 $0x0  }
0x33: {  	s9 =	rddreg [dreg:$0x7];
	[sflag:s8] =	ssyncadd.s32 @!p0 $0xFFFFC180  }
0x34: {  	[spmem:s9] =	stream.linear.scatter @!p0 [tilespmem:s6], [sflag:$0x7], $0x3E80, $0x38;
	[tilespmem:$0x19AF0] =	vst v63  }
0x35: {  	_ =	swait.ge @!p0 [sflag:s8], $0x3E80  }
0x36: {  	[sflag:s8] =	ssyncset.done @!p0 $0x0  }
0x37: {  	s9 =	rddreg [dreg:$0x8];
	[sflag:s8] =	ssyncadd.s32 @!p0 $0xFFFFC180  }
0x38: {  	[spmem:s9] =	stream.linear.scatter @!p0 [tilespmem:s6], [sflag:$0x7], $0x3E80, $0x38;
	[tilespmem:$0x19AF0] =	vst v63  }
0x39: {  	_ =	swait.ge @!p0 [sflag:s8], $0x3E80  }
0x3a: {  	[sflag:s8] =	ssyncset.done @!p0 $0x0  }
0x3b: {  	s9 =	rddreg [dreg:$0x9];
	[sflag:s8] =	ssyncadd.s32 @!p0 $0xFFFFC180  }
0x3c: {  	[spmem:s9] =	stream.linear.scatter @!p0 [tilespmem:s6], [sflag:$0x7], $0x3E80, $0x38;
	[tilespmem:$0x19AF0] =	vst v63  }
0x3d: {  	_ =	swait.ge @!p0 [sflag:s8], $0x3E80  }
0x3e: {  	[sflag:s8] =	ssyncset.done @!p0 $0x0  }
0x3f: {  	[sflag:s8] =	ssyncadd.s32 @!p0 $0xFFFFC180  }
0x40: {  	[bflag:$0x0] =	sbarrier.arrive $0xFFFF  }
0x41: {  	s10 =	simm.s32 $0x0;
	s11 =	rddreg [dreg:$0x3]  }
0x42: {  	[tilespmem:s10], [sflag:$0x7] =	stream.linear.gather [hbm4b:s11+s10], $0x2710, $0x38;
	[tilespmem:$0x19AF0] =	vst v63  }
0x43: {  	_ =	swait.ge [sflag:s23], $0x2710  }
0x44: {  	[sflag:s23] =	ssyncset.done $0x0  }
0x45: {  	s13 =	simm.s32 $0x2710;
	s12 =	rddreg [dreg:$0x4];
	[sflag:s23] =	ssyncadd.s32 $0xFFFFD8F0  }
0x46: {  	[tilespmem:s13], [sflag:$0x7] =	stream.linear.gather [hbm4b:s12+s10], $0x2710, $0x38;
	[tilespmem:$0x19AF0] =	vst v63  }
0x47: {  	_ =	swait.ge [sflag:s23], $0x2710  }
0x48: {  	[sflag:s23] =	ssyncset.done $0x0  }
0x49: {  	[sflag:s23] =	ssyncadd.s32 $0xFFFFD8F0  }
0x4a: {  	[tilespmem:s26], [sflag:$0x1] =	stream.indirect.gather [hbm4b:s4+s25], $0x50, s10, s25, $0xb8;
	[tilespmem:$0x19AF0] =	vst v63  }
0x4b: {  	_ = 	snop  }
0x4c: {  	[tilespmem:s28], [sflag:$0x2] =	stream.indirect.gather [hbm4b:s4+s25], $0x50, s25, s25, $0xb8;
	[tilespmem:$0x19AF0] =	vst v63  }
0x4d: {  	s8 =	simm.s32 $0xA0  }
0x4e: {  	[tilespmem:s30], [sflag:$0x3] =	stream.indirect.gather [hbm4b:s4+s25], $0x50, s8, s25, $0xb8;
	[tilespmem:$0x19AF0] =	vst v63  }
0x4f: {  	_ =	swait.ge [sflag:s31], $0x1900  }
0x50: {  	[sflag:s31] =	ssyncset.done $0x0  }
0x51: {  	s9 =	simm.s32 $0x2710;
	[sflag:s31] =	ssyncadd.s32 $0xFFFFE700  }
0x52: {  	[spmem:s2] =	stream.indirect.scatter.add.f32 [tilespmem:s26], [sflag:$0x4], $0x50, s9, s25, $0xb8;
	[tilespmem:$0x19AF0] =	vst v63  }
0x53: {  	_ =	swait.ge [sflag:s0], $0x1900  }
0x54: {  	[sflag:s0] =	ssyncset.done $0x0  }
0x55: {  	s10 =	simm.s32 $0x2760;
	[sflag:s0] =	ssyncadd.s32 $0xFFFFE700  }
0x56: {  	[spmem:s2] =	stream.indirect.scatter.add.f32 [tilespmem:s28], [sflag:$0x5], $0x50, s10, s25, $0xb8;
	[tilespmem:$0x19AF0] =	vst v63  }
0x57: {  	_ =	swait.ge [sflag:s1], $0x1900  }
0x58: {  	[sflag:s1] =	ssyncset.done $0x0  }
0x59: {  	s11 =	simm.s32 $0x27B0;
	[sflag:s1] =	ssyncadd.s32 $0xFFFFE700  }
0x5a: {  	[spmem:s2] =	stream.indirect.scatter.add.f32 [tilespmem:s30], [sflag:$0x6], $0x50, s11, s25, $0xb8;
	[tilespmem:$0x19AF0] =	vst v63  }
0x5b: {  	_ =	swait.ge [sflag:s3], $0x1900  }
0x5c: {  	[sflag:s3] =	ssyncset.done $0x0  }
0x5d: {  	s12 =	simm.s32 $0xF0;
	[sflag:s3] =	ssyncadd.s32 $0xFFFFE700  }
0x5e: {  	[tilespmem:s26], [sflag:$0x1] =	stream.indirect.gather [hbm4b:s4+s25], $0x50, s12, s25, $0xb8;
	[tilespmem:$0x19AF0] =	vst v63  }
0x5f: {  	_ =	swait.ge [sflag:s24], $0x1900  }
0x60: {  	[sflag:s24] =	ssyncset.done $0x0  }
0x61: {  	s13 =	simm.s32 $0x140;
	[sflag:s24] =	ssyncadd.s32 $0xFFFFE700  }
0x62: {  	[tilespmem:s28], [sflag:$0x2] =	stream.indirect.gather [hbm4b:s4+s25], $0x50, s13, s25, $0xb8;
	[tilespmem:$0x19AF0] =	vst v63  }
0x63: {  	_ =	swait.ge [sflag:s29], $0x1900  }
0x64: {  	[sflag:s29] =	ssyncset.done $0x0  }
0x65: {  	s6 =	simm.s32 $0x3C0;
	s8 =	simm.s32 $0x190;
	[sflag:s29] =	ssyncadd.s32 $0xFFFFE700  }
.LBB2_4:
0x66: {  	[tilespmem:s30], [sflag:$0x3] =	stream.indirect.gather [hbm4b:s4+s25], $0x50, s8, s25, $0xb8;
	[tilespmem:$0x19AF0] =	vst v63  }
0x67: {  	s8 =	smov.u32 s6  }
0x68: {  	p1 =	sne.s32 s6, $0x9240;
	s6 =	sadd.s32 $0x3C0, s6;
	_ =	swait.ge [sflag:s31], $0x1900  }
0x69: {  	s8 =	sshra.s32 s8, $0x2;
	[sflag:s31] =	ssyncset.done $0x0  }
0x6a: {  	s9 =	sadd.s32 $0x2710, s8;
	[sflag:s31] =	ssyncadd.s32 $0xFFFFE700  }
0x6b: {  	[spmem:s2] =	stream.indirect.scatter.add.f32 [tilespmem:s26], [sflag:$0x4], $0x50, s9, s25, $0xb8;
	[tilespmem:$0x19AF0] =	vst v63  }
0x6c: {  	_ =	swait.ge [sflag:s0], $0x1900  }
0x6d: {  	[sflag:s0] =	ssyncset.done $0x0  }
0x6e: {  	s9 =	sadd.s32 $0x2760, s8;
	[sflag:s0] =	ssyncadd.s32 $0xFFFFE700  }
0x6f: {  	[spmem:s2] =	stream.indirect.scatter.add.f32 [tilespmem:s28], [sflag:$0x5], $0x50, s9, s25, $0xb8;
	[tilespmem:$0x19AF0] =	vst v63  }
0x70: {  	_ =	swait.ge [sflag:s1], $0x1900  }
0x71: {  	[sflag:s1] =	ssyncset.done $0x0  }
0x72: {  	s9 =	sadd.s32 $0x27B0, s8;
	[sflag:s1] =	ssyncadd.s32 $0xFFFFE700  }
0x73: {  	[spmem:s2] =	stream.indirect.scatter.add.f32 [tilespmem:s30], [sflag:$0x6], $0x50, s9, s25, $0xb8;
	[tilespmem:$0x19AF0] =	vst v63  }
0x74: {  	_ =	swait.ge [sflag:s3], $0x1900  }
0x75: {  	[sflag:s3] =	ssyncset.done $0x0  }
0x76: {  	s9 =	sadd.s32 $0xF0, s8;
	[sflag:s3] =	ssyncadd.s32 $0xFFFFE700  }
0x77: {  	[tilespmem:s26], [sflag:$0x1] =	stream.indirect.gather [hbm4b:s4+s25], $0x50, s9, s25, $0xb8;
	[tilespmem:$0x19AF0] =	vst v63  }
0x78: {  	_ =	swait.ge [sflag:s24], $0x1900  }
0x79: {  	[sflag:s24] =	ssyncset.done $0x0  }
.Ltmp1:
0x7a: {  	s9 =	sadd.s32 $0x140, s8;
	[sflag:s24] =	ssyncadd.s32 $0xFFFFE700;
	(pc) =	sbr.rel @p1 .LBB2_4-.Ltmp1, $4  }
0x7b: {  	[tilespmem:s28], [sflag:$0x2] =	stream.indirect.gather [hbm4b:s4+s25], $0x50, s9, s25, $0xb8;
	[tilespmem:$0x19AF0] =	vst v63  }
0x7c: {  	_ =	swait.ge [sflag:s29], $0x1900  }
0x7d: {  	[sflag:s29] =	ssyncset.done $0x0  }
0x7e: {  	s8 =	sadd.s32 $0x190, s8;
	[sflag:s29] =	ssyncadd.s32 $0xFFFFE700  }
0x7f: {  	[tilespmem:s30], [sflag:$0x3] =	stream.indirect.gather [hbm4b:s4+s25], $0x50, s8, s25, $0xb8;
	[tilespmem:$0x19AF0] =	vst v63  }
0x80: {  	_ =	swait.ge [sflag:s31], $0x1900  }
0x81: {  	[sflag:s31] =	ssyncset.done $0x0  }
0x82: {  	s6 =	simm.s32 $0x4C90;
	[sflag:s31] =	ssyncadd.s32 $0xFFFFE700  }
0x83: {  	[spmem:s2] =	stream.indirect.scatter.add.f32 [tilespmem:s26], [sflag:$0x4], $0x50, s6, s25, $0xb8;
	[tilespmem:$0x19AF0] =	vst v63  }
0x84: {  	_ =	swait.ge [sflag:s0], $0x1900  }
0x85: {  	[sflag:s0] =	ssyncset.done $0x0  }
0x86: {  	s13 =	simm.s32 $0x4CE0;
	[sflag:s0] =	ssyncadd.s32 $0xFFFFE700  }
0x87: {  	[spmem:s2] =	stream.indirect.scatter.add.f32 [tilespmem:s28], [sflag:$0x5], $0x50, s13, s25, $0xb8;
	[tilespmem:$0x19AF0] =	vst v63  }
0x88: {  	_ =	swait.ge [sflag:s1], $0x1900  }
0x89: {  	[sflag:s1] =	ssyncset.done $0x0  }
0x8a: {  	s8 =	simm.s32 $0x4D30;
	[sflag:s1] =	ssyncadd.s32 $0xFFFFE700  }
0x8b: {  	[spmem:s2] =	stream.indirect.scatter.add.f32 [tilespmem:s30], [sflag:$0x6], $0x50, s8, s25, $0xb8;
	[tilespmem:$0x19AF0] =	vst v63  }
0x8c: {  	_ =	swait.ge [sflag:s3], $0x1900  }
0x8d: {  	[sflag:s3] =	ssyncset.done $0x0  }
0x8e: {  	s9 =	simm.s32 $0x2670;
	[sflag:s3] =	ssyncadd.s32 $0xFFFFE700  }
0x8f: {  	[tilespmem:s26], [sflag:$0x1] =	stream.indirect.gather [hbm4b:s4+s25], $0x50, s9, s25, $0xb8;
	[tilespmem:$0x19AF0] =	vst v63  }
0x90: {  	_ =	swait.ge [sflag:s24], $0x1900  }
0x91: {  	[sflag:s24] =	ssyncset.done $0x0  }
0x92: {  	s10 =	simm.s32 $0x26C0;
	[sflag:s24] =	ssyncadd.s32 $0xFFFFE700  }
0x93: {  	[tilespmem:s28], [sflag:$0x2] =	stream.indirect.gather [hbm4b:s4+s25], $0x50, s10, s25, $0xb8;
	[tilespmem:$0x19AF0] =	vst v63  }
0x94: {  	_ =	swait.ge [sflag:s29], $0x1900  }
0x95: {  	[sflag:s29] =	ssyncset.done $0x0  }
0x96: {  	[sflag:s29] =	ssyncadd.s32 $0xFFFFE700  }
0x97: {  	_ =	swait.ge [sflag:s31], $0x1900  }
0x98: {  	[sflag:s31] =	ssyncset.done $0x0  }
0x99: {  	s11 =	simm.s32 $0x4D80;
	[sflag:s31] =	ssyncadd.s32 $0xFFFFE700  }
0x9a: {  	[spmem:s2] =	stream.indirect.scatter.add.f32 [tilespmem:s26], [sflag:$0x4], $0x50, s11, s25, $0xb8;
	[tilespmem:$0x19AF0] =	vst v63  }
0x9b: {  	_ =	swait.ge [sflag:s0], $0x1900  }
0x9c: {  	[sflag:s0] =	ssyncset.done $0x0  }
0x9d: {  	s12 =	simm.s32 $0x4DD0;
	[sflag:s0] =	ssyncadd.s32 $0xFFFFE700  }
0x9e: {  	[spmem:s2] =	stream.indirect.scatter.add.f32 [tilespmem:s28], [sflag:$0x5], $0x50, s12, s25, $0xb8;
	[tilespmem:$0x19AF0] =	vst v63  }
0x9f: {  	_ =	swait.ge [sflag:s3], $0x1900  }
0xa0: {  	[sflag:s3] =	ssyncset.done $0x0  }
0xa1: {  	[sflag:s3] =	ssyncadd.s32 $0xFFFFE700  }
0xa2: {  	_ =	swait.ge [sflag:s24], $0x1900  }
0xa3: {  	[sflag:s24] =	ssyncset.done $0x0  }
0xa4: {  	[sflag:s24] =	ssyncadd.s32 $0xFFFFE700  }
0xa5: {  	[bflag:$0x0] =	sbarrier.arrive $0xFFFF  }
0xa6: {  	s6 =	simm.s32 @!p0 $0x9920;
	s8 =	rddreg [dreg:$0xa]  }
0xa7: {  	[tilespmem:s6], [sflag:$0x7] =	stream.linear.gather @!p0 [spmem:s8], $0x3E80, $0x38;
	[tilespmem:$0x19AF0] =	vst v63  }
0xa8: {  	s8 =	simm.s32 @!p0 $0x7  }
0xa9: {  	_ =	swait.ge @!p0 [sflag:s8], $0x3E80  }
0xaa: {  	[sflag:s8] =	ssyncset.done @!p0 $0x0  }
0xab: {  	s9 =	simm.s32 @!p0 $0x0;
	[sflag:s8] =	ssyncadd.s32 @!p0 $0xFFFFC180  }
0xac: {  	[hbm4b:s14+s9] =	stream.linear.scatter @!p0 [tilespmem:s6], [sflag:$0x7], $0x3E80, $0x38;
	[tilespmem:$0x19AF0] =	vst v63  }
0xad: {  	_ =	swait.ge @!p0 [sflag:s8], $0x3E80  }
0xae: {  	[sflag:s8] =	ssyncset.done @!p0 $0x0  }
0xaf: {  	[sflag:s8] =	ssyncadd.s32 @!p0 $0xFFFFC180  }
0xb0: {  	[tilespmem:s6], [sflag:$0x7] =	stream.linear.gather @!p0 [spmem:s15], $0x3E80, $0x38;
	[tilespmem:$0x19AF0] =	vst v63  }
0xb1: {  	_ =	swait.ge @!p0 [sflag:s8], $0x3E80  }
0xb2: {  	[sflag:s8] =	ssyncset.done @!p0 $0x0  }
0xb3: {  	[sflag:s8] =	ssyncadd.s32 @!p0 $0xFFFFC180  }
0xb4: {  	[hbm4b:s16+s9] =	stream.linear.scatter @!p0 [tilespmem:s6], [sflag:$0x7], $0x3E80, $0x38;
	[tilespmem:$0x19AF0] =	vst v63  }
0xb5: {  	_ =	swait.ge @!p0 [sflag:s8], $0x3E80  }
0xb6: {  	[sflag:s8] =	ssyncset.done @!p0 $0x0  }
0xb7: {  	[sflag:s8] =	ssyncadd.s32 @!p0 $0xFFFFC180  }
0xb8: {  	[tilespmem:s6], [sflag:$0x7] =	stream.linear.gather @!p0 [spmem:s17], $0x3E80, $0x38;
	[tilespmem:$0x19AF0] =	vst v63  }
0xb9: {  	_ =	swait.ge @!p0 [sflag:s8], $0x3E80  }
0xba: {  	[sflag:s8] =	ssyncset.done @!p0 $0x0  }
0xbb: {  	[sflag:s8] =	ssyncadd.s32 @!p0 $0xFFFFC180  }
0xbc: {  	[hbm4b:s18+s9] =	stream.linear.scatter @!p0 [tilespmem:s6], [sflag:$0x7], $0x3E80, $0x38;
	[tilespmem:$0x19AF0] =	vst v63  }
0xbd: {  	_ =	swait.ge @!p0 [sflag:s8], $0x3E80  }
0xbe: {  	[sflag:s8] =	ssyncset.done @!p0 $0x0  }
0xbf: {  	[sflag:s8] =	ssyncadd.s32 @!p0 $0xFFFFC180  }
0xc0: {  	[tilespmem:s6], [sflag:$0x7] =	stream.linear.gather @!p0 [spmem:s19], $0x3E80, $0x38;
	[tilespmem:$0x19AF0] =	vst v63  }
0xc1: {  	_ =	swait.ge @!p0 [sflag:s8], $0x3E80  }
0xc2: {  	[sflag:s8] =	ssyncset.done @!p0 $0x0  }
0xc3: {  	[sflag:s8] =	ssyncadd.s32 @!p0 $0xFFFFC180  }
0xc4: {  	[hbm4b:s20+s9] =	stream.linear.scatter @!p0 [tilespmem:s6], [sflag:$0x7], $0x3E80, $0x38;
	[tilespmem:$0x19AF0] =	vst v63  }
0xc5: {  	_ =	swait.ge @!p0 [sflag:s8], $0x3E80  }
0xc6: {  	[sflag:s8] =	ssyncset.done @!p0 $0x0  }
0xc7: {  	[sflag:s8] =	ssyncadd.s32 @!p0 $0xFFFFC180  }
0xc8: {  	[tilespmem:s6], [sflag:$0x7] =	stream.linear.gather @!p0 [spmem:s21], $0x3E80, $0x38;
	[tilespmem:$0x19AF0] =	vst v63  }
0xc9: {  	_ =	swait.ge @!p0 [sflag:s8], $0x3E80  }
0xca: {  	[sflag:s8] =	ssyncset.done @!p0 $0x0  }
0xcb: {  	[sflag:s8] =	ssyncadd.s32 @!p0 $0xFFFFC180  }
0xcc: {  	[hbm4b:s22+s9] =	stream.linear.scatter @!p0 [tilespmem:s6], [sflag:$0x7], $0x3E80, $0x38;
	[tilespmem:$0x19AF0] =	vst v63  }
0xcd: {  	_ =	swait.ge @!p0 [sflag:s8], $0x3E80  }
0xce: {  	s5 =	sadd.s32 $0x1, s5;
	s13 =	rddreg [dreg:$0x5]  }
0xcf: {  	p1 =	sne.s32 s5, s13  }
.Ltmp2:
0xd0: {  	_ = 	snop;
	(pc) =	sbr.rel @p1 .LBB2_1-.Ltmp2, $3  }
0xd1: {  	_ =	sdelay $0x1  }
0xd2: {  	[sflag:s8] =	ssyncset.done @!p0 $0x0  }
0xd3: {  	[sflag:s8] =	ssyncadd.s32 @!p0 $0xFFFFC180  }
0xd4: {  	_ =	sfence.sel $0x180000  }
0xd5: {  	[bflag:$0x0] =	sbarrier.arrive $0xFFFF  }
0xd6: {  	_ =	strace $0x90000050  }
0xd7: {  	s0 =	stileid.u32;
	[bflag:$0x2] =	sbarrier.arrive $0xFFFF  }
0xd8: {  	p0 =	sne.s32 s0, $0x0;
	s0 =	rddreg [dreg:$0x2]  }
0xd9: {  	s0 =	sadd.s32 @!p0 $0x100000, s0  }
0xda: {  	[sflag:s0] =	ssyncadd.tile.s32 @!p0 $0x1;
	_ =	shalt  }
.Lfunc_end2:
_tile_overlayer_lowered:
.L_overlay_start_2:
0xdb: {  	(tag) =	ssettag $0x2  }
0xdc: {  	s0 =	rddreg [dreg:$0x0];
	s2 =	stileid.u32  }
0xdd: {  	s1 =	rddreg [dreg:$0x1];
	p0 =	sne.s32 s2, $0x0  }
0xde: {  	s3 =	rddreg [dreg:$0x2];
	[bflag:$0x3] =	sbarrier.arrive $0xFFFF;
	s2 =	simm.s32 @!p0 $0x1C07  }
0xdf: {  	[timem:s3], [sflag:s2] =	dma.local @!p0 [hbm:s0], s1  }
0xe0: {  	s0 =	simm.s32 @!p0 $0x7  }
0xe1: {  	_ =	swait.ge @!p0 [sflag:s0], s1  }
0xe2: {  	s1 =	ssub.s32 @!p0 $0x0, s1;
	[sflag:s0] =	ssyncset.done @!p0 $0x0  }
0xe3: {  	[sflag:s0] =	ssyncadd.s32 @!p0 s1  }
0xe4: {  	[bflag:$0x3] =	sbarrier.arrive $0xFFFF  }
0xe5: {  	_ =	shalt  }

// kernel: kernel.28.cloned.1.call-start
scs
__scs_entry_jumppad:
0x0: {  	(pc) =	sbr.rel $0x88, $3  }
0x1: {  	(tag) =	ssettag $0x0;
	lr =	simm.s32 $0x1  }
0x2: {  	[smem:$0x3F8B] =	sst lr;
	_ =	strace $0xD0000000  }
0x3: {  	_ = 	snop  }
0x4: {  	_ = 	snop  }
0x5: {  	_ = 	snop  }
0x6: {  	_ = 	snop  }
0x7: {  	_ = 	snop  }
__scs_overlays_trampoline_lowered:
0x8: {  	[smem:$0x3F9A] =	sst s0  }
0x9: {  	[smem:$0x3F9B] =	sst s1  }
0xa: {  	[smem:$0x3F9C] =	sst s2  }
0xb: {  	[smem:$0x3F9D] =	sst s3  }
0xc: {  	[smem:$0x3F9E] =	sst s4  }
0xd: {  	[smem:$0x3F9F] =	sst s5  }
0xe: {  	[smem:$0x3FA0] =	sst s6  }
0xf: {  	[smem:$0x3FA1] =	sst s7  }
0x10: {  	[smem:$0x3FA2] =	sst s8  }
0x11: {  	[smem:$0x3FA3] =	sst s9;
	s0 =	simm.s32 @!p0 $0x0  }
0x12: {  	s1 =	sld [smem:$0x3F89];
	s0 =	simm.s32 @p0 $0x1  }
0x13: {  	[smem:$0x3FA4] =	sst s0;
	s0 =	simm.s32 @!p1 $0x0  }
0x14: {  	s2 =	sld [smem:$0x3F88];
	s0 =	simm.s32 @p1 $0x1  }
0x15: {  	[smem:$0x3FA5] =	sst s0;
	s0 =	simm.s32 @!p2 $0x0  }
0x16: {  	s3 =	sld [smem:$0x3FDB];
	s0 =	simm.s32 @p2 $0x1  }
0x17: {  	s4 =	simm.s32 $0x1BF5;
	[smem:$0x3FA7] =	sst s0  }
0x18: {  	s0 =	sld [smem:$0x3F8A];
	_ =	swait.ge [sflag:s4], $0x0  }
0x19: {  	s7 =	sld [smem:$0x3F8B]  }
0x1a: {  	s8 =	sadd.s32 $0xFFFFE003, lr  }
0x1b: {  	s9 =	sadd.s32 $0xFFFFFEF7, lr;
	s5 =	simm.s32 $0xFFFFFFFF;
	p2 =	slt.u32 s8, $0xFFFFF086  }
0x1c: {  	p1 =	slt.u32 s9, $0xF7A;
	s5 =	simm.s32 @!p2 $0x0  }
0x1d: {  	s5 =	simm.s32 @p1 $0x1;
	p0 =	seq.s32 s7, s2  }
0x1e: {  	s7 =	smul.u32 @!p0 $0xF7A, s2;
	p2 =	seq.s32 @!p0 s5, $0x0  }
0x1f: {  	s9 =	smul.u32 $0xF7A, s1;
	s8 =	simm.s32 @!p0 $0x1BF5;
	p2 =	por !p2, p0  }
0x20: {  	[sflag:s8] =	ssyncset.s32 @!p0 $0xFFFFF086;
	s6 =	sadd.s32 @!p0 s3, s7;
	s7 =	simm.s32 @!p0 $0x108  }
0x21: {  	s3 =	sadd.s32 s3, s9;
	s6 =	sadd.s32 @!p0 $0x88, s6;
	s7 =	simm.s32 @p2 $0x1082  }
0x22: {  	[simem:s7], [sflag:s8] =	dma.local @!p0 [hbm:s6], $0xF7A  }
0x23: {  	s9 =	sor.u32 $0xD0000000, s2;
	s6 =	simm.s32 $0x108;
	_ =	swait.ge @!p0 [sflag:s8], $0x0  }
0x24: {  	s3 =	sadd.s32 $0x88, s3;
	s6 =	simm.s32 @!p1 $0x1082;
	[sflag:s4] =	ssyncset.s32 $0xFFFFF086  }
0x25: {  	[simem:s6], [sflag:s4] =	dma.local [hbm:s3], $0xF7A  }
0x26: {  	[smem:$0x3F8B] =	sst s1;
	(tag) =	ssettag s2;
	_ =	strace s9  }
0x27: {  	s1 =	sld [smem:$0x3F9B]  }
0x28: {  	s2 =	sld [smem:$0x3F9C]  }
0x29: {  	s4 =	sld [smem:$0x3F9E]  }
0x2a: {  	p0 =	seq.s32 s5, $0x0;
	s5 =	sld [smem:$0x3F9F]  }
0x2b: {  	s6 =	sld [smem:$0x3FA0]  }
0x2c: {  	s7 =	sld [smem:$0x3FA1]  }
0x2d: {  	s3 =	simm.s32 $0x108;
	s8 =	sld [smem:$0x3FA2]  }
0x2e: {  	s3 =	simm.s32 @!p0 $0x1082;
	s9 =	sld [smem:$0x3FA3]  }
0x2f: {  	lr =	sadd.s32 s0, s3;
	s0 =	sld [smem:$0x3F9A]  }
0x30: {  	s3 =	sld [smem:$0x3F9D]  }
0x31: {  	[smem:$0x3FA6] =	sst s10  }
0x32: {  	s10 =	sld [smem:$0x3FA4];
	_ =	sdelay $0x3  }
0x33: {  	p0 =	seq.s32 s10, $0x1;
	s10 =	sld [smem:$0x3FA6];
	_ =	sdelay $0x3  }
0x34: {  	[smem:$0x3FA6] =	sst s10  }
0x35: {  	s10 =	sld [smem:$0x3FA5];
	_ =	sdelay $0x3  }
0x36: {  	p1 =	seq.s32 s10, $0x1;
	s10 =	sld [smem:$0x3FA6];
	_ =	sdelay $0x3  }
0x37: {  	[smem:$0x3FA6] =	sst s10  }
0x38: {  	s10 =	sld [smem:$0x3FA7]  }
0x39: {  	_ = 	snop;
	(pc) =	sbr.ind lr, $3  }
0x3a: {  	_ = 	snop  }
0x3b: {  	_ = 	snop  }
0x3c: {  	p2 =	seq.s32 s10, $0x1;
	s10 =	sld [smem:$0x3FA6]  }
0x3d: {  	_ =	shalt  }
0x3e: {  	_ =	shalt  }
0x3f: {  	_ =	shalt  }
0x40: {  	_ =	shalt  }
0x41: {  	_ =	shalt  }
0x42: {  	_ =	shalt  }
0x43: {  	_ =	shalt  }
0x44: {  	_ =	shalt  }
0x45: {  	_ =	shalt  }
0x46: {  	_ =	shalt  }
0x47: {  	_ =	shalt  }
0x48: {  	_ =	shalt  }
0x49: {  	_ =	shalt  }
0x4a: {  	_ =	shalt  }
0x4b: {  	_ =	shalt  }
0x4c: {  	_ =	shalt  }
0x4d: {  	_ =	shalt  }
0x4e: {  	_ =	shalt  }
0x4f: {  	_ =	shalt  }
0x50: {  	_ =	shalt  }
0x51: {  	_ =	shalt  }
0x52: {  	_ =	shalt  }
0x53: {  	_ =	shalt  }
0x54: {  	_ =	shalt  }
0x55: {  	_ =	shalt  }
0x56: {  	_ =	shalt  }
0x57: {  	_ =	shalt  }
0x58: {  	_ =	shalt  }
0x59: {  	_ =	shalt  }
0x5a: {  	_ =	shalt  }
0x5b: {  	_ =	shalt  }
0x5c: {  	_ =	shalt  }
0x5d: {  	_ =	shalt  }
0x5e: {  	_ =	shalt  }
0x5f: {  	_ =	shalt  }
0x60: {  	_ =	shalt  }
0x61: {  	_ =	shalt  }
0x62: {  	_ =	shalt  }
0x63: {  	_ =	shalt  }
0x64: {  	_ =	shalt  }
0x65: {  	_ =	shalt  }
0x66: {  	_ =	shalt  }
0x67: {  	_ =	shalt  }
0x68: {  	_ =	shalt  }
0x69: {  	_ =	shalt  }
0x6a: {  	_ =	shalt  }
0x6b: {  	_ =	shalt  }
0x6c: {  	_ =	shalt  }
0x6d: {  	_ =	shalt  }
0x6e: {  	_ =	shalt  }
0x6f: {  	_ =	shalt  }
0x70: {  	_ =	shalt  }
0x71: {  	_ =	shalt  }
0x72: {  	_ =	shalt  }
0x73: {  	_ =	shalt  }
0x74: {  	_ =	shalt  }
0x75: {  	_ =	shalt  }
0x76: {  	_ =	shalt  }
0x77: {  	_ =	shalt  }
0x78: {  	_ =	shalt  }
0x79: {  	_ =	shalt  }
0x7a: {  	_ =	shalt  }
0x7b: {  	_ =	shalt  }
0x7c: {  	_ =	shalt  }
0x7d: {  	_ =	shalt  }
0x7e: {  	_ =	shalt  }
0x7f: {  	_ =	shalt  }
0x80: {  	_ =	shalt  }
0x81: {  	_ =	shalt  }
0x82: {  	_ =	shalt  }
0x83: {  	_ =	shalt  }
0x84: {  	_ =	shalt  }
0x85: {  	_ =	shalt  }
0x86: {  	_ =	shalt  }
0x87: {  	_ =	shalt  }
.Lfunc_end0:
.L_simem_size_0:
called_computation.4_lowered:
.L_overlay_start_0:
0x88: {  	s2 =	sld [smem:$0x3FD9]  }
0x89: {  	s3 =	sld [smem:$0x3FFE];
	_ =	sdelay $0x1  }
0x8a: {  	s1 =	srdreg.scid  }
0x8b: {  	s0 =	sand.u32 $0x1, s1  }
0x8c: {  	s16 =	sshll.u32 s0, $0xA;
	s2 =	sadd.s32 s3, s2  }
0x8d: {  	s2 =	sadd.s32 s2, s16  }
0x8e: {  	[smem:$0x3FB2] =	sst s2  }
0x8f: {  	_ = 	snop  }
0x90: {  	(tm) =	ssettm $0x1  }
0x91: {  	s17 =	sld [smem:$0x3FFB];
	_ =	sdelay $0x3  }
0x92: {  	_ =	strace s17  }
0x93: {  	s2 =	sld [smem:$0x3FFC];
	_ =	sdelay $0x3  }
0x94: {  	_ =	strace s2  }
0x95: {  	s2 =	sld [smem:$0x3FFD];
	_ =	sdelay $0x3  }
0x96: {  	_ =	strace s2  }
0x97: {  	_ =	strace $0x8FFFFFFF  }
0x98: {  	s18 =	sld [smem:$0x3FDB];
	_ =	sdelay $0x1  }
0x99: {  	s19 =	simm.s32 $_scs_section_size  }
0x9a: {  	s4 =	simm.s32 $_size__tile_overlayer_lowered;
	s5 =	simm.s32 $_tile_overlayer_lowered  }
0x9b: {  	s22 =	simm.s32 $0x1BFF;
	s21 =	sshll.u32 s5, $0x1;
	s2 =	sadd.s32 s19, s18  }
0x9c: {  	s6 =	simm.s32 $0x0;
	s20 =	sshll.u32 s4, $0x1;
	s4 =	sadd.s32 s21, s2  }
0x9d: {  	[timem:s6], [sflag:s22] =	dma.local [hbm:s4], s20  }
0x9e: {  	_ =	swait.ge [sflag:s22], s20  }
0x9f: {  	s3 =	ssub.s32 $0x0, s20;
	[sflag:s22] =	ssyncset.done $0x0  }
0xa0: {  	[sflag:s22] =	ssyncadd.s32 s3;
	_ =	sdelay $0x1  }
0xa1: {  	s23 =	simm.s32 $0x1B8B  }
0xa2: {  	_ =	swait.ge [sflag:s23], $0x1  }
0xa3: {  	[sflag:s23] =	ssyncset.done $0x0  }
0xa4: {  	s25 =	simm.s32 $0x1B8E;
	s24 =	sld [smem:$0x3FFE];
	[sflag:s23] =	ssyncadd.s32 $0xFFFFFFFF  }
0xa5: {  	s26 =	simm.s32 $execute0_lowered;
	[smem:$0x3FD2] =	sst s25  }
0xa6: {  	s4 =	sshll.u32 s26, $0x1;
	_ =	strace $0x80000052;
	[dreg:$0x1] =	wrdreg $0xFFFFFFFF  }
0xa7: {  	s28 =	simm.s32 $_size_execute0_lowered;
	s2 =	sadd.s32 s2, s4;
	[dreg:$0x0] =	wrdreg $0x0  }
0xa8: {  	s4 =	sshll.u32 s28, $0x1;
	[dreg:$0x2] =	wrdreg s2  }
0xa9: {  	[dreg:$0x3] =	wrdreg s4  }
0xaa: {  	[dreg:$0x4] =	wrdreg $0xC0  }
0xab: {  	_ =	task [dreg:s6], $0x5FFFF  }
0xac: {  	[dreg:$0x1] =	wrdreg $0xFFFFFFFF  }
0xad: {  	[dreg:$0x0] =	wrdreg $0x60  }
0xae: {  	[dreg:$0x2] =	wrdreg s24  }
0xaf: {  	[dreg:$0x3] =	wrdreg $0x9  }
0xb0: {  	_ =	task.clear_ibuf [dreg:s6], $0x4FFFF;
	_ =	strace $0x90000052  }
0xb1: {  	s29 =	simm.s32 $0x9;
	_ =	strace $0x80000054  }
0xb2: {  	_ =	swait.ge [sflag:s29], $0x1  }
0xb3: {  	[sflag:s29] =	ssyncadd.s32 $0xFFFFFFFF  }
0xb4: {  	_ =	strace $0x90000054  }
0xb5: {  	_ =	sfence  }
0xb6: {  	s30 =	sld [smem:$0x0];
	_ =	sdelay $0x2  }
0xb7: {  	s31 =	sshll.u32 s1, $0xD;
	s1 =	sshrl.u32 s1, $0x2  }
0xb8: {  	s3 =	sand.u32 $0x4000, s31;
	s1 =	sadd.s32 s1, s30  }
0xb9: {  	s0 =	sor.u32 s3, s0;
	s1 =	sshll.u32 s1, $0x11  }
0xba: {  	s0 =	sor.u32 s1, s0  }
0xbb: {  	s0 =	sadd.s32 $0x8F2B, s0  }
0xbc: {  	[sflag:s0] =	ssyncadd.remote.s32 $0x1  }
0xbd: {  	_ =	sfence.sel $0xFFFF  }
0xbe: {  	[dreg:$0x0] =	wrdreg $0xFFFFFFFF;
	(pc) =	sbr.abs _section_cstart, $3  }
0xbf: {  	[dreg:$0x1] =	wrdreg $0xFFFFFFFF  }
0xc0: {  	_ =	task.clear_ibuf [dreg:s6], $0x2FFFF;
	_ =	strace $0x9FFFFFFF  }
0xc1: {  	(tm) =	ssettm $0x7FFFFFFF  }
tec
execute0_lowered:
.L_overlay_start_1:
0x0: {  	(tag) =	ssettag $0x1  }
0x1: {  	s1 =	srdreg.scid;
	s0 =	stileid.u32  }
0x2: {  	s6 =	rddreg [dreg:$0x0];
	s15 =	simm.s32 $0x2710;
	s16 =	simm.s32 $0x50  }
0x3: {  	s17 =	simm.s32 $0x4E20;
	s18 =	simm.s32 $0x7620;
	s19 =	simm.s32 $0x9E20  }
0x4: {  	s20 =	simm.s32 $0xC620;
	s21 =	simm.s32 $0x1;
	s22 =	simm.s32 $0x2  }
0x5: {  	s23 =	simm.s32 $0x3;
	s24 =	simm.s32 $0x4;
	s11 =	smul.u32 $0x4E20, s0  }
0x6: {  	s1 =	sand.u32 $0x1, s1;
	s2 =	sshll.u32 s0, $0x1;
	s13 =	smul.u32 $0x4E200, s0  }
0x7: {  	s25 =	simm.s32 $0x0;
	s7 =	sor.u32 s1, s2;
	s31 =	smul.u32 $0x2710, s1  }
0x8: {  	s2 =	simm.s32 $0x0;
	s9 =	ssub.s32 $0x2, s1;
	s1 =	smul.u32 $0x27100, s1  }
0x9: {  	s4 =	sadd.s32 $0x41400, s6;
	s3 =	smul.u32 $0x2710, s7;
	[smem:$0x7FF] =	sst s2  }
0xa: {  	s10 =	smul.u32 $0x138800, s7;
	s30 =	sshrl.u32 s9, $0x1;
	_ =	strace $0x80000053  }
0xb: {  	s12 =	ssub.s32 s9, s30;
	s11 =	sadd.s32 s31, s11;
	s5 =	sshrl.u32 s3, $0x3  }
0xc: {  	s3 =	sadd.s32 $0x1A200, s6;
	s10 =	sshrl.u32 s10, $0x3;
	s14 =	sshll.u32 s11, $0x4  }
0xd: {  	s11 =	smax.u32 s12, $0x1;
	s12 =	sadd.s32 s1, s13;
	s8 =	sadd.s32 s5, s6  }
0xe: {  	s5 =	sadd.s32 $0x68600, s6;
	s6 =	sadd.s32 $0x54A600, s6;
	s10 =	sadd.s32 $0x26C00, s10  }
0xf: {  	s13 =	sadd.s32 $0x500, s14;
	s14 =	simm.s32 $0x5;
	s7 =	sadd.s32 $0x6600, s8  }
0x10: {  	s8 =	sadd.s32 $0x10400, s8;
	s9 =	sadd.s32 s5, s10;
	s10 =	sadd.s32 s6, s10  }
.LBB2_1:
0x11: {  	[tilespmem:s2], [sflag:$0x5] =	stream.linear.gather [hbm4b:s7+s2], $0x2710, $0x38;
	[tilespmem:$0xEE20] =	vst v63  }
0x12: {  	_ =	swait.ge [sflag:s14], $0x2710  }
0x13: {  	[sflag:s14] =	ssyncset.done $0x0  }
0x14: {  	[sflag:s14] =	ssyncadd.s32 $0xFFFFD8F0  }
0x15: {  	[tilespmem:s15], [sflag:$0x5] =	stream.linear.gather [hbm4b:s8+s2], $0x2710, $0x38;
	[tilespmem:$0xEE20] =	vst v63  }
0x16: {  	_ =	swait.ge [sflag:s14], $0x2710  }
0x17: {  	[sflag:s14] =	ssyncset.done $0x0  }
0x18: {  	[sflag:s14] =	ssyncadd.s32 $0xFFFFD8F0  }
0x19: {  	[tilespmem:s17], [sflag:$0x1] =	stream.indirect.gather [hbm4b:s3+s16], $0x80, s2, s16, $0xb8;
	[tilespmem:$0xEE20] =	vst v63  }
0x1a: {  	_ = 	snop  }
0x1b: {  	[tilespmem:s18], [sflag:$0x2] =	stream.indirect.gather [hbm4b:s4+s16], $0x80, s15, s16, $0xb8;
	[tilespmem:$0xEE20] =	vst v63  }
0x1c: {  	s1 =	simm.s32 $0x50  }
0x1d: {  	[tilespmem:s19], [sflag:$0x3] =	stream.indirect.gather [hbm4b:s3+s16], $0x80, s1, s16, $0xb8;
	[tilespmem:$0xEE20] =	vst v63  }
0x1e: {  	s31 =	simm.s32 $0x2760  }
0x1f: {  	[tilespmem:s20], [sflag:$0x4] =	stream.indirect.gather [hbm4b:s4+s16], $0x80, s31, s16, $0xb8;
	[tilespmem:$0xEE20] =	vst v63  }
0x20: {  	_ =	swait.ge [sflag:s21], $0x2800  }
0x21: {  	[sflag:s21] =	ssyncset.done $0x0  }
0x22: {  	[sflag:s21] =	ssyncadd.s32 $0xFFFFD800  }
0x23: {  	_ =	swait.ge [sflag:s22], $0x2800  }
0x24: {  	[sflag:s22] =	ssyncset.done $0x0  }
0x25: {  	s0 =	sadd.s32 s5, s12;
	[sflag:s22] =	ssyncadd.s32 $0xFFFFD800  }
0x26: {  	[hbm4b:s0+s2] =	stream.linear.scatter [tilespmem:s17], [sflag:$0x5], $0x2800, $0x38;
	[tilespmem:$0xEE20] =	vst v63  }
0x27: {  	_ =	swait.ge [sflag:s14], $0x2800  }
0x28: {  	[sflag:s14] =	ssyncset.done $0x0  }
0x29: {  	s26 =	sadd.s32 s6, s12;
	[sflag:s14] =	ssyncadd.s32 $0xFFFFD800  }
0x2a: {  	[hbm4b:s26+s2] =	stream.linear.scatter [tilespmem:s18], [sflag:$0x5], $0x2800, $0x38;
	[tilespmem:$0xEE20] =	vst v63  }
0x2b: {  	_ =	swait.ge [sflag:s14], $0x2800  }
0x2c: {  	[sflag:s14] =	ssyncset.done $0x0  }
0x2d: {  	s31 =	simm.s32 $0xA0;
	[sflag:s14] =	ssyncadd.s32 $0xFFFFD800  }
0x2e: {  	[tilespmem:s17], [sflag:$0x1] =	stream.indirect.gather [hbm4b:s3+s16], $0x80, s31, s16, $0xb8;
	[tilespmem:$0xEE20] =	vst v63  }
0x2f: {  	s0 =	simm.s32 $0x27B0  }
0x30: {  	[tilespmem:s18], [sflag:$0x2] =	stream.indirect.gather [hbm4b:s4+s16], $0x80, s0, s16, $0xb8;
	[tilespmem:$0xEE20] =	vst v63  }
0x31: {  	_ =	swait.ge [sflag:s23], $0x2800  }
0x32: {  	[sflag:s23] =	ssyncset.done $0x0  }
0x33: {  	[sflag:s23] =	ssyncadd.s32 $0xFFFFD800  }
0x34: {  	_ =	swait.ge [sflag:s24], $0x2800  }
0x35: {  	[sflag:s24] =	ssyncset.done $0x0  }
0x36: {  	s26 =	sadd.s32 s5, s13;
	[sflag:s24] =	ssyncadd.s32 $0xFFFFD800  }
0x37: {  	[hbm4b:s26+s2] =	stream.linear.scatter [tilespmem:s19], [sflag:$0x5], $0x2800, $0x38;
	[tilespmem:$0xEE20] =	vst v63  }
0x38: {  	_ =	swait.ge [sflag:s14], $0x2800  }
0x39: {  	[sflag:s14] =	ssyncset.done $0x0  }
0x3a: {  	s31 =	sadd.s32 s6, s13;
	[sflag:s14] =	ssyncadd.s32 $0xFFFFD800  }
0x3b: {  	[hbm4b:s31+s2] =	stream.linear.scatter [tilespmem:s20], [sflag:$0x5], $0x2800, $0x38;
	[tilespmem:$0xEE20] =	vst v63  }
0x3c: {  	s30 =	simm.s32 $0x500;
	s28 =	sadd.s32 $0xA00, s5;
	_ =	swait.ge [sflag:s14], $0x2800  }
0x3d: {  	s29 =	simm.s32 $0xA0;
	s26 =	sadd.s32 $0xA00, s6;
	[sflag:s14] =	ssyncset.done $0x0  }
.LBB2_2:
0x3e: {  	s0 =	sadd.s32 $0x50, s29  }
0x3f: {  	[sflag:s14] =	ssyncadd.s32 $0xFFFFD800;
	s31 =	smov.u32 s30;
	s1 =	sadd.s32 $0x280, s30  }
0x40: {  	[tilespmem:s19], [sflag:$0x3] =	stream.indirect.gather [hbm4b:s3+s16], $0x80, s0, s16, $0xb8;
	[tilespmem:$0xEE20] =	vst v63  }
0x41: {  	p0 =	sne.s32 s30, $0x9880;
	s0 =	sadd.s32 $0x2760, s29  }
0x42: {  	[tilespmem:s20], [sflag:$0x4] =	stream.indirect.gather [hbm4b:s4+s16], $0x80, s0, s16, $0xb8;
	[tilespmem:$0xEE20] =	vst v63  }
0x43: {  	_ =	swait.ge [sflag:s21], $0x2800  }
0x44: {  	[sflag:s21] =	ssyncset.done $0x0  }
0x45: {  	[sflag:s21] =	ssyncadd.s32 $0xFFFFD800  }
0x46: {  	_ =	swait.ge [sflag:s22], $0x2800  }
0x47: {  	[sflag:s22] =	ssyncset.done $0x0  }
0x48: {  	s0 =	sadd.s32 s28, s12;
	[sflag:s22] =	ssyncadd.s32 $0xFFFFD800  }
0x49: {  	[hbm4b:s0+s2] =	stream.linear.scatter [tilespmem:s17], [sflag:$0x5], $0x2800, $0x38;
	[tilespmem:$0xEE20] =	vst v63  }
0x4a: {  	_ =	swait.ge [sflag:s14], $0x2800  }
0x4b: {  	[sflag:s14] =	ssyncset.done $0x0  }
0x4c: {  	s0 =	sadd.s32 s26, s12;
	[sflag:s14] =	ssyncadd.s32 $0xFFFFD800  }
0x4d: {  	[hbm4b:s0+s2] =	stream.linear.scatter [tilespmem:s18], [sflag:$0x5], $0x2800, $0x38;
	[tilespmem:$0xEE20] =	vst v63  }
0x4e: {  	_ =	swait.ge [sflag:s14], $0x2800  }
0x4f: {  	[sflag:s14] =	ssyncset.done $0x0  }
0x50: {  	s0 =	sadd.s32 $0xA0, s29;
	[sflag:s14] =	ssyncadd.s32 $0xFFFFD800  }
0x51: {  	[tilespmem:s17], [sflag:$0x1] =	stream.indirect.gather [hbm4b:s3+s16], $0x80, s0, s16, $0xb8;
	[tilespmem:$0xEE20] =	vst v63  }
0x52: {  	s0 =	sadd.s32 $0x27B0, s29  }
0x53: {  	[tilespmem:s18], [sflag:$0x2] =	stream.indirect.gather [hbm4b:s4+s16], $0x80, s0, s16, $0xb8;
	[tilespmem:$0xEE20] =	vst v63  }
0x54: {  	_ =	swait.ge [sflag:s23], $0x2800  }
0x55: {  	[sflag:s23] =	ssyncset.done $0x0  }
0x56: {  	[sflag:s23] =	ssyncadd.s32 $0xFFFFD800  }
0x57: {  	_ =	swait.ge [sflag:s24], $0x2800  }
0x58: {  	[sflag:s24] =	ssyncset.done $0x0  }
0x59: {  	s0 =	sadd.s32 s28, s13;
	[sflag:s24] =	ssyncadd.s32 $0xFFFFD800  }
0x5a: {  	[hbm4b:s0+s2] =	stream.linear.scatter [tilespmem:s19], [sflag:$0x5], $0x2800, $0x38;
	[tilespmem:$0xEE20] =	vst v63  }
0x5b: {  	_ =	swait.ge [sflag:s14], $0x2800  }
.Ltmp0:
0x5c: {  	[sflag:s14] =	ssyncset.done $0x0;
	(pc) =	sbr.rel @p0 .LBB2_2-.Ltmp0, $4  }
0x5d: {  	s0 =	sadd.s32 s26, s13;
	[sflag:s14] =	ssyncadd.s32 $0xFFFFD800  }
0x5e: {  	[hbm4b:s0+s2] =	stream.linear.scatter [tilespmem:s20], [sflag:$0x5], $0x2800, $0x38;
	[tilespmem:$0xEE20] =	vst v63  }
0x5f: {  	s30 =	smov.u32 s1;
	s28 =	sadd.s32 $0xA00, s28;
	_ =	swait.ge [sflag:s14], $0x2800  }
0x60: {  	s29 =	sshra.s32 s31, $0x2;
	s26 =	sadd.s32 $0xA00, s26;
	[sflag:s14] =	ssyncset.done $0x0  }
0x61: {  	s0 =	sadd.s32 $0x50, s29;
	[sflag:s14] =	ssyncadd.s32 $0xFFFFD800  }
0x62: {  	[tilespmem:s19], [sflag:$0x3] =	stream.indirect.gather [hbm4b:s3+s16], $0x80, s0, s16, $0xb8;
	[tilespmem:$0xEE20] =	vst v63  }
0x63: {  	s1 =	sadd.s32 $0x2760, s29  }
0x64: {  	[tilespmem:s20], [sflag:$0x4] =	stream.indirect.gather [hbm4b:s4+s16], $0x80, s1, s16, $0xb8;
	[tilespmem:$0xEE20] =	vst v63  }
0x65: {  	_ =	swait.ge [sflag:s21], $0x2800  }
0x66: {  	[sflag:s21] =	ssyncset.done $0x0  }
0x67: {  	[sflag:s21] =	ssyncadd.s32 $0xFFFFD800  }
0x68: {  	_ =	swait.ge [sflag:s22], $0x2800  }
0x69: {  	[sflag:s22] =	ssyncset.done $0x0  }
0x6a: {  	s30 =	sadd.s32 s28, s12;
	[sflag:s22] =	ssyncadd.s32 $0xFFFFD800  }
0x6b: {  	[hbm4b:s30+s2] =	stream.linear.scatter [tilespmem:s17], [sflag:$0x5], $0x2800, $0x38;
	[tilespmem:$0xEE20] =	vst v63  }
0x6c: {  	_ =	swait.ge [sflag:s14], $0x2800  }
0x6d: {  	[sflag:s14] =	ssyncset.done $0x0  }
0x6e: {  	s31 =	sadd.s32 s26, s12;
	[sflag:s14] =	ssyncadd.s32 $0xFFFFD800  }
0x6f: {  	[hbm4b:s31+s2] =	stream.linear.scatter [tilespmem:s18], [sflag:$0x5], $0x2800, $0x38;
	[tilespmem:$0xEE20] =	vst v63  }
0x70: {  	_ =	swait.ge [sflag:s14], $0x2800  }
0x71: {  	[sflag:s14] =	ssyncset.done $0x0  }
0x72: {  	s1 =	sadd.s32 $0xA0, s29;
	[sflag:s14] =	ssyncadd.s32 $0xFFFFD800  }
0x73: {  	[tilespmem:s17], [sflag:$0x1] =	stream.indirect.gather [hbm4b:s3+s16], $0x80, s1, s16, $0xb8;
	[tilespmem:$0xEE20] =	vst v63  }
0x74: {  	s29 =	sadd.s32 $0x27B0, s29  }
0x75: {  	[tilespmem:s18], [sflag:$0x2] =	stream.indirect.gather [hbm4b:s4+s16], $0x80, s29, s16, $0xb8;
	[tilespmem:$0xEE20] =	vst v63  }
0x76: {  	_ =	swait.ge [sflag:s23], $0x2800  }
0x77: {  	[sflag:s23] =	ssyncset.done $0x0  }
0x78: {  	[sflag:s23] =	ssyncadd.s32 $0xFFFFD800  }
0x79: {  	_ =	swait.ge [sflag:s24], $0x2800  }
0x7a: {  	[sflag:s24] =	ssyncset.done $0x0  }
0x7b: {  	s30 =	sadd.s32 s28, s13;
	[sflag:s24] =	ssyncadd.s32 $0xFFFFD800  }
0x7c: {  	[hbm4b:s30+s2] =	stream.linear.scatter [tilespmem:s19], [sflag:$0x5], $0x2800, $0x38;
	[tilespmem:$0xEE20] =	vst v63  }
0x7d: {  	_ =	swait.ge [sflag:s14], $0x2800  }
0x7e: {  	[sflag:s14] =	ssyncset.done $0x0  }
0x7f: {  	s31 =	sadd.s32 s26, s13;
	[sflag:s14] =	ssyncadd.s32 $0xFFFFD800  }
0x80: {  	[hbm4b:s31+s2] =	stream.linear.scatter [tilespmem:s20], [sflag:$0x5], $0x2800, $0x38;
	[tilespmem:$0xEE20] =	vst v63  }
0x81: {  	_ =	swait.ge [sflag:s14], $0x2800  }
0x82: {  	[sflag:s14] =	ssyncset.done $0x0  }
0x83: {  	[sflag:s14] =	ssyncadd.s32 $0xFFFFD800  }
0x84: {  	_ =	swait.ge [sflag:s21], $0x2800  }
0x85: {  	[sflag:s21] =	ssyncset.done $0x0  }
0x86: {  	[sflag:s21] =	ssyncadd.s32 $0xFFFFD800  }
0x87: {  	_ =	swait.ge [sflag:s22], $0x2800  }
0x88: {  	[sflag:s22] =	ssyncset.done $0x0  }
0x89: {  	[sflag:s22] =	ssyncadd.s32 $0xFFFFD800  }
0x8a: {  	[hbm4b:s9+s2] =	stream.linear.scatter [tilespmem:s17], [sflag:$0x5], $0x2800, $0x38;
	[tilespmem:$0xEE20] =	vst v63  }
0x8b: {  	s25 =	sadd.s32 $0x1, s25;
	_ =	swait.ge [sflag:s14], $0x2800  }
0x8c: {  	p0 =	sne.s32 s25, s11;
	[sflag:s14] =	ssyncset.done $0x0  }
.Ltmp1:
0x8d: {  	[sflag:s14] =	ssyncadd.s32 $0xFFFFD800;
	(pc) =	sbr.rel @p0 .LBB2_1-.Ltmp1, $4  }
0x8e: {  	[hbm4b:s10+s2] =	stream.linear.scatter [tilespmem:s18], [sflag:$0x5], $0x2800, $0x38;
	[tilespmem:$0xEE20] =	vst v63  }
0x8f: {  	_ =	swait.ge [sflag:s14], $0x2800  }
0x90: {  	[sflag:s14] =	ssyncset.done $0x0  }
0x91: {  	[sflag:s14] =	ssyncadd.s32 $0xFFFFD800  }
0x92: {  	_ =	sfence.sel $0x180000  }
0x93: {  	[bflag:$0x0] =	sbarrier.arrive $0xFFFF  }
0x94: {  	_ =	strace $0x90000053  }
0x95: {  	s0 =	stileid.u32;
	[bflag:$0x2] =	sbarrier.arrive $0xFFFF  }
0x96: {  	p0 =	sne.s32 s0, $0x0;
	s0 =	rddreg [dreg:$0x1]  }
0x97: {  	s0 =	sadd.s32 @!p0 $0x100000, s0  }
0x98: {  	[sflag:s0] =	ssyncadd.tile.s32 @!p0 $0x1;
	_ =	shalt  }
.Lfunc_end2:
_tile_overlayer_lowered:
.L_overlay_start_2:
0x99: {  	(tag) =	ssettag $0x2  }
0x9a: {  	s0 =	rddreg [dreg:$0x0];
	s2 =	stileid.u32  }
0x9b: {  	s1 =	rddreg [dreg:$0x1];
	p0 =	sne.s32 s2, $0x0  }
0x9c: {  	s3 =	rddreg [dreg:$0x2];
	[bflag:$0x3] =	sbarrier.arrive $0xFFFF;
	s2 =	simm.s32 @!p0 $0x1C05  }
0x9d: {  	[timem:s3], [sflag:s2] =	dma.local @!p0 [hbm:s0], s1  }
0x9e: {  	s0 =	simm.s32 @!p0 $0x5  }
0x9f: {  	_ =	swait.ge @!p0 [sflag:s0], s1  }
0xa0: {  	s1 =	ssub.s32 @!p0 $0x0, s1;
	[sflag:s0] =	ssyncset.done @!p0 $0x0  }
0xa1: {  	[sflag:s0] =	ssyncadd.s32 @!p0 s1  }
0xa2: {  	[bflag:$0x3] =	sbarrier.arrive $0xFFFF  }
0xa3: {  	_ =	shalt  }

</sc_bundles>
